<compile_context>
chip_gen: v7x
topology: tpu7x:2x2x1
jax: 0.10.2.dev20260603
libtpu: 0.0.44.dev20260713+nightly
codegen_flags: <defaults>
</compile_context>

<pallas_src>
import functools

import jax
import jax.numpy as jnp
from jax.experimental import pallas as pl
from jax.experimental.pallas import tpu as pltpu
from jax.experimental.pallas import tpu_sc as plsc

N = 4096
BLK = 512
NB = N // BLK
RW = N + 128
P_SIZE = (N * N - N) // 2 + N
NUM_WORKERS = 32


ROWS_PER_WORKER = N // NUM_WORKERS
T_PER_BUCKET = ROWS_PER_WORKER // NB
CPY = N + 8


def _unpack_rows(P_vec):
    mesh = plsc.VectorSubcoreMesh(core_axis_name="c", subcore_axis_name="s")
    NBUF = 8
    LOOK = 4

    def blen(q):
        return BLK * (q + 1) + 8

    @functools.partial(
        pl.kernel,
        out_type=jax.ShapeDtypeStruct((N * RW,), jnp.float32),
        mesh=mesh,
        scratch_types=[
            pltpu.VMEM((NBUF * CPY,), jnp.float32),
            pltpu.SemaphoreType.DMA((NBUF,)),
            pltpu.SemaphoreType.DMA((NBUF,)),
        ],
    )
    def k(pvec_hbm, r_hbm, buf, sem_in, sem_out):
        wid = jax.lax.axis_index("c") * 16 + jax.lax.axis_index("s")

        def load_copy(t, ln):
            i = t * NUM_WORKERS + wid
            start = ((i * (i + 1)) // 2) & ~7
            start = pl.multiple_of(jnp.minimum(start, P_SIZE - ln), 8)
            return pltpu.make_async_copy(
                pvec_hbm.at[pl.ds(start, ln)],
                buf.at[pl.ds(pl.multiple_of((t % NBUF) * CPY, 8), ln)],
                sem_in.at[t % NBUF],
            )

        def store_copy(t, ln):
            i = t * NUM_WORKERS + wid
            return pltpu.make_async_copy(
                buf.at[pl.ds(pl.multiple_of((t % NBUF) * CPY, 8), ln)],
                r_hbm.at[pl.ds(pl.multiple_of(i * RW, 8), ln)],
                sem_out.at[t % NBUF],
            )

        @pl.loop(0, LOOK)
        def _(t):
            load_copy(t, blen(0)).start()

        for q in range(NB):
            t_lo, t_hi = q * T_PER_BUCKET, (q + 1) * T_PER_BUCKET

            @pl.loop(t_lo, t_hi)
            def _(t, q=q):
                u = t + LOOK

                @pl.when(u < ROWS_PER_WORKER)
                def _():
                    @pl.when(u >= NBUF)
                    def _():
                        v = u - NBUF

                        @pl.when(v >= t_lo)
                        def _():
                            store_copy(v, blen(q)).wait()

                        if q > 0:
                            @pl.when(v < t_lo)
                            def _():
                                store_copy(v, blen(q - 1)).wait()

                    @pl.when(u < t_hi)
                    def _():
                        load_copy(u, blen(q)).start()

                    if q + 1 < NB:
                        @pl.when(u >= t_hi)
                        def _():
                            load_copy(u, blen(q + 1)).start()

                load_copy(t, blen(q)).wait()
                store_copy(t, blen(q)).start()

        @pl.loop(ROWS_PER_WORKER - NBUF, ROWS_PER_WORKER)
        def _(t):
            store_copy(t, blen(NB - 1)).wait()

    return _retile(k(P_vec))


def _retile_body(x_ref, o_ref):
    o_ref[...] = x_ref[...].reshape(256, RW)


def _retile(R_flat):
    R2 = R_flat.reshape(N * RW // 128, 128)
    return pl.pallas_call(
        _retile_body,
        grid=(N // 256,),
        in_specs=[pl.BlockSpec((2 * RW, 128), lambda g: (g, 0))],
        out_specs=pl.BlockSpec((256, RW), lambda g: (g, 0)),
        out_shape=jax.ShapeDtypeStruct((N, RW), jnp.float32),
    )(R2)


_TRI = [(a, b) for a in range(NB) for b in range(a + 1)]
NTRI = len(_TRI)


def _symm_body(idx_ref, r0a_ref, r0b_ref, r0c_ref, r0d_ref, r1_ref, s_ref,
               p_hbm, adj_hbm, d_ref, pu_s, put_s, abf_s, abt_s, dscr, sem):
    k = pl.program_id(0)
    av = idx_ref[0, k]
    bv = idx_ref[1, k]

    def copies(m, slot):
        am = idx_ref[0, m]
        bm = idx_ref[1, m]
        rows_a = pl.ds(pl.multiple_of(am * BLK, BLK), BLK)
        cols_b = pl.ds(pl.multiple_of(bm * BLK, BLK), BLK)
        rows_b = pl.ds(pl.multiple_of(bm * BLK, BLK), BLK)
        cols_a = pl.ds(pl.multiple_of(am * BLK, BLK), BLK)
        mk = pltpu.make_async_copy
        return (
            mk(pu_s.at[slot], p_hbm.at[rows_a, cols_b], sem.at[slot]),
            mk(abf_s.at[slot], adj_hbm.at[rows_a, cols_b], sem.at[slot]),
            mk(put_s.at[slot], p_hbm.at[rows_b, cols_a], sem.at[slot]),
            mk(abt_s.at[slot], adj_hbm.at[rows_b, cols_a], sem.at[slot]),
        )

    def wait_step(m, slot):
        c_p, c_a, c_pt, c_at = copies(m, slot)
        c_p.wait()
        c_a.wait()

        @pl.when(idx_ref[0, m] > idx_ref[1, m])
        def _():
            c_pt.wait()
            c_at.wait()

    def run(slot):
        @pl.when(k >= 2)
        def _():
            wait_step(k - 2, slot)

        @pl.when(k == 0)
        def _():
            dscr[...] = jnp.zeros((NB, BLK, 1), jnp.float32)

        rg = av * BLK + jax.lax.broadcasted_iota(jnp.int32, (BLK, 1), 0)
        sh = ((rg * (rg + 1)) // 2) & 7
        sh = jnp.where(rg == N - 1, 8, sh)
        v = jnp.concatenate(
            [r0a_ref[...], r0b_ref[...], r0c_ref[...], r0d_ref[...],
             r1_ref[...]], axis=1)
        for d in (8, 4, 2, 1):
            v = jnp.where((sh & d) != 0, jnp.roll(v, -d, axis=1), v)
        rb = v[:, 0:BLK]

        c_p, c_a, c_pt, c_at = copies(k, slot)

        @pl.when(av > bv)
        def _():
            pu = 0.5 * jnp.tanh(0.5 * rb) + 0.5
            ab = pu * s_ref[...]
            abt = ab.T
            pu_s[slot] = pu
            put_s[slot] = pu.T
            abf_s[slot] = ab.astype(jnp.bfloat16)
            abt_s[slot] = abt.astype(jnp.bfloat16)
            dscr[av] = dscr[av] + jnp.sum(ab, axis=1, keepdims=True)
            dscr[bv] = dscr[bv] + jnp.sum(abt, axis=1, keepdims=True)
            c_p.start()
            c_a.start()
            c_pt.start()
            c_at.start()

        @pl.when(av == bv)
        def _():
            rows = jax.lax.broadcasted_iota(jnp.int32, (BLK, BLK), 0)
            cols = jax.lax.broadcasted_iota(jnp.int32, (BLK, BLK), 1)
            mix = jnp.where(rows >= cols, rb, rb.T)
            pu = 0.5 * jnp.tanh(0.5 * mix) + 0.5
            ab = pu * s_ref[...]
            pu_s[slot] = pu
            abf_s[slot] = ab.astype(jnp.bfloat16)
            dscr[av] = dscr[av] + jnp.sum(ab, axis=1, keepdims=True)
            c_p.start()
            c_a.start()

        @pl.when(k == NTRI - 1)
        def _():
            for band in range(NB):
                d_ref[pl.ds(band * BLK, BLK), :] = dscr[band] + 1.0
            wait_step(k - 1, 1 - slot)
            wait_step(k, slot)

    @pl.when(k % 2 == 0)
    def _():
        run(0)

    @pl.when(k % 2 == 1)
    def _():
        run(1)


def _symm_mask_deg(R, sub_adj):
    idx = jnp.asarray([[a for a, _ in _TRI], [b for _, b in _TRI]], jnp.int32)
    grid_spec = pltpu.PrefetchScalarGridSpec(
        num_scalar_prefetch=1,
        grid=(NTRI,),
        in_specs=[
            pl.BlockSpec((BLK, 128), lambda k, idx: (idx[0, k], 4 * idx[1, k])),
            pl.BlockSpec((BLK, 128), lambda k, idx: (idx[0, k], 4 * idx[1, k] + 1)),
            pl.BlockSpec((BLK, 128), lambda k, idx: (idx[0, k], 4 * idx[1, k] + 2)),
            pl.BlockSpec((BLK, 128), lambda k, idx: (idx[0, k], 4 * idx[1, k] + 3)),
            pl.BlockSpec((BLK, 128), lambda k, idx: (idx[0, k], 4 * idx[1, k] + 4)),
            pl.BlockSpec((BLK, BLK), lambda k, idx: (idx[0, k], idx[1, k])),
        ],
        out_specs=[
            pl.BlockSpec(memory_space=pltpu.MemorySpace.HBM),
            pl.BlockSpec(memory_space=pltpu.MemorySpace.HBM),
            pl.BlockSpec((N, 1), lambda k, idx: (0, 0)),
        ],
        scratch_shapes=[
            pltpu.VMEM((2, BLK, BLK), jnp.float32),
            pltpu.VMEM((2, BLK, BLK), jnp.float32),
            pltpu.VMEM((2, BLK, BLK), jnp.bfloat16),
            pltpu.VMEM((2, BLK, BLK), jnp.bfloat16),
            pltpu.VMEM((NB, BLK, 1), jnp.float32),
            pltpu.SemaphoreType.DMA((2,)),
        ],
    )
    return pl.pallas_call(
        _symm_body,
        grid_spec=grid_spec,
        out_shape=[
            jax.ShapeDtypeStruct((N, N), jnp.float32),
            jax.ShapeDtypeStruct((N, N), jnp.bfloat16),
            jax.ShapeDtypeStruct((N, 1), jnp.float32),
        ],
    )(idx, R, R, R, R, R, sub_adj)


def _matmul_body(x_ref, w_ref, o_ref):
    o_ref[...] = jnp.dot(
        x_ref[...], w_ref[...],
        preferred_element_type=jnp.float32,
        precision=jax.lax.Precision.HIGHEST,
    )


def _matmul(xin, W):
    f = W.shape[1]
    return pl.pallas_call(
        _matmul_body,
        grid=(NB,),
        in_specs=[
            pl.BlockSpec((BLK, xin.shape[1]), lambda i: (i, 0)),
            pl.BlockSpec((W.shape[0], f), lambda i: (0, 0)),
        ],
        out_specs=pl.BlockSpec((BLK, f), lambda i: (i, 0)),
        out_shape=jax.ShapeDtypeStruct((N, f), jnp.float32),
    )(xin, W)


def _make_spmm_body(relu, post):
    def body(a_ref, g_ref, gi_ref, d_ref, di_ref, b_ref, *rest):
        if post:
            w_ref, o_ref = rest
        else:
            (o_ref,) = rest
        gk = (jax.lax.rsqrt(d_ref[...]) * g_ref[...]).astype(jnp.bfloat16)
        acc = jnp.dot(a_ref[...], gk, preferred_element_type=jnp.float32)
        dinv = jax.lax.rsqrt(di_ref[...])
        y = dinv * (acc + dinv * gi_ref[...]) + b_ref[...]
        z = jnp.maximum(y, 0.0) if relu else y
        if post:
            z = jnp.dot(
                z, w_ref[...],
                preferred_element_type=jnp.float32,
                precision=jax.lax.Precision.HIGHEST,
            )
        o_ref[...] = z

    return body


def _spmm(adj, h, deg, bias2d, relu=False, W_post=None):
    f = h.shape[1]
    fo = W_post.shape[1] if W_post is not None else f
    ins = [
        pl.BlockSpec((BLK, N), lambda i: (i, 0)),
        pl.BlockSpec((N, f), lambda i: (0, 0)),
        pl.BlockSpec((BLK, f), lambda i: (i, 0)),
        pl.BlockSpec((N, 1), lambda i: (0, 0)),
        pl.BlockSpec((BLK, 1), lambda i: (i, 0)),
        pl.BlockSpec((1, f), lambda i: (0, 0)),
    ]
    args = [adj, h, h, deg, deg, bias2d]
    if W_post is not None:
        ins.append(pl.BlockSpec(W_post.shape, lambda i: (0, 0)))
        args.append(W_post)
    return pl.pallas_call(
        _make_spmm_body(relu, W_post is not None),
        grid=(NB,),
        in_specs=ins,
        out_specs=pl.BlockSpec((BLK, fo), lambda i: (i, 0)),
        out_shape=jax.ShapeDtypeStruct((N, fo), jnp.float32),
    )(*args)


def kernel(x, P_vec, sub_adj, W1, b1, W2, b2):
    R = _unpack_rows(P_vec)
    h1 = _matmul(x, W1)
    P_used, adj, deg = _symm_mask_deg(R, sub_adj)
    h2 = _spmm(adj, h1, deg, b1.reshape(1, -1), relu=True, W_post=W2)
    out = _spmm(adj, h2, deg, b2.reshape(1, -1))
    return out, P_used

# --- scband reference (transcript-rebuilt; emitter-appended) ---
"""Pipeline reference for scband-gcnperturb-50989851738360 (READ-ONLY COPY).

The authoritative reference and input builder live on the scoring server;
editing this copy changes nothing except your own understanding.
"""

import jax, jax.numpy as jnp
import numpy as np

N = 4096
D_IN = 128
D_HID = 128
D_OUT = 40
AVG_DEG = 32


def setup_inputs(seed: int = 0) -> dict:
    key = jax.random.key(seed)
    k1, k2, k3, k4, k5 = jax.random.split(key, 5)
    x = jax.random.normal(k1, (N, D_IN), dtype=jnp.float32)
    # build symmetric binary sub_adj with no self loops
    e_half = N * AVG_DEG // 2
    src = jax.random.randint(k2, (e_half,), 0, N)
    dst = jax.random.randint(k3, (e_half,), 0, N)
    A = jnp.zeros((N, N), jnp.float32).at[src, dst].set(1.0)
    A = jnp.maximum(A, A.T)
    A = A * (1.0 - jnp.eye(N, dtype=jnp.float32))
    # perturbation vector (reset_parameters: zeros - eps)
    p_size = (N * N - N) // 2 + N
    P_vec = jnp.zeros((p_size,), jnp.float32) - 1e-4
    # frozen GCN weights (2-layer PyG-style GCNConv)
    W1 = jax.random.normal(k4, (D_IN, D_HID), dtype=jnp.float32) * (1.0 / np.sqrt(D_IN))
    b1 = jnp.zeros((D_HID,), jnp.float32)
    W2 = jax.random.normal(k5, (D_HID, D_OUT), dtype=jnp.float32) * (1.0 / np.sqrt(D_HID))
    b2 = jnp.zeros((D_OUT,), jnp.float32)
    return {"x": x, "P_vec": P_vec, "sub_adj": A, "W1": W1, "b1": b1, "W2": W2, "b2": b2}


def _gcn_conv(x, row, col, edge_weight, W, b):
    # PyG GCNConv with edge_weight: add self loops, symmetric gcn_norm, scatter-add aggregate
    n = x.shape[0]
    loop = jnp.arange(n)
    row = jnp.concatenate([row, loop])
    col = jnp.concatenate([col, loop])
    ew = jnp.concatenate([edge_weight, jnp.ones((n,), edge_weight.dtype)])
    deg = jnp.zeros((n,), ew.dtype).at[col].add(ew)
    dinv = jnp.where(deg > 0, 1.0 / jnp.sqrt(deg), 0.0)
    norm = dinv[row] * ew * dinv[col]
    h = x @ W
    out = jnp.zeros((n, W.shape[1]), h.dtype).at[col].add(norm[:, None] * h[row])
    return out + b


def reference(x, P_vec, sub_adj, W1, b1, W2, b2):
    n = sub_adj.shape[0]
    # create_symm_matrix_from_vec
    tril = jnp.tril_indices(n)
    M = jnp.zeros((n, n), P_vec.dtype).at[tril].set(P_vec)
    P_symm = jnp.tril(M) + jnp.tril(M, -1).T
    # continuous mask (threshold=False branch used in forward)
    P_used = jax.nn.sigmoid(P_symm)
    adj = P_used * sub_adj
    # dense_to_sparse; nnz(adj) <= N * AVG_DEG, padded entries hit the zero diagonal
    rows, cols = jnp.nonzero(adj, size=N * AVG_DEG, fill_value=0)
    edge_weight = adj[rows, cols]
    # frozen 2-layer GCN
    h = jax.nn.relu(_gcn_conv(x, rows, cols, edge_weight, W1, b1))
    out = _gcn_conv(h, rows, cols, edge_weight, W2, b2)
    return out, P_used

if __name__ == "__main__":
    import jax
    _d = setup_inputs()
    print(jax.jit(kernel)(*tuple(_d.values())))

</pallas_src>

<mosaic_0001>
#map = affine_map<(d0, d1) -> (0)>
module attributes {stable_mosaic.version = 14 : i64} {
  func.func @k(%arg0: i32, %arg1: i32, %arg2: memref<8390656xf32, #tpu.memory_space<hbm>>, %arg3: memref<17301504xf32, #tpu.memory_space<hbm>>, %arg4: memref<32832xf32, #tpu.memory_space<vmem>>, %arg5: memref<8x!tpu.dma_semaphore, #tpu.memory_space<semaphore_mem>>, %arg6: memref<8x!tpu.dma_semaphore, #tpu.memory_space<semaphore_mem>>) attributes {dimension_semantics = [#tpu.dimension_semantics<core_parallel>, #tpu.dimension_semantics<subcore_parallel>], iteration_bounds = array<i64: 2, 16>, scalar_prefetch = 0 : i64, scratch_operands = 3 : i64, tpu.core_type = #tpu.core_type<sc_vector_subcore>, window_params = [{transform_indices = #map}, {transform_indices = #map}]} {
    %mul3A = arith.constant 16 : i32
    %mul3A_0 = arith.muli %arg0, %mul3A : i32
    %add3A = arith.addi %mul3A_0, %arg1 : i32
    %scan3A = arith.constant 0 : i32
    %scan3A_1 = arith.constant 4 : i32
    %scan3A_2 = arith.addi %scan3A, %scan3A_1 : i32
    %scan3A_3 = arith.constant 1 : i32
    scf.for %scan3A_50 = %scan3A to %scan3A_2 step %scan3A_3  : i32 {
      %mul3A_51 = arith.constant 1 : i32
      %mul3A_52 = arith.muli %scan3A_50, %mul3A_51 : i32
      %add3A_53 = arith.constant 0 : i32
      %add3A_54 = arith.addi %add3A_53, %mul3A_52 : i32
      %mul3A_55 = arith.constant 32 : i32
      %mul3A_56 = arith.muli %add3A_54, %mul3A_55 : i32
      %add3A_57 = arith.addi %mul3A_56, %add3A : i32
      %add3A_58 = arith.constant 1 : i32
      %add3A_59 = arith.addi %add3A_57, %add3A_58 : i32
      %mul3A_60 = arith.muli %add3A_57, %add3A_59 : i32
      %jit3A = arith.constant 2 : i32
      %div3A = arith.divsi %mul3A_60, %jit3A : i32
      %sign3A = arith.constant 0 : i32
      %sign3A_61 = arith.cmpi sgt, %mul3A_60, %sign3A : i32
      %sign3A_62 = arith.extui %sign3A_61 : i1 to i32
      %sign3A_63 = arith.constant 0 : i32
      %sign3A_64 = arith.cmpi slt, %mul3A_60, %sign3A_63 : i32
      %sign3A_65 = arith.extui %sign3A_64 : i1 to i32
      %sign3A_66 = arith.subi %sign3A_62, %sign3A_65 : i32
      %sign3A_67 = arith.constant 0 : i32
      %sign3A_68 = arith.cmpi sgt, %jit3A, %sign3A_67 : i32
      %sign3A_69 = arith.extui %sign3A_68 : i1 to i32
      %sign3A_70 = arith.constant 0 : i32
      %sign3A_71 = arith.cmpi slt, %jit3A, %sign3A_70 : i32
      %sign3A_72 = arith.extui %sign3A_71 : i1 to i32
      %sign3A_73 = arith.subi %sign3A_69, %sign3A_72 : i32
      %ne3A = arith.cmpi ne, %sign3A_66, %sign3A_73 : i32
      %rem3A = arith.remsi %mul3A_60, %jit3A : i32
      %ne3A_74 = arith.constant 0 : i32
      %ne3A_75 = arith.cmpi ne, %rem3A, %ne3A_74 : i32
      %and3A = arith.andi %ne3A, %ne3A_75 : i1
      %sub3A = arith.constant 1 : i32
      %sub3A_76 = arith.subi %div3A, %sub3A : i32
      %select_n3A = arith.select %and3A, %sub3A_76, %div3A : i32
      %and3A_77 = arith.constant -8 : i32
      %and3A_78 = arith.andi %select_n3A, %and3A_77 : i32
      %min3A = arith.constant 8390136 : i32
      %min3A_79 = arith.minsi %and3A_78, %min3A : i32
      %multiple_of3A = tpu.assume_multiple %min3A_79, 8 : i32
      %jit3A_80 = arith.constant 8 : i32
      %eq3A = arith.constant 0 : i32
      %eq3A_81 = arith.cmpi eq, %jit3A_80, %eq3A : i32
      %jit3A_82 = arith.constant 1 : i32
      %select_n3A_83 = arith.select %eq3A_81, %jit3A_82, %jit3A_80 : i32
      %rem3A_84 = arith.remsi %add3A_54, %select_n3A_83 : i32
      %ne3A_85 = arith.constant 0 : i32
      %ne3A_86 = arith.cmpi ne, %rem3A_84, %ne3A_85 : i32
      %lt3A = arith.constant 0 : i32
      %lt3A_87 = arith.cmpi slt, %rem3A_84, %lt3A : i32
      %lt3A_88 = arith.constant 0 : i32
      %lt3A_89 = arith.cmpi slt, %select_n3A_83, %lt3A_88 : i32
      %ne3A_90 = arith.xori %lt3A_87, %lt3A_89 : i1
      %and3A_91 = arith.andi %ne3A_90, %ne3A_86 : i1
      %add3A_92 = arith.addi %rem3A_84, %select_n3A_83 : i32
      %select_n3A_93 = arith.select %and3A_91, %add3A_92, %rem3A_84 : i32
      %mul3A_94 = arith.constant 4104 : i32
      %mul3A_95 = arith.muli %select_n3A_93, %mul3A_94 : i32
      %multiple_of3A_96 = tpu.assume_multiple %mul3A_95, 8 : i32
      %jit3A_97 = arith.constant 8 : i32
      %eq3A_98 = arith.constant 0 : i32
      %eq3A_99 = arith.cmpi eq, %jit3A_97, %eq3A_98 : i32
      %jit3A_100 = arith.constant 1 : i32
      %select_n3A_101 = arith.select %eq3A_99, %jit3A_100, %jit3A_97 : i32
      %rem3A_102 = arith.remsi %add3A_54, %select_n3A_101 : i32
      %ne3A_103 = arith.constant 0 : i32
      %ne3A_104 = arith.cmpi ne, %rem3A_102, %ne3A_103 : i32
      %lt3A_105 = arith.constant 0 : i32
      %lt3A_106 = arith.cmpi slt, %rem3A_102, %lt3A_105 : i32
      %lt3A_107 = arith.constant 0 : i32
      %lt3A_108 = arith.cmpi slt, %select_n3A_101, %lt3A_107 : i32
      %ne3A_109 = arith.xori %lt3A_106, %lt3A_108 : i1
      %and3A_110 = arith.andi %ne3A_109, %ne3A_104 : i1
      %add3A_111 = arith.addi %rem3A_102, %select_n3A_101 : i32
      %select_n3A_112 = arith.select %and3A_110, %add3A_111, %rem3A_102 : i32
      %dma_start3A = tpu.memref_slice %arg4[%multiple_of3A_96] : memref<32832xf32, #tpu.memory_space<vmem>> -> memref<520xf32, #tpu.memory_space<vmem>>
      %dma_start3A_113 = tpu.memref_slice %arg2[%multiple_of3A] : memref<8390656xf32, #tpu.memory_space<hbm>> -> memref<520xf32, #tpu.memory_space<hbm>>
      %dma_start3A_114 = tpu.memref_slice %arg5[%select_n3A_112] : memref<8x!tpu.dma_semaphore, #tpu.memory_space<semaphore_mem>> -> memref<1x!tpu.dma_semaphore, #tpu.memory_space<semaphore_mem>>
      %dma_start3A_115 = tpu.memref_squeeze %dma_start3A_114 : memref<1x!tpu.dma_semaphore, #tpu.memory_space<semaphore_mem>> -> memref<!tpu.dma_semaphore, #tpu.memory_space<semaphore_mem>>
      %dma_start3A_116 = tpu.memref_slice %arg4[%multiple_of3A_96] : memref<32832xf32, #tpu.memory_space<vmem>> -> memref<520xf32, #tpu.memory_space<vmem>>
      %dma_start3A_117 = tpu.memref_slice %arg2[%multiple_of3A] : memref<8390656xf32, #tpu.memory_space<hbm>> -> memref<520xf32, #tpu.memory_space<hbm>>
      tpu.enqueue_dma source(%dma_start3A_117 : memref<520xf32, #tpu.memory_space<hbm>>) target(%dma_start3A_116 : memref<520xf32, #tpu.memory_space<vmem>>) target_semaphore(%dma_start3A_115 : memref<!tpu.dma_semaphore, #tpu.memory_space<semaphore_mem>>)
    }
    %scan3A_4 = arith.constant 4 : i32
    %scan3A_5 = arith.constant 0 : i32
    %scan3A_6 = arith.constant 16 : i32
    %scan3A_7 = arith.addi %scan3A_5, %scan3A_6 : i32
    %scan3A_8 = arith.constant 1 : i32
    scf.for %scan3A_50 = %scan3A_5 to %scan3A_7 step %scan3A_8  : i32 {
      %mul3A_51 = arith.constant 1 : i32
      %mul3A_52 = arith.muli %scan3A_50, %mul3A_51 : i32
      %add3A_53 = arith.constant 0 : i32
      %add3A_54 = arith.addi %add3A_53, %mul3A_52 : i32
      %add3A_55 = arith.constant 4 : i32
      %add3A_56 = arith.addi %add3A_54, %add3A_55 : i32
      %lt3A = arith.constant 128 : i32
      %lt3A_57 = arith.cmpi slt, %add3A_56, %lt3A : i32
      %convert_element_type3A = arith.extui %lt3A_57 : i1 to i32
      %cond3A = arith.constant 0 : i32
      %cond3A_58 = arith.cmpi ne, %convert_element_type3A, %cond3A : i32
      scf.if %cond3A_58 {
        %ge3A = arith.constant 8 : i32
        %ge3A_169 = arith.cmpi sge, %add3A_56, %ge3A : i32
        %convert_element_type3A_170 = arith.extui %ge3A_169 : i1 to i32
        %cond3A_171 = arith.constant 0 : i32
        %cond3A_172 = arith.cmpi ne, %convert_element_type3A_170, %cond3A_171 : i32
        scf.if %cond3A_172 {
          %sub3A_183 = arith.constant 8 : i32
          %sub3A_184 = arith.subi %add3A_56, %sub3A_183 : i32
          %ge3A_185 = arith.constant 0 : i32
          %ge3A_186 = arith.cmpi sge, %sub3A_184, %ge3A_185 : i32
          %convert_element_type3A_187 = arith.extui %ge3A_186 : i1 to i32
          %cond3A_188 = arith.constant 0 : i32
          %cond3A_189 = arith.cmpi ne, %convert_element_type3A_187, %cond3A_188 : i32
          scf.if %cond3A_189 {
            %mul3A_190 = arith.constant 32 : i32
            %mul3A_191 = arith.muli %sub3A_184, %mul3A_190 : i32
            %add3A_192 = arith.addi %mul3A_191, %add3A : i32
            %jit3A_193 = arith.constant 8 : i32
            %eq3A_194 = arith.constant 0 : i32
            %eq3A_195 = arith.cmpi eq, %jit3A_193, %eq3A_194 : i32
            %jit3A_196 = arith.constant 1 : i32
            %select_n3A_197 = arith.select %eq3A_195, %jit3A_196, %jit3A_193 : i32
            %rem3A_198 = arith.remsi %sub3A_184, %select_n3A_197 : i32
            %ne3A_199 = arith.constant 0 : i32
            %ne3A_200 = arith.cmpi ne, %rem3A_198, %ne3A_199 : i32
            %lt3A_201 = arith.constant 0 : i32
            %lt3A_202 = arith.cmpi slt, %rem3A_198, %lt3A_201 : i32
            %lt3A_203 = arith.constant 0 : i32
            %lt3A_204 = arith.cmpi slt, %select_n3A_197, %lt3A_203 : i32
            %ne3A_205 = arith.xori %lt3A_202, %lt3A_204 : i1
            %and3A_206 = arith.andi %ne3A_205, %ne3A_200 : i1
            %add3A_207 = arith.addi %rem3A_198, %select_n3A_197 : i32
            %select_n3A_208 = arith.select %and3A_206, %add3A_207, %rem3A_198 : i32
            %mul3A_209 = arith.constant 4104 : i32
            %mul3A_210 = arith.muli %select_n3A_208, %mul3A_209 : i32
            %multiple_of3A_211 = tpu.assume_multiple %mul3A_210, 8 : i32
            %mul3A_212 = arith.constant 4224 : i32
            %mul3A_213 = arith.muli %add3A_192, %mul3A_212 : i32
            %multiple_of3A_214 = tpu.assume_multiple %mul3A_213, 8 : i32
            %jit3A_215 = arith.constant 8 : i32
            %eq3A_216 = arith.constant 0 : i32
            %eq3A_217 = arith.cmpi eq, %jit3A_215, %eq3A_216 : i32
            %jit3A_218 = arith.constant 1 : i32
            %select_n3A_219 = arith.select %eq3A_217, %jit3A_218, %jit3A_215 : i32
            %rem3A_220 = arith.remsi %sub3A_184, %select_n3A_219 : i32
            %ne3A_221 = arith.constant 0 : i32
            %ne3A_222 = arith.cmpi ne, %rem3A_220, %ne3A_221 : i32
            %lt3A_223 = arith.constant 0 : i32
            %lt3A_224 = arith.cmpi slt, %rem3A_220, %lt3A_223 : i32
            %lt3A_225 = arith.constant 0 : i32
            %lt3A_226 = arith.cmpi slt, %select_n3A_219, %lt3A_225 : i32
            %ne3A_227 = arith.xori %lt3A_224, %lt3A_226 : i1
            %and3A_228 = arith.andi %ne3A_227, %ne3A_222 : i1
            %add3A_229 = arith.addi %rem3A_220, %select_n3A_219 : i32
            %select_n3A_230 = arith.select %and3A_228, %add3A_229, %rem3A_220 : i32
            %dma_wait3A_231 = tpu.memref_slice %arg4[%multiple_of3A_211] : memref<32832xf32, #tpu.memory_space<vmem>> -> memref<520xf32, #tpu.memory_space<vmem>>
            %dma_wait3A_232 = tpu.memref_slice %arg3[%multiple_of3A_214] : memref<17301504xf32, #tpu.memory_space<hbm>> -> memref<520xf32, #tpu.memory_space<hbm>>
            %dma_wait3A_233 = tpu.memref_slice %arg6[%select_n3A_230] : memref<8x!tpu.dma_semaphore, #tpu.memory_space<semaphore_mem>> -> memref<1x!tpu.dma_semaphore, #tpu.memory_space<semaphore_mem>>
            %dma_wait3A_234 = tpu.memref_squeeze %dma_wait3A_233 : memref<1x!tpu.dma_semaphore, #tpu.memory_space<semaphore_mem>> -> memref<!tpu.dma_semaphore, #tpu.memory_space<semaphore_mem>>
            %dma_wait3A_235 = tpu.memref_slice %arg3[%multiple_of3A_214] : memref<17301504xf32, #tpu.memory_space<hbm>> -> memref<520xf32, #tpu.memory_space<hbm>>
            %dma_wait3A_236 = tpu.memref_slice %arg4[%multiple_of3A_211] : memref<32832xf32, #tpu.memory_space<vmem>> -> memref<520xf32, #tpu.memory_space<vmem>>
            tpu.wait_dma2 semaphore(%dma_wait3A_234 : memref<!tpu.dma_semaphore, #tpu.memory_space<semaphore_mem>>) src(%dma_wait3A_236 : memref<520xf32, #tpu.memory_space<vmem>>) dst(%dma_wait3A_235 : memref<520xf32, #tpu.memory_space<hbm>>)
          } else {
          }
        } else {
        }
        %lt3A_173 = arith.constant 16 : i32
        %lt3A_174 = arith.cmpi slt, %add3A_56, %lt3A_173 : i32
        %convert_element_type3A_175 = arith.extui %lt3A_174 : i1 to i32
        %cond3A_176 = arith.constant 0 : i32
        %cond3A_177 = arith.cmpi ne, %convert_element_type3A_175, %cond3A_176 : i32
        scf.if %cond3A_177 {
          %mul3A_183 = arith.constant 32 : i32
          %mul3A_184 = arith.muli %add3A_56, %mul3A_183 : i32
          %add3A_185 = arith.addi %mul3A_184, %add3A : i32
          %add3A_186 = arith.constant 1 : i32
          %add3A_187 = arith.addi %add3A_185, %add3A_186 : i32
          %mul3A_188 = arith.muli %add3A_185, %add3A_187 : i32
          %jit3A_189 = arith.constant 2 : i32
          %div3A_190 = arith.divsi %mul3A_188, %jit3A_189 : i32
          %sign3A_191 = arith.constant 0 : i32
          %sign3A_192 = arith.cmpi sgt, %mul3A_188, %sign3A_191 : i32
          %sign3A_193 = arith.extui %sign3A_192 : i1 to i32
          %sign3A_194 = arith.constant 0 : i32
          %sign3A_195 = arith.cmpi slt, %mul3A_188, %sign3A_194 : i32
          %sign3A_196 = arith.extui %sign3A_195 : i1 to i32
          %sign3A_197 = arith.subi %sign3A_193, %sign3A_196 : i32
          %sign3A_198 = arith.constant 0 : i32
          %sign3A_199 = arith.cmpi sgt, %jit3A_189, %sign3A_198 : i32
          %sign3A_200 = arith.extui %sign3A_199 : i1 to i32
          %sign3A_201 = arith.constant 0 : i32
          %sign3A_202 = arith.cmpi slt, %jit3A_189, %sign3A_201 : i32
          %sign3A_203 = arith.extui %sign3A_202 : i1 to i32
          %sign3A_204 = arith.subi %sign3A_200, %sign3A_203 : i32
          %ne3A_205 = arith.cmpi ne, %sign3A_197, %sign3A_204 : i32
          %rem3A_206 = arith.remsi %mul3A_188, %jit3A_189 : i32
          %ne3A_207 = arith.constant 0 : i32
          %ne3A_208 = arith.cmpi ne, %rem3A_206, %ne3A_207 : i32
          %and3A_209 = arith.andi %ne3A_205, %ne3A_208 : i1
          %sub3A_210 = arith.constant 1 : i32
          %sub3A_211 = arith.subi %div3A_190, %sub3A_210 : i32
          %select_n3A_212 = arith.select %and3A_209, %sub3A_211, %div3A_190 : i32
          %and3A_213 = arith.constant -8 : i32
          %and3A_214 = arith.andi %select_n3A_212, %and3A_213 : i32
          %min3A_215 = arith.constant 8390136 : i32
          %min3A_216 = arith.minsi %and3A_214, %min3A_215 : i32
          %multiple_of3A_217 = tpu.assume_multiple %min3A_216, 8 : i32
          %jit3A_218 = arith.constant 8 : i32
          %eq3A_219 = arith.constant 0 : i32
          %eq3A_220 = arith.cmpi eq, %jit3A_218, %eq3A_219 : i32
          %jit3A_221 = arith.constant 1 : i32
          %select_n3A_222 = arith.select %eq3A_220, %jit3A_221, %jit3A_218 : i32
          %rem3A_223 = arith.remsi %add3A_56, %select_n3A_222 : i32
          %ne3A_224 = arith.constant 0 : i32
          %ne3A_225 = arith.cmpi ne, %rem3A_223, %ne3A_224 : i32
          %lt3A_226 = arith.constant 0 : i32
          %lt3A_227 = arith.cmpi slt, %rem3A_223, %lt3A_226 : i32
          %lt3A_228 = arith.constant 0 : i32
          %lt3A_229 = arith.cmpi slt, %select_n3A_222, %lt3A_228 : i32
          %ne3A_230 = arith.xori %lt3A_227, %lt3A_229 : i1
          %and3A_231 = arith.andi %ne3A_230, %ne3A_225 : i1
          %add3A_232 = arith.addi %rem3A_223, %select_n3A_222 : i32
          %select_n3A_233 = arith.select %and3A_231, %add3A_232, %rem3A_223 : i32
          %mul3A_234 = arith.constant 4104 : i32
          %mul3A_235 = arith.muli %select_n3A_233, %mul3A_234 : i32
          %multiple_of3A_236 = tpu.assume_multiple %mul3A_235, 8 : i32
          %jit3A_237 = arith.constant 8 : i32
          %eq3A_238 = arith.constant 0 : i32
          %eq3A_239 = arith.cmpi eq, %jit3A_237, %eq3A_238 : i32
          %jit3A_240 = arith.constant 1 : i32
          %select_n3A_241 = arith.select %eq3A_239, %jit3A_240, %jit3A_237 : i32
          %rem3A_242 = arith.remsi %add3A_56, %select_n3A_241 : i32
          %ne3A_243 = arith.constant 0 : i32
          %ne3A_244 = arith.cmpi ne, %rem3A_242, %ne3A_243 : i32
          %lt3A_245 = arith.constant 0 : i32
          %lt3A_246 = arith.cmpi slt, %rem3A_242, %lt3A_245 : i32
          %lt3A_247 = arith.constant 0 : i32
          %lt3A_248 = arith.cmpi slt, %select_n3A_241, %lt3A_247 : i32
          %ne3A_249 = arith.xori %lt3A_246, %lt3A_248 : i1
          %and3A_250 = arith.andi %ne3A_249, %ne3A_244 : i1
          %add3A_251 = arith.addi %rem3A_242, %select_n3A_241 : i32
          %select_n3A_252 = arith.select %and3A_250, %add3A_251, %rem3A_242 : i32
          %dma_start3A_253 = tpu.memref_slice %arg4[%multiple_of3A_236] : memref<32832xf32, #tpu.memory_space<vmem>> -> memref<520xf32, #tpu.memory_space<vmem>>
          %dma_start3A_254 = tpu.memref_slice %arg2[%multiple_of3A_217] : memref<8390656xf32, #tpu.memory_space<hbm>> -> memref<520xf32, #tpu.memory_space<hbm>>
          %dma_start3A_255 = tpu.memref_slice %arg5[%select_n3A_252] : memref<8x!tpu.dma_semaphore, #tpu.memory_space<semaphore_mem>> -> memref<1x!tpu.dma_semaphore, #tpu.memory_space<semaphore_mem>>
          %dma_start3A_256 = tpu.memref_squeeze %dma_start3A_255 : memref<1x!tpu.dma_semaphore, #tpu.memory_space<semaphore_mem>> -> memref<!tpu.dma_semaphore, #tpu.memory_space<semaphore_mem>>
          %dma_start3A_257 = tpu.memref_slice %arg4[%multiple_of3A_236] : memref<32832xf32, #tpu.memory_space<vmem>> -> memref<520xf32, #tpu.memory_space<vmem>>
          %dma_start3A_258 = tpu.memref_slice %arg2[%multiple_of3A_217] : memref<8390656xf32, #tpu.memory_space<hbm>> -> memref<520xf32, #tpu.memory_space<hbm>>
          tpu.enqueue_dma source(%dma_start3A_258 : memref<520xf32, #tpu.memory_space<hbm>>) target(%dma_start3A_257 : memref<520xf32, #tpu.memory_space<vmem>>) target_semaphore(%dma_start3A_256 : memref<!tpu.dma_semaphore, #tpu.memory_space<semaphore_mem>>)
        } else {
        }
        %ge3A_178 = arith.constant 16 : i32
        %ge3A_179 = arith.cmpi sge, %add3A_56, %ge3A_178 : i32
        %convert_element_type3A_180 = arith.extui %ge3A_179 : i1 to i32
        %cond3A_181 = arith.constant 0 : i32
        %cond3A_182 = arith.cmpi ne, %convert_element_type3A_180, %cond3A_181 : i32
        scf.if %cond3A_182 {
          %mul3A_183 = arith.constant 32 : i32
          %mul3A_184 = arith.muli %add3A_56, %mul3A_183 : i32
          %add3A_185 = arith.addi %mul3A_184, %add3A : i32
          %add3A_186 = arith.constant 1 : i32
          %add3A_187 = arith.addi %add3A_185, %add3A_186 : i32
          %mul3A_188 = arith.muli %add3A_185, %add3A_187 : i32
          %jit3A_189 = arith.constant 2 : i32
          %div3A_190 = arith.divsi %mul3A_188, %jit3A_189 : i32
          %sign3A_191 = arith.constant 0 : i32
          %sign3A_192 = arith.cmpi sgt, %mul3A_188, %sign3A_191 : i32
          %sign3A_193 = arith.extui %sign3A_192 : i1 to i32
          %sign3A_194 = arith.constant 0 : i32
          %sign3A_195 = arith.cmpi slt, %mul3A_188, %sign3A_194 : i32
          %sign3A_196 = arith.extui %sign3A_195 : i1 to i32
          %sign3A_197 = arith.subi %sign3A_193, %sign3A_196 : i32
          %sign3A_198 = arith.constant 0 : i32
          %sign3A_199 = arith.cmpi sgt, %jit3A_189, %sign3A_198 : i32
          %sign3A_200 = arith.extui %sign3A_199 : i1 to i32
          %sign3A_201 = arith.constant 0 : i32
          %sign3A_202 = arith.cmpi slt, %jit3A_189, %sign3A_201 : i32
          %sign3A_203 = arith.extui %sign3A_202 : i1 to i32
          %sign3A_204 = arith.subi %sign3A_200, %sign3A_203 : i32
          %ne3A_205 = arith.cmpi ne, %sign3A_197, %sign3A_204 : i32
          %rem3A_206 = arith.remsi %mul3A_188, %jit3A_189 : i32
          %ne3A_207 = arith.constant 0 : i32
          %ne3A_208 = arith.cmpi ne, %rem3A_206, %ne3A_207 : i32
          %and3A_209 = arith.andi %ne3A_205, %ne3A_208 : i1
          %sub3A_210 = arith.constant 1 : i32
          %sub3A_211 = arith.subi %div3A_190, %sub3A_210 : i32
          %select_n3A_212 = arith.select %and3A_209, %sub3A_211, %div3A_190 : i32
          %and3A_213 = arith.constant -8 : i32
          %and3A_214 = arith.andi %select_n3A_212, %and3A_213 : i32
          %min3A_215 = arith.constant 8389624 : i32
          %min3A_216 = arith.minsi %and3A_214, %min3A_215 : i32
          %multiple_of3A_217 = tpu.assume_multiple %min3A_216, 8 : i32
          %jit3A_218 = arith.constant 8 : i32
          %eq3A_219 = arith.constant 0 : i32
          %eq3A_220 = arith.cmpi eq, %jit3A_218, %eq3A_219 : i32
          %jit3A_221 = arith.constant 1 : i32
          %select_n3A_222 = arith.select %eq3A_220, %jit3A_221, %jit3A_218 : i32
          %rem3A_223 = arith.remsi %add3A_56, %select_n3A_222 : i32
          %ne3A_224 = arith.constant 0 : i32
          %ne3A_225 = arith.cmpi ne, %rem3A_223, %ne3A_224 : i32
          %lt3A_226 = arith.constant 0 : i32
          %lt3A_227 = arith.cmpi slt, %rem3A_223, %lt3A_226 : i32
          %lt3A_228 = arith.constant 0 : i32
          %lt3A_229 = arith.cmpi slt, %select_n3A_222, %lt3A_228 : i32
          %ne3A_230 = arith.xori %lt3A_227, %lt3A_229 : i1
          %and3A_231 = arith.andi %ne3A_230, %ne3A_225 : i1
          %add3A_232 = arith.addi %rem3A_223, %select_n3A_222 : i32
          %select_n3A_233 = arith.select %and3A_231, %add3A_232, %rem3A_223 : i32
          %mul3A_234 = arith.constant 4104 : i32
          %mul3A_235 = arith.muli %select_n3A_233, %mul3A_234 : i32
          %multiple_of3A_236 = tpu.assume_multiple %mul3A_235, 8 : i32
          %jit3A_237 = arith.constant 8 : i32
          %eq3A_238 = arith.constant 0 : i32
          %eq3A_239 = arith.cmpi eq, %jit3A_237, %eq3A_238 : i32
          %jit3A_240 = arith.constant 1 : i32
          %select_n3A_241 = arith.select %eq3A_239, %jit3A_240, %jit3A_237 : i32
          %rem3A_242 = arith.remsi %add3A_56, %select_n3A_241 : i32
          %ne3A_243 = arith.constant 0 : i32
          %ne3A_244 = arith.cmpi ne, %rem3A_242, %ne3A_243 : i32
          %lt3A_245 = arith.constant 0 : i32
          %lt3A_246 = arith.cmpi slt, %rem3A_242, %lt3A_245 : i32
          %lt3A_247 = arith.constant 0 : i32
          %lt3A_248 = arith.cmpi slt, %select_n3A_241, %lt3A_247 : i32
          %ne3A_249 = arith.xori %lt3A_246, %lt3A_248 : i1
          %and3A_250 = arith.andi %ne3A_249, %ne3A_244 : i1
          %add3A_251 = arith.addi %rem3A_242, %select_n3A_241 : i32
          %select_n3A_252 = arith.select %and3A_250, %add3A_251, %rem3A_242 : i32
          %dma_start3A_253 = tpu.memref_slice %arg4[%multiple_of3A_236] : memref<32832xf32, #tpu.memory_space<vmem>> -> memref<1032xf32, #tpu.memory_space<vmem>>
          %dma_start3A_254 = tpu.memref_slice %arg2[%multiple_of3A_217] : memref<8390656xf32, #tpu.memory_space<hbm>> -> memref<1032xf32, #tpu.memory_space<hbm>>
          %dma_start3A_255 = tpu.memref_slice %arg5[%select_n3A_252] : memref<8x!tpu.dma_semaphore, #tpu.memory_space<semaphore_mem>> -> memref<1x!tpu.dma_semaphore, #tpu.memory_space<semaphore_mem>>
          %dma_start3A_256 = tpu.memref_squeeze %dma_start3A_255 : memref<1x!tpu.dma_semaphore, #tpu.memory_space<semaphore_mem>> -> memref<!tpu.dma_semaphore, #tpu.memory_space<semaphore_mem>>
          %dma_start3A_257 = tpu.memref_slice %arg4[%multiple_of3A_236] : memref<32832xf32, #tpu.memory_space<vmem>> -> memref<1032xf32, #tpu.memory_space<vmem>>
          %dma_start3A_258 = tpu.memref_slice %arg2[%multiple_of3A_217] : memref<8390656xf32, #tpu.memory_space<hbm>> -> memref<1032xf32, #tpu.memory_space<hbm>>
          tpu.enqueue_dma source(%dma_start3A_258 : memref<1032xf32, #tpu.memory_space<hbm>>) target(%dma_start3A_257 : memref<1032xf32, #tpu.memory_space<vmem>>) target_semaphore(%dma_start3A_256 : memref<!tpu.dma_semaphore, #tpu.memory_space<semaphore_mem>>)
        } else {
        }
      } else {
      }
      %mul3A_59 = arith.constant 32 : i32
      %mul3A_60 = arith.muli %add3A_54, %mul3A_59 : i32
      %add3A_61 = arith.addi %mul3A_60, %add3A : i32
      %add3A_62 = arith.constant 1 : i32
      %add3A_63 = arith.addi %add3A_61, %add3A_62 : i32
      %mul3A_64 = arith.muli %add3A_61, %add3A_63 : i32
      %jit3A = arith.constant 2 : i32
      %div3A = arith.divsi %mul3A_64, %jit3A : i32
      %sign3A = arith.constant 0 : i32
      %sign3A_65 = arith.cmpi sgt, %mul3A_64, %sign3A : i32
      %sign3A_66 = arith.extui %sign3A_65 : i1 to i32
      %sign3A_67 = arith.constant 0 : i32
      %sign3A_68 = arith.cmpi slt, %mul3A_64, %sign3A_67 : i32
      %sign3A_69 = arith.extui %sign3A_68 : i1 to i32
      %sign3A_70 = arith.subi %sign3A_66, %sign3A_69 : i32
      %sign3A_71 = arith.constant 0 : i32
      %sign3A_72 = arith.cmpi sgt, %jit3A, %sign3A_71 : i32
      %sign3A_73 = arith.extui %sign3A_72 : i1 to i32
      %sign3A_74 = arith.constant 0 : i32
      %sign3A_75 = arith.cmpi slt, %jit3A, %sign3A_74 : i32
      %sign3A_76 = arith.extui %sign3A_75 : i1 to i32
      %sign3A_77 = arith.subi %sign3A_73, %sign3A_76 : i32
      %ne3A = arith.cmpi ne, %sign3A_70, %sign3A_77 : i32
      %rem3A = arith.remsi %mul3A_64, %jit3A : i32
      %ne3A_78 = arith.constant 0 : i32
      %ne3A_79 = arith.cmpi ne, %rem3A, %ne3A_78 : i32
      %and3A = arith.andi %ne3A, %ne3A_79 : i1
      %sub3A = arith.constant 1 : i32
      %sub3A_80 = arith.subi %div3A, %sub3A : i32
      %select_n3A = arith.select %and3A, %sub3A_80, %div3A : i32
      %and3A_81 = arith.constant -8 : i32
      %and3A_82 = arith.andi %select_n3A, %and3A_81 : i32
      %min3A = arith.constant 8390136 : i32
      %min3A_83 = arith.minsi %and3A_82, %min3A : i32
      %multiple_of3A = tpu.assume_multiple %min3A_83, 8 : i32
      %jit3A_84 = arith.constant 8 : i32
      %eq3A = arith.constant 0 : i32
      %eq3A_85 = arith.cmpi eq, %jit3A_84, %eq3A : i32
      %jit3A_86 = arith.constant 1 : i32
      %select_n3A_87 = arith.select %eq3A_85, %jit3A_86, %jit3A_84 : i32
      %rem3A_88 = arith.remsi %add3A_54, %select_n3A_87 : i32
      %ne3A_89 = arith.constant 0 : i32
      %ne3A_90 = arith.cmpi ne, %rem3A_88, %ne3A_89 : i32
      %lt3A_91 = arith.constant 0 : i32
      %lt3A_92 = arith.cmpi slt, %rem3A_88, %lt3A_91 : i32
      %lt3A_93 = arith.constant 0 : i32
      %lt3A_94 = arith.cmpi slt, %select_n3A_87, %lt3A_93 : i32
      %ne3A_95 = arith.xori %lt3A_92, %lt3A_94 : i1
      %and3A_96 = arith.andi %ne3A_95, %ne3A_90 : i1
      %add3A_97 = arith.addi %rem3A_88, %select_n3A_87 : i32
      %select_n3A_98 = arith.select %and3A_96, %add3A_97, %rem3A_88 : i32
      %mul3A_99 = arith.constant 4104 : i32
      %mul3A_100 = arith.muli %select_n3A_98, %mul3A_99 : i32
      %multiple_of3A_101 = tpu.assume_multiple %mul3A_100, 8 : i32
      %jit3A_102 = arith.constant 8 : i32
      %eq3A_103 = arith.constant 0 : i32
      %eq3A_104 = arith.cmpi eq, %jit3A_102, %eq3A_103 : i32
      %jit3A_105 = arith.constant 1 : i32
      %select_n3A_106 = arith.select %eq3A_104, %jit3A_105, %jit3A_102 : i32
      %rem3A_107 = arith.remsi %add3A_54, %select_n3A_106 : i32
      %ne3A_108 = arith.constant 0 : i32
      %ne3A_109 = arith.cmpi ne, %rem3A_107, %ne3A_108 : i32
      %lt3A_110 = arith.constant 0 : i32
      %lt3A_111 = arith.cmpi slt, %rem3A_107, %lt3A_110 : i32
      %lt3A_112 = arith.constant 0 : i32
      %lt3A_113 = arith.cmpi slt, %select_n3A_106, %lt3A_112 : i32
      %ne3A_114 = arith.xori %lt3A_111, %lt3A_113 : i1
      %and3A_115 = arith.andi %ne3A_114, %ne3A_109 : i1
      %add3A_116 = arith.addi %rem3A_107, %select_n3A_106 : i32
      %select_n3A_117 = arith.select %and3A_115, %add3A_116, %rem3A_107 : i32
      %dma_wait3A = tpu.memref_slice %arg4[%multiple_of3A_101] : memref<32832xf32, #tpu.memory_space<vmem>> -> memref<520xf32, #tpu.memory_space<vmem>>
      %dma_wait3A_118 = tpu.memref_slice %arg2[%multiple_of3A] : memref<8390656xf32, #tpu.memory_space<hbm>> -> memref<520xf32, #tpu.memory_space<hbm>>
      %dma_wait3A_119 = tpu.memref_slice %arg5[%select_n3A_117] : memref<8x!tpu.dma_semaphore, #tpu.memory_space<semaphore_mem>> -> memref<1x!tpu.dma_semaphore, #tpu.memory_space<semaphore_mem>>
      %dma_wait3A_120 = tpu.memref_squeeze %dma_wait3A_119 : memref<1x!tpu.dma_semaphore, #tpu.memory_space<semaphore_mem>> -> memref<!tpu.dma_semaphore, #tpu.memory_space<semaphore_mem>>
      %dma_wait3A_121 = tpu.memref_slice %arg4[%multiple_of3A_101] : memref<32832xf32, #tpu.memory_space<vmem>> -> memref<520xf32, #tpu.memory_space<vmem>>
      %dma_wait3A_122 = tpu.memref_slice %arg2[%multiple_of3A] : memref<8390656xf32, #tpu.memory_space<hbm>> -> memref<520xf32, #tpu.memory_space<hbm>>
      tpu.wait_dma2 semaphore(%dma_wait3A_120 : memref<!tpu.dma_semaphore, #tpu.memory_space<semaphore_mem>>) src(%dma_wait3A_122 : memref<520xf32, #tpu.memory_space<hbm>>) dst(%dma_wait3A_121 : memref<520xf32, #tpu.memory_space<vmem>>)
      %mul3A_123 = arith.constant 32 : i32
      %mul3A_124 = arith.muli %add3A_54, %mul3A_123 : i32
      %add3A_125 = arith.addi %mul3A_124, %add3A : i32
      %jit3A_126 = arith.constant 8 : i32
      %eq3A_127 = arith.constant 0 : i32
      %eq3A_128 = arith.cmpi eq, %jit3A_126, %eq3A_127 : i32
      %jit3A_129 = arith.constant 1 : i32
      %select_n3A_130 = arith.select %eq3A_128, %jit3A_129, %jit3A_126 : i32
      %rem3A_131 = arith.remsi %add3A_54, %select_n3A_130 : i32
      %ne3A_132 = arith.constant 0 : i32
      %ne3A_133 = arith.cmpi ne, %rem3A_131, %ne3A_132 : i32
      %lt3A_134 = arith.constant 0 : i32
      %lt3A_135 = arith.cmpi slt, %rem3A_131, %lt3A_134 : i32
      %lt3A_136 = arith.constant 0 : i32
      %lt3A_137 = arith.cmpi slt, %select_n3A_130, %lt3A_136 : i32
      %ne3A_138 = arith.xori %lt3A_135, %lt3A_137 : i1
      %and3A_139 = arith.andi %ne3A_138, %ne3A_133 : i1
      %add3A_140 = arith.addi %rem3A_131, %select_n3A_130 : i32
      %select_n3A_141 = arith.select %and3A_139, %add3A_140, %rem3A_131 : i32
      %mul3A_142 = arith.constant 4104 : i32
      %mul3A_143 = arith.muli %select_n3A_141, %mul3A_142 : i32
      %multiple_of3A_144 = tpu.assume_multiple %mul3A_143, 8 : i32
      %mul3A_145 = arith.constant 4224 : i32
      %mul3A_146 = arith.muli %add3A_125, %mul3A_145 : i32
      %multiple_of3A_147 = tpu.assume_multiple %mul3A_146, 8 : i32
      %jit3A_148 = arith.constant 8 : i32
      %eq3A_149 = arith.constant 0 : i32
      %eq3A_150 = arith.cmpi eq, %jit3A_148, %eq3A_149 : i32
      %jit3A_151 = arith.constant 1 : i32
      %select_n3A_152 = arith.select %eq3A_150, %jit3A_151, %jit3A_148 : i32
      %rem3A_153 = arith.remsi %add3A_54, %select_n3A_152 : i32
      %ne3A_154 = arith.constant 0 : i32
      %ne3A_155 = arith.cmpi ne, %rem3A_153, %ne3A_154 : i32
      %lt3A_156 = arith.constant 0 : i32
      %lt3A_157 = arith.cmpi slt, %rem3A_153, %lt3A_156 : i32
      %lt3A_158 = arith.constant 0 : i32
      %lt3A_159 = arith.cmpi slt, %select_n3A_152, %lt3A_158 : i32
      %ne3A_160 = arith.xori %lt3A_157, %lt3A_159 : i1
      %and3A_161 = arith.andi %ne3A_160, %ne3A_155 : i1
      %add3A_162 = arith.addi %rem3A_153, %select_n3A_152 : i32
      %select_n3A_163 = arith.select %and3A_161, %add3A_162, %rem3A_153 : i32
      %dma_start3A = tpu.memref_slice %arg4[%multiple_of3A_144] : memref<32832xf32, #tpu.memory_space<vmem>> -> memref<520xf32, #tpu.memory_space<vmem>>
      %dma_start3A_164 = tpu.memref_slice %arg3[%multiple_of3A_147] : memref<17301504xf32, #tpu.memory_space<hbm>> -> memref<520xf32, #tpu.memory_space<hbm>>
      %dma_start3A_165 = tpu.memref_slice %arg6[%select_n3A_163] : memref<8x!tpu.dma_semaphore, #tpu.memory_space<semaphore_mem>> -> memref<1x!tpu.dma_semaphore, #tpu.memory_space<semaphore_mem>>
      %dma_start3A_166 = tpu.memref_squeeze %dma_start3A_165 : memref<1x!tpu.dma_semaphore, #tpu.memory_space<semaphore_mem>> -> memref<!tpu.dma_semaphore, #tpu.memory_space<semaphore_mem>>
      %dma_start3A_167 = tpu.memref_slice %arg3[%multiple_of3A_147] : memref<17301504xf32, #tpu.memory_space<hbm>> -> memref<520xf32, #tpu.memory_space<hbm>>
      %dma_start3A_168 = tpu.memref_slice %arg4[%multiple_of3A_144] : memref<32832xf32, #tpu.memory_space<vmem>> -> memref<520xf32, #tpu.memory_space<vmem>>
      tpu.enqueue_dma source(%dma_start3A_168 : memref<520xf32, #tpu.memory_space<vmem>>) target(%dma_start3A_167 : memref<520xf32, #tpu.memory_space<hbm>>) target_semaphore(%dma_start3A_166 : memref<!tpu.dma_semaphore, #tpu.memory_space<semaphore_mem>>)
    }
    %scan3A_9 = arith.constant 16 : i32
    %scan3A_10 = arith.constant 0 : i32
    %scan3A_11 = arith.constant 16 : i32
    %scan3A_12 = arith.addi %scan3A_10, %scan3A_11 : i32
    %scan3A_13 = arith.constant 1 : i32
    scf.for %scan3A_50 = %scan3A_10 to %scan3A_12 step %scan3A_13  : i32 {
      %mul3A_51 = arith.constant 1 : i32
      %mul3A_52 = arith.muli %scan3A_50, %mul3A_51 : i32
      %add3A_53 = arith.constant 16 : i32
      %add3A_54 = arith.addi %add3A_53, %mul3A_52 : i32
      %add3A_55 = arith.constant 4 : i32
      %add3A_56 = arith.addi %add3A_54, %add3A_55 : i32
      %lt3A = arith.constant 128 : i32
      %lt3A_57 = arith.cmpi slt, %add3A_56, %lt3A : i32
      %convert_element_type3A = arith.extui %lt3A_57 : i1 to i32
      %cond3A = arith.constant 0 : i32
      %cond3A_58 = arith.cmpi ne, %convert_element_type3A, %cond3A : i32
      scf.if %cond3A_58 {
        %ge3A = arith.constant 8 : i32
        %ge3A_169 = arith.cmpi sge, %add3A_56, %ge3A : i32
        %convert_element_type3A_170 = arith.extui %ge3A_169 : i1 to i32
        %cond3A_171 = arith.constant 0 : i32
        %cond3A_172 = arith.cmpi ne, %convert_element_type3A_170, %cond3A_171 : i32
        scf.if %cond3A_172 {
          %sub3A_183 = arith.constant 8 : i32
          %sub3A_184 = arith.subi %add3A_56, %sub3A_183 : i32
          %ge3A_185 = arith.constant 16 : i32
          %ge3A_186 = arith.cmpi sge, %sub3A_184, %ge3A_185 : i32
          %convert_element_type3A_187 = arith.extui %ge3A_186 : i1 to i32
          %cond3A_188 = arith.constant 0 : i32
          %cond3A_189 = arith.cmpi ne, %convert_element_type3A_187, %cond3A_188 : i32
          scf.if %cond3A_189 {
            %mul3A_195 = arith.constant 32 : i32
            %mul3A_196 = arith.muli %sub3A_184, %mul3A_195 : i32
            %add3A_197 = arith.addi %mul3A_196, %add3A : i32
            %jit3A_198 = arith.constant 8 : i32
            %eq3A_199 = arith.constant 0 : i32
            %eq3A_200 = arith.cmpi eq, %jit3A_198, %eq3A_199 : i32
            %jit3A_201 = arith.constant 1 : i32
            %select_n3A_202 = arith.select %eq3A_200, %jit3A_201, %jit3A_198 : i32
            %rem3A_203 = arith.remsi %sub3A_184, %select_n3A_202 : i32
            %ne3A_204 = arith.constant 0 : i32
            %ne3A_205 = arith.cmpi ne, %rem3A_203, %ne3A_204 : i32
            %lt3A_206 = arith.constant 0 : i32
            %lt3A_207 = arith.cmpi slt, %rem3A_203, %lt3A_206 : i32
            %lt3A_208 = arith.constant 0 : i32
            %lt3A_209 = arith.cmpi slt, %select_n3A_202, %lt3A_208 : i32
            %ne3A_210 = arith.xori %lt3A_207, %lt3A_209 : i1
            %and3A_211 = arith.andi %ne3A_210, %ne3A_205 : i1
            %add3A_212 = arith.addi %rem3A_203, %select_n3A_202 : i32
            %select_n3A_213 = arith.select %and3A_211, %add3A_212, %rem3A_203 : i32
            %mul3A_214 = arith.constant 4104 : i32
            %mul3A_215 = arith.muli %select_n3A_213, %mul3A_214 : i32
            %multiple_of3A_216 = tpu.assume_multiple %mul3A_215, 8 : i32
            %mul3A_217 = arith.constant 4224 : i32
            %mul3A_218 = arith.muli %add3A_197, %mul3A_217 : i32
            %multiple_of3A_219 = tpu.assume_multiple %mul3A_218, 8 : i32
            %jit3A_220 = arith.constant 8 : i32
            %eq3A_221 = arith.constant 0 : i32
            %eq3A_222 = arith.cmpi eq, %jit3A_220, %eq3A_221 : i32
            %jit3A_223 = arith.constant 1 : i32
            %select_n3A_224 = arith.select %eq3A_222, %jit3A_223, %jit3A_220 : i32
            %rem3A_225 = arith.remsi %sub3A_184, %select_n3A_224 : i32
            %ne3A_226 = arith.constant 0 : i32
            %ne3A_227 = arith.cmpi ne, %rem3A_225, %ne3A_226 : i32
            %lt3A_228 = arith.constant 0 : i32
            %lt3A_229 = arith.cmpi slt, %rem3A_225, %lt3A_228 : i32
            %lt3A_230 = arith.constant 0 : i32
            %lt3A_231 = arith.cmpi slt, %select_n3A_224, %lt3A_230 : i32
            %ne3A_232 = arith.xori %lt3A_229, %lt3A_231 : i1
            %and3A_233 = arith.andi %ne3A_232, %ne3A_227 : i1
            %add3A_234 = arith.addi %rem3A_225, %select_n3A_224 : i32
            %select_n3A_235 = arith.select %and3A_233, %add3A_234, %rem3A_225 : i32
            %dma_wait3A_236 = tpu.memref_slice %arg4[%multiple_of3A_216] : memref<32832xf32, #tpu.memory_space<vmem>> -> memref<1032xf32, #tpu.memory_space<vmem>>
            %dma_wait3A_237 = tpu.memref_slice %arg3[%multiple_of3A_219] : memref<17301504xf32, #tpu.memory_space<hbm>> -> memref<1032xf32, #tpu.memory_space<hbm>>
            %dma_wait3A_238 = tpu.memref_slice %arg6[%select_n3A_235] : memref<8x!tpu.dma_semaphore, #tpu.memory_space<semaphore_mem>> -> memref<1x!tpu.dma_semaphore, #tpu.memory_space<semaphore_mem>>
            %dma_wait3A_239 = tpu.memref_squeeze %dma_wait3A_238 : memref<1x!tpu.dma_semaphore, #tpu.memory_space<semaphore_mem>> -> memref<!tpu.dma_semaphore, #tpu.memory_space<semaphore_mem>>
            %dma_wait3A_240 = tpu.memref_slice %arg3[%multiple_of3A_219] : memref<17301504xf32, #tpu.memory_space<hbm>> -> memref<1032xf32, #tpu.memory_space<hbm>>
            %dma_wait3A_241 = tpu.memref_slice %arg4[%multiple_of3A_216] : memref<32832xf32, #tpu.memory_space<vmem>> -> memref<1032xf32, #tpu.memory_space<vmem>>
            tpu.wait_dma2 semaphore(%dma_wait3A_239 : memref<!tpu.dma_semaphore, #tpu.memory_space<semaphore_mem>>) src(%dma_wait3A_241 : memref<1032xf32, #tpu.memory_space<vmem>>) dst(%dma_wait3A_240 : memref<1032xf32, #tpu.memory_space<hbm>>)
          } else {
          }
          %lt3A_190 = arith.constant 16 : i32
          %lt3A_191 = arith.cmpi slt, %sub3A_184, %lt3A_190 : i32
          %convert_element_type3A_192 = arith.extui %lt3A_191 : i1 to i32
          %cond3A_193 = arith.constant 0 : i32
          %cond3A_194 = arith.cmpi ne, %convert_element_type3A_192, %cond3A_193 : i32
          scf.if %cond3A_194 {
            %mul3A_195 = arith.constant 32 : i32
            %mul3A_196 = arith.muli %sub3A_184, %mul3A_195 : i32
            %add3A_197 = arith.addi %mul3A_196, %add3A : i32
            %jit3A_198 = arith.constant 8 : i32
            %eq3A_199 = arith.constant 0 : i32
            %eq3A_200 = arith.cmpi eq, %jit3A_198, %eq3A_199 : i32
            %jit3A_201 = arith.constant 1 : i32
            %select_n3A_202 = arith.select %eq3A_200, %jit3A_201, %jit3A_198 : i32
            %rem3A_203 = arith.remsi %sub3A_184, %select_n3A_202 : i32
            %ne3A_204 = arith.constant 0 : i32
            %ne3A_205 = arith.cmpi ne, %rem3A_203, %ne3A_204 : i32
            %lt3A_206 = arith.constant 0 : i32
            %lt3A_207 = arith.cmpi slt, %rem3A_203, %lt3A_206 : i32
            %lt3A_208 = arith.constant 0 : i32
            %lt3A_209 = arith.cmpi slt, %select_n3A_202, %lt3A_208 : i32
            %ne3A_210 = arith.xori %lt3A_207, %lt3A_209 : i1
            %and3A_211 = arith.andi %ne3A_210, %ne3A_205 : i1
            %add3A_212 = arith.addi %rem3A_203, %select_n3A_202 : i32
            %select_n3A_213 = arith.select %and3A_211, %add3A_212, %rem3A_203 : i32
            %mul3A_214 = arith.constant 4104 : i32
            %mul3A_215 = arith.muli %select_n3A_213, %mul3A_214 : i32
            %multiple_of3A_216 = tpu.assume_multiple %mul3A_215, 8 : i32
            %mul3A_217 = arith.constant 4224 : i32
            %mul3A_218 = arith.muli %add3A_197, %mul3A_217 : i32
            %multiple_of3A_219 = tpu.assume_multiple %mul3A_218, 8 : i32
            %jit3A_220 = arith.constant 8 : i32
            %eq3A_221 = arith.constant 0 : i32
            %eq3A_222 = arith.cmpi eq, %jit3A_220, %eq3A_221 : i32
            %jit3A_223 = arith.constant 1 : i32
            %select_n3A_224 = arith.select %eq3A_222, %jit3A_223, %jit3A_220 : i32
            %rem3A_225 = arith.remsi %sub3A_184, %select_n3A_224 : i32
            %ne3A_226 = arith.constant 0 : i32
            %ne3A_227 = arith.cmpi ne, %rem3A_225, %ne3A_226 : i32
            %lt3A_228 = arith.constant 0 : i32
            %lt3A_229 = arith.cmpi slt, %rem3A_225, %lt3A_228 : i32
            %lt3A_230 = arith.constant 0 : i32
            %lt3A_231 = arith.cmpi slt, %select_n3A_224, %lt3A_230 : i32
            %ne3A_232 = arith.xori %lt3A_229, %lt3A_231 : i1
            %and3A_233 = arith.andi %ne3A_232, %ne3A_227 : i1
            %add3A_234 = arith.addi %rem3A_225, %select_n3A_224 : i32
            %select_n3A_235 = arith.select %and3A_233, %add3A_234, %rem3A_225 : i32
            %dma_wait3A_236 = tpu.memref_slice %arg4[%multiple_of3A_216] : memref<32832xf32, #tpu.memory_space<vmem>> -> memref<520xf32, #tpu.memory_space<vmem>>
            %dma_wait3A_237 = tpu.memref_slice %arg3[%multiple_of3A_219] : memref<17301504xf32, #tpu.memory_space<hbm>> -> memref<520xf32, #tpu.memory_space<hbm>>
            %dma_wait3A_238 = tpu.memref_slice %arg6[%select_n3A_235] : memref<8x!tpu.dma_semaphore, #tpu.memory_space<semaphore_mem>> -> memref<1x!tpu.dma_semaphore, #tpu.memory_space<semaphore_mem>>
            %dma_wait3A_239 = tpu.memref_squeeze %dma_wait3A_238 : memref<1x!tpu.dma_semaphore, #tpu.memory_space<semaphore_mem>> -> memref<!tpu.dma_semaphore, #tpu.memory_space<semaphore_mem>>
            %dma_wait3A_240 = tpu.memref_slice %arg3[%multiple_of3A_219] : memref<17301504xf32, #tpu.memory_space<hbm>> -> memref<520xf32, #tpu.memory_space<hbm>>
            %dma_wait3A_241 = tpu.memref_slice %arg4[%multiple_of3A_216] : memref<32832xf32, #tpu.memory_space<vmem>> -> memref<520xf32, #tpu.memory_space<vmem>>
            tpu.wait_dma2 semaphore(%dma_wait3A_239 : memref<!tpu.dma_semaphore, #tpu.memory_space<semaphore_mem>>) src(%dma_wait3A_241 : memref<520xf32, #tpu.memory_space<vmem>>) dst(%dma_wait3A_240 : memref<520xf32, #tpu.memory_space<hbm>>)
          } else {
          }
        } else {
        }
        %lt3A_173 = arith.constant 32 : i32
        %lt3A_174 = arith.cmpi slt, %add3A_56, %lt3A_173 : i32
        %convert_element_type3A_175 = arith.extui %lt3A_174 : i1 to i32
        %cond3A_176 = arith.constant 0 : i32
        %cond3A_177 = arith.cmpi ne, %convert_element_type3A_175, %cond3A_176 : i32
        scf.if %cond3A_177 {
          %mul3A_183 = arith.constant 32 : i32
          %mul3A_184 = arith.muli %add3A_56, %mul3A_183 : i32
          %add3A_185 = arith.addi %mul3A_184, %add3A : i32
          %add3A_186 = arith.constant 1 : i32
          %add3A_187 = arith.addi %add3A_185, %add3A_186 : i32
          %mul3A_188 = arith.muli %add3A_185, %add3A_187 : i32
          %jit3A_189 = arith.constant 2 : i32
          %div3A_190 = arith.divsi %mul3A_188, %jit3A_189 : i32
          %sign3A_191 = arith.constant 0 : i32
          %sign3A_192 = arith.cmpi sgt, %mul3A_188, %sign3A_191 : i32
          %sign3A_193 = arith.extui %sign3A_192 : i1 to i32
          %sign3A_194 = arith.constant 0 : i32
          %sign3A_195 = arith.cmpi slt, %mul3A_188, %sign3A_194 : i32
          %sign3A_196 = arith.extui %sign3A_195 : i1 to i32
          %sign3A_197 = arith.subi %sign3A_193, %sign3A_196 : i32
          %sign3A_198 = arith.constant 0 : i32
          %sign3A_199 = arith.cmpi sgt, %jit3A_189, %sign3A_198 : i32
          %sign3A_200 = arith.extui %sign3A_199 : i1 to i32
          %sign3A_201 = arith.constant 0 : i32
          %sign3A_202 = arith.cmpi slt, %jit3A_189, %sign3A_201 : i32
          %sign3A_203 = arith.extui %sign3A_202 : i1 to i32
          %sign3A_204 = arith.subi %sign3A_200, %sign3A_203 : i32
          %ne3A_205 = arith.cmpi ne, %sign3A_197, %sign3A_204 : i32
          %rem3A_206 = arith.remsi %mul3A_188, %jit3A_189 : i32
          %ne3A_207 = arith.constant 0 : i32
          %ne3A_208 = arith.cmpi ne, %rem3A_206, %ne3A_207 : i32
          %and3A_209 = arith.andi %ne3A_205, %ne3A_208 : i1
          %sub3A_210 = arith.constant 1 : i32
          %sub3A_211 = arith.subi %div3A_190, %sub3A_210 : i32
          %select_n3A_212 = arith.select %and3A_209, %sub3A_211, %div3A_190 : i32
          %and3A_213 = arith.constant -8 : i32
          %and3A_214 = arith.andi %select_n3A_212, %and3A_213 : i32
          %min3A_215 = arith.constant 8389624 : i32
          %min3A_216 = arith.minsi %and3A_214, %min3A_215 : i32
          %multiple_of3A_217 = tpu.assume_multiple %min3A_216, 8 : i32
          %jit3A_218 = arith.constant 8 : i32
          %eq3A_219 = arith.constant 0 : i32
          %eq3A_220 = arith.cmpi eq, %jit3A_218, %eq3A_219 : i32
          %jit3A_221 = arith.constant 1 : i32
          %select_n3A_222 = arith.select %eq3A_220, %jit3A_221, %jit3A_218 : i32
          %rem3A_223 = arith.remsi %add3A_56, %select_n3A_222 : i32
          %ne3A_224 = arith.constant 0 : i32
          %ne3A_225 = arith.cmpi ne, %rem3A_223, %ne3A_224 : i32
          %lt3A_226 = arith.constant 0 : i32
          %lt3A_227 = arith.cmpi slt, %rem3A_223, %lt3A_226 : i32
          %lt3A_228 = arith.constant 0 : i32
          %lt3A_229 = arith.cmpi slt, %select_n3A_222, %lt3A_228 : i32
          %ne3A_230 = arith.xori %lt3A_227, %lt3A_229 : i1
          %and3A_231 = arith.andi %ne3A_230, %ne3A_225 : i1
          %add3A_232 = arith.addi %rem3A_223, %select_n3A_222 : i32
          %select_n3A_233 = arith.select %and3A_231, %add3A_232, %rem3A_223 : i32
          %mul3A_234 = arith.constant 4104 : i32
          %mul3A_235 = arith.muli %select_n3A_233, %mul3A_234 : i32
          %multiple_of3A_236 = tpu.assume_multiple %mul3A_235, 8 : i32
          %jit3A_237 = arith.constant 8 : i32
          %eq3A_238 = arith.constant 0 : i32
          %eq3A_239 = arith.cmpi eq, %jit3A_237, %eq3A_238 : i32
          %jit3A_240 = arith.constant 1 : i32
          %select_n3A_241 = arith.select %eq3A_239, %jit3A_240, %jit3A_237 : i32
          %rem3A_242 = arith.remsi %add3A_56, %select_n3A_241 : i32
          %ne3A_243 = arith.constant 0 : i32
          %ne3A_244 = arith.cmpi ne, %rem3A_242, %ne3A_243 : i32
          %lt3A_245 = arith.constant 0 : i32
          %lt3A_246 = arith.cmpi slt, %rem3A_242, %lt3A_245 : i32
          %lt3A_247 = arith.constant 0 : i32
          %lt3A_248 = arith.cmpi slt, %select_n3A_241, %lt3A_247 : i32
          %ne3A_249 = arith.xori %lt3A_246, %lt3A_248 : i1
          %and3A_250 = arith.andi %ne3A_249, %ne3A_244 : i1
          %add3A_251 = arith.addi %rem3A_242, %select_n3A_241 : i32
          %select_n3A_252 = arith.select %and3A_250, %add3A_251, %rem3A_242 : i32
          %dma_start3A_253 = tpu.memref_slice %arg4[%multiple_of3A_236] : memref<32832xf32, #tpu.memory_space<vmem>> -> memref<1032xf32, #tpu.memory_space<vmem>>
          %dma_start3A_254 = tpu.memref_slice %arg2[%multiple_of3A_217] : memref<8390656xf32, #tpu.memory_space<hbm>> -> memref<1032xf32, #tpu.memory_space<hbm>>
          %dma_start3A_255 = tpu.memref_slice %arg5[%select_n3A_252] : memref<8x!tpu.dma_semaphore, #tpu.memory_space<semaphore_mem>> -> memref<1x!tpu.dma_semaphore, #tpu.memory_space<semaphore_mem>>
          %dma_start3A_256 = tpu.memref_squeeze %dma_start3A_255 : memref<1x!tpu.dma_semaphore, #tpu.memory_space<semaphore_mem>> -> memref<!tpu.dma_semaphore, #tpu.memory_space<semaphore_mem>>
          %dma_start3A_257 = tpu.memref_slice %arg4[%multiple_of3A_236] : memref<32832xf32, #tpu.memory_space<vmem>> -> memref<1032xf32, #tpu.memory_space<vmem>>
          %dma_start3A_258 = tpu.memref_slice %arg2[%multiple_of3A_217] : memref<8390656xf32, #tpu.memory_space<hbm>> -> memref<1032xf32, #tpu.memory_space<hbm>>
          tpu.enqueue_dma source(%dma_start3A_258 : memref<1032xf32, #tpu.memory_space<hbm>>) target(%dma_start3A_257 : memref<1032xf32, #tpu.memory_space<vmem>>) target_semaphore(%dma_start3A_256 : memref<!tpu.dma_semaphore, #tpu.memory_space<semaphore_mem>>)
        } else {
        }
        %ge3A_178 = arith.constant 32 : i32
        %ge3A_179 = arith.cmpi sge, %add3A_56, %ge3A_178 : i32
        %convert_element_type3A_180 = arith.extui %ge3A_179 : i1 to i32
        %cond3A_181 = arith.constant 0 : i32
        %cond3A_182 = arith.cmpi ne, %convert_element_type3A_180, %cond3A_181 : i32
        scf.if %cond3A_182 {
          %mul3A_183 = arith.constant 32 : i32
          %mul3A_184 = arith.muli %add3A_56, %mul3A_183 : i32
          %add3A_185 = arith.addi %mul3A_184, %add3A : i32
          %add3A_186 = arith.constant 1 : i32
          %add3A_187 = arith.addi %add3A_185, %add3A_186 : i32
          %mul3A_188 = arith.muli %add3A_185, %add3A_187 : i32
          %jit3A_189 = arith.constant 2 : i32
          %div3A_190 = arith.divsi %mul3A_188, %jit3A_189 : i32
          %sign3A_191 = arith.constant 0 : i32
          %sign3A_192 = arith.cmpi sgt, %mul3A_188, %sign3A_191 : i32
          %sign3A_193 = arith.extui %sign3A_192 : i1 to i32
          %sign3A_194 = arith.constant 0 : i32
          %sign3A_195 = arith.cmpi slt, %mul3A_188, %sign3A_194 : i32
          %sign3A_196 = arith.extui %sign3A_195 : i1 to i32
          %sign3A_197 = arith.subi %sign3A_193, %sign3A_196 : i32
          %sign3A_198 = arith.constant 0 : i32
          %sign3A_199 = arith.cmpi sgt, %jit3A_189, %sign3A_198 : i32
          %sign3A_200 = arith.extui %sign3A_199 : i1 to i32
          %sign3A_201 = arith.constant 0 : i32
          %sign3A_202 = arith.cmpi slt, %jit3A_189, %sign3A_201 : i32
          %sign3A_203 = arith.extui %sign3A_202 : i1 to i32
          %sign3A_204 = arith.subi %sign3A_200, %sign3A_203 : i32
          %ne3A_205 = arith.cmpi ne, %sign3A_197, %sign3A_204 : i32
          %rem3A_206 = arith.remsi %mul3A_188, %jit3A_189 : i32
          %ne3A_207 = arith.constant 0 : i32
          %ne3A_208 = arith.cmpi ne, %rem3A_206, %ne3A_207 : i32
          %and3A_209 = arith.andi %ne3A_205, %ne3A_208 : i1
          %sub3A_210 = arith.constant 1 : i32
          %sub3A_211 = arith.subi %div3A_190, %sub3A_210 : i32
          %select_n3A_212 = arith.select %and3A_209, %sub3A_211, %div3A_190 : i32
          %and3A_213 = arith.constant -8 : i32
          %and3A_214 = arith.andi %select_n3A_212, %and3A_213 : i32
          %min3A_215 = arith.constant 8389112 : i32
          %min3A_216 = arith.minsi %and3A_214, %min3A_215 : i32
          %multiple_of3A_217 = tpu.assume_multiple %min3A_216, 8 : i32
          %jit3A_218 = arith.constant 8 : i32
          %eq3A_219 = arith.constant 0 : i32
          %eq3A_220 = arith.cmpi eq, %jit3A_218, %eq3A_219 : i32
          %jit3A_221 = arith.constant 1 : i32
          %select_n3A_222 = arith.select %eq3A_220, %jit3A_221, %jit3A_218 : i32
          %rem3A_223 = arith.remsi %add3A_56, %select_n3A_222 : i32
          %ne3A_224 = arith.constant 0 : i32
          %ne3A_225 = arith.cmpi ne, %rem3A_223, %ne3A_224 : i32
          %lt3A_226 = arith.constant 0 : i32
          %lt3A_227 = arith.cmpi slt, %rem3A_223, %lt3A_226 : i32
          %lt3A_228 = arith.constant 0 : i32
          %lt3A_229 = arith.cmpi slt, %select_n3A_222, %lt3A_228 : i32
          %ne3A_230 = arith.xori %lt3A_227, %lt3A_229 : i1
          %and3A_231 = arith.andi %ne3A_230, %ne3A_225 : i1
          %add3A_232 = arith.addi %rem3A_223, %select_n3A_222 : i32
          %select_n3A_233 = arith.select %and3A_231, %add3A_232, %rem3A_223 : i32
          %mul3A_234 = arith.constant 4104 : i32
          %mul3A_235 = arith.muli %select_n3A_233, %mul3A_234 : i32
          %multiple_of3A_236 = tpu.assume_multiple %mul3A_235, 8 : i32
          %jit3A_237 = arith.constant 8 : i32
          %eq3A_238 = arith.constant 0 : i32
          %eq3A_239 = arith.cmpi eq, %jit3A_237, %eq3A_238 : i32
          %jit3A_240 = arith.constant 1 : i32
          %select_n3A_241 = arith.select %eq3A_239, %jit3A_240, %jit3A_237 : i32
          %rem3A_242 = arith.remsi %add3A_56, %select_n3A_241 : i32
          %ne3A_243 = arith.constant 0 : i32
          %ne3A_244 = arith.cmpi ne, %rem3A_242, %ne3A_243 : i32
          %lt3A_245 = arith.constant 0 : i32
          %lt3A_246 = arith.cmpi slt, %rem3A_242, %lt3A_245 : i32
          %lt3A_247 = arith.constant 0 : i32
          %lt3A_248 = arith.cmpi slt, %select_n3A_241, %lt3A_247 : i32
          %ne3A_249 = arith.xori %lt3A_246, %lt3A_248 : i1
          %and3A_250 = arith.andi %ne3A_249, %ne3A_244 : i1
          %add3A_251 = arith.addi %rem3A_242, %select_n3A_241 : i32
          %select_n3A_252 = arith.select %and3A_250, %add3A_251, %rem3A_242 : i32
          %dma_start3A_253 = tpu.memref_slice %arg4[%multiple_of3A_236] : memref<32832xf32, #tpu.memory_space<vmem>> -> memref<1544xf32, #tpu.memory_space<vmem>>
          %dma_start3A_254 = tpu.memref_slice %arg2[%multiple_of3A_217] : memref<8390656xf32, #tpu.memory_space<hbm>> -> memref<1544xf32, #tpu.memory_space<hbm>>
          %dma_start3A_255 = tpu.memref_slice %arg5[%select_n3A_252] : memref<8x!tpu.dma_semaphore, #tpu.memory_space<semaphore_mem>> -> memref<1x!tpu.dma_semaphore, #tpu.memory_space<semaphore_mem>>
          %dma_start3A_256 = tpu.memref_squeeze %dma_start3A_255 : memref<1x!tpu.dma_semaphore, #tpu.memory_space<semaphore_mem>> -> memref<!tpu.dma_semaphore, #tpu.memory_space<semaphore_mem>>
          %dma_start3A_257 = tpu.memref_slice %arg4[%multiple_of3A_236] : memref<32832xf32, #tpu.memory_space<vmem>> -> memref<1544xf32, #tpu.memory_space<vmem>>
          %dma_start3A_258 = tpu.memref_slice %arg2[%multiple_of3A_217] : memref<8390656xf32, #tpu.memory_space<hbm>> -> memref<1544xf32, #tpu.memory_space<hbm>>
          tpu.enqueue_dma source(%dma_start3A_258 : memref<1544xf32, #tpu.memory_space<hbm>>) target(%dma_start3A_257 : memref<1544xf32, #tpu.memory_space<vmem>>) target_semaphore(%dma_start3A_256 : memref<!tpu.dma_semaphore, #tpu.memory_space<semaphore_mem>>)
        } else {
        }
      } else {
      }
      %mul3A_59 = arith.constant 32 : i32
      %mul3A_60 = arith.muli %add3A_54, %mul3A_59 : i32
      %add3A_61 = arith.addi %mul3A_60, %add3A : i32
      %add3A_62 = arith.constant 1 : i32
      %add3A_63 = arith.addi %add3A_61, %add3A_62 : i32
      %mul3A_64 = arith.muli %add3A_61, %add3A_63 : i32
      %jit3A = arith.constant 2 : i32
      %div3A = arith.divsi %mul3A_64, %jit3A : i32
      %sign3A = arith.constant 0 : i32
      %sign3A_65 = arith.cmpi sgt, %mul3A_64, %sign3A : i32
      %sign3A_66 = arith.extui %sign3A_65 : i1 to i32
      %sign3A_67 = arith.constant 0 : i32
      %sign3A_68 = arith.cmpi slt, %mul3A_64, %sign3A_67 : i32
      %sign3A_69 = arith.extui %sign3A_68 : i1 to i32
      %sign3A_70 = arith.subi %sign3A_66, %sign3A_69 : i32
      %sign3A_71 = arith.constant 0 : i32
      %sign3A_72 = arith.cmpi sgt, %jit3A, %sign3A_71 : i32
      %sign3A_73 = arith.extui %sign3A_72 : i1 to i32
      %sign3A_74 = arith.constant 0 : i32
      %sign3A_75 = arith.cmpi slt, %jit3A, %sign3A_74 : i32
      %sign3A_76 = arith.extui %sign3A_75 : i1 to i32
      %sign3A_77 = arith.subi %sign3A_73, %sign3A_76 : i32
      %ne3A = arith.cmpi ne, %sign3A_70, %sign3A_77 : i32
      %rem3A = arith.remsi %mul3A_64, %jit3A : i32
      %ne3A_78 = arith.constant 0 : i32
      %ne3A_79 = arith.cmpi ne, %rem3A, %ne3A_78 : i32
      %and3A = arith.andi %ne3A, %ne3A_79 : i1
      %sub3A = arith.constant 1 : i32
      %sub3A_80 = arith.subi %div3A, %sub3A : i32
      %select_n3A = arith.select %and3A, %sub3A_80, %div3A : i32
      %and3A_81 = arith.constant -8 : i32
      %and3A_82 = arith.andi %select_n3A, %and3A_81 : i32
      %min3A = arith.constant 8389624 : i32
      %min3A_83 = arith.minsi %and3A_82, %min3A : i32
      %multiple_of3A = tpu.assume_multiple %min3A_83, 8 : i32
      %jit3A_84 = arith.constant 8 : i32
      %eq3A = arith.constant 0 : i32
      %eq3A_85 = arith.cmpi eq, %jit3A_84, %eq3A : i32
      %jit3A_86 = arith.constant 1 : i32
      %select_n3A_87 = arith.select %eq3A_85, %jit3A_86, %jit3A_84 : i32
      %rem3A_88 = arith.remsi %add3A_54, %select_n3A_87 : i32
      %ne3A_89 = arith.constant 0 : i32
      %ne3A_90 = arith.cmpi ne, %rem3A_88, %ne3A_89 : i32
      %lt3A_91 = arith.constant 0 : i32
      %lt3A_92 = arith.cmpi slt, %rem3A_88, %lt3A_91 : i32
      %lt3A_93 = arith.constant 0 : i32
      %lt3A_94 = arith.cmpi slt, %select_n3A_87, %lt3A_93 : i32
      %ne3A_95 = arith.xori %lt3A_92, %lt3A_94 : i1
      %and3A_96 = arith.andi %ne3A_95, %ne3A_90 : i1
      %add3A_97 = arith.addi %rem3A_88, %select_n3A_87 : i32
      %select_n3A_98 = arith.select %and3A_96, %add3A_97, %rem3A_88 : i32
      %mul3A_99 = arith.constant 4104 : i32
      %mul3A_100 = arith.muli %select_n3A_98, %mul3A_99 : i32
      %multiple_of3A_101 = tpu.assume_multiple %mul3A_100, 8 : i32
      %jit3A_102 = arith.constant 8 : i32
      %eq3A_103 = arith.constant 0 : i32
      %eq3A_104 = arith.cmpi eq, %jit3A_102, %eq3A_103 : i32
      %jit3A_105 = arith.constant 1 : i32
      %select_n3A_106 = arith.select %eq3A_104, %jit3A_105, %jit3A_102 : i32
      %rem3A_107 = arith.remsi %add3A_54, %select_n3A_106 : i32
      %ne3A_108 = arith.constant 0 : i32
      %ne3A_109 = arith.cmpi ne, %rem3A_107, %ne3A_108 : i32
      %lt3A_110 = arith.constant 0 : i32
      %lt3A_111 = arith.cmpi slt, %rem3A_107, %lt3A_110 : i32
      %lt3A_112 = arith.constant 0 : i32
      %lt3A_113 = arith.cmpi slt, %select_n3A_106, %lt3A_112 : i32
      %ne3A_114 = arith.xori %lt3A_111, %lt3A_113 : i1
      %and3A_115 = arith.andi %ne3A_114, %ne3A_109 : i1
      %add3A_116 = arith.addi %rem3A_107, %select_n3A_106 : i32
      %select_n3A_117 = arith.select %and3A_115, %add3A_116, %rem3A_107 : i32
      %dma_wait3A = tpu.memref_slice %arg4[%multiple_of3A_101] : memref<32832xf32, #tpu.memory_space<vmem>> -> memref<1032xf32, #tpu.memory_space<vmem>>
      %dma_wait3A_118 = tpu.memref_slice %arg2[%multiple_of3A] : memref<8390656xf32, #tpu.memory_space<hbm>> -> memref<1032xf32, #tpu.memory_space<hbm>>
      %dma_wait3A_119 = tpu.memref_slice %arg5[%select_n3A_117] : memref<8x!tpu.dma_semaphore, #tpu.memory_space<semaphore_mem>> -> memref<1x!tpu.dma_semaphore, #tpu.memory_space<semaphore_mem>>
      %dma_wait3A_120 = tpu.memref_squeeze %dma_wait3A_119 : memref<1x!tpu.dma_semaphore, #tpu.memory_space<semaphore_mem>> -> memref<!tpu.dma_semaphore, #tpu.memory_space<semaphore_mem>>
      %dma_wait3A_121 = tpu.memref_slice %arg4[%multiple_of3A_101] : memref<32832xf32, #tpu.memory_space<vmem>> -> memref<1032xf32, #tpu.memory_space<vmem>>
      %dma_wait3A_122 = tpu.memref_slice %arg2[%multiple_of3A] : memref<8390656xf32, #tpu.memory_space<hbm>> -> memref<1032xf32, #tpu.memory_space<hbm>>
      tpu.wait_dma2 semaphore(%dma_wait3A_120 : memref<!tpu.dma_semaphore, #tpu.memory_space<semaphore_mem>>) src(%dma_wait3A_122 : memref<1032xf32, #tpu.memory_space<hbm>>) dst(%dma_wait3A_121 : memref<1032xf32, #tpu.memory_space<vmem>>)
      %mul3A_123 = arith.constant 32 : i32
      %mul3A_124 = arith.muli %add3A_54, %mul3A_123 : i32
      %add3A_125 = arith.addi %mul3A_124, %add3A : i32
      %jit3A_126 = arith.constant 8 : i32
      %eq3A_127 = arith.constant 0 : i32
      %eq3A_128 = arith.cmpi eq, %jit3A_126, %eq3A_127 : i32
      %jit3A_129 = arith.constant 1 : i32
      %select_n3A_130 = arith.select %eq3A_128, %jit3A_129, %jit3A_126 : i32
      %rem3A_131 = arith.remsi %add3A_54, %select_n3A_130 : i32
      %ne3A_132 = arith.constant 0 : i32
      %ne3A_133 = arith.cmpi ne, %rem3A_131, %ne3A_132 : i32
      %lt3A_134 = arith.constant 0 : i32
      %lt3A_135 = arith.cmpi slt, %rem3A_131, %lt3A_134 : i32
      %lt3A_136 = arith.constant 0 : i32
      %lt3A_137 = arith.cmpi slt, %select_n3A_130, %lt3A_136 : i32
      %ne3A_138 = arith.xori %lt3A_135, %lt3A_137 : i1
      %and3A_139 = arith.andi %ne3A_138, %ne3A_133 : i1
      %add3A_140 = arith.addi %rem3A_131, %select_n3A_130 : i32
      %select_n3A_141 = arith.select %and3A_139, %add3A_140, %rem3A_131 : i32
      %mul3A_142 = arith.constant 4104 : i32
      %mul3A_143 = arith.muli %select_n3A_141, %mul3A_142 : i32
      %multiple_of3A_144 = tpu.assume_multiple %mul3A_143, 8 : i32
      %mul3A_145 = arith.constant 4224 : i32
      %mul3A_146 = arith.muli %add3A_125, %mul3A_145 : i32
      %multiple_of3A_147 = tpu.assume_multiple %mul3A_146, 8 : i32
      %jit3A_148 = arith.constant 8 : i32
      %eq3A_149 = arith.constant 0 : i32
      %eq3A_150 = arith.cmpi eq, %jit3A_148, %eq3A_149 : i32
      %jit3A_151 = arith.constant 1 : i32
      %select_n3A_152 = arith.select %eq3A_150, %jit3A_151, %jit3A_148 : i32
      %rem3A_153 = arith.remsi %add3A_54, %select_n3A_152 : i32
      %ne3A_154 = arith.constant 0 : i32
      %ne3A_155 = arith.cmpi ne, %rem3A_153, %ne3A_154 : i32
      %lt3A_156 = arith.constant 0 : i32
      %lt3A_157 = arith.cmpi slt, %rem3A_153, %lt3A_156 : i32
      %lt3A_158 = arith.constant 0 : i32
      %lt3A_159 = arith.cmpi slt, %select_n3A_152, %lt3A_158 : i32
      %ne3A_160 = arith.xori %lt3A_157, %lt3A_159 : i1
      %and3A_161 = arith.andi %ne3A_160, %ne3A_155 : i1
      %add3A_162 = arith.addi %rem3A_153, %select_n3A_152 : i32
      %select_n3A_163 = arith.select %and3A_161, %add3A_162, %rem3A_153 : i32
      %dma_start3A = tpu.memref_slice %arg4[%multiple_of3A_144] : memref<32832xf32, #tpu.memory_space<vmem>> -> memref<1032xf32, #tpu.memory_space<vmem>>
      %dma_start3A_164 = tpu.memref_slice %arg3[%multiple_of3A_147] : memref<17301504xf32, #tpu.memory_space<hbm>> -> memref<1032xf32, #tpu.memory_space<hbm>>
      %dma_start3A_165 = tpu.memref_slice %arg6[%select_n3A_163] : memref<8x!tpu.dma_semaphore, #tpu.memory_space<semaphore_mem>> -> memref<1x!tpu.dma_semaphore, #tpu.memory_space<semaphore_mem>>
      %dma_start3A_166 = tpu.memref_squeeze %dma_start3A_165 : memref<1x!tpu.dma_semaphore, #tpu.memory_space<semaphore_mem>> -> memref<!tpu.dma_semaphore, #tpu.memory_space<semaphore_mem>>
      %dma_start3A_167 = tpu.memref_slice %arg3[%multiple_of3A_147] : memref<17301504xf32, #tpu.memory_space<hbm>> -> memref<1032xf32, #tpu.memory_space<hbm>>
      %dma_start3A_168 = tpu.memref_slice %arg4[%multiple_of3A_144] : memref<32832xf32, #tpu.memory_space<vmem>> -> memref<1032xf32, #tpu.memory_space<vmem>>
      tpu.enqueue_dma source(%dma_start3A_168 : memref<1032xf32, #tpu.memory_space<vmem>>) target(%dma_start3A_167 : memref<1032xf32, #tpu.memory_space<hbm>>) target_semaphore(%dma_start3A_166 : memref<!tpu.dma_semaphore, #tpu.memory_space<semaphore_mem>>)
    }
    %scan3A_14 = arith.constant 16 : i32
    %scan3A_15 = arith.constant 0 : i32
    %scan3A_16 = arith.constant 16 : i32
    %scan3A_17 = arith.addi %scan3A_15, %scan3A_16 : i32
    %scan3A_18 = arith.constant 1 : i32
    scf.for %scan3A_50 = %scan3A_15 to %scan3A_17 step %scan3A_18  : i32 {
      %mul3A_51 = arith.constant 1 : i32
      %mul3A_52 = arith.muli %scan3A_50, %mul3A_51 : i32
      %add3A_53 = arith.constant 32 : i32
      %add3A_54 = arith.addi %add3A_53, %mul3A_52 : i32
      %add3A_55 = arith.constant 4 : i32
      %add3A_56 = arith.addi %add3A_54, %add3A_55 : i32
      %lt3A = arith.constant 128 : i32
      %lt3A_57 = arith.cmpi slt, %add3A_56, %lt3A : i32
      %convert_element_type3A = arith.extui %lt3A_57 : i1 to i32
      %cond3A = arith.constant 0 : i32
      %cond3A_58 = arith.cmpi ne, %convert_element_type3A, %cond3A : i32
      scf.if %cond3A_58 {
        %ge3A = arith.constant 8 : i32
        %ge3A_169 = arith.cmpi sge, %add3A_56, %ge3A : i32
        %convert_element_type3A_170 = arith.extui %ge3A_169 : i1 to i32
        %cond3A_171 = arith.constant 0 : i32
        %cond3A_172 = arith.cmpi ne, %convert_element_type3A_170, %cond3A_171 : i32
        scf.if %cond3A_172 {
          %sub3A_183 = arith.constant 8 : i32
          %sub3A_184 = arith.subi %add3A_56, %sub3A_183 : i32
          %ge3A_185 = arith.constant 32 : i32
          %ge3A_186 = arith.cmpi sge, %sub3A_184, %ge3A_185 : i32
          %convert_element_type3A_187 = arith.extui %ge3A_186 : i1 to i32
          %cond3A_188 = arith.constant 0 : i32
          %cond3A_189 = arith.cmpi ne, %convert_element_type3A_187, %cond3A_188 : i32
          scf.if %cond3A_189 {
            %mul3A_195 = arith.constant 32 : i32
            %mul3A_196 = arith.muli %sub3A_184, %mul3A_195 : i32
            %add3A_197 = arith.addi %mul3A_196, %add3A : i32
            %jit3A_198 = arith.constant 8 : i32
            %eq3A_199 = arith.constant 0 : i32
            %eq3A_200 = arith.cmpi eq, %jit3A_198, %eq3A_199 : i32
            %jit3A_201 = arith.constant 1 : i32
            %select_n3A_202 = arith.select %eq3A_200, %jit3A_201, %jit3A_198 : i32
            %rem3A_203 = arith.remsi %sub3A_184, %select_n3A_202 : i32
            %ne3A_204 = arith.constant 0 : i32
            %ne3A_205 = arith.cmpi ne, %rem3A_203, %ne3A_204 : i32
            %lt3A_206 = arith.constant 0 : i32
            %lt3A_207 = arith.cmpi slt, %rem3A_203, %lt3A_206 : i32
            %lt3A_208 = arith.constant 0 : i32
            %lt3A_209 = arith.cmpi slt, %select_n3A_202, %lt3A_208 : i32
            %ne3A_210 = arith.xori %lt3A_207, %lt3A_209 : i1
            %and3A_211 = arith.andi %ne3A_210, %ne3A_205 : i1
            %add3A_212 = arith.addi %rem3A_203, %select_n3A_202 : i32
            %select_n3A_213 = arith.select %and3A_211, %add3A_212, %rem3A_203 : i32
            %mul3A_214 = arith.constant 4104 : i32
            %mul3A_215 = arith.muli %select_n3A_213, %mul3A_214 : i32
            %multiple_of3A_216 = tpu.assume_multiple %mul3A_215, 8 : i32
            %mul3A_217 = arith.constant 4224 : i32
            %mul3A_218 = arith.muli %add3A_197, %mul3A_217 : i32
            %multiple_of3A_219 = tpu.assume_multiple %mul3A_218, 8 : i32
            %jit3A_220 = arith.constant 8 : i32
            %eq3A_221 = arith.constant 0 : i32
            %eq3A_222 = arith.cmpi eq, %jit3A_220, %eq3A_221 : i32
            %jit3A_223 = arith.constant 1 : i32
            %select_n3A_224 = arith.select %eq3A_222, %jit3A_223, %jit3A_220 : i32
            %rem3A_225 = arith.remsi %sub3A_184, %select_n3A_224 : i32
            %ne3A_226 = arith.constant 0 : i32
            %ne3A_227 = arith.cmpi ne, %rem3A_225, %ne3A_226 : i32
            %lt3A_228 = arith.constant 0 : i32
            %lt3A_229 = arith.cmpi slt, %rem3A_225, %lt3A_228 : i32
            %lt3A_230 = arith.constant 0 : i32
            %lt3A_231 = arith.cmpi slt, %select_n3A_224, %lt3A_230 : i32
            %ne3A_232 = arith.xori %lt3A_229, %lt3A_231 : i1
            %and3A_233 = arith.andi %ne3A_232, %ne3A_227 : i1
            %add3A_234 = arith.addi %rem3A_225, %select_n3A_224 : i32
            %select_n3A_235 = arith.select %and3A_233, %add3A_234, %rem3A_225 : i32
            %dma_wait3A_236 = tpu.memref_slice %arg4[%multiple_of3A_216] : memref<32832xf32, #tpu.memory_space<vmem>> -> memref<1544xf32, #tpu.memory_space<vmem>>
            %dma_wait3A_237 = tpu.memref_slice %arg3[%multiple_of3A_219] : memref<17301504xf32, #tpu.memory_space<hbm>> -> memref<1544xf32, #tpu.memory_space<hbm>>
            %dma_wait3A_238 = tpu.memref_slice %arg6[%select_n3A_235] : memref<8x!tpu.dma_semaphore, #tpu.memory_space<semaphore_mem>> -> memref<1x!tpu.dma_semaphore, #tpu.memory_space<semaphore_mem>>
            %dma_wait3A_239 = tpu.memref_squeeze %dma_wait3A_238 : memref<1x!tpu.dma_semaphore, #tpu.memory_space<semaphore_mem>> -> memref<!tpu.dma_semaphore, #tpu.memory_space<semaphore_mem>>
            %dma_wait3A_240 = tpu.memref_slice %arg3[%multiple_of3A_219] : memref<17301504xf32, #tpu.memory_space<hbm>> -> memref<1544xf32, #tpu.memory_space<hbm>>
            %dma_wait3A_241 = tpu.memref_slice %arg4[%multiple_of3A_216] : memref<32832xf32, #tpu.memory_space<vmem>> -> memref<1544xf32, #tpu.memory_space<vmem>>
            tpu.wait_dma2 semaphore(%dma_wait3A_239 : memref<!tpu.dma_semaphore, #tpu.memory_space<semaphore_mem>>) src(%dma_wait3A_241 : memref<1544xf32, #tpu.memory_space<vmem>>) dst(%dma_wait3A_240 : memref<1544xf32, #tpu.memory_space<hbm>>)
          } else {
          }
          %lt3A_190 = arith.constant 32 : i32
          %lt3A_191 = arith.cmpi slt, %sub3A_184, %lt3A_190 : i32
          %convert_element_type3A_192 = arith.extui %lt3A_191 : i1 to i32
          %cond3A_193 = arith.constant 0 : i32
          %cond3A_194 = arith.cmpi ne, %convert_element_type3A_192, %cond3A_193 : i32
          scf.if %cond3A_194 {
            %mul3A_195 = arith.constant 32 : i32
            %mul3A_196 = arith.muli %sub3A_184, %mul3A_195 : i32
            %add3A_197 = arith.addi %mul3A_196, %add3A : i32
            %jit3A_198 = arith.constant 8 : i32
            %eq3A_199 = arith.constant 0 : i32
            %eq3A_200 = arith.cmpi eq, %jit3A_198, %eq3A_199 : i32
            %jit3A_201 = arith.constant 1 : i32
            %select_n3A_202 = arith.select %eq3A_200, %jit3A_201, %jit3A_198 : i32
            %rem3A_203 = arith.remsi %sub3A_184, %select_n3A_202 : i32
            %ne3A_204 = arith.constant 0 : i32
            %ne3A_205 = arith.cmpi ne, %rem3A_203, %ne3A_204 : i32
            %lt3A_206 = arith.constant 0 : i32
            %lt3A_207 = arith.cmpi slt, %rem3A_203, %lt3A_206 : i32
            %lt3A_208 = arith.constant 0 : i32
            %lt3A_209 = arith.cmpi slt, %select_n3A_202, %lt3A_208 : i32
            %ne3A_210 = arith.xori %lt3A_207, %lt3A_209 : i1
            %and3A_211 = arith.andi %ne3A_210, %ne3A_205 : i1
            %add3A_212 = arith.addi %rem3A_203, %select_n3A_202 : i32
            %select_n3A_213 = arith.select %and3A_211, %add3A_212, %rem3A_203 : i32
            %mul3A_214 = arith.constant 4104 : i32
            %mul3A_215 = arith.muli %select_n3A_213, %mul3A_214 : i32
            %multiple_of3A_216 = tpu.assume_multiple %mul3A_215, 8 : i32
            %mul3A_217 = arith.constant 4224 : i32
            %mul3A_218 = arith.muli %add3A_197, %mul3A_217 : i32
            %multiple_of3A_219 = tpu.assume_multiple %mul3A_218, 8 : i32
            %jit3A_220 = arith.constant 8 : i32
            %eq3A_221 = arith.constant 0 : i32
            %eq3A_222 = arith.cmpi eq, %jit3A_220, %eq3A_221 : i32
            %jit3A_223 = arith.constant 1 : i32
            %select_n3A_224 = arith.select %eq3A_222, %jit3A_223, %jit3A_220 : i32
            %rem3A_225 = arith.remsi %sub3A_184, %select_n3A_224 : i32
            %ne3A_226 = arith.constant 0 : i32
            %ne3A_227 = arith.cmpi ne, %rem3A_225, %ne3A_226 : i32
            %lt3A_228 = arith.constant 0 : i32
            %lt3A_229 = arith.cmpi slt, %rem3A_225, %lt3A_228 : i32
            %lt3A_230 = arith.constant 0 : i32
            %lt3A_231 = arith.cmpi slt, %select_n3A_224, %lt3A_230 : i32
            %ne3A_232 = arith.xori %lt3A_229, %lt3A_231 : i1
            %and3A_233 = arith.andi %ne3A_232, %ne3A_227 : i1
            %add3A_234 = arith.addi %rem3A_225, %select_n3A_224 : i32
            %select_n3A_235 = arith.select %and3A_233, %add3A_234, %rem3A_225 : i32
            %dma_wait3A_236 = tpu.memref_slice %arg4[%multiple_of3A_216] : memref<32832xf32, #tpu.memory_space<vmem>> -> memref<1032xf32, #tpu.memory_space<vmem>>
            %dma_wait3A_237 = tpu.memref_slice %arg3[%multiple_of3A_219] : memref<17301504xf32, #tpu.memory_space<hbm>> -> memref<1032xf32, #tpu.memory_space<hbm>>
            %dma_wait3A_238 = tpu.memref_slice %arg6[%select_n3A_235] : memref<8x!tpu.dma_semaphore, #tpu.memory_space<semaphore_mem>> -> memref<1x!tpu.dma_semaphore, #tpu.memory_space<semaphore_mem>>
            %dma_wait3A_239 = tpu.memref_squeeze %dma_wait3A_238 : memref<1x!tpu.dma_semaphore, #tpu.memory_space<semaphore_mem>> -> memref<!tpu.dma_semaphore, #tpu.memory_space<semaphore_mem>>
            %dma_wait3A_240 = tpu.memref_slice %arg3[%multiple_of3A_219] : memref<17301504xf32, #tpu.memory_space<hbm>> -> memref<1032xf32, #tpu.memory_space<hbm>>
            %dma_wait3A_241 = tpu.memref_slice %arg4[%multiple_of3A_216] : memref<32832xf32, #tpu.memory_space<vmem>> -> memref<1032xf32, #tpu.memory_space<vmem>>
            tpu.wait_dma2 semaphore(%dma_wait3A_239 : memref<!tpu.dma_semaphore, #tpu.memory_space<semaphore_mem>>) src(%dma_wait3A_241 : memref<1032xf32, #tpu.memory_space<vmem>>) dst(%dma_wait3A_240 : memref<1032xf32, #tpu.memory_space<hbm>>)
          } else {
          }
        } else {
        }
        %lt3A_173 = arith.constant 48 : i32
        %lt3A_174 = arith.cmpi slt, %add3A_56, %lt3A_173 : i32
        %convert_element_type3A_175 = arith.extui %lt3A_174 : i1 to i32
        %cond3A_176 = arith.constant 0 : i32
        %cond3A_177 = arith.cmpi ne, %convert_element_type3A_175, %cond3A_176 : i32
        scf.if %cond3A_177 {
          %mul3A_183 = arith.constant 32 : i32
          %mul3A_184 = arith.muli %add3A_56, %mul3A_183 : i32
          %add3A_185 = arith.addi %mul3A_184, %add3A : i32
          %add3A_186 = arith.constant 1 : i32
          %add3A_187 = arith.addi %add3A_185, %add3A_186 : i32
          %mul3A_188 = arith.muli %add3A_185, %add3A_187 : i32
          %jit3A_189 = arith.constant 2 : i32
          %div3A_190 = arith.divsi %mul3A_188, %jit3A_189 : i32
          %sign3A_191 = arith.constant 0 : i32
          %sign3A_192 = arith.cmpi sgt, %mul3A_188, %sign3A_191 : i32
          %sign3A_193 = arith.extui %sign3A_192 : i1 to i32
          %sign3A_194 = arith.constant 0 : i32
          %sign3A_195 = arith.cmpi slt, %mul3A_188, %sign3A_194 : i32
          %sign3A_196 = arith.extui %sign3A_195 : i1 to i32
          %sign3A_197 = arith.subi %sign3A_193, %sign3A_196 : i32
          %sign3A_198 = arith.constant 0 : i32
          %sign3A_199 = arith.cmpi sgt, %jit3A_189, %sign3A_198 : i32
          %sign3A_200 = arith.extui %sign3A_199 : i1 to i32
          %sign3A_201 = arith.constant 0 : i32
          %sign3A_202 = arith.cmpi slt, %jit3A_189, %sign3A_201 : i32
          %sign3A_203 = arith.extui %sign3A_202 : i1 to i32
          %sign3A_204 = arith.subi %sign3A_200, %sign3A_203 : i32
          %ne3A_205 = arith.cmpi ne, %sign3A_197, %sign3A_204 : i32
          %rem3A_206 = arith.remsi %mul3A_188, %jit3A_189 : i32
          %ne3A_207 = arith.constant 0 : i32
          %ne3A_208 = arith.cmpi ne, %rem3A_206, %ne3A_207 : i32
          %and3A_209 = arith.andi %ne3A_205, %ne3A_208 : i1
          %sub3A_210 = arith.constant 1 : i32
          %sub3A_211 = arith.subi %div3A_190, %sub3A_210 : i32
          %select_n3A_212 = arith.select %and3A_209, %sub3A_211, %div3A_190 : i32
          %and3A_213 = arith.constant -8 : i32
          %and3A_214 = arith.andi %select_n3A_212, %and3A_213 : i32
          %min3A_215 = arith.constant 8389112 : i32
          %min3A_216 = arith.minsi %and3A_214, %min3A_215 : i32
          %multiple_of3A_217 = tpu.assume_multiple %min3A_216, 8 : i32
          %jit3A_218 = arith.constant 8 : i32
          %eq3A_219 = arith.constant 0 : i32
          %eq3A_220 = arith.cmpi eq, %jit3A_218, %eq3A_219 : i32
          %jit3A_221 = arith.constant 1 : i32
          %select_n3A_222 = arith.select %eq3A_220, %jit3A_221, %jit3A_218 : i32
          %rem3A_223 = arith.remsi %add3A_56, %select_n3A_222 : i32
          %ne3A_224 = arith.constant 0 : i32
          %ne3A_225 = arith.cmpi ne, %rem3A_223, %ne3A_224 : i32
          %lt3A_226 = arith.constant 0 : i32
          %lt3A_227 = arith.cmpi slt, %rem3A_223, %lt3A_226 : i32
          %lt3A_228 = arith.constant 0 : i32
          %lt3A_229 = arith.cmpi slt, %select_n3A_222, %lt3A_228 : i32
          %ne3A_230 = arith.xori %lt3A_227, %lt3A_229 : i1
          %and3A_231 = arith.andi %ne3A_230, %ne3A_225 : i1
          %add3A_232 = arith.addi %rem3A_223, %select_n3A_222 : i32
          %select_n3A_233 = arith.select %and3A_231, %add3A_232, %rem3A_223 : i32
          %mul3A_234 = arith.constant 4104 : i32
          %mul3A_235 = arith.muli %select_n3A_233, %mul3A_234 : i32
          %multiple_of3A_236 = tpu.assume_multiple %mul3A_235, 8 : i32
          %jit3A_237 = arith.constant 8 : i32
          %eq3A_238 = arith.constant 0 : i32
          %eq3A_239 = arith.cmpi eq, %jit3A_237, %eq3A_238 : i32
          %jit3A_240 = arith.constant 1 : i32
          %select_n3A_241 = arith.select %eq3A_239, %jit3A_240, %jit3A_237 : i32
          %rem3A_242 = arith.remsi %add3A_56, %select_n3A_241 : i32
          %ne3A_243 = arith.constant 0 : i32
          %ne3A_244 = arith.cmpi ne, %rem3A_242, %ne3A_243 : i32
          %lt3A_245 = arith.constant 0 : i32
          %lt3A_246 = arith.cmpi slt, %rem3A_242, %lt3A_245 : i32
          %lt3A_247 = arith.constant 0 : i32
          %lt3A_248 = arith.cmpi slt, %select_n3A_241, %lt3A_247 : i32
          %ne3A_249 = arith.xori %lt3A_246, %lt3A_248 : i1
          %and3A_250 = arith.andi %ne3A_249, %ne3A_244 : i1
          %add3A_251 = arith.addi %rem3A_242, %select_n3A_241 : i32
          %select_n3A_252 = arith.select %and3A_250, %add3A_251, %rem3A_242 : i32
          %dma_start3A_253 = tpu.memref_slice %arg4[%multiple_of3A_236] : memref<32832xf32, #tpu.memory_space<vmem>> -> memref<1544xf32, #tpu.memory_space<vmem>>
          %dma_start3A_254 = tpu.memref_slice %arg2[%multiple_of3A_217] : memref<8390656xf32, #tpu.memory_space<hbm>> -> memref<1544xf32, #tpu.memory_space<hbm>>
          %dma_start3A_255 = tpu.memref_slice %arg5[%select_n3A_252] : memref<8x!tpu.dma_semaphore, #tpu.memory_space<semaphore_mem>> -> memref<1x!tpu.dma_semaphore, #tpu.memory_space<semaphore_mem>>
          %dma_start3A_256 = tpu.memref_squeeze %dma_start3A_255 : memref<1x!tpu.dma_semaphore, #tpu.memory_space<semaphore_mem>> -> memref<!tpu.dma_semaphore, #tpu.memory_space<semaphore_mem>>
          %dma_start3A_257 = tpu.memref_slice %arg4[%multiple_of3A_236] : memref<32832xf32, #tpu.memory_space<vmem>> -> memref<1544xf32, #tpu.memory_space<vmem>>
          %dma_start3A_258 = tpu.memref_slice %arg2[%multiple_of3A_217] : memref<8390656xf32, #tpu.memory_space<hbm>> -> memref<1544xf32, #tpu.memory_space<hbm>>
          tpu.enqueue_dma source(%dma_start3A_258 : memref<1544xf32, #tpu.memory_space<hbm>>) target(%dma_start3A_257 : memref<1544xf32, #tpu.memory_space<vmem>>) target_semaphore(%dma_start3A_256 : memref<!tpu.dma_semaphore, #tpu.memory_space<semaphore_mem>>)
        } else {
        }
        %ge3A_178 = arith.constant 48 : i32
        %ge3A_179 = arith.cmpi sge, %add3A_56, %ge3A_178 : i32
        %convert_element_type3A_180 = arith.extui %ge3A_179 : i1 to i32
        %cond3A_181 = arith.constant 0 : i32
        %cond3A_182 = arith.cmpi ne, %convert_element_type3A_180, %cond3A_181 : i32
        scf.if %cond3A_182 {
          %mul3A_183 = arith.constant 32 : i32
          %mul3A_184 = arith.muli %add3A_56, %mul3A_183 : i32
          %add3A_185 = arith.addi %mul3A_184, %add3A : i32
          %add3A_186 = arith.constant 1 : i32
          %add3A_187 = arith.addi %add3A_185, %add3A_186 : i32
          %mul3A_188 = arith.muli %add3A_185, %add3A_187 : i32
          %jit3A_189 = arith.constant 2 : i32
          %div3A_190 = arith.divsi %mul3A_188, %jit3A_189 : i32
          %sign3A_191 = arith.constant 0 : i32
          %sign3A_192 = arith.cmpi sgt, %mul3A_188, %sign3A_191 : i32
          %sign3A_193 = arith.extui %sign3A_192 : i1 to i32
          %sign3A_194 = arith.constant 0 : i32
          %sign3A_195 = arith.cmpi slt, %mul3A_188, %sign3A_194 : i32
          %sign3A_196 = arith.extui %sign3A_195 : i1 to i32
          %sign3A_197 = arith.subi %sign3A_193, %sign3A_196 : i32
          %sign3A_198 = arith.constant 0 : i32
          %sign3A_199 = arith.cmpi sgt, %jit3A_189, %sign3A_198 : i32
          %sign3A_200 = arith.extui %sign3A_199 : i1 to i32
          %sign3A_201 = arith.constant 0 : i32
          %sign3A_202 = arith.cmpi slt, %jit3A_189, %sign3A_201 : i32
          %sign3A_203 = arith.extui %sign3A_202 : i1 to i32
          %sign3A_204 = arith.subi %sign3A_200, %sign3A_203 : i32
          %ne3A_205 = arith.cmpi ne, %sign3A_197, %sign3A_204 : i32
          %rem3A_206 = arith.remsi %mul3A_188, %jit3A_189 : i32
          %ne3A_207 = arith.constant 0 : i32
          %ne3A_208 = arith.cmpi ne, %rem3A_206, %ne3A_207 : i32
          %and3A_209 = arith.andi %ne3A_205, %ne3A_208 : i1
          %sub3A_210 = arith.constant 1 : i32
          %sub3A_211 = arith.subi %div3A_190, %sub3A_210 : i32
          %select_n3A_212 = arith.select %and3A_209, %sub3A_211, %div3A_190 : i32
          %and3A_213 = arith.constant -8 : i32
          %and3A_214 = arith.andi %select_n3A_212, %and3A_213 : i32
          %min3A_215 = arith.constant 8388600 : i32
          %min3A_216 = arith.minsi %and3A_214, %min3A_215 : i32
          %multiple_of3A_217 = tpu.assume_multiple %min3A_216, 8 : i32
          %jit3A_218 = arith.constant 8 : i32
          %eq3A_219 = arith.constant 0 : i32
          %eq3A_220 = arith.cmpi eq, %jit3A_218, %eq3A_219 : i32
          %jit3A_221 = arith.constant 1 : i32
          %select_n3A_222 = arith.select %eq3A_220, %jit3A_221, %jit3A_218 : i32
          %rem3A_223 = arith.remsi %add3A_56, %select_n3A_222 : i32
          %ne3A_224 = arith.constant 0 : i32
          %ne3A_225 = arith.cmpi ne, %rem3A_223, %ne3A_224 : i32
          %lt3A_226 = arith.constant 0 : i32
          %lt3A_227 = arith.cmpi slt, %rem3A_223, %lt3A_226 : i32
          %lt3A_228 = arith.constant 0 : i32
          %lt3A_229 = arith.cmpi slt, %select_n3A_222, %lt3A_228 : i32
          %ne3A_230 = arith.xori %lt3A_227, %lt3A_229 : i1
          %and3A_231 = arith.andi %ne3A_230, %ne3A_225 : i1
          %add3A_232 = arith.addi %rem3A_223, %select_n3A_222 : i32
          %select_n3A_233 = arith.select %and3A_231, %add3A_232, %rem3A_223 : i32
          %mul3A_234 = arith.constant 4104 : i32
          %mul3A_235 = arith.muli %select_n3A_233, %mul3A_234 : i32
          %multiple_of3A_236 = tpu.assume_multiple %mul3A_235, 8 : i32
          %jit3A_237 = arith.constant 8 : i32
          %eq3A_238 = arith.constant 0 : i32
          %eq3A_239 = arith.cmpi eq, %jit3A_237, %eq3A_238 : i32
          %jit3A_240 = arith.constant 1 : i32
          %select_n3A_241 = arith.select %eq3A_239, %jit3A_240, %jit3A_237 : i32
          %rem3A_242 = arith.remsi %add3A_56, %select_n3A_241 : i32
          %ne3A_243 = arith.constant 0 : i32
          %ne3A_244 = arith.cmpi ne, %rem3A_242, %ne3A_243 : i32
          %lt3A_245 = arith.constant 0 : i32
          %lt3A_246 = arith.cmpi slt, %rem3A_242, %lt3A_245 : i32
          %lt3A_247 = arith.constant 0 : i32
          %lt3A_248 = arith.cmpi slt, %select_n3A_241, %lt3A_247 : i32
          %ne3A_249 = arith.xori %lt3A_246, %lt3A_248 : i1
          %and3A_250 = arith.andi %ne3A_249, %ne3A_244 : i1
          %add3A_251 = arith.addi %rem3A_242, %select_n3A_241 : i32
          %select_n3A_252 = arith.select %and3A_250, %add3A_251, %rem3A_242 : i32
          %dma_start3A_253 = tpu.memref_slice %arg4[%multiple_of3A_236] : memref<32832xf32, #tpu.memory_space<vmem>> -> memref<2056xf32, #tpu.memory_space<vmem>>
          %dma_start3A_254 = tpu.memref_slice %arg2[%multiple_of3A_217] : memref<8390656xf32, #tpu.memory_space<hbm>> -> memref<2056xf32, #tpu.memory_space<hbm>>
          %dma_start3A_255 = tpu.memref_slice %arg5[%select_n3A_252] : memref<8x!tpu.dma_semaphore, #tpu.memory_space<semaphore_mem>> -> memref<1x!tpu.dma_semaphore, #tpu.memory_space<semaphore_mem>>
          %dma_start3A_256 = tpu.memref_squeeze %dma_start3A_255 : memref<1x!tpu.dma_semaphore, #tpu.memory_space<semaphore_mem>> -> memref<!tpu.dma_semaphore, #tpu.memory_space<semaphore_mem>>
          %dma_start3A_257 = tpu.memref_slice %arg4[%multiple_of3A_236] : memref<32832xf32, #tpu.memory_space<vmem>> -> memref<2056xf32, #tpu.memory_space<vmem>>
          %dma_start3A_258 = tpu.memref_slice %arg2[%multiple_of3A_217] : memref<8390656xf32, #tpu.memory_space<hbm>> -> memref<2056xf32, #tpu.memory_space<hbm>>
          tpu.enqueue_dma source(%dma_start3A_258 : memref<2056xf32, #tpu.memory_space<hbm>>) target(%dma_start3A_257 : memref<2056xf32, #tpu.memory_space<vmem>>) target_semaphore(%dma_start3A_256 : memref<!tpu.dma_semaphore, #tpu.memory_space<semaphore_mem>>)
        } else {
        }
      } else {
      }
      %mul3A_59 = arith.constant 32 : i32
      %mul3A_60 = arith.muli %add3A_54, %mul3A_59 : i32
      %add3A_61 = arith.addi %mul3A_60, %add3A : i32
      %add3A_62 = arith.constant 1 : i32
      %add3A_63 = arith.addi %add3A_61, %add3A_62 : i32
      %mul3A_64 = arith.muli %add3A_61, %add3A_63 : i32
      %jit3A = arith.constant 2 : i32
      %div3A = arith.divsi %mul3A_64, %jit3A : i32
      %sign3A = arith.constant 0 : i32
      %sign3A_65 = arith.cmpi sgt, %mul3A_64, %sign3A : i32
      %sign3A_66 = arith.extui %sign3A_65 : i1 to i32
      %sign3A_67 = arith.constant 0 : i32
      %sign3A_68 = arith.cmpi slt, %mul3A_64, %sign3A_67 : i32
      %sign3A_69 = arith.extui %sign3A_68 : i1 to i32
      %sign3A_70 = arith.subi %sign3A_66, %sign3A_69 : i32
      %sign3A_71 = arith.constant 0 : i32
      %sign3A_72 = arith.cmpi sgt, %jit3A, %sign3A_71 : i32
      %sign3A_73 = arith.extui %sign3A_72 : i1 to i32
      %sign3A_74 = arith.constant 0 : i32
      %sign3A_75 = arith.cmpi slt, %jit3A, %sign3A_74 : i32
      %sign3A_76 = arith.extui %sign3A_75 : i1 to i32
      %sign3A_77 = arith.subi %sign3A_73, %sign3A_76 : i32
      %ne3A = arith.cmpi ne, %sign3A_70, %sign3A_77 : i32
      %rem3A = arith.remsi %mul3A_64, %jit3A : i32
      %ne3A_78 = arith.constant 0 : i32
      %ne3A_79 = arith.cmpi ne, %rem3A, %ne3A_78 : i32
      %and3A = arith.andi %ne3A, %ne3A_79 : i1
      %sub3A = arith.constant 1 : i32
      %sub3A_80 = arith.subi %div3A, %sub3A : i32
      %select_n3A = arith.select %and3A, %sub3A_80, %div3A : i32
      %and3A_81 = arith.constant -8 : i32
      %and3A_82 = arith.andi %select_n3A, %and3A_81 : i32
      %min3A = arith.constant 8389112 : i32
      %min3A_83 = arith.minsi %and3A_82, %min3A : i32
      %multiple_of3A = tpu.assume_multiple %min3A_83, 8 : i32
      %jit3A_84 = arith.constant 8 : i32
      %eq3A = arith.constant 0 : i32
      %eq3A_85 = arith.cmpi eq, %jit3A_84, %eq3A : i32
      %jit3A_86 = arith.constant 1 : i32
      %select_n3A_87 = arith.select %eq3A_85, %jit3A_86, %jit3A_84 : i32
      %rem3A_88 = arith.remsi %add3A_54, %select_n3A_87 : i32
      %ne3A_89 = arith.constant 0 : i32
      %ne3A_90 = arith.cmpi ne, %rem3A_88, %ne3A_89 : i32
      %lt3A_91 = arith.constant 0 : i32
      %lt3A_92 = arith.cmpi slt, %rem3A_88, %lt3A_91 : i32
      %lt3A_93 = arith.constant 0 : i32
      %lt3A_94 = arith.cmpi slt, %select_n3A_87, %lt3A_93 : i32
      %ne3A_95 = arith.xori %lt3A_92, %lt3A_94 : i1
      %and3A_96 = arith.andi %ne3A_95, %ne3A_90 : i1
      %add3A_97 = arith.addi %rem3A_88, %select_n3A_87 : i32
      %select_n3A_98 = arith.select %and3A_96, %add3A_97, %rem3A_88 : i32
      %mul3A_99 = arith.constant 4104 : i32
      %mul3A_100 = arith.muli %select_n3A_98, %mul3A_99 : i32
      %multiple_of3A_101 = tpu.assume_multiple %mul3A_100, 8 : i32
      %jit3A_102 = arith.constant 8 : i32
      %eq3A_103 = arith.constant 0 : i32
      %eq3A_104 = arith.cmpi eq, %jit3A_102, %eq3A_103 : i32
      %jit3A_105 = arith.constant 1 : i32
      %select_n3A_106 = arith.select %eq3A_104, %jit3A_105, %jit3A_102 : i32
      %rem3A_107 = arith.remsi %add3A_54, %select_n3A_106 : i32
      %ne3A_108 = arith.constant 0 : i32
      %ne3A_109 = arith.cmpi ne, %rem3A_107, %ne3A_108 : i32
      %lt3A_110 = arith.constant 0 : i32
      %lt3A_111 = arith.cmpi slt, %rem3A_107, %lt3A_110 : i32
      %lt3A_112 = arith.constant 0 : i32
      %lt3A_113 = arith.cmpi slt, %select_n3A_106, %lt3A_112 : i32
      %ne3A_114 = arith.xori %lt3A_111, %lt3A_113 : i1
      %and3A_115 = arith.andi %ne3A_114, %ne3A_109 : i1
      %add3A_116 = arith.addi %rem3A_107, %select_n3A_106 : i32
      %select_n3A_117 = arith.select %and3A_115, %add3A_116, %rem3A_107 : i32
      %dma_wait3A = tpu.memref_slice %arg4[%multiple_of3A_101] : memref<32832xf32, #tpu.memory_space<vmem>> -> memref<1544xf32, #tpu.memory_space<vmem>>
      %dma_wait3A_118 = tpu.memref_slice %arg2[%multiple_of3A] : memref<8390656xf32, #tpu.memory_space<hbm>> -> memref<1544xf32, #tpu.memory_space<hbm>>
      %dma_wait3A_119 = tpu.memref_slice %arg5[%select_n3A_117] : memref<8x!tpu.dma_semaphore, #tpu.memory_space<semaphore_mem>> -> memref<1x!tpu.dma_semaphore, #tpu.memory_space<semaphore_mem>>
      %dma_wait3A_120 = tpu.memref_squeeze %dma_wait3A_119 : memref<1x!tpu.dma_semaphore, #tpu.memory_space<semaphore_mem>> -> memref<!tpu.dma_semaphore, #tpu.memory_space<semaphore_mem>>
      %dma_wait3A_121 = tpu.memref_slice %arg4[%multiple_of3A_101] : memref<32832xf32, #tpu.memory_space<vmem>> -> memref<1544xf32, #tpu.memory_space<vmem>>
      %dma_wait3A_122 = tpu.memref_slice %arg2[%multiple_of3A] : memref<8390656xf32, #tpu.memory_space<hbm>> -> memref<1544xf32, #tpu.memory_space<hbm>>
      tpu.wait_dma2 semaphore(%dma_wait3A_120 : memref<!tpu.dma_semaphore, #tpu.memory_space<semaphore_mem>>) src(%dma_wait3A_122 : memref<1544xf32, #tpu.memory_space<hbm>>) dst(%dma_wait3A_121 : memref<1544xf32, #tpu.memory_space<vmem>>)
      %mul3A_123 = arith.constant 32 : i32
      %mul3A_124 = arith.muli %add3A_54, %mul3A_123 : i32
      %add3A_125 = arith.addi %mul3A_124, %add3A : i32
      %jit3A_126 = arith.constant 8 : i32
      %eq3A_127 = arith.constant 0 : i32
      %eq3A_128 = arith.cmpi eq, %jit3A_126, %eq3A_127 : i32
      %jit3A_129 = arith.constant 1 : i32
      %select_n3A_130 = arith.select %eq3A_128, %jit3A_129, %jit3A_126 : i32
      %rem3A_131 = arith.remsi %add3A_54, %select_n3A_130 : i32
      %ne3A_132 = arith.constant 0 : i32
      %ne3A_133 = arith.cmpi ne, %rem3A_131, %ne3A_132 : i32
      %lt3A_134 = arith.constant 0 : i32
      %lt3A_135 = arith.cmpi slt, %rem3A_131, %lt3A_134 : i32
      %lt3A_136 = arith.constant 0 : i32
      %lt3A_137 = arith.cmpi slt, %select_n3A_130, %lt3A_136 : i32
      %ne3A_138 = arith.xori %lt3A_135, %lt3A_137 : i1
      %and3A_139 = arith.andi %ne3A_138, %ne3A_133 : i1
      %add3A_140 = arith.addi %rem3A_131, %select_n3A_130 : i32
      %select_n3A_141 = arith.select %and3A_139, %add3A_140, %rem3A_131 : i32
      %mul3A_142 = arith.constant 4104 : i32
      %mul3A_143 = arith.muli %select_n3A_141, %mul3A_142 : i32
      %multiple_of3A_144 = tpu.assume_multiple %mul3A_143, 8 : i32
      %mul3A_145 = arith.constant 4224 : i32
      %mul3A_146 = arith.muli %add3A_125, %mul3A_145 : i32
      %multiple_of3A_147 = tpu.assume_multiple %mul3A_146, 8 : i32
      %jit3A_148 = arith.constant 8 : i32
      %eq3A_149 = arith.constant 0 : i32
      %eq3A_150 = arith.cmpi eq, %jit3A_148, %eq3A_149 : i32
      %jit3A_151 = arith.constant 1 : i32
      %select_n3A_152 = arith.select %eq3A_150, %jit3A_151, %jit3A_148 : i32
      %rem3A_153 = arith.remsi %add3A_54, %select_n3A_152 : i32
      %ne3A_154 = arith.constant 0 : i32
      %ne3A_155 = arith.cmpi ne, %rem3A_153, %ne3A_154 : i32
      %lt3A_156 = arith.constant 0 : i32
      %lt3A_157 = arith.cmpi slt, %rem3A_153, %lt3A_156 : i32
      %lt3A_158 = arith.constant 0 : i32
      %lt3A_159 = arith.cmpi slt, %select_n3A_152, %lt3A_158 : i32
      %ne3A_160 = arith.xori %lt3A_157, %lt3A_159 : i1
      %and3A_161 = arith.andi %ne3A_160, %ne3A_155 : i1
      %add3A_162 = arith.addi %rem3A_153, %select_n3A_152 : i32
      %select_n3A_163 = arith.select %and3A_161, %add3A_162, %rem3A_153 : i32
      %dma_start3A = tpu.memref_slice %arg4[%multiple_of3A_144] : memref<32832xf32, #tpu.memory_space<vmem>> -> memref<1544xf32, #tpu.memory_space<vmem>>
      %dma_start3A_164 = tpu.memref_slice %arg3[%multiple_of3A_147] : memref<17301504xf32, #tpu.memory_space<hbm>> -> memref<1544xf32, #tpu.memory_space<hbm>>
      %dma_start3A_165 = tpu.memref_slice %arg6[%select_n3A_163] : memref<8x!tpu.dma_semaphore, #tpu.memory_space<semaphore_mem>> -> memref<1x!tpu.dma_semaphore, #tpu.memory_space<semaphore_mem>>
      %dma_start3A_166 = tpu.memref_squeeze %dma_start3A_165 : memref<1x!tpu.dma_semaphore, #tpu.memory_space<semaphore_mem>> -> memref<!tpu.dma_semaphore, #tpu.memory_space<semaphore_mem>>
      %dma_start3A_167 = tpu.memref_slice %arg3[%multiple_of3A_147] : memref<17301504xf32, #tpu.memory_space<hbm>> -> memref<1544xf32, #tpu.memory_space<hbm>>
      %dma_start3A_168 = tpu.memref_slice %arg4[%multiple_of3A_144] : memref<32832xf32, #tpu.memory_space<vmem>> -> memref<1544xf32, #tpu.memory_space<vmem>>
      tpu.enqueue_dma source(%dma_start3A_168 : memref<1544xf32, #tpu.memory_space<vmem>>) target(%dma_start3A_167 : memref<1544xf32, #tpu.memory_space<hbm>>) target_semaphore(%dma_start3A_166 : memref<!tpu.dma_semaphore, #tpu.memory_space<semaphore_mem>>)
    }
    %scan3A_19 = arith.constant 16 : i32
    %scan3A_20 = arith.constant 0 : i32
    %scan3A_21 = arith.constant 16 : i32
    %scan3A_22 = arith.addi %scan3A_20, %scan3A_21 : i32
    %scan3A_23 = arith.constant 1 : i32
    scf.for %scan3A_50 = %scan3A_20 to %scan3A_22 step %scan3A_23  : i32 {
      %mul3A_51 = arith.constant 1 : i32
      %mul3A_52 = arith.muli %scan3A_50, %mul3A_51 : i32
      %add3A_53 = arith.constant 48 : i32
      %add3A_54 = arith.addi %add3A_53, %mul3A_52 : i32
      %add3A_55 = arith.constant 4 : i32
      %add3A_56 = arith.addi %add3A_54, %add3A_55 : i32
      %lt3A = arith.constant 128 : i32
      %lt3A_57 = arith.cmpi slt, %add3A_56, %lt3A : i32
      %convert_element_type3A = arith.extui %lt3A_57 : i1 to i32
      %cond3A = arith.constant 0 : i32
      %cond3A_58 = arith.cmpi ne, %convert_element_type3A, %cond3A : i32
      scf.if %cond3A_58 {
        %ge3A = arith.constant 8 : i32
        %ge3A_169 = arith.cmpi sge, %add3A_56, %ge3A : i32
        %convert_element_type3A_170 = arith.extui %ge3A_169 : i1 to i32
        %cond3A_171 = arith.constant 0 : i32
        %cond3A_172 = arith.cmpi ne, %convert_element_type3A_170, %cond3A_171 : i32
        scf.if %cond3A_172 {
          %sub3A_183 = arith.constant 8 : i32
          %sub3A_184 = arith.subi %add3A_56, %sub3A_183 : i32
          %ge3A_185 = arith.constant 48 : i32
          %ge3A_186 = arith.cmpi sge, %sub3A_184, %ge3A_185 : i32
          %convert_element_type3A_187 = arith.extui %ge3A_186 : i1 to i32
          %cond3A_188 = arith.constant 0 : i32
          %cond3A_189 = arith.cmpi ne, %convert_element_type3A_187, %cond3A_188 : i32
          scf.if %cond3A_189 {
            %mul3A_195 = arith.constant 32 : i32
            %mul3A_196 = arith.muli %sub3A_184, %mul3A_195 : i32
            %add3A_197 = arith.addi %mul3A_196, %add3A : i32
            %jit3A_198 = arith.constant 8 : i32
            %eq3A_199 = arith.constant 0 : i32
            %eq3A_200 = arith.cmpi eq, %jit3A_198, %eq3A_199 : i32
            %jit3A_201 = arith.constant 1 : i32
            %select_n3A_202 = arith.select %eq3A_200, %jit3A_201, %jit3A_198 : i32
            %rem3A_203 = arith.remsi %sub3A_184, %select_n3A_202 : i32
            %ne3A_204 = arith.constant 0 : i32
            %ne3A_205 = arith.cmpi ne, %rem3A_203, %ne3A_204 : i32
            %lt3A_206 = arith.constant 0 : i32
            %lt3A_207 = arith.cmpi slt, %rem3A_203, %lt3A_206 : i32
            %lt3A_208 = arith.constant 0 : i32
            %lt3A_209 = arith.cmpi slt, %select_n3A_202, %lt3A_208 : i32
            %ne3A_210 = arith.xori %lt3A_207, %lt3A_209 : i1
            %and3A_211 = arith.andi %ne3A_210, %ne3A_205 : i1
            %add3A_212 = arith.addi %rem3A_203, %select_n3A_202 : i32
            %select_n3A_213 = arith.select %and3A_211, %add3A_212, %rem3A_203 : i32
            %mul3A_214 = arith.constant 4104 : i32
            %mul3A_215 = arith.muli %select_n3A_213, %mul3A_214 : i32
            %multiple_of3A_216 = tpu.assume_multiple %mul3A_215, 8 : i32
            %mul3A_217 = arith.constant 4224 : i32
            %mul3A_218 = arith.muli %add3A_197, %mul3A_217 : i32
            %multiple_of3A_219 = tpu.assume_multiple %mul3A_218, 8 : i32
            %jit3A_220 = arith.constant 8 : i32
            %eq3A_221 = arith.constant 0 : i32
            %eq3A_222 = arith.cmpi eq, %jit3A_220, %eq3A_221 : i32
            %jit3A_223 = arith.constant 1 : i32
            %select_n3A_224 = arith.select %eq3A_222, %jit3A_223, %jit3A_220 : i32
            %rem3A_225 = arith.remsi %sub3A_184, %select_n3A_224 : i32
            %ne3A_226 = arith.constant 0 : i32
            %ne3A_227 = arith.cmpi ne, %rem3A_225, %ne3A_226 : i32
            %lt3A_228 = arith.constant 0 : i32
            %lt3A_229 = arith.cmpi slt, %rem3A_225, %lt3A_228 : i32
            %lt3A_230 = arith.constant 0 : i32
            %lt3A_231 = arith.cmpi slt, %select_n3A_224, %lt3A_230 : i32
            %ne3A_232 = arith.xori %lt3A_229, %lt3A_231 : i1
            %and3A_233 = arith.andi %ne3A_232, %ne3A_227 : i1
            %add3A_234 = arith.addi %rem3A_225, %select_n3A_224 : i32
            %select_n3A_235 = arith.select %and3A_233, %add3A_234, %rem3A_225 : i32
            %dma_wait3A_236 = tpu.memref_slice %arg4[%multiple_of3A_216] : memref<32832xf32, #tpu.memory_space<vmem>> -> memref<2056xf32, #tpu.memory_space<vmem>>
            %dma_wait3A_237 = tpu.memref_slice %arg3[%multiple_of3A_219] : memref<17301504xf32, #tpu.memory_space<hbm>> -> memref<2056xf32, #tpu.memory_space<hbm>>
            %dma_wait3A_238 = tpu.memref_slice %arg6[%select_n3A_235] : memref<8x!tpu.dma_semaphore, #tpu.memory_space<semaphore_mem>> -> memref<1x!tpu.dma_semaphore, #tpu.memory_space<semaphore_mem>>
            %dma_wait3A_239 = tpu.memref_squeeze %dma_wait3A_238 : memref<1x!tpu.dma_semaphore, #tpu.memory_space<semaphore_mem>> -> memref<!tpu.dma_semaphore, #tpu.memory_space<semaphore_mem>>
            %dma_wait3A_240 = tpu.memref_slice %arg3[%multiple_of3A_219] : memref<17301504xf32, #tpu.memory_space<hbm>> -> memref<2056xf32, #tpu.memory_space<hbm>>
            %dma_wait3A_241 = tpu.memref_slice %arg4[%multiple_of3A_216] : memref<32832xf32, #tpu.memory_space<vmem>> -> memref<2056xf32, #tpu.memory_space<vmem>>
            tpu.wait_dma2 semaphore(%dma_wait3A_239 : memref<!tpu.dma_semaphore, #tpu.memory_space<semaphore_mem>>) src(%dma_wait3A_241 : memref<2056xf32, #tpu.memory_space<vmem>>) dst(%dma_wait3A_240 : memref<2056xf32, #tpu.memory_space<hbm>>)
          } else {
          }
          %lt3A_190 = arith.constant 48 : i32
          %lt3A_191 = arith.cmpi slt, %sub3A_184, %lt3A_190 : i32
          %convert_element_type3A_192 = arith.extui %lt3A_191 : i1 to i32
          %cond3A_193 = arith.constant 0 : i32
          %cond3A_194 = arith.cmpi ne, %convert_element_type3A_192, %cond3A_193 : i32
          scf.if %cond3A_194 {
            %mul3A_195 = arith.constant 32 : i32
            %mul3A_196 = arith.muli %sub3A_184, %mul3A_195 : i32
            %add3A_197 = arith.addi %mul3A_196, %add3A : i32
            %jit3A_198 = arith.constant 8 : i32
            %eq3A_199 = arith.constant 0 : i32
            %eq3A_200 = arith.cmpi eq, %jit3A_198, %eq3A_199 : i32
            %jit3A_201 = arith.constant 1 : i32
            %select_n3A_202 = arith.select %eq3A_200, %jit3A_201, %jit3A_198 : i32
            %rem3A_203 = arith.remsi %sub3A_184, %select_n3A_202 : i32
            %ne3A_204 = arith.constant 0 : i32
            %ne3A_205 = arith.cmpi ne, %rem3A_203, %ne3A_204 : i32
            %lt3A_206 = arith.constant 0 : i32
            %lt3A_207 = arith.cmpi slt, %rem3A_203, %lt3A_206 : i32
            %lt3A_208 = arith.constant 0 : i32
            %lt3A_209 = arith.cmpi slt, %select_n3A_202, %lt3A_208 : i32
            %ne3A_210 = arith.xori %lt3A_207, %lt3A_209 : i1
            %and3A_211 = arith.andi %ne3A_210, %ne3A_205 : i1
            %add3A_212 = arith.addi %rem3A_203, %select_n3A_202 : i32
            %select_n3A_213 = arith.select %and3A_211, %add3A_212, %rem3A_203 : i32
            %mul3A_214 = arith.constant 4104 : i32
            %mul3A_215 = arith.muli %select_n3A_213, %mul3A_214 : i32
            %multiple_of3A_216 = tpu.assume_multiple %mul3A_215, 8 : i32
            %mul3A_217 = arith.constant 4224 : i32
            %mul3A_218 = arith.muli %add3A_197, %mul3A_217 : i32
            %multiple_of3A_219 = tpu.assume_multiple %mul3A_218, 8 : i32
            %jit3A_220 = arith.constant 8 : i32
            %eq3A_221 = arith.constant 0 : i32
            %eq3A_222 = arith.cmpi eq, %jit3A_220, %eq3A_221 : i32
            %jit3A_223 = arith.constant 1 : i32
            %select_n3A_224 = arith.select %eq3A_222, %jit3A_223, %jit3A_220 : i32
            %rem3A_225 = arith.remsi %sub3A_184, %select_n3A_224 : i32
            %ne3A_226 = arith.constant 0 : i32
            %ne3A_227 = arith.cmpi ne, %rem3A_225, %ne3A_226 : i32
            %lt3A_228 = arith.constant 0 : i32
            %lt3A_229 = arith.cmpi slt, %rem3A_225, %lt3A_228 : i32
            %lt3A_230 = arith.constant 0 : i32
            %lt3A_231 = arith.cmpi slt, %select_n3A_224, %lt3A_230 : i32
            %ne3A_232 = arith.xori %lt3A_229, %lt3A_231 : i1
            %and3A_233 = arith.andi %ne3A_232, %ne3A_227 : i1
            %add3A_234 = arith.addi %rem3A_225, %select_n3A_224 : i32
            %select_n3A_235 = arith.select %and3A_233, %add3A_234, %rem3A_225 : i32
            %dma_wait3A_236 = tpu.memref_slice %arg4[%multiple_of3A_216] : memref<32832xf32, #tpu.memory_space<vmem>> -> memref<1544xf32, #tpu.memory_space<vmem>>
            %dma_wait3A_237 = tpu.memref_slice %arg3[%multiple_of3A_219] : memref<17301504xf32, #tpu.memory_space<hbm>> -> memref<1544xf32, #tpu.memory_space<hbm>>
            %dma_wait3A_238 = tpu.memref_slice %arg6[%select_n3A_235] : memref<8x!tpu.dma_semaphore, #tpu.memory_space<semaphore_mem>> -> memref<1x!tpu.dma_semaphore, #tpu.memory_space<semaphore_mem>>
            %dma_wait3A_239 = tpu.memref_squeeze %dma_wait3A_238 : memref<1x!tpu.dma_semaphore, #tpu.memory_space<semaphore_mem>> -> memref<!tpu.dma_semaphore, #tpu.memory_space<semaphore_mem>>
            %dma_wait3A_240 = tpu.memref_slice %arg3[%multiple_of3A_219] : memref<17301504xf32, #tpu.memory_space<hbm>> -> memref<1544xf32, #tpu.memory_space<hbm>>
            %dma_wait3A_241 = tpu.memref_slice %arg4[%multiple_of3A_216] : memref<32832xf32, #tpu.memory_space<vmem>> -> memref<1544xf32, #tpu.memory_space<vmem>>
            tpu.wait_dma2 semaphore(%dma_wait3A_239 : memref<!tpu.dma_semaphore, #tpu.memory_space<semaphore_mem>>) src(%dma_wait3A_241 : memref<1544xf32, #tpu.memory_space<vmem>>) dst(%dma_wait3A_240 : memref<1544xf32, #tpu.memory_space<hbm>>)
          } else {
          }
        } else {
        }
        %lt3A_173 = arith.constant 64 : i32
        %lt3A_174 = arith.cmpi slt, %add3A_56, %lt3A_173 : i32
        %convert_element_type3A_175 = arith.extui %lt3A_174 : i1 to i32
        %cond3A_176 = arith.constant 0 : i32
        %cond3A_177 = arith.cmpi ne, %convert_element_type3A_175, %cond3A_176 : i32
        scf.if %cond3A_177 {
          %mul3A_183 = arith.constant 32 : i32
          %mul3A_184 = arith.muli %add3A_56, %mul3A_183 : i32
          %add3A_185 = arith.addi %mul3A_184, %add3A : i32
          %add3A_186 = arith.constant 1 : i32
          %add3A_187 = arith.addi %add3A_185, %add3A_186 : i32
          %mul3A_188 = arith.muli %add3A_185, %add3A_187 : i32
          %jit3A_189 = arith.constant 2 : i32
          %div3A_190 = arith.divsi %mul3A_188, %jit3A_189 : i32
          %sign3A_191 = arith.constant 0 : i32
          %sign3A_192 = arith.cmpi sgt, %mul3A_188, %sign3A_191 : i32
          %sign3A_193 = arith.extui %sign3A_192 : i1 to i32
          %sign3A_194 = arith.constant 0 : i32
          %sign3A_195 = arith.cmpi slt, %mul3A_188, %sign3A_194 : i32
          %sign3A_196 = arith.extui %sign3A_195 : i1 to i32
          %sign3A_197 = arith.subi %sign3A_193, %sign3A_196 : i32
          %sign3A_198 = arith.constant 0 : i32
          %sign3A_199 = arith.cmpi sgt, %jit3A_189, %sign3A_198 : i32
          %sign3A_200 = arith.extui %sign3A_199 : i1 to i32
          %sign3A_201 = arith.constant 0 : i32
          %sign3A_202 = arith.cmpi slt, %jit3A_189, %sign3A_201 : i32
          %sign3A_203 = arith.extui %sign3A_202 : i1 to i32
          %sign3A_204 = arith.subi %sign3A_200, %sign3A_203 : i32
          %ne3A_205 = arith.cmpi ne, %sign3A_197, %sign3A_204 : i32
          %rem3A_206 = arith.remsi %mul3A_188, %jit3A_189 : i32
          %ne3A_207 = arith.constant 0 : i32
          %ne3A_208 = arith.cmpi ne, %rem3A_206, %ne3A_207 : i32
          %and3A_209 = arith.andi %ne3A_205, %ne3A_208 : i1
          %sub3A_210 = arith.constant 1 : i32
          %sub3A_211 = arith.subi %div3A_190, %sub3A_210 : i32
          %select_n3A_212 = arith.select %and3A_209, %sub3A_211, %div3A_190 : i32
          %and3A_213 = arith.constant -8 : i32
          %and3A_214 = arith.andi %select_n3A_212, %and3A_213 : i32
          %min3A_215 = arith.constant 8388600 : i32
          %min3A_216 = arith.minsi %and3A_214, %min3A_215 : i32
          %multiple_of3A_217 = tpu.assume_multiple %min3A_216, 8 : i32
          %jit3A_218 = arith.constant 8 : i32
          %eq3A_219 = arith.constant 0 : i32
          %eq3A_220 = arith.cmpi eq, %jit3A_218, %eq3A_219 : i32
          %jit3A_221 = arith.constant 1 : i32
          %select_n3A_222 = arith.select %eq3A_220, %jit3A_221, %jit3A_218 : i32
          %rem3A_223 = arith.remsi %add3A_56, %select_n3A_222 : i32
          %ne3A_224 = arith.constant 0 : i32
          %ne3A_225 = arith.cmpi ne, %rem3A_223, %ne3A_224 : i32
          %lt3A_226 = arith.constant 0 : i32
          %lt3A_227 = arith.cmpi slt, %rem3A_223, %lt3A_226 : i32
          %lt3A_228 = arith.constant 0 : i32
          %lt3A_229 = arith.cmpi slt, %select_n3A_222, %lt3A_228 : i32
          %ne3A_230 = arith.xori %lt3A_227, %lt3A_229 : i1
          %and3A_231 = arith.andi %ne3A_230, %ne3A_225 : i1
          %add3A_232 = arith.addi %rem3A_223, %select_n3A_222 : i32
          %select_n3A_233 = arith.select %and3A_231, %add3A_232, %rem3A_223 : i32
          %mul3A_234 = arith.constant 4104 : i32
          %mul3A_235 = arith.muli %select_n3A_233, %mul3A_234 : i32
          %multiple_of3A_236 = tpu.assume_multiple %mul3A_235, 8 : i32
          %jit3A_237 = arith.constant 8 : i32
          %eq3A_238 = arith.constant 0 : i32
          %eq3A_239 = arith.cmpi eq, %jit3A_237, %eq3A_238 : i32
          %jit3A_240 = arith.constant 1 : i32
          %select_n3A_241 = arith.select %eq3A_239, %jit3A_240, %jit3A_237 : i32
          %rem3A_242 = arith.remsi %add3A_56, %select_n3A_241 : i32
          %ne3A_243 = arith.constant 0 : i32
          %ne3A_244 = arith.cmpi ne, %rem3A_242, %ne3A_243 : i32
          %lt3A_245 = arith.constant 0 : i32
          %lt3A_246 = arith.cmpi slt, %rem3A_242, %lt3A_245 : i32
          %lt3A_247 = arith.constant 0 : i32
          %lt3A_248 = arith.cmpi slt, %select_n3A_241, %lt3A_247 : i32
          %ne3A_249 = arith.xori %lt3A_246, %lt3A_248 : i1
          %and3A_250 = arith.andi %ne3A_249, %ne3A_244 : i1
          %add3A_251 = arith.addi %rem3A_242, %select_n3A_241 : i32
          %select_n3A_252 = arith.select %and3A_250, %add3A_251, %rem3A_242 : i32
          %dma_start3A_253 = tpu.memref_slice %arg4[%multiple_of3A_236] : memref<32832xf32, #tpu.memory_space<vmem>> -> memref<2056xf32, #tpu.memory_space<vmem>>
          %dma_start3A_254 = tpu.memref_slice %arg2[%multiple_of3A_217] : memref<8390656xf32, #tpu.memory_space<hbm>> -> memref<2056xf32, #tpu.memory_space<hbm>>
          %dma_start3A_255 = tpu.memref_slice %arg5[%select_n3A_252] : memref<8x!tpu.dma_semaphore, #tpu.memory_space<semaphore_mem>> -> memref<1x!tpu.dma_semaphore, #tpu.memory_space<semaphore_mem>>
          %dma_start3A_256 = tpu.memref_squeeze %dma_start3A_255 : memref<1x!tpu.dma_semaphore, #tpu.memory_space<semaphore_mem>> -> memref<!tpu.dma_semaphore, #tpu.memory_space<semaphore_mem>>
          %dma_start3A_257 = tpu.memref_slice %arg4[%multiple_of3A_236] : memref<32832xf32, #tpu.memory_space<vmem>> -> memref<2056xf32, #tpu.memory_space<vmem>>
          %dma_start3A_258 = tpu.memref_slice %arg2[%multiple_of3A_217] : memref<8390656xf32, #tpu.memory_space<hbm>> -> memref<2056xf32, #tpu.memory_space<hbm>>
          tpu.enqueue_dma source(%dma_start3A_258 : memref<2056xf32, #tpu.memory_space<hbm>>) target(%dma_start3A_257 : memref<2056xf32, #tpu.memory_space<vmem>>) target_semaphore(%dma_start3A_256 : memref<!tpu.dma_semaphore, #tpu.memory_space<semaphore_mem>>)
        } else {
        }
        %ge3A_178 = arith.constant 64 : i32
        %ge3A_179 = arith.cmpi sge, %add3A_56, %ge3A_178 : i32
        %convert_element_type3A_180 = arith.extui %ge3A_179 : i1 to i32
        %cond3A_181 = arith.constant 0 : i32
        %cond3A_182 = arith.cmpi ne, %convert_element_type3A_180, %cond3A_181 : i32
        scf.if %cond3A_182 {
          %mul3A_183 = arith.constant 32 : i32
          %mul3A_184 = arith.muli %add3A_56, %mul3A_183 : i32
          %add3A_185 = arith.addi %mul3A_184, %add3A : i32
          %add3A_186 = arith.constant 1 : i32
          %add3A_187 = arith.addi %add3A_185, %add3A_186 : i32
          %mul3A_188 = arith.muli %add3A_185, %add3A_187 : i32
          %jit3A_189 = arith.constant 2 : i32
          %div3A_190 = arith.divsi %mul3A_188, %jit3A_189 : i32
          %sign3A_191 = arith.constant 0 : i32
          %sign3A_192 = arith.cmpi sgt, %mul3A_188, %sign3A_191 : i32
          %sign3A_193 = arith.extui %sign3A_192 : i1 to i32
          %sign3A_194 = arith.constant 0 : i32
          %sign3A_195 = arith.cmpi slt, %mul3A_188, %sign3A_194 : i32
          %sign3A_196 = arith.extui %sign3A_195 : i1 to i32
          %sign3A_197 = arith.subi %sign3A_193, %sign3A_196 : i32
          %sign3A_198 = arith.constant 0 : i32
          %sign3A_199 = arith.cmpi sgt, %jit3A_189, %sign3A_198 : i32
          %sign3A_200 = arith.extui %sign3A_199 : i1 to i32
          %sign3A_201 = arith.constant 0 : i32
          %sign3A_202 = arith.cmpi slt, %jit3A_189, %sign3A_201 : i32
          %sign3A_203 = arith.extui %sign3A_202 : i1 to i32
          %sign3A_204 = arith.subi %sign3A_200, %sign3A_203 : i32
          %ne3A_205 = arith.cmpi ne, %sign3A_197, %sign3A_204 : i32
          %rem3A_206 = arith.remsi %mul3A_188, %jit3A_189 : i32
          %ne3A_207 = arith.constant 0 : i32
          %ne3A_208 = arith.cmpi ne, %rem3A_206, %ne3A_207 : i32
          %and3A_209 = arith.andi %ne3A_205, %ne3A_208 : i1
          %sub3A_210 = arith.constant 1 : i32
          %sub3A_211 = arith.subi %div3A_190, %sub3A_210 : i32
          %select_n3A_212 = arith.select %and3A_209, %sub3A_211, %div3A_190 : i32
          %and3A_213 = arith.constant -8 : i32
          %and3A_214 = arith.andi %select_n3A_212, %and3A_213 : i32
          %min3A_215 = arith.constant 8388088 : i32
          %min3A_216 = arith.minsi %and3A_214, %min3A_215 : i32
          %multiple_of3A_217 = tpu.assume_multiple %min3A_216, 8 : i32
          %jit3A_218 = arith.constant 8 : i32
          %eq3A_219 = arith.constant 0 : i32
          %eq3A_220 = arith.cmpi eq, %jit3A_218, %eq3A_219 : i32
          %jit3A_221 = arith.constant 1 : i32
          %select_n3A_222 = arith.select %eq3A_220, %jit3A_221, %jit3A_218 : i32
          %rem3A_223 = arith.remsi %add3A_56, %select_n3A_222 : i32
          %ne3A_224 = arith.constant 0 : i32
          %ne3A_225 = arith.cmpi ne, %rem3A_223, %ne3A_224 : i32
          %lt3A_226 = arith.constant 0 : i32
          %lt3A_227 = arith.cmpi slt, %rem3A_223, %lt3A_226 : i32
          %lt3A_228 = arith.constant 0 : i32
          %lt3A_229 = arith.cmpi slt, %select_n3A_222, %lt3A_228 : i32
          %ne3A_230 = arith.xori %lt3A_227, %lt3A_229 : i1
          %and3A_231 = arith.andi %ne3A_230, %ne3A_225 : i1
          %add3A_232 = arith.addi %rem3A_223, %select_n3A_222 : i32
          %select_n3A_233 = arith.select %and3A_231, %add3A_232, %rem3A_223 : i32
          %mul3A_234 = arith.constant 4104 : i32
          %mul3A_235 = arith.muli %select_n3A_233, %mul3A_234 : i32
          %multiple_of3A_236 = tpu.assume_multiple %mul3A_235, 8 : i32
          %jit3A_237 = arith.constant 8 : i32
          %eq3A_238 = arith.constant 0 : i32
          %eq3A_239 = arith.cmpi eq, %jit3A_237, %eq3A_238 : i32
          %jit3A_240 = arith.constant 1 : i32
          %select_n3A_241 = arith.select %eq3A_239, %jit3A_240, %jit3A_237 : i32
          %rem3A_242 = arith.remsi %add3A_56, %select_n3A_241 : i32
          %ne3A_243 = arith.constant 0 : i32
          %ne3A_244 = arith.cmpi ne, %rem3A_242, %ne3A_243 : i32
          %lt3A_245 = arith.constant 0 : i32
          %lt3A_246 = arith.cmpi slt, %rem3A_242, %lt3A_245 : i32
          %lt3A_247 = arith.constant 0 : i32
          %lt3A_248 = arith.cmpi slt, %select_n3A_241, %lt3A_247 : i32
          %ne3A_249 = arith.xori %lt3A_246, %lt3A_248 : i1
          %and3A_250 = arith.andi %ne3A_249, %ne3A_244 : i1
          %add3A_251 = arith.addi %rem3A_242, %select_n3A_241 : i32
          %select_n3A_252 = arith.select %and3A_250, %add3A_251, %rem3A_242 : i32
          %dma_start3A_253 = tpu.memref_slice %arg4[%multiple_of3A_236] : memref<32832xf32, #tpu.memory_space<vmem>> -> memref<2568xf32, #tpu.memory_space<vmem>>
          %dma_start3A_254 = tpu.memref_slice %arg2[%multiple_of3A_217] : memref<8390656xf32, #tpu.memory_space<hbm>> -> memref<2568xf32, #tpu.memory_space<hbm>>
          %dma_start3A_255 = tpu.memref_slice %arg5[%select_n3A_252] : memref<8x!tpu.dma_semaphore, #tpu.memory_space<semaphore_mem>> -> memref<1x!tpu.dma_semaphore, #tpu.memory_space<semaphore_mem>>
          %dma_start3A_256 = tpu.memref_squeeze %dma_start3A_255 : memref<1x!tpu.dma_semaphore, #tpu.memory_space<semaphore_mem>> -> memref<!tpu.dma_semaphore, #tpu.memory_space<semaphore_mem>>
          %dma_start3A_257 = tpu.memref_slice %arg4[%multiple_of3A_236] : memref<32832xf32, #tpu.memory_space<vmem>> -> memref<2568xf32, #tpu.memory_space<vmem>>
          %dma_start3A_258 = tpu.memref_slice %arg2[%multiple_of3A_217] : memref<8390656xf32, #tpu.memory_space<hbm>> -> memref<2568xf32, #tpu.memory_space<hbm>>
          tpu.enqueue_dma source(%dma_start3A_258 : memref<2568xf32, #tpu.memory_space<hbm>>) target(%dma_start3A_257 : memref<2568xf32, #tpu.memory_space<vmem>>) target_semaphore(%dma_start3A_256 : memref<!tpu.dma_semaphore, #tpu.memory_space<semaphore_mem>>)
        } else {
        }
      } else {
      }
      %mul3A_59 = arith.constant 32 : i32
      %mul3A_60 = arith.muli %add3A_54, %mul3A_59 : i32
      %add3A_61 = arith.addi %mul3A_60, %add3A : i32
      %add3A_62 = arith.constant 1 : i32
      %add3A_63 = arith.addi %add3A_61, %add3A_62 : i32
      %mul3A_64 = arith.muli %add3A_61, %add3A_63 : i32
      %jit3A = arith.constant 2 : i32
      %div3A = arith.divsi %mul3A_64, %jit3A : i32
      %sign3A = arith.constant 0 : i32
      %sign3A_65 = arith.cmpi sgt, %mul3A_64, %sign3A : i32
      %sign3A_66 = arith.extui %sign3A_65 : i1 to i32
      %sign3A_67 = arith.constant 0 : i32
      %sign3A_68 = arith.cmpi slt, %mul3A_64, %sign3A_67 : i32
      %sign3A_69 = arith.extui %sign3A_68 : i1 to i32
      %sign3A_70 = arith.subi %sign3A_66, %sign3A_69 : i32
      %sign3A_71 = arith.constant 0 : i32
      %sign3A_72 = arith.cmpi sgt, %jit3A, %sign3A_71 : i32
      %sign3A_73 = arith.extui %sign3A_72 : i1 to i32
      %sign3A_74 = arith.constant 0 : i32
      %sign3A_75 = arith.cmpi slt, %jit3A, %sign3A_74 : i32
      %sign3A_76 = arith.extui %sign3A_75 : i1 to i32
      %sign3A_77 = arith.subi %sign3A_73, %sign3A_76 : i32
      %ne3A = arith.cmpi ne, %sign3A_70, %sign3A_77 : i32
      %rem3A = arith.remsi %mul3A_64, %jit3A : i32
      %ne3A_78 = arith.constant 0 : i32
      %ne3A_79 = arith.cmpi ne, %rem3A, %ne3A_78 : i32
      %and3A = arith.andi %ne3A, %ne3A_79 : i1
      %sub3A = arith.constant 1 : i32
      %sub3A_80 = arith.subi %div3A, %sub3A : i32
      %select_n3A = arith.select %and3A, %sub3A_80, %div3A : i32
      %and3A_81 = arith.constant -8 : i32
      %and3A_82 = arith.andi %select_n3A, %and3A_81 : i32
      %min3A = arith.constant 8388600 : i32
      %min3A_83 = arith.minsi %and3A_82, %min3A : i32
      %multiple_of3A = tpu.assume_multiple %min3A_83, 8 : i32
      %jit3A_84 = arith.constant 8 : i32
      %eq3A = arith.constant 0 : i32
      %eq3A_85 = arith.cmpi eq, %jit3A_84, %eq3A : i32
      %jit3A_86 = arith.constant 1 : i32
      %select_n3A_87 = arith.select %eq3A_85, %jit3A_86, %jit3A_84 : i32
      %rem3A_88 = arith.remsi %add3A_54, %select_n3A_87 : i32
      %ne3A_89 = arith.constant 0 : i32
      %ne3A_90 = arith.cmpi ne, %rem3A_88, %ne3A_89 : i32
      %lt3A_91 = arith.constant 0 : i32
      %lt3A_92 = arith.cmpi slt, %rem3A_88, %lt3A_91 : i32
      %lt3A_93 = arith.constant 0 : i32
      %lt3A_94 = arith.cmpi slt, %select_n3A_87, %lt3A_93 : i32
      %ne3A_95 = arith.xori %lt3A_92, %lt3A_94 : i1
      %and3A_96 = arith.andi %ne3A_95, %ne3A_90 : i1
      %add3A_97 = arith.addi %rem3A_88, %select_n3A_87 : i32
      %select_n3A_98 = arith.select %and3A_96, %add3A_97, %rem3A_88 : i32
      %mul3A_99 = arith.constant 4104 : i32
      %mul3A_100 = arith.muli %select_n3A_98, %mul3A_99 : i32
      %multiple_of3A_101 = tpu.assume_multiple %mul3A_100, 8 : i32
      %jit3A_102 = arith.constant 8 : i32
      %eq3A_103 = arith.constant 0 : i32
      %eq3A_104 = arith.cmpi eq, %jit3A_102, %eq3A_103 : i32
      %jit3A_105 = arith.constant 1 : i32
      %select_n3A_106 = arith.select %eq3A_104, %jit3A_105, %jit3A_102 : i32
      %rem3A_107 = arith.remsi %add3A_54, %select_n3A_106 : i32
      %ne3A_108 = arith.constant 0 : i32
      %ne3A_109 = arith.cmpi ne, %rem3A_107, %ne3A_108 : i32
      %lt3A_110 = arith.constant 0 : i32
      %lt3A_111 = arith.cmpi slt, %rem3A_107, %lt3A_110 : i32
      %lt3A_112 = arith.constant 0 : i32
      %lt3A_113 = arith.cmpi slt, %select_n3A_106, %lt3A_112 : i32
      %ne3A_114 = arith.xori %lt3A_111, %lt3A_113 : i1
      %and3A_115 = arith.andi %ne3A_114, %ne3A_109 : i1
      %add3A_116 = arith.addi %rem3A_107, %select_n3A_106 : i32
      %select_n3A_117 = arith.select %and3A_115, %add3A_116, %rem3A_107 : i32
      %dma_wait3A = tpu.memref_slice %arg4[%multiple_of3A_101] : memref<32832xf32, #tpu.memory_space<vmem>> -> memref<2056xf32, #tpu.memory_space<vmem>>
      %dma_wait3A_118 = tpu.memref_slice %arg2[%multiple_of3A] : memref<8390656xf32, #tpu.memory_space<hbm>> -> memref<2056xf32, #tpu.memory_space<hbm>>
      %dma_wait3A_119 = tpu.memref_slice %arg5[%select_n3A_117] : memref<8x!tpu.dma_semaphore, #tpu.memory_space<semaphore_mem>> -> memref<1x!tpu.dma_semaphore, #tpu.memory_space<semaphore_mem>>
      %dma_wait3A_120 = tpu.memref_squeeze %dma_wait3A_119 : memref<1x!tpu.dma_semaphore, #tpu.memory_space<semaphore_mem>> -> memref<!tpu.dma_semaphore, #tpu.memory_space<semaphore_mem>>
      %dma_wait3A_121 = tpu.memref_slice %arg4[%multiple_of3A_101] : memref<32832xf32, #tpu.memory_space<vmem>> -> memref<2056xf32, #tpu.memory_space<vmem>>
      %dma_wait3A_122 = tpu.memref_slice %arg2[%multiple_of3A] : memref<8390656xf32, #tpu.memory_space<hbm>> -> memref<2056xf32, #tpu.memory_space<hbm>>
      tpu.wait_dma2 semaphore(%dma_wait3A_120 : memref<!tpu.dma_semaphore, #tpu.memory_space<semaphore_mem>>) src(%dma_wait3A_122 : memref<2056xf32, #tpu.memory_space<hbm>>) dst(%dma_wait3A_121 : memref<2056xf32, #tpu.memory_space<vmem>>)
      %mul3A_123 = arith.constant 32 : i32
      %mul3A_124 = arith.muli %add3A_54, %mul3A_123 : i32
      %add3A_125 = arith.addi %mul3A_124, %add3A : i32
      %jit3A_126 = arith.constant 8 : i32
      %eq3A_127 = arith.constant 0 : i32
      %eq3A_128 = arith.cmpi eq, %jit3A_126, %eq3A_127 : i32
      %jit3A_129 = arith.constant 1 : i32
      %select_n3A_130 = arith.select %eq3A_128, %jit3A_129, %jit3A_126 : i32
      %rem3A_131 = arith.remsi %add3A_54, %select_n3A_130 : i32
      %ne3A_132 = arith.constant 0 : i32
      %ne3A_133 = arith.cmpi ne, %rem3A_131, %ne3A_132 : i32
      %lt3A_134 = arith.constant 0 : i32
      %lt3A_135 = arith.cmpi slt, %rem3A_131, %lt3A_134 : i32
      %lt3A_136 = arith.constant 0 : i32
      %lt3A_137 = arith.cmpi slt, %select_n3A_130, %lt3A_136 : i32
      %ne3A_138 = arith.xori %lt3A_135, %lt3A_137 : i1
      %and3A_139 = arith.andi %ne3A_138, %ne3A_133 : i1
      %add3A_140 = arith.addi %rem3A_131, %select_n3A_130 : i32
      %select_n3A_141 = arith.select %and3A_139, %add3A_140, %rem3A_131 : i32
      %mul3A_142 = arith.constant 4104 : i32
      %mul3A_143 = arith.muli %select_n3A_141, %mul3A_142 : i32
      %multiple_of3A_144 = tpu.assume_multiple %mul3A_143, 8 : i32
      %mul3A_145 = arith.constant 4224 : i32
      %mul3A_146 = arith.muli %add3A_125, %mul3A_145 : i32
      %multiple_of3A_147 = tpu.assume_multiple %mul3A_146, 8 : i32
      %jit3A_148 = arith.constant 8 : i32
      %eq3A_149 = arith.constant 0 : i32
      %eq3A_150 = arith.cmpi eq, %jit3A_148, %eq3A_149 : i32
      %jit3A_151 = arith.constant 1 : i32
      %select_n3A_152 = arith.select %eq3A_150, %jit3A_151, %jit3A_148 : i32
      %rem3A_153 = arith.remsi %add3A_54, %select_n3A_152 : i32
      %ne3A_154 = arith.constant 0 : i32
      %ne3A_155 = arith.cmpi ne, %rem3A_153, %ne3A_154 : i32
      %lt3A_156 = arith.constant 0 : i32
      %lt3A_157 = arith.cmpi slt, %rem3A_153, %lt3A_156 : i32
      %lt3A_158 = arith.constant 0 : i32
      %lt3A_159 = arith.cmpi slt, %select_n3A_152, %lt3A_158 : i32
      %ne3A_160 = arith.xori %lt3A_157, %lt3A_159 : i1
      %and3A_161 = arith.andi %ne3A_160, %ne3A_155 : i1
      %add3A_162 = arith.addi %rem3A_153, %select_n3A_152 : i32
      %select_n3A_163 = arith.select %and3A_161, %add3A_162, %rem3A_153 : i32
      %dma_start3A = tpu.memref_slice %arg4[%multiple_of3A_144] : memref<32832xf32, #tpu.memory_space<vmem>> -> memref<2056xf32, #tpu.memory_space<vmem>>
      %dma_start3A_164 = tpu.memref_slice %arg3[%multiple_of3A_147] : memref<17301504xf32, #tpu.memory_space<hbm>> -> memref<2056xf32, #tpu.memory_space<hbm>>
      %dma_start3A_165 = tpu.memref_slice %arg6[%select_n3A_163] : memref<8x!tpu.dma_semaphore, #tpu.memory_space<semaphore_mem>> -> memref<1x!tpu.dma_semaphore, #tpu.memory_space<semaphore_mem>>
      %dma_start3A_166 = tpu.memref_squeeze %dma_start3A_165 : memref<1x!tpu.dma_semaphore, #tpu.memory_space<semaphore_mem>> -> memref<!tpu.dma_semaphore, #tpu.memory_space<semaphore_mem>>
      %dma_start3A_167 = tpu.memref_slice %arg3[%multiple_of3A_147] : memref<17301504xf32, #tpu.memory_space<hbm>> -> memref<2056xf32, #tpu.memory_space<hbm>>
      %dma_start3A_168 = tpu.memref_slice %arg4[%multiple_of3A_144] : memref<32832xf32, #tpu.memory_space<vmem>> -> memref<2056xf32, #tpu.memory_space<vmem>>
      tpu.enqueue_dma source(%dma_start3A_168 : memref<2056xf32, #tpu.memory_space<vmem>>) target(%dma_start3A_167 : memref<2056xf32, #tpu.memory_space<hbm>>) target_semaphore(%dma_start3A_166 : memref<!tpu.dma_semaphore, #tpu.memory_space<semaphore_mem>>)
    }
    %scan3A_24 = arith.constant 16 : i32
    %scan3A_25 = arith.constant 0 : i32
    %scan3A_26 = arith.constant 16 : i32
    %scan3A_27 = arith.addi %scan3A_25, %scan3A_26 : i32
    %scan3A_28 = arith.constant 1 : i32
    scf.for %scan3A_50 = %scan3A_25 to %scan3A_27 step %scan3A_28  : i32 {
      %mul3A_51 = arith.constant 1 : i32
      %mul3A_52 = arith.muli %scan3A_50, %mul3A_51 : i32
      %add3A_53 = arith.constant 64 : i32
      %add3A_54 = arith.addi %add3A_53, %mul3A_52 : i32
      %add3A_55 = arith.constant 4 : i32
      %add3A_56 = arith.addi %add3A_54, %add3A_55 : i32
      %lt3A = arith.constant 128 : i32
      %lt3A_57 = arith.cmpi slt, %add3A_56, %lt3A : i32
      %convert_element_type3A = arith.extui %lt3A_57 : i1 to i32
      %cond3A = arith.constant 0 : i32
      %cond3A_58 = arith.cmpi ne, %convert_element_type3A, %cond3A : i32
      scf.if %cond3A_58 {
        %ge3A = arith.constant 8 : i32
        %ge3A_169 = arith.cmpi sge, %add3A_56, %ge3A : i32
        %convert_element_type3A_170 = arith.extui %ge3A_169 : i1 to i32
        %cond3A_171 = arith.constant 0 : i32
        %cond3A_172 = arith.cmpi ne, %convert_element_type3A_170, %cond3A_171 : i32
        scf.if %cond3A_172 {
          %sub3A_183 = arith.constant 8 : i32
          %sub3A_184 = arith.subi %add3A_56, %sub3A_183 : i32
          %ge3A_185 = arith.constant 64 : i32
          %ge3A_186 = arith.cmpi sge, %sub3A_184, %ge3A_185 : i32
          %convert_element_type3A_187 = arith.extui %ge3A_186 : i1 to i32
          %cond3A_188 = arith.constant 0 : i32
          %cond3A_189 = arith.cmpi ne, %convert_element_type3A_187, %cond3A_188 : i32
          scf.if %cond3A_189 {
            %mul3A_195 = arith.constant 32 : i32
            %mul3A_196 = arith.muli %sub3A_184, %mul3A_195 : i32
            %add3A_197 = arith.addi %mul3A_196, %add3A : i32
            %jit3A_198 = arith.constant 8 : i32
            %eq3A_199 = arith.constant 0 : i32
            %eq3A_200 = arith.cmpi eq, %jit3A_198, %eq3A_199 : i32
            %jit3A_201 = arith.constant 1 : i32
            %select_n3A_202 = arith.select %eq3A_200, %jit3A_201, %jit3A_198 : i32
            %rem3A_203 = arith.remsi %sub3A_184, %select_n3A_202 : i32
            %ne3A_204 = arith.constant 0 : i32
            %ne3A_205 = arith.cmpi ne, %rem3A_203, %ne3A_204 : i32
            %lt3A_206 = arith.constant 0 : i32
            %lt3A_207 = arith.cmpi slt, %rem3A_203, %lt3A_206 : i32
            %lt3A_208 = arith.constant 0 : i32
            %lt3A_209 = arith.cmpi slt, %select_n3A_202, %lt3A_208 : i32
            %ne3A_210 = arith.xori %lt3A_207, %lt3A_209 : i1
            %and3A_211 = arith.andi %ne3A_210, %ne3A_205 : i1
            %add3A_212 = arith.addi %rem3A_203, %select_n3A_202 : i32
            %select_n3A_213 = arith.select %and3A_211, %add3A_212, %rem3A_203 : i32
            %mul3A_214 = arith.constant 4104 : i32
            %mul3A_215 = arith.muli %select_n3A_213, %mul3A_214 : i32
            %multiple_of3A_216 = tpu.assume_multiple %mul3A_215, 8 : i32
            %mul3A_217 = arith.constant 4224 : i32
            %mul3A_218 = arith.muli %add3A_197, %mul3A_217 : i32
            %multiple_of3A_219 = tpu.assume_multiple %mul3A_218, 8 : i32
            %jit3A_220 = arith.constant 8 : i32
            %eq3A_221 = arith.constant 0 : i32
            %eq3A_222 = arith.cmpi eq, %jit3A_220, %eq3A_221 : i32
            %jit3A_223 = arith.constant 1 : i32
            %select_n3A_224 = arith.select %eq3A_222, %jit3A_223, %jit3A_220 : i32
            %rem3A_225 = arith.remsi %sub3A_184, %select_n3A_224 : i32
            %ne3A_226 = arith.constant 0 : i32
            %ne3A_227 = arith.cmpi ne, %rem3A_225, %ne3A_226 : i32
            %lt3A_228 = arith.constant 0 : i32
            %lt3A_229 = arith.cmpi slt, %rem3A_225, %lt3A_228 : i32
            %lt3A_230 = arith.constant 0 : i32
            %lt3A_231 = arith.cmpi slt, %select_n3A_224, %lt3A_230 : i32
            %ne3A_232 = arith.xori %lt3A_229, %lt3A_231 : i1
            %and3A_233 = arith.andi %ne3A_232, %ne3A_227 : i1
            %add3A_234 = arith.addi %rem3A_225, %select_n3A_224 : i32
            %select_n3A_235 = arith.select %and3A_233, %add3A_234, %rem3A_225 : i32
            %dma_wait3A_236 = tpu.memref_slice %arg4[%multiple_of3A_216] : memref<32832xf32, #tpu.memory_space<vmem>> -> memref<2568xf32, #tpu.memory_space<vmem>>
            %dma_wait3A_237 = tpu.memref_slice %arg3[%multiple_of3A_219] : memref<17301504xf32, #tpu.memory_space<hbm>> -> memref<2568xf32, #tpu.memory_space<hbm>>
            %dma_wait3A_238 = tpu.memref_slice %arg6[%select_n3A_235] : memref<8x!tpu.dma_semaphore, #tpu.memory_space<semaphore_mem>> -> memref<1x!tpu.dma_semaphore, #tpu.memory_space<semaphore_mem>>
            %dma_wait3A_239 = tpu.memref_squeeze %dma_wait3A_238 : memref<1x!tpu.dma_semaphore, #tpu.memory_space<semaphore_mem>> -> memref<!tpu.dma_semaphore, #tpu.memory_space<semaphore_mem>>
            %dma_wait3A_240 = tpu.memref_slice %arg3[%multiple_of3A_219] : memref<17301504xf32, #tpu.memory_space<hbm>> -> memref<2568xf32, #tpu.memory_space<hbm>>
            %dma_wait3A_241 = tpu.memref_slice %arg4[%multiple_of3A_216] : memref<32832xf32, #tpu.memory_space<vmem>> -> memref<2568xf32, #tpu.memory_space<vmem>>
            tpu.wait_dma2 semaphore(%dma_wait3A_239 : memref<!tpu.dma_semaphore, #tpu.memory_space<semaphore_mem>>) src(%dma_wait3A_241 : memref<2568xf32, #tpu.memory_space<vmem>>) dst(%dma_wait3A_240 : memref<2568xf32, #tpu.memory_space<hbm>>)
          } else {
          }
          %lt3A_190 = arith.constant 64 : i32
          %lt3A_191 = arith.cmpi slt, %sub3A_184, %lt3A_190 : i32
          %convert_element_type3A_192 = arith.extui %lt3A_191 : i1 to i32
          %cond3A_193 = arith.constant 0 : i32
          %cond3A_194 = arith.cmpi ne, %convert_element_type3A_192, %cond3A_193 : i32
          scf.if %cond3A_194 {
            %mul3A_195 = arith.constant 32 : i32
            %mul3A_196 = arith.muli %sub3A_184, %mul3A_195 : i32
            %add3A_197 = arith.addi %mul3A_196, %add3A : i32
            %jit3A_198 = arith.constant 8 : i32
            %eq3A_199 = arith.constant 0 : i32
            %eq3A_200 = arith.cmpi eq, %jit3A_198, %eq3A_199 : i32
            %jit3A_201 = arith.constant 1 : i32
            %select_n3A_202 = arith.select %eq3A_200, %jit3A_201, %jit3A_198 : i32
            %rem3A_203 = arith.remsi %sub3A_184, %select_n3A_202 : i32
            %ne3A_204 = arith.constant 0 : i32
            %ne3A_205 = arith.cmpi ne, %rem3A_203, %ne3A_204 : i32
            %lt3A_206 = arith.constant 0 : i32
            %lt3A_207 = arith.cmpi slt, %rem3A_203, %lt3A_206 : i32
            %lt3A_208 = arith.constant 0 : i32
            %lt3A_209 = arith.cmpi slt, %select_n3A_202, %lt3A_208 : i32
            %ne3A_210 = arith.xori %lt3A_207, %lt3A_209 : i1
            %and3A_211 = arith.andi %ne3A_210, %ne3A_205 : i1
            %add3A_212 = arith.addi %rem3A_203, %select_n3A_202 : i32
            %select_n3A_213 = arith.select %and3A_211, %add3A_212, %rem3A_203 : i32
            %mul3A_214 = arith.constant 4104 : i32
            %mul3A_215 = arith.muli %select_n3A_213, %mul3A_214 : i32
            %multiple_of3A_216 = tpu.assume_multiple %mul3A_215, 8 : i32
            %mul3A_217 = arith.constant 4224 : i32
            %mul3A_218 = arith.muli %add3A_197, %mul3A_217 : i32
            %multiple_of3A_219 = tpu.assume_multiple %mul3A_218, 8 : i32
            %jit3A_220 = arith.constant 8 : i32
            %eq3A_221 = arith.constant 0 : i32
            %eq3A_222 = arith.cmpi eq, %jit3A_220, %eq3A_221 : i32
            %jit3A_223 = arith.constant 1 : i32
            %select_n3A_224 = arith.select %eq3A_222, %jit3A_223, %jit3A_220 : i32
            %rem3A_225 = arith.remsi %sub3A_184, %select_n3A_224 : i32
            %ne3A_226 = arith.constant 0 : i32
            %ne3A_227 = arith.cmpi ne, %rem3A_225, %ne3A_226 : i32
            %lt3A_228 = arith.constant 0 : i32
            %lt3A_229 = arith.cmpi slt, %rem3A_225, %lt3A_228 : i32
            %lt3A_230 = arith.constant 0 : i32
            %lt3A_231 = arith.cmpi slt, %select_n3A_224, %lt3A_230 : i32
            %ne3A_232 = arith.xori %lt3A_229, %lt3A_231 : i1
            %and3A_233 = arith.andi %ne3A_232, %ne3A_227 : i1
            %add3A_234 = arith.addi %rem3A_225, %select_n3A_224 : i32
            %select_n3A_235 = arith.select %and3A_233, %add3A_234, %rem3A_225 : i32
            %dma_wait3A_236 = tpu.memref_slice %arg4[%multiple_of3A_216] : memref<32832xf32, #tpu.memory_space<vmem>> -> memref<2056xf32, #tpu.memory_space<vmem>>
            %dma_wait3A_237 = tpu.memref_slice %arg3[%multiple_of3A_219] : memref<17301504xf32, #tpu.memory_space<hbm>> -> memref<2056xf32, #tpu.memory_space<hbm>>
            %dma_wait3A_238 = tpu.memref_slice %arg6[%select_n3A_235] : memref<8x!tpu.dma_semaphore, #tpu.memory_space<semaphore_mem>> -> memref<1x!tpu.dma_semaphore, #tpu.memory_space<semaphore_mem>>
            %dma_wait3A_239 = tpu.memref_squeeze %dma_wait3A_238 : memref<1x!tpu.dma_semaphore, #tpu.memory_space<semaphore_mem>> -> memref<!tpu.dma_semaphore, #tpu.memory_space<semaphore_mem>>
            %dma_wait3A_240 = tpu.memref_slice %arg3[%multiple_of3A_219] : memref<17301504xf32, #tpu.memory_space<hbm>> -> memref<2056xf32, #tpu.memory_space<hbm>>
            %dma_wait3A_241 = tpu.memref_slice %arg4[%multiple_of3A_216] : memref<32832xf32, #tpu.memory_space<vmem>> -> memref<2056xf32, #tpu.memory_space<vmem>>
            tpu.wait_dma2 semaphore(%dma_wait3A_239 : memref<!tpu.dma_semaphore, #tpu.memory_space<semaphore_mem>>) src(%dma_wait3A_241 : memref<2056xf32, #tpu.memory_space<vmem>>) dst(%dma_wait3A_240 : memref<2056xf32, #tpu.memory_space<hbm>>)
          } else {
          }
        } else {
        }
        %lt3A_173 = arith.constant 80 : i32
        %lt3A_174 = arith.cmpi slt, %add3A_56, %lt3A_173 : i32
        %convert_element_type3A_175 = arith.extui %lt3A_174 : i1 to i32
        %cond3A_176 = arith.constant 0 : i32
        %cond3A_177 = arith.cmpi ne, %convert_element_type3A_175, %cond3A_176 : i32
        scf.if %cond3A_177 {
          %mul3A_183 = arith.constant 32 : i32
          %mul3A_184 = arith.muli %add3A_56, %mul3A_183 : i32
          %add3A_185 = arith.addi %mul3A_184, %add3A : i32
          %add3A_186 = arith.constant 1 : i32
          %add3A_187 = arith.addi %add3A_185, %add3A_186 : i32
          %mul3A_188 = arith.muli %add3A_185, %add3A_187 : i32
          %jit3A_189 = arith.constant 2 : i32
          %div3A_190 = arith.divsi %mul3A_188, %jit3A_189 : i32
          %sign3A_191 = arith.constant 0 : i32
          %sign3A_192 = arith.cmpi sgt, %mul3A_188, %sign3A_191 : i32
          %sign3A_193 = arith.extui %sign3A_192 : i1 to i32
          %sign3A_194 = arith.constant 0 : i32
          %sign3A_195 = arith.cmpi slt, %mul3A_188, %sign3A_194 : i32
          %sign3A_196 = arith.extui %sign3A_195 : i1 to i32
          %sign3A_197 = arith.subi %sign3A_193, %sign3A_196 : i32
          %sign3A_198 = arith.constant 0 : i32
          %sign3A_199 = arith.cmpi sgt, %jit3A_189, %sign3A_198 : i32
          %sign3A_200 = arith.extui %sign3A_199 : i1 to i32
          %sign3A_201 = arith.constant 0 : i32
          %sign3A_202 = arith.cmpi slt, %jit3A_189, %sign3A_201 : i32
          %sign3A_203 = arith.extui %sign3A_202 : i1 to i32
          %sign3A_204 = arith.subi %sign3A_200, %sign3A_203 : i32
          %ne3A_205 = arith.cmpi ne, %sign3A_197, %sign3A_204 : i32
          %rem3A_206 = arith.remsi %mul3A_188, %jit3A_189 : i32
          %ne3A_207 = arith.constant 0 : i32
          %ne3A_208 = arith.cmpi ne, %rem3A_206, %ne3A_207 : i32
          %and3A_209 = arith.andi %ne3A_205, %ne3A_208 : i1
          %sub3A_210 = arith.constant 1 : i32
          %sub3A_211 = arith.subi %div3A_190, %sub3A_210 : i32
          %select_n3A_212 = arith.select %and3A_209, %sub3A_211, %div3A_190 : i32
          %and3A_213 = arith.constant -8 : i32
          %and3A_214 = arith.andi %select_n3A_212, %and3A_213 : i32
          %min3A_215 = arith.constant 8388088 : i32
          %min3A_216 = arith.minsi %and3A_214, %min3A_215 : i32
          %multiple_of3A_217 = tpu.assume_multiple %min3A_216, 8 : i32
          %jit3A_218 = arith.constant 8 : i32
          %eq3A_219 = arith.constant 0 : i32
          %eq3A_220 = arith.cmpi eq, %jit3A_218, %eq3A_219 : i32
          %jit3A_221 = arith.constant 1 : i32
          %select_n3A_222 = arith.select %eq3A_220, %jit3A_221, %jit3A_218 : i32
          %rem3A_223 = arith.remsi %add3A_56, %select_n3A_222 : i32
          %ne3A_224 = arith.constant 0 : i32
          %ne3A_225 = arith.cmpi ne, %rem3A_223, %ne3A_224 : i32
          %lt3A_226 = arith.constant 0 : i32
          %lt3A_227 = arith.cmpi slt, %rem3A_223, %lt3A_226 : i32
          %lt3A_228 = arith.constant 0 : i32
          %lt3A_229 = arith.cmpi slt, %select_n3A_222, %lt3A_228 : i32
          %ne3A_230 = arith.xori %lt3A_227, %lt3A_229 : i1
          %and3A_231 = arith.andi %ne3A_230, %ne3A_225 : i1
          %add3A_232 = arith.addi %rem3A_223, %select_n3A_222 : i32
          %select_n3A_233 = arith.select %and3A_231, %add3A_232, %rem3A_223 : i32
          %mul3A_234 = arith.constant 4104 : i32
          %mul3A_235 = arith.muli %select_n3A_233, %mul3A_234 : i32
          %multiple_of3A_236 = tpu.assume_multiple %mul3A_235, 8 : i32
          %jit3A_237 = arith.constant 8 : i32
          %eq3A_238 = arith.constant 0 : i32
          %eq3A_239 = arith.cmpi eq, %jit3A_237, %eq3A_238 : i32
          %jit3A_240 = arith.constant 1 : i32
          %select_n3A_241 = arith.select %eq3A_239, %jit3A_240, %jit3A_237 : i32
          %rem3A_242 = arith.remsi %add3A_56, %select_n3A_241 : i32
          %ne3A_243 = arith.constant 0 : i32
          %ne3A_244 = arith.cmpi ne, %rem3A_242, %ne3A_243 : i32
          %lt3A_245 = arith.constant 0 : i32
          %lt3A_246 = arith.cmpi slt, %rem3A_242, %lt3A_245 : i32
          %lt3A_247 = arith.constant 0 : i32
          %lt3A_248 = arith.cmpi slt, %select_n3A_241, %lt3A_247 : i32
          %ne3A_249 = arith.xori %lt3A_246, %lt3A_248 : i1
          %and3A_250 = arith.andi %ne3A_249, %ne3A_244 : i1
          %add3A_251 = arith.addi %rem3A_242, %select_n3A_241 : i32
          %select_n3A_252 = arith.select %and3A_250, %add3A_251, %rem3A_242 : i32
          %dma_start3A_253 = tpu.memref_slice %arg4[%multiple_of3A_236] : memref<32832xf32, #tpu.memory_space<vmem>> -> memref<2568xf32, #tpu.memory_space<vmem>>
          %dma_start3A_254 = tpu.memref_slice %arg2[%multiple_of3A_217] : memref<8390656xf32, #tpu.memory_space<hbm>> -> memref<2568xf32, #tpu.memory_space<hbm>>
          %dma_start3A_255 = tpu.memref_slice %arg5[%select_n3A_252] : memref<8x!tpu.dma_semaphore, #tpu.memory_space<semaphore_mem>> -> memref<1x!tpu.dma_semaphore, #tpu.memory_space<semaphore_mem>>
          %dma_start3A_256 = tpu.memref_squeeze %dma_start3A_255 : memref<1x!tpu.dma_semaphore, #tpu.memory_space<semaphore_mem>> -> memref<!tpu.dma_semaphore, #tpu.memory_space<semaphore_mem>>
          %dma_start3A_257 = tpu.memref_slice %arg4[%multiple_of3A_236] : memref<32832xf32, #tpu.memory_space<vmem>> -> memref<2568xf32, #tpu.memory_space<vmem>>
          %dma_start3A_258 = tpu.memref_slice %arg2[%multiple_of3A_217] : memref<8390656xf32, #tpu.memory_space<hbm>> -> memref<2568xf32, #tpu.memory_space<hbm>>
          tpu.enqueue_dma source(%dma_start3A_258 : memref<2568xf32, #tpu.memory_space<hbm>>) target(%dma_start3A_257 : memref<2568xf32, #tpu.memory_space<vmem>>) target_semaphore(%dma_start3A_256 : memref<!tpu.dma_semaphore, #tpu.memory_space<semaphore_mem>>)
        } else {
        }
        %ge3A_178 = arith.constant 80 : i32
        %ge3A_179 = arith.cmpi sge, %add3A_56, %ge3A_178 : i32
        %convert_element_type3A_180 = arith.extui %ge3A_179 : i1 to i32
        %cond3A_181 = arith.constant 0 : i32
        %cond3A_182 = arith.cmpi ne, %convert_element_type3A_180, %cond3A_181 : i32
        scf.if %cond3A_182 {
          %mul3A_183 = arith.constant 32 : i32
          %mul3A_184 = arith.muli %add3A_56, %mul3A_183 : i32
          %add3A_185 = arith.addi %mul3A_184, %add3A : i32
          %add3A_186 = arith.constant 1 : i32
          %add3A_187 = arith.addi %add3A_185, %add3A_186 : i32
          %mul3A_188 = arith.muli %add3A_185, %add3A_187 : i32
          %jit3A_189 = arith.constant 2 : i32
          %div3A_190 = arith.divsi %mul3A_188, %jit3A_189 : i32
          %sign3A_191 = arith.constant 0 : i32
          %sign3A_192 = arith.cmpi sgt, %mul3A_188, %sign3A_191 : i32
          %sign3A_193 = arith.extui %sign3A_192 : i1 to i32
          %sign3A_194 = arith.constant 0 : i32
          %sign3A_195 = arith.cmpi slt, %mul3A_188, %sign3A_194 : i32
          %sign3A_196 = arith.extui %sign3A_195 : i1 to i32
          %sign3A_197 = arith.subi %sign3A_193, %sign3A_196 : i32
          %sign3A_198 = arith.constant 0 : i32
          %sign3A_199 = arith.cmpi sgt, %jit3A_189, %sign3A_198 : i32
          %sign3A_200 = arith.extui %sign3A_199 : i1 to i32
          %sign3A_201 = arith.constant 0 : i32
          %sign3A_202 = arith.cmpi slt, %jit3A_189, %sign3A_201 : i32
          %sign3A_203 = arith.extui %sign3A_202 : i1 to i32
          %sign3A_204 = arith.subi %sign3A_200, %sign3A_203 : i32
          %ne3A_205 = arith.cmpi ne, %sign3A_197, %sign3A_204 : i32
          %rem3A_206 = arith.remsi %mul3A_188, %jit3A_189 : i32
          %ne3A_207 = arith.constant 0 : i32
          %ne3A_208 = arith.cmpi ne, %rem3A_206, %ne3A_207 : i32
          %and3A_209 = arith.andi %ne3A_205, %ne3A_208 : i1
          %sub3A_210 = arith.constant 1 : i32
          %sub3A_211 = arith.subi %div3A_190, %sub3A_210 : i32
          %select_n3A_212 = arith.select %and3A_209, %sub3A_211, %div3A_190 : i32
          %and3A_213 = arith.constant -8 : i32
          %and3A_214 = arith.andi %select_n3A_212, %and3A_213 : i32
          %min3A_215 = arith.constant 8387576 : i32
          %min3A_216 = arith.minsi %and3A_214, %min3A_215 : i32
          %multiple_of3A_217 = tpu.assume_multiple %min3A_216, 8 : i32
          %jit3A_218 = arith.constant 8 : i32
          %eq3A_219 = arith.constant 0 : i32
          %eq3A_220 = arith.cmpi eq, %jit3A_218, %eq3A_219 : i32
          %jit3A_221 = arith.constant 1 : i32
          %select_n3A_222 = arith.select %eq3A_220, %jit3A_221, %jit3A_218 : i32
          %rem3A_223 = arith.remsi %add3A_56, %select_n3A_222 : i32
          %ne3A_224 = arith.constant 0 : i32
          %ne3A_225 = arith.cmpi ne, %rem3A_223, %ne3A_224 : i32
          %lt3A_226 = arith.constant 0 : i32
          %lt3A_227 = arith.cmpi slt, %rem3A_223, %lt3A_226 : i32
          %lt3A_228 = arith.constant 0 : i32
          %lt3A_229 = arith.cmpi slt, %select_n3A_222, %lt3A_228 : i32
          %ne3A_230 = arith.xori %lt3A_227, %lt3A_229 : i1
          %and3A_231 = arith.andi %ne3A_230, %ne3A_225 : i1
          %add3A_232 = arith.addi %rem3A_223, %select_n3A_222 : i32
          %select_n3A_233 = arith.select %and3A_231, %add3A_232, %rem3A_223 : i32
          %mul3A_234 = arith.constant 4104 : i32
          %mul3A_235 = arith.muli %select_n3A_233, %mul3A_234 : i32
          %multiple_of3A_236 = tpu.assume_multiple %mul3A_235, 8 : i32
          %jit3A_237 = arith.constant 8 : i32
          %eq3A_238 = arith.constant 0 : i32
          %eq3A_239 = arith.cmpi eq, %jit3A_237, %eq3A_238 : i32
          %jit3A_240 = arith.constant 1 : i32
          %select_n3A_241 = arith.select %eq3A_239, %jit3A_240, %jit3A_237 : i32
          %rem3A_242 = arith.remsi %add3A_56, %select_n3A_241 : i32
          %ne3A_243 = arith.constant 0 : i32
          %ne3A_244 = arith.cmpi ne, %rem3A_242, %ne3A_243 : i32
          %lt3A_245 = arith.constant 0 : i32
          %lt3A_246 = arith.cmpi slt, %rem3A_242, %lt3A_245 : i32
          %lt3A_247 = arith.constant 0 : i32
          %lt3A_248 = arith.cmpi slt, %select_n3A_241, %lt3A_247 : i32
          %ne3A_249 = arith.xori %lt3A_246, %lt3A_248 : i1
          %and3A_250 = arith.andi %ne3A_249, %ne3A_244 : i1
          %add3A_251 = arith.addi %rem3A_242, %select_n3A_241 : i32
          %select_n3A_252 = arith.select %and3A_250, %add3A_251, %rem3A_242 : i32
          %dma_start3A_253 = tpu.memref_slice %arg4[%multiple_of3A_236] : memref<32832xf32, #tpu.memory_space<vmem>> -> memref<3080xf32, #tpu.memory_space<vmem>>
          %dma_start3A_254 = tpu.memref_slice %arg2[%multiple_of3A_217] : memref<8390656xf32, #tpu.memory_space<hbm>> -> memref<3080xf32, #tpu.memory_space<hbm>>
          %dma_start3A_255 = tpu.memref_slice %arg5[%select_n3A_252] : memref<8x!tpu.dma_semaphore, #tpu.memory_space<semaphore_mem>> -> memref<1x!tpu.dma_semaphore, #tpu.memory_space<semaphore_mem>>
          %dma_start3A_256 = tpu.memref_squeeze %dma_start3A_255 : memref<1x!tpu.dma_semaphore, #tpu.memory_space<semaphore_mem>> -> memref<!tpu.dma_semaphore, #tpu.memory_space<semaphore_mem>>
          %dma_start3A_257 = tpu.memref_slice %arg4[%multiple_of3A_236] : memref<32832xf32, #tpu.memory_space<vmem>> -> memref<3080xf32, #tpu.memory_space<vmem>>
          %dma_start3A_258 = tpu.memref_slice %arg2[%multiple_of3A_217] : memref<8390656xf32, #tpu.memory_space<hbm>> -> memref<3080xf32, #tpu.memory_space<hbm>>
          tpu.enqueue_dma source(%dma_start3A_258 : memref<3080xf32, #tpu.memory_space<hbm>>) target(%dma_start3A_257 : memref<3080xf32, #tpu.memory_space<vmem>>) target_semaphore(%dma_start3A_256 : memref<!tpu.dma_semaphore, #tpu.memory_space<semaphore_mem>>)
        } else {
        }
      } else {
      }
      %mul3A_59 = arith.constant 32 : i32
      %mul3A_60 = arith.muli %add3A_54, %mul3A_59 : i32
      %add3A_61 = arith.addi %mul3A_60, %add3A : i32
      %add3A_62 = arith.constant 1 : i32
      %add3A_63 = arith.addi %add3A_61, %add3A_62 : i32
      %mul3A_64 = arith.muli %add3A_61, %add3A_63 : i32
      %jit3A = arith.constant 2 : i32
      %div3A = arith.divsi %mul3A_64, %jit3A : i32
      %sign3A = arith.constant 0 : i32
      %sign3A_65 = arith.cmpi sgt, %mul3A_64, %sign3A : i32
      %sign3A_66 = arith.extui %sign3A_65 : i1 to i32
      %sign3A_67 = arith.constant 0 : i32
      %sign3A_68 = arith.cmpi slt, %mul3A_64, %sign3A_67 : i32
      %sign3A_69 = arith.extui %sign3A_68 : i1 to i32
      %sign3A_70 = arith.subi %sign3A_66, %sign3A_69 : i32
      %sign3A_71 = arith.constant 0 : i32
      %sign3A_72 = arith.cmpi sgt, %jit3A, %sign3A_71 : i32
      %sign3A_73 = arith.extui %sign3A_72 : i1 to i32
      %sign3A_74 = arith.constant 0 : i32
      %sign3A_75 = arith.cmpi slt, %jit3A, %sign3A_74 : i32
      %sign3A_76 = arith.extui %sign3A_75 : i1 to i32
      %sign3A_77 = arith.subi %sign3A_73, %sign3A_76 : i32
      %ne3A = arith.cmpi ne, %sign3A_70, %sign3A_77 : i32
      %rem3A = arith.remsi %mul3A_64, %jit3A : i32
      %ne3A_78 = arith.constant 0 : i32
      %ne3A_79 = arith.cmpi ne, %rem3A, %ne3A_78 : i32
      %and3A = arith.andi %ne3A, %ne3A_79 : i1
      %sub3A = arith.constant 1 : i32
      %sub3A_80 = arith.subi %div3A, %sub3A : i32
      %select_n3A = arith.select %and3A, %sub3A_80, %div3A : i32
      %and3A_81 = arith.constant -8 : i32
      %and3A_82 = arith.andi %select_n3A, %and3A_81 : i32
      %min3A = arith.constant 8388088 : i32
      %min3A_83 = arith.minsi %and3A_82, %min3A : i32
      %multiple_of3A = tpu.assume_multiple %min3A_83, 8 : i32
      %jit3A_84 = arith.constant 8 : i32
      %eq3A = arith.constant 0 : i32
      %eq3A_85 = arith.cmpi eq, %jit3A_84, %eq3A : i32
      %jit3A_86 = arith.constant 1 : i32
      %select_n3A_87 = arith.select %eq3A_85, %jit3A_86, %jit3A_84 : i32
      %rem3A_88 = arith.remsi %add3A_54, %select_n3A_87 : i32
      %ne3A_89 = arith.constant 0 : i32
      %ne3A_90 = arith.cmpi ne, %rem3A_88, %ne3A_89 : i32
      %lt3A_91 = arith.constant 0 : i32
      %lt3A_92 = arith.cmpi slt, %rem3A_88, %lt3A_91 : i32
      %lt3A_93 = arith.constant 0 : i32
      %lt3A_94 = arith.cmpi slt, %select_n3A_87, %lt3A_93 : i32
      %ne3A_95 = arith.xori %lt3A_92, %lt3A_94 : i1
      %and3A_96 = arith.andi %ne3A_95, %ne3A_90 : i1
      %add3A_97 = arith.addi %rem3A_88, %select_n3A_87 : i32
      %select_n3A_98 = arith.select %and3A_96, %add3A_97, %rem3A_88 : i32
      %mul3A_99 = arith.constant 4104 : i32
      %mul3A_100 = arith.muli %select_n3A_98, %mul3A_99 : i32
      %multiple_of3A_101 = tpu.assume_multiple %mul3A_100, 8 : i32
      %jit3A_102 = arith.constant 8 : i32
      %eq3A_103 = arith.constant 0 : i32
      %eq3A_104 = arith.cmpi eq, %jit3A_102, %eq3A_103 : i32
      %jit3A_105 = arith.constant 1 : i32
      %select_n3A_106 = arith.select %eq3A_104, %jit3A_105, %jit3A_102 : i32
      %rem3A_107 = arith.remsi %add3A_54, %select_n3A_106 : i32
      %ne3A_108 = arith.constant 0 : i32
      %ne3A_109 = arith.cmpi ne, %rem3A_107, %ne3A_108 : i32
      %lt3A_110 = arith.constant 0 : i32
      %lt3A_111 = arith.cmpi slt, %rem3A_107, %lt3A_110 : i32
      %lt3A_112 = arith.constant 0 : i32
      %lt3A_113 = arith.cmpi slt, %select_n3A_106, %lt3A_112 : i32
      %ne3A_114 = arith.xori %lt3A_111, %lt3A_113 : i1
      %and3A_115 = arith.andi %ne3A_114, %ne3A_109 : i1
      %add3A_116 = arith.addi %rem3A_107, %select_n3A_106 : i32
      %select_n3A_117 = arith.select %and3A_115, %add3A_116, %rem3A_107 : i32
      %dma_wait3A = tpu.memref_slice %arg4[%multiple_of3A_101] : memref<32832xf32, #tpu.memory_space<vmem>> -> memref<2568xf32, #tpu.memory_space<vmem>>
      %dma_wait3A_118 = tpu.memref_slice %arg2[%multiple_of3A] : memref<8390656xf32, #tpu.memory_space<hbm>> -> memref<2568xf32, #tpu.memory_space<hbm>>
      %dma_wait3A_119 = tpu.memref_slice %arg5[%select_n3A_117] : memref<8x!tpu.dma_semaphore, #tpu.memory_space<semaphore_mem>> -> memref<1x!tpu.dma_semaphore, #tpu.memory_space<semaphore_mem>>
      %dma_wait3A_120 = tpu.memref_squeeze %dma_wait3A_119 : memref<1x!tpu.dma_semaphore, #tpu.memory_space<semaphore_mem>> -> memref<!tpu.dma_semaphore, #tpu.memory_space<semaphore_mem>>
      %dma_wait3A_121 = tpu.memref_slice %arg4[%multiple_of3A_101] : memref<32832xf32, #tpu.memory_space<vmem>> -> memref<2568xf32, #tpu.memory_space<vmem>>
      %dma_wait3A_122 = tpu.memref_slice %arg2[%multiple_of3A] : memref<8390656xf32, #tpu.memory_space<hbm>> -> memref<2568xf32, #tpu.memory_space<hbm>>
      tpu.wait_dma2 semaphore(%dma_wait3A_120 : memref<!tpu.dma_semaphore, #tpu.memory_space<semaphore_mem>>) src(%dma_wait3A_122 : memref<2568xf32, #tpu.memory_space<hbm>>) dst(%dma_wait3A_121 : memref<2568xf32, #tpu.memory_space<vmem>>)
      %mul3A_123 = arith.constant 32 : i32
      %mul3A_124 = arith.muli %add3A_54, %mul3A_123 : i32
      %add3A_125 = arith.addi %mul3A_124, %add3A : i32
      %jit3A_126 = arith.constant 8 : i32
      %eq3A_127 = arith.constant 0 : i32
      %eq3A_128 = arith.cmpi eq, %jit3A_126, %eq3A_127 : i32
      %jit3A_129 = arith.constant 1 : i32
      %select_n3A_130 = arith.select %eq3A_128, %jit3A_129, %jit3A_126 : i32
      %rem3A_131 = arith.remsi %add3A_54, %select_n3A_130 : i32
      %ne3A_132 = arith.constant 0 : i32
      %ne3A_133 = arith.cmpi ne, %rem3A_131, %ne3A_132 : i32
      %lt3A_134 = arith.constant 0 : i32
      %lt3A_135 = arith.cmpi slt, %rem3A_131, %lt3A_134 : i32
      %lt3A_136 = arith.constant 0 : i32
      %lt3A_137 = arith.cmpi slt, %select_n3A_130, %lt3A_136 : i32
      %ne3A_138 = arith.xori %lt3A_135, %lt3A_137 : i1
      %and3A_139 = arith.andi %ne3A_138, %ne3A_133 : i1
      %add3A_140 = arith.addi %rem3A_131, %select_n3A_130 : i32
      %select_n3A_141 = arith.select %and3A_139, %add3A_140, %rem3A_131 : i32
      %mul3A_142 = arith.constant 4104 : i32
      %mul3A_143 = arith.muli %select_n3A_141, %mul3A_142 : i32
      %multiple_of3A_144 = tpu.assume_multiple %mul3A_143, 8 : i32
      %mul3A_145 = arith.constant 4224 : i32
      %mul3A_146 = arith.muli %add3A_125, %mul3A_145 : i32
      %multiple_of3A_147 = tpu.assume_multiple %mul3A_146, 8 : i32
      %jit3A_148 = arith.constant 8 : i32
      %eq3A_149 = arith.constant 0 : i32
      %eq3A_150 = arith.cmpi eq, %jit3A_148, %eq3A_149 : i32
      %jit3A_151 = arith.constant 1 : i32
      %select_n3A_152 = arith.select %eq3A_150, %jit3A_151, %jit3A_148 : i32
      %rem3A_153 = arith.remsi %add3A_54, %select_n3A_152 : i32
      %ne3A_154 = arith.constant 0 : i32
      %ne3A_155 = arith.cmpi ne, %rem3A_153, %ne3A_154 : i32
      %lt3A_156 = arith.constant 0 : i32
      %lt3A_157 = arith.cmpi slt, %rem3A_153, %lt3A_156 : i32
      %lt3A_158 = arith.constant 0 : i32
      %lt3A_159 = arith.cmpi slt, %select_n3A_152, %lt3A_158 : i32
      %ne3A_160 = arith.xori %lt3A_157, %lt3A_159 : i1
      %and3A_161 = arith.andi %ne3A_160, %ne3A_155 : i1
      %add3A_162 = arith.addi %rem3A_153, %select_n3A_152 : i32
      %select_n3A_163 = arith.select %and3A_161, %add3A_162, %rem3A_153 : i32
      %dma_start3A = tpu.memref_slice %arg4[%multiple_of3A_144] : memref<32832xf32, #tpu.memory_space<vmem>> -> memref<2568xf32, #tpu.memory_space<vmem>>
      %dma_start3A_164 = tpu.memref_slice %arg3[%multiple_of3A_147] : memref<17301504xf32, #tpu.memory_space<hbm>> -> memref<2568xf32, #tpu.memory_space<hbm>>
      %dma_start3A_165 = tpu.memref_slice %arg6[%select_n3A_163] : memref<8x!tpu.dma_semaphore, #tpu.memory_space<semaphore_mem>> -> memref<1x!tpu.dma_semaphore, #tpu.memory_space<semaphore_mem>>
      %dma_start3A_166 = tpu.memref_squeeze %dma_start3A_165 : memref<1x!tpu.dma_semaphore, #tpu.memory_space<semaphore_mem>> -> memref<!tpu.dma_semaphore, #tpu.memory_space<semaphore_mem>>
      %dma_start3A_167 = tpu.memref_slice %arg3[%multiple_of3A_147] : memref<17301504xf32, #tpu.memory_space<hbm>> -> memref<2568xf32, #tpu.memory_space<hbm>>
      %dma_start3A_168 = tpu.memref_slice %arg4[%multiple_of3A_144] : memref<32832xf32, #tpu.memory_space<vmem>> -> memref<2568xf32, #tpu.memory_space<vmem>>
      tpu.enqueue_dma source(%dma_start3A_168 : memref<2568xf32, #tpu.memory_space<vmem>>) target(%dma_start3A_167 : memref<2568xf32, #tpu.memory_space<hbm>>) target_semaphore(%dma_start3A_166 : memref<!tpu.dma_semaphore, #tpu.memory_space<semaphore_mem>>)
    }
    %scan3A_29 = arith.constant 16 : i32
    %scan3A_30 = arith.constant 0 : i32
    %scan3A_31 = arith.constant 16 : i32
    %scan3A_32 = arith.addi %scan3A_30, %scan3A_31 : i32
    %scan3A_33 = arith.constant 1 : i32
    scf.for %scan3A_50 = %scan3A_30 to %scan3A_32 step %scan3A_33  : i32 {
      %mul3A_51 = arith.constant 1 : i32
      %mul3A_52 = arith.muli %scan3A_50, %mul3A_51 : i32
      %add3A_53 = arith.constant 80 : i32
      %add3A_54 = arith.addi %add3A_53, %mul3A_52 : i32
      %add3A_55 = arith.constant 4 : i32
      %add3A_56 = arith.addi %add3A_54, %add3A_55 : i32
      %lt3A = arith.constant 128 : i32
      %lt3A_57 = arith.cmpi slt, %add3A_56, %lt3A : i32
      %convert_element_type3A = arith.extui %lt3A_57 : i1 to i32
      %cond3A = arith.constant 0 : i32
      %cond3A_58 = arith.cmpi ne, %convert_element_type3A, %cond3A : i32
      scf.if %cond3A_58 {
        %ge3A = arith.constant 8 : i32
        %ge3A_169 = arith.cmpi sge, %add3A_56, %ge3A : i32
        %convert_element_type3A_170 = arith.extui %ge3A_169 : i1 to i32
        %cond3A_171 = arith.constant 0 : i32
        %cond3A_172 = arith.cmpi ne, %convert_element_type3A_170, %cond3A_171 : i32
        scf.if %cond3A_172 {
          %sub3A_183 = arith.constant 8 : i32
          %sub3A_184 = arith.subi %add3A_56, %sub3A_183 : i32
          %ge3A_185 = arith.constant 80 : i32
          %ge3A_186 = arith.cmpi sge, %sub3A_184, %ge3A_185 : i32
          %convert_element_type3A_187 = arith.extui %ge3A_186 : i1 to i32
          %cond3A_188 = arith.constant 0 : i32
          %cond3A_189 = arith.cmpi ne, %convert_element_type3A_187, %cond3A_188 : i32
          scf.if %cond3A_189 {
            %mul3A_195 = arith.constant 32 : i32
            %mul3A_196 = arith.muli %sub3A_184, %mul3A_195 : i32
            %add3A_197 = arith.addi %mul3A_196, %add3A : i32
            %jit3A_198 = arith.constant 8 : i32
            %eq3A_199 = arith.constant 0 : i32
            %eq3A_200 = arith.cmpi eq, %jit3A_198, %eq3A_199 : i32
            %jit3A_201 = arith.constant 1 : i32
            %select_n3A_202 = arith.select %eq3A_200, %jit3A_201, %jit3A_198 : i32
            %rem3A_203 = arith.remsi %sub3A_184, %select_n3A_202 : i32
            %ne3A_204 = arith.constant 0 : i32
            %ne3A_205 = arith.cmpi ne, %rem3A_203, %ne3A_204 : i32
            %lt3A_206 = arith.constant 0 : i32
            %lt3A_207 = arith.cmpi slt, %rem3A_203, %lt3A_206 : i32
            %lt3A_208 = arith.constant 0 : i32
            %lt3A_209 = arith.cmpi slt, %select_n3A_202, %lt3A_208 : i32
            %ne3A_210 = arith.xori %lt3A_207, %lt3A_209 : i1
            %and3A_211 = arith.andi %ne3A_210, %ne3A_205 : i1
            %add3A_212 = arith.addi %rem3A_203, %select_n3A_202 : i32
            %select_n3A_213 = arith.select %and3A_211, %add3A_212, %rem3A_203 : i32
            %mul3A_214 = arith.constant 4104 : i32
            %mul3A_215 = arith.muli %select_n3A_213, %mul3A_214 : i32
            %multiple_of3A_216 = tpu.assume_multiple %mul3A_215, 8 : i32
            %mul3A_217 = arith.constant 4224 : i32
            %mul3A_218 = arith.muli %add3A_197, %mul3A_217 : i32
            %multiple_of3A_219 = tpu.assume_multiple %mul3A_218, 8 : i32
            %jit3A_220 = arith.constant 8 : i32
            %eq3A_221 = arith.constant 0 : i32
            %eq3A_222 = arith.cmpi eq, %jit3A_220, %eq3A_221 : i32
            %jit3A_223 = arith.constant 1 : i32
            %select_n3A_224 = arith.select %eq3A_222, %jit3A_223, %jit3A_220 : i32
            %rem3A_225 = arith.remsi %sub3A_184, %select_n3A_224 : i32
            %ne3A_226 = arith.constant 0 : i32
            %ne3A_227 = arith.cmpi ne, %rem3A_225, %ne3A_226 : i32
            %lt3A_228 = arith.constant 0 : i32
            %lt3A_229 = arith.cmpi slt, %rem3A_225, %lt3A_228 : i32
            %lt3A_230 = arith.constant 0 : i32
            %lt3A_231 = arith.cmpi slt, %select_n3A_224, %lt3A_230 : i32
            %ne3A_232 = arith.xori %lt3A_229, %lt3A_231 : i1
            %and3A_233 = arith.andi %ne3A_232, %ne3A_227 : i1
            %add3A_234 = arith.addi %rem3A_225, %select_n3A_224 : i32
            %select_n3A_235 = arith.select %and3A_233, %add3A_234, %rem3A_225 : i32
            %dma_wait3A_236 = tpu.memref_slice %arg4[%multiple_of3A_216] : memref<32832xf32, #tpu.memory_space<vmem>> -> memref<3080xf32, #tpu.memory_space<vmem>>
            %dma_wait3A_237 = tpu.memref_slice %arg3[%multiple_of3A_219] : memref<17301504xf32, #tpu.memory_space<hbm>> -> memref<3080xf32, #tpu.memory_space<hbm>>
            %dma_wait3A_238 = tpu.memref_slice %arg6[%select_n3A_235] : memref<8x!tpu.dma_semaphore, #tpu.memory_space<semaphore_mem>> -> memref<1x!tpu.dma_semaphore, #tpu.memory_space<semaphore_mem>>
            %dma_wait3A_239 = tpu.memref_squeeze %dma_wait3A_238 : memref<1x!tpu.dma_semaphore, #tpu.memory_space<semaphore_mem>> -> memref<!tpu.dma_semaphore, #tpu.memory_space<semaphore_mem>>
            %dma_wait3A_240 = tpu.memref_slice %arg3[%multiple_of3A_219] : memref<17301504xf32, #tpu.memory_space<hbm>> -> memref<3080xf32, #tpu.memory_space<hbm>>
            %dma_wait3A_241 = tpu.memref_slice %arg4[%multiple_of3A_216] : memref<32832xf32, #tpu.memory_space<vmem>> -> memref<3080xf32, #tpu.memory_space<vmem>>
            tpu.wait_dma2 semaphore(%dma_wait3A_239 : memref<!tpu.dma_semaphore, #tpu.memory_space<semaphore_mem>>) src(%dma_wait3A_241 : memref<3080xf32, #tpu.memory_space<vmem>>) dst(%dma_wait3A_240 : memref<3080xf32, #tpu.memory_space<hbm>>)
          } else {
          }
          %lt3A_190 = arith.constant 80 : i32
          %lt3A_191 = arith.cmpi slt, %sub3A_184, %lt3A_190 : i32
          %convert_element_type3A_192 = arith.extui %lt3A_191 : i1 to i32
          %cond3A_193 = arith.constant 0 : i32
          %cond3A_194 = arith.cmpi ne, %convert_element_type3A_192, %cond3A_193 : i32
          scf.if %cond3A_194 {
            %mul3A_195 = arith.constant 32 : i32
            %mul3A_196 = arith.muli %sub3A_184, %mul3A_195 : i32
            %add3A_197 = arith.addi %mul3A_196, %add3A : i32
            %jit3A_198 = arith.constant 8 : i32
            %eq3A_199 = arith.constant 0 : i32
            %eq3A_200 = arith.cmpi eq, %jit3A_198, %eq3A_199 : i32
            %jit3A_201 = arith.constant 1 : i32
            %select_n3A_202 = arith.select %eq3A_200, %jit3A_201, %jit3A_198 : i32
            %rem3A_203 = arith.remsi %sub3A_184, %select_n3A_202 : i32
            %ne3A_204 = arith.constant 0 : i32
            %ne3A_205 = arith.cmpi ne, %rem3A_203, %ne3A_204 : i32
            %lt3A_206 = arith.constant 0 : i32
            %lt3A_207 = arith.cmpi slt, %rem3A_203, %lt3A_206 : i32
            %lt3A_208 = arith.constant 0 : i32
            %lt3A_209 = arith.cmpi slt, %select_n3A_202, %lt3A_208 : i32
            %ne3A_210 = arith.xori %lt3A_207, %lt3A_209 : i1
            %and3A_211 = arith.andi %ne3A_210, %ne3A_205 : i1
            %add3A_212 = arith.addi %rem3A_203, %select_n3A_202 : i32
            %select_n3A_213 = arith.select %and3A_211, %add3A_212, %rem3A_203 : i32
            %mul3A_214 = arith.constant 4104 : i32
            %mul3A_215 = arith.muli %select_n3A_213, %mul3A_214 : i32
            %multiple_of3A_216 = tpu.assume_multiple %mul3A_215, 8 : i32
            %mul3A_217 = arith.constant 4224 : i32
            %mul3A_218 = arith.muli %add3A_197, %mul3A_217 : i32
            %multiple_of3A_219 = tpu.assume_multiple %mul3A_218, 8 : i32
            %jit3A_220 = arith.constant 8 : i32
            %eq3A_221 = arith.constant 0 : i32
            %eq3A_222 = arith.cmpi eq, %jit3A_220, %eq3A_221 : i32
            %jit3A_223 = arith.constant 1 : i32
            %select_n3A_224 = arith.select %eq3A_222, %jit3A_223, %jit3A_220 : i32
            %rem3A_225 = arith.remsi %sub3A_184, %select_n3A_224 : i32
            %ne3A_226 = arith.constant 0 : i32
            %ne3A_227 = arith.cmpi ne, %rem3A_225, %ne3A_226 : i32
            %lt3A_228 = arith.constant 0 : i32
            %lt3A_229 = arith.cmpi slt, %rem3A_225, %lt3A_228 : i32
            %lt3A_230 = arith.constant 0 : i32
            %lt3A_231 = arith.cmpi slt, %select_n3A_224, %lt3A_230 : i32
            %ne3A_232 = arith.xori %lt3A_229, %lt3A_231 : i1
            %and3A_233 = arith.andi %ne3A_232, %ne3A_227 : i1
            %add3A_234 = arith.addi %rem3A_225, %select_n3A_224 : i32
            %select_n3A_235 = arith.select %and3A_233, %add3A_234, %rem3A_225 : i32
            %dma_wait3A_236 = tpu.memref_slice %arg4[%multiple_of3A_216] : memref<32832xf32, #tpu.memory_space<vmem>> -> memref<2568xf32, #tpu.memory_space<vmem>>
            %dma_wait3A_237 = tpu.memref_slice %arg3[%multiple_of3A_219] : memref<17301504xf32, #tpu.memory_space<hbm>> -> memref<2568xf32, #tpu.memory_space<hbm>>
            %dma_wait3A_238 = tpu.memref_slice %arg6[%select_n3A_235] : memref<8x!tpu.dma_semaphore, #tpu.memory_space<semaphore_mem>> -> memref<1x!tpu.dma_semaphore, #tpu.memory_space<semaphore_mem>>
            %dma_wait3A_239 = tpu.memref_squeeze %dma_wait3A_238 : memref<1x!tpu.dma_semaphore, #tpu.memory_space<semaphore_mem>> -> memref<!tpu.dma_semaphore, #tpu.memory_space<semaphore_mem>>
            %dma_wait3A_240 = tpu.memref_slice %arg3[%multiple_of3A_219] : memref<17301504xf32, #tpu.memory_space<hbm>> -> memref<2568xf32, #tpu.memory_space<hbm>>
            %dma_wait3A_241 = tpu.memref_slice %arg4[%multiple_of3A_216] : memref<32832xf32, #tpu.memory_space<vmem>> -> memref<2568xf32, #tpu.memory_space<vmem>>
            tpu.wait_dma2 semaphore(%dma_wait3A_239 : memref<!tpu.dma_semaphore, #tpu.memory_space<semaphore_mem>>) src(%dma_wait3A_241 : memref<2568xf32, #tpu.memory_space<vmem>>) dst(%dma_wait3A_240 : memref<2568xf32, #tpu.memory_space<hbm>>)
          } else {
          }
        } else {
        }
        %lt3A_173 = arith.constant 96 : i32
        %lt3A_174 = arith.cmpi slt, %add3A_56, %lt3A_173 : i32
        %convert_element_type3A_175 = arith.extui %lt3A_174 : i1 to i32
        %cond3A_176 = arith.constant 0 : i32
        %cond3A_177 = arith.cmpi ne, %convert_element_type3A_175, %cond3A_176 : i32
        scf.if %cond3A_177 {
          %mul3A_183 = arith.constant 32 : i32
          %mul3A_184 = arith.muli %add3A_56, %mul3A_183 : i32
          %add3A_185 = arith.addi %mul3A_184, %add3A : i32
          %add3A_186 = arith.constant 1 : i32
          %add3A_187 = arith.addi %add3A_185, %add3A_186 : i32
          %mul3A_188 = arith.muli %add3A_185, %add3A_187 : i32
          %jit3A_189 = arith.constant 2 : i32
          %div3A_190 = arith.divsi %mul3A_188, %jit3A_189 : i32
          %sign3A_191 = arith.constant 0 : i32
          %sign3A_192 = arith.cmpi sgt, %mul3A_188, %sign3A_191 : i32
          %sign3A_193 = arith.extui %sign3A_192 : i1 to i32
          %sign3A_194 = arith.constant 0 : i32
          %sign3A_195 = arith.cmpi slt, %mul3A_188, %sign3A_194 : i32
          %sign3A_196 = arith.extui %sign3A_195 : i1 to i32
          %sign3A_197 = arith.subi %sign3A_193, %sign3A_196 : i32
          %sign3A_198 = arith.constant 0 : i32
          %sign3A_199 = arith.cmpi sgt, %jit3A_189, %sign3A_198 : i32
          %sign3A_200 = arith.extui %sign3A_199 : i1 to i32
          %sign3A_201 = arith.constant 0 : i32
          %sign3A_202 = arith.cmpi slt, %jit3A_189, %sign3A_201 : i32
          %sign3A_203 = arith.extui %sign3A_202 : i1 to i32
          %sign3A_204 = arith.subi %sign3A_200, %sign3A_203 : i32
          %ne3A_205 = arith.cmpi ne, %sign3A_197, %sign3A_204 : i32
          %rem3A_206 = arith.remsi %mul3A_188, %jit3A_189 : i32
          %ne3A_207 = arith.constant 0 : i32
          %ne3A_208 = arith.cmpi ne, %rem3A_206, %ne3A_207 : i32
          %and3A_209 = arith.andi %ne3A_205, %ne3A_208 : i1
          %sub3A_210 = arith.constant 1 : i32
          %sub3A_211 = arith.subi %div3A_190, %sub3A_210 : i32
          %select_n3A_212 = arith.select %and3A_209, %sub3A_211, %div3A_190 : i32
          %and3A_213 = arith.constant -8 : i32
          %and3A_214 = arith.andi %select_n3A_212, %and3A_213 : i32
          %min3A_215 = arith.constant 8387576 : i32
          %min3A_216 = arith.minsi %and3A_214, %min3A_215 : i32
          %multiple_of3A_217 = tpu.assume_multiple %min3A_216, 8 : i32
          %jit3A_218 = arith.constant 8 : i32
          %eq3A_219 = arith.constant 0 : i32
          %eq3A_220 = arith.cmpi eq, %jit3A_218, %eq3A_219 : i32
          %jit3A_221 = arith.constant 1 : i32
          %select_n3A_222 = arith.select %eq3A_220, %jit3A_221, %jit3A_218 : i32
          %rem3A_223 = arith.remsi %add3A_56, %select_n3A_222 : i32
          %ne3A_224 = arith.constant 0 : i32
          %ne3A_225 = arith.cmpi ne, %rem3A_223, %ne3A_224 : i32
          %lt3A_226 = arith.constant 0 : i32
          %lt3A_227 = arith.cmpi slt, %rem3A_223, %lt3A_226 : i32
          %lt3A_228 = arith.constant 0 : i32
          %lt3A_229 = arith.cmpi slt, %select_n3A_222, %lt3A_228 : i32
          %ne3A_230 = arith.xori %lt3A_227, %lt3A_229 : i1
          %and3A_231 = arith.andi %ne3A_230, %ne3A_225 : i1
          %add3A_232 = arith.addi %rem3A_223, %select_n3A_222 : i32
          %select_n3A_233 = arith.select %and3A_231, %add3A_232, %rem3A_223 : i32
          %mul3A_234 = arith.constant 4104 : i32
          %mul3A_235 = arith.muli %select_n3A_233, %mul3A_234 : i32
          %multiple_of3A_236 = tpu.assume_multiple %mul3A_235, 8 : i32
          %jit3A_237 = arith.constant 8 : i32
          %eq3A_238 = arith.constant 0 : i32
          %eq3A_239 = arith.cmpi eq, %jit3A_237, %eq3A_238 : i32
          %jit3A_240 = arith.constant 1 : i32
          %select_n3A_241 = arith.select %eq3A_239, %jit3A_240, %jit3A_237 : i32
          %rem3A_242 = arith.remsi %add3A_56, %select_n3A_241 : i32
          %ne3A_243 = arith.constant 0 : i32
          %ne3A_244 = arith.cmpi ne, %rem3A_242, %ne3A_243 : i32
          %lt3A_245 = arith.constant 0 : i32
          %lt3A_246 = arith.cmpi slt, %rem3A_242, %lt3A_245 : i32
          %lt3A_247 = arith.constant 0 : i32
          %lt3A_248 = arith.cmpi slt, %select_n3A_241, %lt3A_247 : i32
          %ne3A_249 = arith.xori %lt3A_246, %lt3A_248 : i1
          %and3A_250 = arith.andi %ne3A_249, %ne3A_244 : i1
          %add3A_251 = arith.addi %rem3A_242, %select_n3A_241 : i32
          %select_n3A_252 = arith.select %and3A_250, %add3A_251, %rem3A_242 : i32
          %dma_start3A_253 = tpu.memref_slice %arg4[%multiple_of3A_236] : memref<32832xf32, #tpu.memory_space<vmem>> -> memref<3080xf32, #tpu.memory_space<vmem>>
          %dma_start3A_254 = tpu.memref_slice %arg2[%multiple_of3A_217] : memref<8390656xf32, #tpu.memory_space<hbm>> -> memref<3080xf32, #tpu.memory_space<hbm>>
          %dma_start3A_255 = tpu.memref_slice %arg5[%select_n3A_252] : memref<8x!tpu.dma_semaphore, #tpu.memory_space<semaphore_mem>> -> memref<1x!tpu.dma_semaphore, #tpu.memory_space<semaphore_mem>>
          %dma_start3A_256 = tpu.memref_squeeze %dma_start3A_255 : memref<1x!tpu.dma_semaphore, #tpu.memory_space<semaphore_mem>> -> memref<!tpu.dma_semaphore, #tpu.memory_space<semaphore_mem>>
          %dma_start3A_257 = tpu.memref_slice %arg4[%multiple_of3A_236] : memref<32832xf32, #tpu.memory_space<vmem>> -> memref<3080xf32, #tpu.memory_space<vmem>>
          %dma_start3A_258 = tpu.memref_slice %arg2[%multiple_of3A_217] : memref<8390656xf32, #tpu.memory_space<hbm>> -> memref<3080xf32, #tpu.memory_space<hbm>>
          tpu.enqueue_dma source(%dma_start3A_258 : memref<3080xf32, #tpu.memory_space<hbm>>) target(%dma_start3A_257 : memref<3080xf32, #tpu.memory_space<vmem>>) target_semaphore(%dma_start3A_256 : memref<!tpu.dma_semaphore, #tpu.memory_space<semaphore_mem>>)
        } else {
        }
        %ge3A_178 = arith.constant 96 : i32
        %ge3A_179 = arith.cmpi sge, %add3A_56, %ge3A_178 : i32
        %convert_element_type3A_180 = arith.extui %ge3A_179 : i1 to i32
        %cond3A_181 = arith.constant 0 : i32
        %cond3A_182 = arith.cmpi ne, %convert_element_type3A_180, %cond3A_181 : i32
        scf.if %cond3A_182 {
          %mul3A_183 = arith.constant 32 : i32
          %mul3A_184 = arith.muli %add3A_56, %mul3A_183 : i32
          %add3A_185 = arith.addi %mul3A_184, %add3A : i32
          %add3A_186 = arith.constant 1 : i32
          %add3A_187 = arith.addi %add3A_185, %add3A_186 : i32
          %mul3A_188 = arith.muli %add3A_185, %add3A_187 : i32
          %jit3A_189 = arith.constant 2 : i32
          %div3A_190 = arith.divsi %mul3A_188, %jit3A_189 : i32
          %sign3A_191 = arith.constant 0 : i32
          %sign3A_192 = arith.cmpi sgt, %mul3A_188, %sign3A_191 : i32
          %sign3A_193 = arith.extui %sign3A_192 : i1 to i32
          %sign3A_194 = arith.constant 0 : i32
          %sign3A_195 = arith.cmpi slt, %mul3A_188, %sign3A_194 : i32
          %sign3A_196 = arith.extui %sign3A_195 : i1 to i32
          %sign3A_197 = arith.subi %sign3A_193, %sign3A_196 : i32
          %sign3A_198 = arith.constant 0 : i32
          %sign3A_199 = arith.cmpi sgt, %jit3A_189, %sign3A_198 : i32
          %sign3A_200 = arith.extui %sign3A_199 : i1 to i32
          %sign3A_201 = arith.constant 0 : i32
          %sign3A_202 = arith.cmpi slt, %jit3A_189, %sign3A_201 : i32
          %sign3A_203 = arith.extui %sign3A_202 : i1 to i32
          %sign3A_204 = arith.subi %sign3A_200, %sign3A_203 : i32
          %ne3A_205 = arith.cmpi ne, %sign3A_197, %sign3A_204 : i32
          %rem3A_206 = arith.remsi %mul3A_188, %jit3A_189 : i32
          %ne3A_207 = arith.constant 0 : i32
          %ne3A_208 = arith.cmpi ne, %rem3A_206, %ne3A_207 : i32
          %and3A_209 = arith.andi %ne3A_205, %ne3A_208 : i1
          %sub3A_210 = arith.constant 1 : i32
          %sub3A_211 = arith.subi %div3A_190, %sub3A_210 : i32
          %select_n3A_212 = arith.select %and3A_209, %sub3A_211, %div3A_190 : i32
          %and3A_213 = arith.constant -8 : i32
          %and3A_214 = arith.andi %select_n3A_212, %and3A_213 : i32
          %min3A_215 = arith.constant 8387064 : i32
          %min3A_216 = arith.minsi %and3A_214, %min3A_215 : i32
          %multiple_of3A_217 = tpu.assume_multiple %min3A_216, 8 : i32
          %jit3A_218 = arith.constant 8 : i32
          %eq3A_219 = arith.constant 0 : i32
          %eq3A_220 = arith.cmpi eq, %jit3A_218, %eq3A_219 : i32
          %jit3A_221 = arith.constant 1 : i32
          %select_n3A_222 = arith.select %eq3A_220, %jit3A_221, %jit3A_218 : i32
          %rem3A_223 = arith.remsi %add3A_56, %select_n3A_222 : i32
          %ne3A_224 = arith.constant 0 : i32
          %ne3A_225 = arith.cmpi ne, %rem3A_223, %ne3A_224 : i32
          %lt3A_226 = arith.constant 0 : i32
          %lt3A_227 = arith.cmpi slt, %rem3A_223, %lt3A_226 : i32
          %lt3A_228 = arith.constant 0 : i32
          %lt3A_229 = arith.cmpi slt, %select_n3A_222, %lt3A_228 : i32
          %ne3A_230 = arith.xori %lt3A_227, %lt3A_229 : i1
          %and3A_231 = arith.andi %ne3A_230, %ne3A_225 : i1
          %add3A_232 = arith.addi %rem3A_223, %select_n3A_222 : i32
          %select_n3A_233 = arith.select %and3A_231, %add3A_232, %rem3A_223 : i32
          %mul3A_234 = arith.constant 4104 : i32
          %mul3A_235 = arith.muli %select_n3A_233, %mul3A_234 : i32
          %multiple_of3A_236 = tpu.assume_multiple %mul3A_235, 8 : i32
          %jit3A_237 = arith.constant 8 : i32
          %eq3A_238 = arith.constant 0 : i32
          %eq3A_239 = arith.cmpi eq, %jit3A_237, %eq3A_238 : i32
          %jit3A_240 = arith.constant 1 : i32
          %select_n3A_241 = arith.select %eq3A_239, %jit3A_240, %jit3A_237 : i32
          %rem3A_242 = arith.remsi %add3A_56, %select_n3A_241 : i32
          %ne3A_243 = arith.constant 0 : i32
          %ne3A_244 = arith.cmpi ne, %rem3A_242, %ne3A_243 : i32
          %lt3A_245 = arith.constant 0 : i32
          %lt3A_246 = arith.cmpi slt, %rem3A_242, %lt3A_245 : i32
          %lt3A_247 = arith.constant 0 : i32
          %lt3A_248 = arith.cmpi slt, %select_n3A_241, %lt3A_247 : i32
          %ne3A_249 = arith.xori %lt3A_246, %lt3A_248 : i1
          %and3A_250 = arith.andi %ne3A_249, %ne3A_244 : i1
          %add3A_251 = arith.addi %rem3A_242, %select_n3A_241 : i32
          %select_n3A_252 = arith.select %and3A_250, %add3A_251, %rem3A_242 : i32
          %dma_start3A_253 = tpu.memref_slice %arg4[%multiple_of3A_236] : memref<32832xf32, #tpu.memory_space<vmem>> -> memref<3592xf32, #tpu.memory_space<vmem>>
          %dma_start3A_254 = tpu.memref_slice %arg2[%multiple_of3A_217] : memref<8390656xf32, #tpu.memory_space<hbm>> -> memref<3592xf32, #tpu.memory_space<hbm>>
          %dma_start3A_255 = tpu.memref_slice %arg5[%select_n3A_252] : memref<8x!tpu.dma_semaphore, #tpu.memory_space<semaphore_mem>> -> memref<1x!tpu.dma_semaphore, #tpu.memory_space<semaphore_mem>>
          %dma_start3A_256 = tpu.memref_squeeze %dma_start3A_255 : memref<1x!tpu.dma_semaphore, #tpu.memory_space<semaphore_mem>> -> memref<!tpu.dma_semaphore, #tpu.memory_space<semaphore_mem>>
          %dma_start3A_257 = tpu.memref_slice %arg4[%multiple_of3A_236] : memref<32832xf32, #tpu.memory_space<vmem>> -> memref<3592xf32, #tpu.memory_space<vmem>>
          %dma_start3A_258 = tpu.memref_slice %arg2[%multiple_of3A_217] : memref<8390656xf32, #tpu.memory_space<hbm>> -> memref<3592xf32, #tpu.memory_space<hbm>>
          tpu.enqueue_dma source(%dma_start3A_258 : memref<3592xf32, #tpu.memory_space<hbm>>) target(%dma_start3A_257 : memref<3592xf32, #tpu.memory_space<vmem>>) target_semaphore(%dma_start3A_256 : memref<!tpu.dma_semaphore, #tpu.memory_space<semaphore_mem>>)
        } else {
        }
      } else {
      }
      %mul3A_59 = arith.constant 32 : i32
      %mul3A_60 = arith.muli %add3A_54, %mul3A_59 : i32
      %add3A_61 = arith.addi %mul3A_60, %add3A : i32
      %add3A_62 = arith.constant 1 : i32
      %add3A_63 = arith.addi %add3A_61, %add3A_62 : i32
      %mul3A_64 = arith.muli %add3A_61, %add3A_63 : i32
      %jit3A = arith.constant 2 : i32
      %div3A = arith.divsi %mul3A_64, %jit3A : i32
      %sign3A = arith.constant 0 : i32
      %sign3A_65 = arith.cmpi sgt, %mul3A_64, %sign3A : i32
      %sign3A_66 = arith.extui %sign3A_65 : i1 to i32
      %sign3A_67 = arith.constant 0 : i32
      %sign3A_68 = arith.cmpi slt, %mul3A_64, %sign3A_67 : i32
      %sign3A_69 = arith.extui %sign3A_68 : i1 to i32
      %sign3A_70 = arith.subi %sign3A_66, %sign3A_69 : i32
      %sign3A_71 = arith.constant 0 : i32
      %sign3A_72 = arith.cmpi sgt, %jit3A, %sign3A_71 : i32
      %sign3A_73 = arith.extui %sign3A_72 : i1 to i32
      %sign3A_74 = arith.constant 0 : i32
      %sign3A_75 = arith.cmpi slt, %jit3A, %sign3A_74 : i32
      %sign3A_76 = arith.extui %sign3A_75 : i1 to i32
      %sign3A_77 = arith.subi %sign3A_73, %sign3A_76 : i32
      %ne3A = arith.cmpi ne, %sign3A_70, %sign3A_77 : i32
      %rem3A = arith.remsi %mul3A_64, %jit3A : i32
      %ne3A_78 = arith.constant 0 : i32
      %ne3A_79 = arith.cmpi ne, %rem3A, %ne3A_78 : i32
      %and3A = arith.andi %ne3A, %ne3A_79 : i1
      %sub3A = arith.constant 1 : i32
      %sub3A_80 = arith.subi %div3A, %sub3A : i32
      %select_n3A = arith.select %and3A, %sub3A_80, %div3A : i32
      %and3A_81 = arith.constant -8 : i32
      %and3A_82 = arith.andi %select_n3A, %and3A_81 : i32
      %min3A = arith.constant 8387576 : i32
      %min3A_83 = arith.minsi %and3A_82, %min3A : i32
      %multiple_of3A = tpu.assume_multiple %min3A_83, 8 : i32
      %jit3A_84 = arith.constant 8 : i32
      %eq3A = arith.constant 0 : i32
      %eq3A_85 = arith.cmpi eq, %jit3A_84, %eq3A : i32
      %jit3A_86 = arith.constant 1 : i32
      %select_n3A_87 = arith.select %eq3A_85, %jit3A_86, %jit3A_84 : i32
      %rem3A_88 = arith.remsi %add3A_54, %select_n3A_87 : i32
      %ne3A_89 = arith.constant 0 : i32
      %ne3A_90 = arith.cmpi ne, %rem3A_88, %ne3A_89 : i32
      %lt3A_91 = arith.constant 0 : i32
      %lt3A_92 = arith.cmpi slt, %rem3A_88, %lt3A_91 : i32
      %lt3A_93 = arith.constant 0 : i32
      %lt3A_94 = arith.cmpi slt, %select_n3A_87, %lt3A_93 : i32
      %ne3A_95 = arith.xori %lt3A_92, %lt3A_94 : i1
      %and3A_96 = arith.andi %ne3A_95, %ne3A_90 : i1
      %add3A_97 = arith.addi %rem3A_88, %select_n3A_87 : i32
      %select_n3A_98 = arith.select %and3A_96, %add3A_97, %rem3A_88 : i32
      %mul3A_99 = arith.constant 4104 : i32
      %mul3A_100 = arith.muli %select_n3A_98, %mul3A_99 : i32
      %multiple_of3A_101 = tpu.assume_multiple %mul3A_100, 8 : i32
      %jit3A_102 = arith.constant 8 : i32
      %eq3A_103 = arith.constant 0 : i32
      %eq3A_104 = arith.cmpi eq, %jit3A_102, %eq3A_103 : i32
      %jit3A_105 = arith.constant 1 : i32
      %select_n3A_106 = arith.select %eq3A_104, %jit3A_105, %jit3A_102 : i32
      %rem3A_107 = arith.remsi %add3A_54, %select_n3A_106 : i32
      %ne3A_108 = arith.constant 0 : i32
      %ne3A_109 = arith.cmpi ne, %rem3A_107, %ne3A_108 : i32
      %lt3A_110 = arith.constant 0 : i32
      %lt3A_111 = arith.cmpi slt, %rem3A_107, %lt3A_110 : i32
      %lt3A_112 = arith.constant 0 : i32
      %lt3A_113 = arith.cmpi slt, %select_n3A_106, %lt3A_112 : i32
      %ne3A_114 = arith.xori %lt3A_111, %lt3A_113 : i1
      %and3A_115 = arith.andi %ne3A_114, %ne3A_109 : i1
      %add3A_116 = arith.addi %rem3A_107, %select_n3A_106 : i32
      %select_n3A_117 = arith.select %and3A_115, %add3A_116, %rem3A_107 : i32
      %dma_wait3A = tpu.memref_slice %arg4[%multiple_of3A_101] : memref<32832xf32, #tpu.memory_space<vmem>> -> memref<3080xf32, #tpu.memory_space<vmem>>
      %dma_wait3A_118 = tpu.memref_slice %arg2[%multiple_of3A] : memref<8390656xf32, #tpu.memory_space<hbm>> -> memref<3080xf32, #tpu.memory_space<hbm>>
      %dma_wait3A_119 = tpu.memref_slice %arg5[%select_n3A_117] : memref<8x!tpu.dma_semaphore, #tpu.memory_space<semaphore_mem>> -> memref<1x!tpu.dma_semaphore, #tpu.memory_space<semaphore_mem>>
      %dma_wait3A_120 = tpu.memref_squeeze %dma_wait3A_119 : memref<1x!tpu.dma_semaphore, #tpu.memory_space<semaphore_mem>> -> memref<!tpu.dma_semaphore, #tpu.memory_space<semaphore_mem>>
      %dma_wait3A_121 = tpu.memref_slice %arg4[%multiple_of3A_101] : memref<32832xf32, #tpu.memory_space<vmem>> -> memref<3080xf32, #tpu.memory_space<vmem>>
      %dma_wait3A_122 = tpu.memref_slice %arg2[%multiple_of3A] : memref<8390656xf32, #tpu.memory_space<hbm>> -> memref<3080xf32, #tpu.memory_space<hbm>>
      tpu.wait_dma2 semaphore(%dma_wait3A_120 : memref<!tpu.dma_semaphore, #tpu.memory_space<semaphore_mem>>) src(%dma_wait3A_122 : memref<3080xf32, #tpu.memory_space<hbm>>) dst(%dma_wait3A_121 : memref<3080xf32, #tpu.memory_space<vmem>>)
      %mul3A_123 = arith.constant 32 : i32
      %mul3A_124 = arith.muli %add3A_54, %mul3A_123 : i32
      %add3A_125 = arith.addi %mul3A_124, %add3A : i32
      %jit3A_126 = arith.constant 8 : i32
      %eq3A_127 = arith.constant 0 : i32
      %eq3A_128 = arith.cmpi eq, %jit3A_126, %eq3A_127 : i32
      %jit3A_129 = arith.constant 1 : i32
      %select_n3A_130 = arith.select %eq3A_128, %jit3A_129, %jit3A_126 : i32
      %rem3A_131 = arith.remsi %add3A_54, %select_n3A_130 : i32
      %ne3A_132 = arith.constant 0 : i32
      %ne3A_133 = arith.cmpi ne, %rem3A_131, %ne3A_132 : i32
      %lt3A_134 = arith.constant 0 : i32
      %lt3A_135 = arith.cmpi slt, %rem3A_131, %lt3A_134 : i32
      %lt3A_136 = arith.constant 0 : i32
      %lt3A_137 = arith.cmpi slt, %select_n3A_130, %lt3A_136 : i32
      %ne3A_138 = arith.xori %lt3A_135, %lt3A_137 : i1
      %and3A_139 = arith.andi %ne3A_138, %ne3A_133 : i1
      %add3A_140 = arith.addi %rem3A_131, %select_n3A_130 : i32
      %select_n3A_141 = arith.select %and3A_139, %add3A_140, %rem3A_131 : i32
      %mul3A_142 = arith.constant 4104 : i32
      %mul3A_143 = arith.muli %select_n3A_141, %mul3A_142 : i32
      %multiple_of3A_144 = tpu.assume_multiple %mul3A_143, 8 : i32
      %mul3A_145 = arith.constant 4224 : i32
      %mul3A_146 = arith.muli %add3A_125, %mul3A_145 : i32
      %multiple_of3A_147 = tpu.assume_multiple %mul3A_146, 8 : i32
      %jit3A_148 = arith.constant 8 : i32
      %eq3A_149 = arith.constant 0 : i32
      %eq3A_150 = arith.cmpi eq, %jit3A_148, %eq3A_149 : i32
      %jit3A_151 = arith.constant 1 : i32
      %select_n3A_152 = arith.select %eq3A_150, %jit3A_151, %jit3A_148 : i32
      %rem3A_153 = arith.remsi %add3A_54, %select_n3A_152 : i32
      %ne3A_154 = arith.constant 0 : i32
      %ne3A_155 = arith.cmpi ne, %rem3A_153, %ne3A_154 : i32
      %lt3A_156 = arith.constant 0 : i32
      %lt3A_157 = arith.cmpi slt, %rem3A_153, %lt3A_156 : i32
      %lt3A_158 = arith.constant 0 : i32
      %lt3A_159 = arith.cmpi slt, %select_n3A_152, %lt3A_158 : i32
      %ne3A_160 = arith.xori %lt3A_157, %lt3A_159 : i1
      %and3A_161 = arith.andi %ne3A_160, %ne3A_155 : i1
      %add3A_162 = arith.addi %rem3A_153, %select_n3A_152 : i32
      %select_n3A_163 = arith.select %and3A_161, %add3A_162, %rem3A_153 : i32
      %dma_start3A = tpu.memref_slice %arg4[%multiple_of3A_144] : memref<32832xf32, #tpu.memory_space<vmem>> -> memref<3080xf32, #tpu.memory_space<vmem>>
      %dma_start3A_164 = tpu.memref_slice %arg3[%multiple_of3A_147] : memref<17301504xf32, #tpu.memory_space<hbm>> -> memref<3080xf32, #tpu.memory_space<hbm>>
      %dma_start3A_165 = tpu.memref_slice %arg6[%select_n3A_163] : memref<8x!tpu.dma_semaphore, #tpu.memory_space<semaphore_mem>> -> memref<1x!tpu.dma_semaphore, #tpu.memory_space<semaphore_mem>>
      %dma_start3A_166 = tpu.memref_squeeze %dma_start3A_165 : memref<1x!tpu.dma_semaphore, #tpu.memory_space<semaphore_mem>> -> memref<!tpu.dma_semaphore, #tpu.memory_space<semaphore_mem>>
      %dma_start3A_167 = tpu.memref_slice %arg3[%multiple_of3A_147] : memref<17301504xf32, #tpu.memory_space<hbm>> -> memref<3080xf32, #tpu.memory_space<hbm>>
      %dma_start3A_168 = tpu.memref_slice %arg4[%multiple_of3A_144] : memref<32832xf32, #tpu.memory_space<vmem>> -> memref<3080xf32, #tpu.memory_space<vmem>>
      tpu.enqueue_dma source(%dma_start3A_168 : memref<3080xf32, #tpu.memory_space<vmem>>) target(%dma_start3A_167 : memref<3080xf32, #tpu.memory_space<hbm>>) target_semaphore(%dma_start3A_166 : memref<!tpu.dma_semaphore, #tpu.memory_space<semaphore_mem>>)
    }
    %scan3A_34 = arith.constant 16 : i32
    %scan3A_35 = arith.constant 0 : i32
    %scan3A_36 = arith.constant 16 : i32
    %scan3A_37 = arith.addi %scan3A_35, %scan3A_36 : i32
    %scan3A_38 = arith.constant 1 : i32
    scf.for %scan3A_50 = %scan3A_35 to %scan3A_37 step %scan3A_38  : i32 {
      %mul3A_51 = arith.constant 1 : i32
      %mul3A_52 = arith.muli %scan3A_50, %mul3A_51 : i32
      %add3A_53 = arith.constant 96 : i32
      %add3A_54 = arith.addi %add3A_53, %mul3A_52 : i32
      %add3A_55 = arith.constant 4 : i32
      %add3A_56 = arith.addi %add3A_54, %add3A_55 : i32
      %lt3A = arith.constant 128 : i32
      %lt3A_57 = arith.cmpi slt, %add3A_56, %lt3A : i32
      %convert_element_type3A = arith.extui %lt3A_57 : i1 to i32
      %cond3A = arith.constant 0 : i32
      %cond3A_58 = arith.cmpi ne, %convert_element_type3A, %cond3A : i32
      scf.if %cond3A_58 {
        %ge3A = arith.constant 8 : i32
        %ge3A_169 = arith.cmpi sge, %add3A_56, %ge3A : i32
        %convert_element_type3A_170 = arith.extui %ge3A_169 : i1 to i32
        %cond3A_171 = arith.constant 0 : i32
        %cond3A_172 = arith.cmpi ne, %convert_element_type3A_170, %cond3A_171 : i32
        scf.if %cond3A_172 {
          %sub3A_183 = arith.constant 8 : i32
          %sub3A_184 = arith.subi %add3A_56, %sub3A_183 : i32
          %ge3A_185 = arith.constant 96 : i32
          %ge3A_186 = arith.cmpi sge, %sub3A_184, %ge3A_185 : i32
          %convert_element_type3A_187 = arith.extui %ge3A_186 : i1 to i32
          %cond3A_188 = arith.constant 0 : i32
          %cond3A_189 = arith.cmpi ne, %convert_element_type3A_187, %cond3A_188 : i32
          scf.if %cond3A_189 {
            %mul3A_195 = arith.constant 32 : i32
            %mul3A_196 = arith.muli %sub3A_184, %mul3A_195 : i32
            %add3A_197 = arith.addi %mul3A_196, %add3A : i32
            %jit3A_198 = arith.constant 8 : i32
            %eq3A_199 = arith.constant 0 : i32
            %eq3A_200 = arith.cmpi eq, %jit3A_198, %eq3A_199 : i32
            %jit3A_201 = arith.constant 1 : i32
            %select_n3A_202 = arith.select %eq3A_200, %jit3A_201, %jit3A_198 : i32
            %rem3A_203 = arith.remsi %sub3A_184, %select_n3A_202 : i32
            %ne3A_204 = arith.constant 0 : i32
            %ne3A_205 = arith.cmpi ne, %rem3A_203, %ne3A_204 : i32
            %lt3A_206 = arith.constant 0 : i32
            %lt3A_207 = arith.cmpi slt, %rem3A_203, %lt3A_206 : i32
            %lt3A_208 = arith.constant 0 : i32
            %lt3A_209 = arith.cmpi slt, %select_n3A_202, %lt3A_208 : i32
            %ne3A_210 = arith.xori %lt3A_207, %lt3A_209 : i1
            %and3A_211 = arith.andi %ne3A_210, %ne3A_205 : i1
            %add3A_212 = arith.addi %rem3A_203, %select_n3A_202 : i32
            %select_n3A_213 = arith.select %and3A_211, %add3A_212, %rem3A_203 : i32
            %mul3A_214 = arith.constant 4104 : i32
            %mul3A_215 = arith.muli %select_n3A_213, %mul3A_214 : i32
            %multiple_of3A_216 = tpu.assume_multiple %mul3A_215, 8 : i32
            %mul3A_217 = arith.constant 4224 : i32
            %mul3A_218 = arith.muli %add3A_197, %mul3A_217 : i32
            %multiple_of3A_219 = tpu.assume_multiple %mul3A_218, 8 : i32
            %jit3A_220 = arith.constant 8 : i32
            %eq3A_221 = arith.constant 0 : i32
            %eq3A_222 = arith.cmpi eq, %jit3A_220, %eq3A_221 : i32
            %jit3A_223 = arith.constant 1 : i32
            %select_n3A_224 = arith.select %eq3A_222, %jit3A_223, %jit3A_220 : i32
            %rem3A_225 = arith.remsi %sub3A_184, %select_n3A_224 : i32
            %ne3A_226 = arith.constant 0 : i32
            %ne3A_227 = arith.cmpi ne, %rem3A_225, %ne3A_226 : i32
            %lt3A_228 = arith.constant 0 : i32
            %lt3A_229 = arith.cmpi slt, %rem3A_225, %lt3A_228 : i32
            %lt3A_230 = arith.constant 0 : i32
            %lt3A_231 = arith.cmpi slt, %select_n3A_224, %lt3A_230 : i32
            %ne3A_232 = arith.xori %lt3A_229, %lt3A_231 : i1
            %and3A_233 = arith.andi %ne3A_232, %ne3A_227 : i1
            %add3A_234 = arith.addi %rem3A_225, %select_n3A_224 : i32
            %select_n3A_235 = arith.select %and3A_233, %add3A_234, %rem3A_225 : i32
            %dma_wait3A_236 = tpu.memref_slice %arg4[%multiple_of3A_216] : memref<32832xf32, #tpu.memory_space<vmem>> -> memref<3592xf32, #tpu.memory_space<vmem>>
            %dma_wait3A_237 = tpu.memref_slice %arg3[%multiple_of3A_219] : memref<17301504xf32, #tpu.memory_space<hbm>> -> memref<3592xf32, #tpu.memory_space<hbm>>
            %dma_wait3A_238 = tpu.memref_slice %arg6[%select_n3A_235] : memref<8x!tpu.dma_semaphore, #tpu.memory_space<semaphore_mem>> -> memref<1x!tpu.dma_semaphore, #tpu.memory_space<semaphore_mem>>
            %dma_wait3A_239 = tpu.memref_squeeze %dma_wait3A_238 : memref<1x!tpu.dma_semaphore, #tpu.memory_space<semaphore_mem>> -> memref<!tpu.dma_semaphore, #tpu.memory_space<semaphore_mem>>
            %dma_wait3A_240 = tpu.memref_slice %arg3[%multiple_of3A_219] : memref<17301504xf32, #tpu.memory_space<hbm>> -> memref<3592xf32, #tpu.memory_space<hbm>>
            %dma_wait3A_241 = tpu.memref_slice %arg4[%multiple_of3A_216] : memref<32832xf32, #tpu.memory_space<vmem>> -> memref<3592xf32, #tpu.memory_space<vmem>>
            tpu.wait_dma2 semaphore(%dma_wait3A_239 : memref<!tpu.dma_semaphore, #tpu.memory_space<semaphore_mem>>) src(%dma_wait3A_241 : memref<3592xf32, #tpu.memory_space<vmem>>) dst(%dma_wait3A_240 : memref<3592xf32, #tpu.memory_space<hbm>>)
          } else {
          }
          %lt3A_190 = arith.constant 96 : i32
          %lt3A_191 = arith.cmpi slt, %sub3A_184, %lt3A_190 : i32
          %convert_element_type3A_192 = arith.extui %lt3A_191 : i1 to i32
          %cond3A_193 = arith.constant 0 : i32
          %cond3A_194 = arith.cmpi ne, %convert_element_type3A_192, %cond3A_193 : i32
          scf.if %cond3A_194 {
            %mul3A_195 = arith.constant 32 : i32
            %mul3A_196 = arith.muli %sub3A_184, %mul3A_195 : i32
            %add3A_197 = arith.addi %mul3A_196, %add3A : i32
            %jit3A_198 = arith.constant 8 : i32
            %eq3A_199 = arith.constant 0 : i32
            %eq3A_200 = arith.cmpi eq, %jit3A_198, %eq3A_199 : i32
            %jit3A_201 = arith.constant 1 : i32
            %select_n3A_202 = arith.select %eq3A_200, %jit3A_201, %jit3A_198 : i32
            %rem3A_203 = arith.remsi %sub3A_184, %select_n3A_202 : i32
            %ne3A_204 = arith.constant 0 : i32
            %ne3A_205 = arith.cmpi ne, %rem3A_203, %ne3A_204 : i32
            %lt3A_206 = arith.constant 0 : i32
            %lt3A_207 = arith.cmpi slt, %rem3A_203, %lt3A_206 : i32
            %lt3A_208 = arith.constant 0 : i32
            %lt3A_209 = arith.cmpi slt, %select_n3A_202, %lt3A_208 : i32
            %ne3A_210 = arith.xori %lt3A_207, %lt3A_209 : i1
            %and3A_211 = arith.andi %ne3A_210, %ne3A_205 : i1
            %add3A_212 = arith.addi %rem3A_203, %select_n3A_202 : i32
            %select_n3A_213 = arith.select %and3A_211, %add3A_212, %rem3A_203 : i32
            %mul3A_214 = arith.constant 4104 : i32
            %mul3A_215 = arith.muli %select_n3A_213, %mul3A_214 : i32
            %multiple_of3A_216 = tpu.assume_multiple %mul3A_215, 8 : i32
            %mul3A_217 = arith.constant 4224 : i32
            %mul3A_218 = arith.muli %add3A_197, %mul3A_217 : i32
            %multiple_of3A_219 = tpu.assume_multiple %mul3A_218, 8 : i32
            %jit3A_220 = arith.constant 8 : i32
            %eq3A_221 = arith.constant 0 : i32
            %eq3A_222 = arith.cmpi eq, %jit3A_220, %eq3A_221 : i32
            %jit3A_223 = arith.constant 1 : i32
            %select_n3A_224 = arith.select %eq3A_222, %jit3A_223, %jit3A_220 : i32
            %rem3A_225 = arith.remsi %sub3A_184, %select_n3A_224 : i32
            %ne3A_226 = arith.constant 0 : i32
            %ne3A_227 = arith.cmpi ne, %rem3A_225, %ne3A_226 : i32
            %lt3A_228 = arith.constant 0 : i32
            %lt3A_229 = arith.cmpi slt, %rem3A_225, %lt3A_228 : i32
            %lt3A_230 = arith.constant 0 : i32
            %lt3A_231 = arith.cmpi slt, %select_n3A_224, %lt3A_230 : i32
            %ne3A_232 = arith.xori %lt3A_229, %lt3A_231 : i1
            %and3A_233 = arith.andi %ne3A_232, %ne3A_227 : i1
            %add3A_234 = arith.addi %rem3A_225, %select_n3A_224 : i32
            %select_n3A_235 = arith.select %and3A_233, %add3A_234, %rem3A_225 : i32
            %dma_wait3A_236 = tpu.memref_slice %arg4[%multiple_of3A_216] : memref<32832xf32, #tpu.memory_space<vmem>> -> memref<3080xf32, #tpu.memory_space<vmem>>
            %dma_wait3A_237 = tpu.memref_slice %arg3[%multiple_of3A_219] : memref<17301504xf32, #tpu.memory_space<hbm>> -> memref<3080xf32, #tpu.memory_space<hbm>>
            %dma_wait3A_238 = tpu.memref_slice %arg6[%select_n3A_235] : memref<8x!tpu.dma_semaphore, #tpu.memory_space<semaphore_mem>> -> memref<1x!tpu.dma_semaphore, #tpu.memory_space<semaphore_mem>>
            %dma_wait3A_239 = tpu.memref_squeeze %dma_wait3A_238 : memref<1x!tpu.dma_semaphore, #tpu.memory_space<semaphore_mem>> -> memref<!tpu.dma_semaphore, #tpu.memory_space<semaphore_mem>>
            %dma_wait3A_240 = tpu.memref_slice %arg3[%multiple_of3A_219] : memref<17301504xf32, #tpu.memory_space<hbm>> -> memref<3080xf32, #tpu.memory_space<hbm>>
            %dma_wait3A_241 = tpu.memref_slice %arg4[%multiple_of3A_216] : memref<32832xf32, #tpu.memory_space<vmem>> -> memref<3080xf32, #tpu.memory_space<vmem>>
            tpu.wait_dma2 semaphore(%dma_wait3A_239 : memref<!tpu.dma_semaphore, #tpu.memory_space<semaphore_mem>>) src(%dma_wait3A_241 : memref<3080xf32, #tpu.memory_space<vmem>>) dst(%dma_wait3A_240 : memref<3080xf32, #tpu.memory_space<hbm>>)
          } else {
          }
        } else {
        }
        %lt3A_173 = arith.constant 112 : i32
        %lt3A_174 = arith.cmpi slt, %add3A_56, %lt3A_173 : i32
        %convert_element_type3A_175 = arith.extui %lt3A_174 : i1 to i32
        %cond3A_176 = arith.constant 0 : i32
        %cond3A_177 = arith.cmpi ne, %convert_element_type3A_175, %cond3A_176 : i32
        scf.if %cond3A_177 {
          %mul3A_183 = arith.constant 32 : i32
          %mul3A_184 = arith.muli %add3A_56, %mul3A_183 : i32
          %add3A_185 = arith.addi %mul3A_184, %add3A : i32
          %add3A_186 = arith.constant 1 : i32
          %add3A_187 = arith.addi %add3A_185, %add3A_186 : i32
          %mul3A_188 = arith.muli %add3A_185, %add3A_187 : i32
          %jit3A_189 = arith.constant 2 : i32
          %div3A_190 = arith.divsi %mul3A_188, %jit3A_189 : i32
          %sign3A_191 = arith.constant 0 : i32
          %sign3A_192 = arith.cmpi sgt, %mul3A_188, %sign3A_191 : i32
          %sign3A_193 = arith.extui %sign3A_192 : i1 to i32
          %sign3A_194 = arith.constant 0 : i32
          %sign3A_195 = arith.cmpi slt, %mul3A_188, %sign3A_194 : i32
          %sign3A_196 = arith.extui %sign3A_195 : i1 to i32
          %sign3A_197 = arith.subi %sign3A_193, %sign3A_196 : i32
          %sign3A_198 = arith.constant 0 : i32
          %sign3A_199 = arith.cmpi sgt, %jit3A_189, %sign3A_198 : i32
          %sign3A_200 = arith.extui %sign3A_199 : i1 to i32
          %sign3A_201 = arith.constant 0 : i32
          %sign3A_202 = arith.cmpi slt, %jit3A_189, %sign3A_201 : i32
          %sign3A_203 = arith.extui %sign3A_202 : i1 to i32
          %sign3A_204 = arith.subi %sign3A_200, %sign3A_203 : i32
          %ne3A_205 = arith.cmpi ne, %sign3A_197, %sign3A_204 : i32
          %rem3A_206 = arith.remsi %mul3A_188, %jit3A_189 : i32
          %ne3A_207 = arith.constant 0 : i32
          %ne3A_208 = arith.cmpi ne, %rem3A_206, %ne3A_207 : i32
          %and3A_209 = arith.andi %ne3A_205, %ne3A_208 : i1
          %sub3A_210 = arith.constant 1 : i32
          %sub3A_211 = arith.subi %div3A_190, %sub3A_210 : i32
          %select_n3A_212 = arith.select %and3A_209, %sub3A_211, %div3A_190 : i32
          %and3A_213 = arith.constant -8 : i32
          %and3A_214 = arith.andi %select_n3A_212, %and3A_213 : i32
          %min3A_215 = arith.constant 8387064 : i32
          %min3A_216 = arith.minsi %and3A_214, %min3A_215 : i32
          %multiple_of3A_217 = tpu.assume_multiple %min3A_216, 8 : i32
          %jit3A_218 = arith.constant 8 : i32
          %eq3A_219 = arith.constant 0 : i32
          %eq3A_220 = arith.cmpi eq, %jit3A_218, %eq3A_219 : i32
          %jit3A_221 = arith.constant 1 : i32
          %select_n3A_222 = arith.select %eq3A_220, %jit3A_221, %jit3A_218 : i32
          %rem3A_223 = arith.remsi %add3A_56, %select_n3A_222 : i32
          %ne3A_224 = arith.constant 0 : i32
          %ne3A_225 = arith.cmpi ne, %rem3A_223, %ne3A_224 : i32
          %lt3A_226 = arith.constant 0 : i32
          %lt3A_227 = arith.cmpi slt, %rem3A_223, %lt3A_226 : i32
          %lt3A_228 = arith.constant 0 : i32
          %lt3A_229 = arith.cmpi slt, %select_n3A_222, %lt3A_228 : i32
          %ne3A_230 = arith.xori %lt3A_227, %lt3A_229 : i1
          %and3A_231 = arith.andi %ne3A_230, %ne3A_225 : i1
          %add3A_232 = arith.addi %rem3A_223, %select_n3A_222 : i32
          %select_n3A_233 = arith.select %and3A_231, %add3A_232, %rem3A_223 : i32
          %mul3A_234 = arith.constant 4104 : i32
          %mul3A_235 = arith.muli %select_n3A_233, %mul3A_234 : i32
          %multiple_of3A_236 = tpu.assume_multiple %mul3A_235, 8 : i32
          %jit3A_237 = arith.constant 8 : i32
          %eq3A_238 = arith.constant 0 : i32
          %eq3A_239 = arith.cmpi eq, %jit3A_237, %eq3A_238 : i32
          %jit3A_240 = arith.constant 1 : i32
          %select_n3A_241 = arith.select %eq3A_239, %jit3A_240, %jit3A_237 : i32
          %rem3A_242 = arith.remsi %add3A_56, %select_n3A_241 : i32
          %ne3A_243 = arith.constant 0 : i32
          %ne3A_244 = arith.cmpi ne, %rem3A_242, %ne3A_243 : i32
          %lt3A_245 = arith.constant 0 : i32
          %lt3A_246 = arith.cmpi slt, %rem3A_242, %lt3A_245 : i32
          %lt3A_247 = arith.constant 0 : i32
          %lt3A_248 = arith.cmpi slt, %select_n3A_241, %lt3A_247 : i32
          %ne3A_249 = arith.xori %lt3A_246, %lt3A_248 : i1
          %and3A_250 = arith.andi %ne3A_249, %ne3A_244 : i1
          %add3A_251 = arith.addi %rem3A_242, %select_n3A_241 : i32
          %select_n3A_252 = arith.select %and3A_250, %add3A_251, %rem3A_242 : i32
          %dma_start3A_253 = tpu.memref_slice %arg4[%multiple_of3A_236] : memref<32832xf32, #tpu.memory_space<vmem>> -> memref<3592xf32, #tpu.memory_space<vmem>>
          %dma_start3A_254 = tpu.memref_slice %arg2[%multiple_of3A_217] : memref<8390656xf32, #tpu.memory_space<hbm>> -> memref<3592xf32, #tpu.memory_space<hbm>>
          %dma_start3A_255 = tpu.memref_slice %arg5[%select_n3A_252] : memref<8x!tpu.dma_semaphore, #tpu.memory_space<semaphore_mem>> -> memref<1x!tpu.dma_semaphore, #tpu.memory_space<semaphore_mem>>
          %dma_start3A_256 = tpu.memref_squeeze %dma_start3A_255 : memref<1x!tpu.dma_semaphore, #tpu.memory_space<semaphore_mem>> -> memref<!tpu.dma_semaphore, #tpu.memory_space<semaphore_mem>>
          %dma_start3A_257 = tpu.memref_slice %arg4[%multiple_of3A_236] : memref<32832xf32, #tpu.memory_space<vmem>> -> memref<3592xf32, #tpu.memory_space<vmem>>
          %dma_start3A_258 = tpu.memref_slice %arg2[%multiple_of3A_217] : memref<8390656xf32, #tpu.memory_space<hbm>> -> memref<3592xf32, #tpu.memory_space<hbm>>
          tpu.enqueue_dma source(%dma_start3A_258 : memref<3592xf32, #tpu.memory_space<hbm>>) target(%dma_start3A_257 : memref<3592xf32, #tpu.memory_space<vmem>>) target_semaphore(%dma_start3A_256 : memref<!tpu.dma_semaphore, #tpu.memory_space<semaphore_mem>>)
        } else {
        }
        %ge3A_178 = arith.constant 112 : i32
        %ge3A_179 = arith.cmpi sge, %add3A_56, %ge3A_178 : i32
        %convert_element_type3A_180 = arith.extui %ge3A_179 : i1 to i32
        %cond3A_181 = arith.constant 0 : i32
        %cond3A_182 = arith.cmpi ne, %convert_element_type3A_180, %cond3A_181 : i32
        scf.if %cond3A_182 {
          %mul3A_183 = arith.constant 32 : i32
          %mul3A_184 = arith.muli %add3A_56, %mul3A_183 : i32
          %add3A_185 = arith.addi %mul3A_184, %add3A : i32
          %add3A_186 = arith.constant 1 : i32
          %add3A_187 = arith.addi %add3A_185, %add3A_186 : i32
          %mul3A_188 = arith.muli %add3A_185, %add3A_187 : i32
          %jit3A_189 = arith.constant 2 : i32
          %div3A_190 = arith.divsi %mul3A_188, %jit3A_189 : i32
          %sign3A_191 = arith.constant 0 : i32
          %sign3A_192 = arith.cmpi sgt, %mul3A_188, %sign3A_191 : i32
          %sign3A_193 = arith.extui %sign3A_192 : i1 to i32
          %sign3A_194 = arith.constant 0 : i32
          %sign3A_195 = arith.cmpi slt, %mul3A_188, %sign3A_194 : i32
          %sign3A_196 = arith.extui %sign3A_195 : i1 to i32
          %sign3A_197 = arith.subi %sign3A_193, %sign3A_196 : i32
          %sign3A_198 = arith.constant 0 : i32
          %sign3A_199 = arith.cmpi sgt, %jit3A_189, %sign3A_198 : i32
          %sign3A_200 = arith.extui %sign3A_199 : i1 to i32
          %sign3A_201 = arith.constant 0 : i32
          %sign3A_202 = arith.cmpi slt, %jit3A_189, %sign3A_201 : i32
          %sign3A_203 = arith.extui %sign3A_202 : i1 to i32
          %sign3A_204 = arith.subi %sign3A_200, %sign3A_203 : i32
          %ne3A_205 = arith.cmpi ne, %sign3A_197, %sign3A_204 : i32
          %rem3A_206 = arith.remsi %mul3A_188, %jit3A_189 : i32
          %ne3A_207 = arith.constant 0 : i32
          %ne3A_208 = arith.cmpi ne, %rem3A_206, %ne3A_207 : i32
          %and3A_209 = arith.andi %ne3A_205, %ne3A_208 : i1
          %sub3A_210 = arith.constant 1 : i32
          %sub3A_211 = arith.subi %div3A_190, %sub3A_210 : i32
          %select_n3A_212 = arith.select %and3A_209, %sub3A_211, %div3A_190 : i32
          %and3A_213 = arith.constant -8 : i32
          %and3A_214 = arith.andi %select_n3A_212, %and3A_213 : i32
          %min3A_215 = arith.constant 8386552 : i32
          %min3A_216 = arith.minsi %and3A_214, %min3A_215 : i32
          %multiple_of3A_217 = tpu.assume_multiple %min3A_216, 8 : i32
          %jit3A_218 = arith.constant 8 : i32
          %eq3A_219 = arith.constant 0 : i32
          %eq3A_220 = arith.cmpi eq, %jit3A_218, %eq3A_219 : i32
          %jit3A_221 = arith.constant 1 : i32
          %select_n3A_222 = arith.select %eq3A_220, %jit3A_221, %jit3A_218 : i32
          %rem3A_223 = arith.remsi %add3A_56, %select_n3A_222 : i32
          %ne3A_224 = arith.constant 0 : i32
          %ne3A_225 = arith.cmpi ne, %rem3A_223, %ne3A_224 : i32
          %lt3A_226 = arith.constant 0 : i32
          %lt3A_227 = arith.cmpi slt, %rem3A_223, %lt3A_226 : i32
          %lt3A_228 = arith.constant 0 : i32
          %lt3A_229 = arith.cmpi slt, %select_n3A_222, %lt3A_228 : i32
          %ne3A_230 = arith.xori %lt3A_227, %lt3A_229 : i1
          %and3A_231 = arith.andi %ne3A_230, %ne3A_225 : i1
          %add3A_232 = arith.addi %rem3A_223, %select_n3A_222 : i32
          %select_n3A_233 = arith.select %and3A_231, %add3A_232, %rem3A_223 : i32
          %mul3A_234 = arith.constant 4104 : i32
          %mul3A_235 = arith.muli %select_n3A_233, %mul3A_234 : i32
          %multiple_of3A_236 = tpu.assume_multiple %mul3A_235, 8 : i32
          %jit3A_237 = arith.constant 8 : i32
          %eq3A_238 = arith.constant 0 : i32
          %eq3A_239 = arith.cmpi eq, %jit3A_237, %eq3A_238 : i32
          %jit3A_240 = arith.constant 1 : i32
          %select_n3A_241 = arith.select %eq3A_239, %jit3A_240, %jit3A_237 : i32
          %rem3A_242 = arith.remsi %add3A_56, %select_n3A_241 : i32
          %ne3A_243 = arith.constant 0 : i32
          %ne3A_244 = arith.cmpi ne, %rem3A_242, %ne3A_243 : i32
          %lt3A_245 = arith.constant 0 : i32
          %lt3A_246 = arith.cmpi slt, %rem3A_242, %lt3A_245 : i32
          %lt3A_247 = arith.constant 0 : i32
          %lt3A_248 = arith.cmpi slt, %select_n3A_241, %lt3A_247 : i32
          %ne3A_249 = arith.xori %lt3A_246, %lt3A_248 : i1
          %and3A_250 = arith.andi %ne3A_249, %ne3A_244 : i1
          %add3A_251 = arith.addi %rem3A_242, %select_n3A_241 : i32
          %select_n3A_252 = arith.select %and3A_250, %add3A_251, %rem3A_242 : i32
          %dma_start3A_253 = tpu.memref_slice %arg4[%multiple_of3A_236] : memref<32832xf32, #tpu.memory_space<vmem>> -> memref<4104xf32, #tpu.memory_space<vmem>>
          %dma_start3A_254 = tpu.memref_slice %arg2[%multiple_of3A_217] : memref<8390656xf32, #tpu.memory_space<hbm>> -> memref<4104xf32, #tpu.memory_space<hbm>>
          %dma_start3A_255 = tpu.memref_slice %arg5[%select_n3A_252] : memref<8x!tpu.dma_semaphore, #tpu.memory_space<semaphore_mem>> -> memref<1x!tpu.dma_semaphore, #tpu.memory_space<semaphore_mem>>
          %dma_start3A_256 = tpu.memref_squeeze %dma_start3A_255 : memref<1x!tpu.dma_semaphore, #tpu.memory_space<semaphore_mem>> -> memref<!tpu.dma_semaphore, #tpu.memory_space<semaphore_mem>>
          %dma_start3A_257 = tpu.memref_slice %arg4[%multiple_of3A_236] : memref<32832xf32, #tpu.memory_space<vmem>> -> memref<4104xf32, #tpu.memory_space<vmem>>
          %dma_start3A_258 = tpu.memref_slice %arg2[%multiple_of3A_217] : memref<8390656xf32, #tpu.memory_space<hbm>> -> memref<4104xf32, #tpu.memory_space<hbm>>
          tpu.enqueue_dma source(%dma_start3A_258 : memref<4104xf32, #tpu.memory_space<hbm>>) target(%dma_start3A_257 : memref<4104xf32, #tpu.memory_space<vmem>>) target_semaphore(%dma_start3A_256 : memref<!tpu.dma_semaphore, #tpu.memory_space<semaphore_mem>>)
        } else {
        }
      } else {
      }
      %mul3A_59 = arith.constant 32 : i32
      %mul3A_60 = arith.muli %add3A_54, %mul3A_59 : i32
      %add3A_61 = arith.addi %mul3A_60, %add3A : i32
      %add3A_62 = arith.constant 1 : i32
      %add3A_63 = arith.addi %add3A_61, %add3A_62 : i32
      %mul3A_64 = arith.muli %add3A_61, %add3A_63 : i32
      %jit3A = arith.constant 2 : i32
      %div3A = arith.divsi %mul3A_64, %jit3A : i32
      %sign3A = arith.constant 0 : i32
      %sign3A_65 = arith.cmpi sgt, %mul3A_64, %sign3A : i32
      %sign3A_66 = arith.extui %sign3A_65 : i1 to i32
      %sign3A_67 = arith.constant 0 : i32
      %sign3A_68 = arith.cmpi slt, %mul3A_64, %sign3A_67 : i32
      %sign3A_69 = arith.extui %sign3A_68 : i1 to i32
      %sign3A_70 = arith.subi %sign3A_66, %sign3A_69 : i32
      %sign3A_71 = arith.constant 0 : i32
      %sign3A_72 = arith.cmpi sgt, %jit3A, %sign3A_71 : i32
      %sign3A_73 = arith.extui %sign3A_72 : i1 to i32
      %sign3A_74 = arith.constant 0 : i32
      %sign3A_75 = arith.cmpi slt, %jit3A, %sign3A_74 : i32
      %sign3A_76 = arith.extui %sign3A_75 : i1 to i32
      %sign3A_77 = arith.subi %sign3A_73, %sign3A_76 : i32
      %ne3A = arith.cmpi ne, %sign3A_70, %sign3A_77 : i32
      %rem3A = arith.remsi %mul3A_64, %jit3A : i32
      %ne3A_78 = arith.constant 0 : i32
      %ne3A_79 = arith.cmpi ne, %rem3A, %ne3A_78 : i32
      %and3A = arith.andi %ne3A, %ne3A_79 : i1
      %sub3A = arith.constant 1 : i32
      %sub3A_80 = arith.subi %div3A, %sub3A : i32
      %select_n3A = arith.select %and3A, %sub3A_80, %div3A : i32
      %and3A_81 = arith.constant -8 : i32
      %and3A_82 = arith.andi %select_n3A, %and3A_81 : i32
      %min3A = arith.constant 8387064 : i32
      %min3A_83 = arith.minsi %and3A_82, %min3A : i32
      %multiple_of3A = tpu.assume_multiple %min3A_83, 8 : i32
      %jit3A_84 = arith.constant 8 : i32
      %eq3A = arith.constant 0 : i32
      %eq3A_85 = arith.cmpi eq, %jit3A_84, %eq3A : i32
      %jit3A_86 = arith.constant 1 : i32
      %select_n3A_87 = arith.select %eq3A_85, %jit3A_86, %jit3A_84 : i32
      %rem3A_88 = arith.remsi %add3A_54, %select_n3A_87 : i32
      %ne3A_89 = arith.constant 0 : i32
      %ne3A_90 = arith.cmpi ne, %rem3A_88, %ne3A_89 : i32
      %lt3A_91 = arith.constant 0 : i32
      %lt3A_92 = arith.cmpi slt, %rem3A_88, %lt3A_91 : i32
      %lt3A_93 = arith.constant 0 : i32
      %lt3A_94 = arith.cmpi slt, %select_n3A_87, %lt3A_93 : i32
      %ne3A_95 = arith.xori %lt3A_92, %lt3A_94 : i1
      %and3A_96 = arith.andi %ne3A_95, %ne3A_90 : i1
      %add3A_97 = arith.addi %rem3A_88, %select_n3A_87 : i32
      %select_n3A_98 = arith.select %and3A_96, %add3A_97, %rem3A_88 : i32
      %mul3A_99 = arith.constant 4104 : i32
      %mul3A_100 = arith.muli %select_n3A_98, %mul3A_99 : i32
      %multiple_of3A_101 = tpu.assume_multiple %mul3A_100, 8 : i32
      %jit3A_102 = arith.constant 8 : i32
      %eq3A_103 = arith.constant 0 : i32
      %eq3A_104 = arith.cmpi eq, %jit3A_102, %eq3A_103 : i32
      %jit3A_105 = arith.constant 1 : i32
      %select_n3A_106 = arith.select %eq3A_104, %jit3A_105, %jit3A_102 : i32
      %rem3A_107 = arith.remsi %add3A_54, %select_n3A_106 : i32
      %ne3A_108 = arith.constant 0 : i32
      %ne3A_109 = arith.cmpi ne, %rem3A_107, %ne3A_108 : i32
      %lt3A_110 = arith.constant 0 : i32
      %lt3A_111 = arith.cmpi slt, %rem3A_107, %lt3A_110 : i32
      %lt3A_112 = arith.constant 0 : i32
      %lt3A_113 = arith.cmpi slt, %select_n3A_106, %lt3A_112 : i32
      %ne3A_114 = arith.xori %lt3A_111, %lt3A_113 : i1
      %and3A_115 = arith.andi %ne3A_114, %ne3A_109 : i1
      %add3A_116 = arith.addi %rem3A_107, %select_n3A_106 : i32
      %select_n3A_117 = arith.select %and3A_115, %add3A_116, %rem3A_107 : i32
      %dma_wait3A = tpu.memref_slice %arg4[%multiple_of3A_101] : memref<32832xf32, #tpu.memory_space<vmem>> -> memref<3592xf32, #tpu.memory_space<vmem>>
      %dma_wait3A_118 = tpu.memref_slice %arg2[%multiple_of3A] : memref<8390656xf32, #tpu.memory_space<hbm>> -> memref<3592xf32, #tpu.memory_space<hbm>>
      %dma_wait3A_119 = tpu.memref_slice %arg5[%select_n3A_117] : memref<8x!tpu.dma_semaphore, #tpu.memory_space<semaphore_mem>> -> memref<1x!tpu.dma_semaphore, #tpu.memory_space<semaphore_mem>>
      %dma_wait3A_120 = tpu.memref_squeeze %dma_wait3A_119 : memref<1x!tpu.dma_semaphore, #tpu.memory_space<semaphore_mem>> -> memref<!tpu.dma_semaphore, #tpu.memory_space<semaphore_mem>>
      %dma_wait3A_121 = tpu.memref_slice %arg4[%multiple_of3A_101] : memref<32832xf32, #tpu.memory_space<vmem>> -> memref<3592xf32, #tpu.memory_space<vmem>>
      %dma_wait3A_122 = tpu.memref_slice %arg2[%multiple_of3A] : memref<8390656xf32, #tpu.memory_space<hbm>> -> memref<3592xf32, #tpu.memory_space<hbm>>
      tpu.wait_dma2 semaphore(%dma_wait3A_120 : memref<!tpu.dma_semaphore, #tpu.memory_space<semaphore_mem>>) src(%dma_wait3A_122 : memref<3592xf32, #tpu.memory_space<hbm>>) dst(%dma_wait3A_121 : memref<3592xf32, #tpu.memory_space<vmem>>)
      %mul3A_123 = arith.constant 32 : i32
      %mul3A_124 = arith.muli %add3A_54, %mul3A_123 : i32
      %add3A_125 = arith.addi %mul3A_124, %add3A : i32
      %jit3A_126 = arith.constant 8 : i32
      %eq3A_127 = arith.constant 0 : i32
      %eq3A_128 = arith.cmpi eq, %jit3A_126, %eq3A_127 : i32
      %jit3A_129 = arith.constant 1 : i32
      %select_n3A_130 = arith.select %eq3A_128, %jit3A_129, %jit3A_126 : i32
      %rem3A_131 = arith.remsi %add3A_54, %select_n3A_130 : i32
      %ne3A_132 = arith.constant 0 : i32
      %ne3A_133 = arith.cmpi ne, %rem3A_131, %ne3A_132 : i32
      %lt3A_134 = arith.constant 0 : i32
      %lt3A_135 = arith.cmpi slt, %rem3A_131, %lt3A_134 : i32
      %lt3A_136 = arith.constant 0 : i32
      %lt3A_137 = arith.cmpi slt, %select_n3A_130, %lt3A_136 : i32
      %ne3A_138 = arith.xori %lt3A_135, %lt3A_137 : i1
      %and3A_139 = arith.andi %ne3A_138, %ne3A_133 : i1
      %add3A_140 = arith.addi %rem3A_131, %select_n3A_130 : i32
      %select_n3A_141 = arith.select %and3A_139, %add3A_140, %rem3A_131 : i32
      %mul3A_142 = arith.constant 4104 : i32
      %mul3A_143 = arith.muli %select_n3A_141, %mul3A_142 : i32
      %multiple_of3A_144 = tpu.assume_multiple %mul3A_143, 8 : i32
      %mul3A_145 = arith.constant 4224 : i32
      %mul3A_146 = arith.muli %add3A_125, %mul3A_145 : i32
      %multiple_of3A_147 = tpu.assume_multiple %mul3A_146, 8 : i32
      %jit3A_148 = arith.constant 8 : i32
      %eq3A_149 = arith.constant 0 : i32
      %eq3A_150 = arith.cmpi eq, %jit3A_148, %eq3A_149 : i32
      %jit3A_151 = arith.constant 1 : i32
      %select_n3A_152 = arith.select %eq3A_150, %jit3A_151, %jit3A_148 : i32
      %rem3A_153 = arith.remsi %add3A_54, %select_n3A_152 : i32
      %ne3A_154 = arith.constant 0 : i32
      %ne3A_155 = arith.cmpi ne, %rem3A_153, %ne3A_154 : i32
      %lt3A_156 = arith.constant 0 : i32
      %lt3A_157 = arith.cmpi slt, %rem3A_153, %lt3A_156 : i32
      %lt3A_158 = arith.constant 0 : i32
      %lt3A_159 = arith.cmpi slt, %select_n3A_152, %lt3A_158 : i32
      %ne3A_160 = arith.xori %lt3A_157, %lt3A_159 : i1
      %and3A_161 = arith.andi %ne3A_160, %ne3A_155 : i1
      %add3A_162 = arith.addi %rem3A_153, %select_n3A_152 : i32
      %select_n3A_163 = arith.select %and3A_161, %add3A_162, %rem3A_153 : i32
      %dma_start3A = tpu.memref_slice %arg4[%multiple_of3A_144] : memref<32832xf32, #tpu.memory_space<vmem>> -> memref<3592xf32, #tpu.memory_space<vmem>>
      %dma_start3A_164 = tpu.memref_slice %arg3[%multiple_of3A_147] : memref<17301504xf32, #tpu.memory_space<hbm>> -> memref<3592xf32, #tpu.memory_space<hbm>>
      %dma_start3A_165 = tpu.memref_slice %arg6[%select_n3A_163] : memref<8x!tpu.dma_semaphore, #tpu.memory_space<semaphore_mem>> -> memref<1x!tpu.dma_semaphore, #tpu.memory_space<semaphore_mem>>
      %dma_start3A_166 = tpu.memref_squeeze %dma_start3A_165 : memref<1x!tpu.dma_semaphore, #tpu.memory_space<semaphore_mem>> -> memref<!tpu.dma_semaphore, #tpu.memory_space<semaphore_mem>>
      %dma_start3A_167 = tpu.memref_slice %arg3[%multiple_of3A_147] : memref<17301504xf32, #tpu.memory_space<hbm>> -> memref<3592xf32, #tpu.memory_space<hbm>>
      %dma_start3A_168 = tpu.memref_slice %arg4[%multiple_of3A_144] : memref<32832xf32, #tpu.memory_space<vmem>> -> memref<3592xf32, #tpu.memory_space<vmem>>
      tpu.enqueue_dma source(%dma_start3A_168 : memref<3592xf32, #tpu.memory_space<vmem>>) target(%dma_start3A_167 : memref<3592xf32, #tpu.memory_space<hbm>>) target_semaphore(%dma_start3A_166 : memref<!tpu.dma_semaphore, #tpu.memory_space<semaphore_mem>>)
    }
    %scan3A_39 = arith.constant 16 : i32
    %scan3A_40 = arith.constant 0 : i32
    %scan3A_41 = arith.constant 16 : i32
    %scan3A_42 = arith.addi %scan3A_40, %scan3A_41 : i32
    %scan3A_43 = arith.constant 1 : i32
    scf.for %scan3A_50 = %scan3A_40 to %scan3A_42 step %scan3A_43  : i32 {
      %mul3A_51 = arith.constant 1 : i32
      %mul3A_52 = arith.muli %scan3A_50, %mul3A_51 : i32
      %add3A_53 = arith.constant 112 : i32
      %add3A_54 = arith.addi %add3A_53, %mul3A_52 : i32
      %add3A_55 = arith.constant 4 : i32
      %add3A_56 = arith.addi %add3A_54, %add3A_55 : i32
      %lt3A = arith.constant 128 : i32
      %lt3A_57 = arith.cmpi slt, %add3A_56, %lt3A : i32
      %convert_element_type3A = arith.extui %lt3A_57 : i1 to i32
      %cond3A = arith.constant 0 : i32
      %cond3A_58 = arith.cmpi ne, %convert_element_type3A, %cond3A : i32
      scf.if %cond3A_58 {
        %ge3A = arith.constant 8 : i32
        %ge3A_169 = arith.cmpi sge, %add3A_56, %ge3A : i32
        %convert_element_type3A_170 = arith.extui %ge3A_169 : i1 to i32
        %cond3A_171 = arith.constant 0 : i32
        %cond3A_172 = arith.cmpi ne, %convert_element_type3A_170, %cond3A_171 : i32
        scf.if %cond3A_172 {
          %sub3A_178 = arith.constant 8 : i32
          %sub3A_179 = arith.subi %add3A_56, %sub3A_178 : i32
          %ge3A_180 = arith.constant 112 : i32
          %ge3A_181 = arith.cmpi sge, %sub3A_179, %ge3A_180 : i32
          %convert_element_type3A_182 = arith.extui %ge3A_181 : i1 to i32
          %cond3A_183 = arith.constant 0 : i32
          %cond3A_184 = arith.cmpi ne, %convert_element_type3A_182, %cond3A_183 : i32
          scf.if %cond3A_184 {
            %mul3A_190 = arith.constant 32 : i32
            %mul3A_191 = arith.muli %sub3A_179, %mul3A_190 : i32
            %add3A_192 = arith.addi %mul3A_191, %add3A : i32
            %jit3A_193 = arith.constant 8 : i32
            %eq3A_194 = arith.constant 0 : i32
            %eq3A_195 = arith.cmpi eq, %jit3A_193, %eq3A_194 : i32
            %jit3A_196 = arith.constant 1 : i32
            %select_n3A_197 = arith.select %eq3A_195, %jit3A_196, %jit3A_193 : i32
            %rem3A_198 = arith.remsi %sub3A_179, %select_n3A_197 : i32
            %ne3A_199 = arith.constant 0 : i32
            %ne3A_200 = arith.cmpi ne, %rem3A_198, %ne3A_199 : i32
            %lt3A_201 = arith.constant 0 : i32
            %lt3A_202 = arith.cmpi slt, %rem3A_198, %lt3A_201 : i32
            %lt3A_203 = arith.constant 0 : i32
            %lt3A_204 = arith.cmpi slt, %select_n3A_197, %lt3A_203 : i32
            %ne3A_205 = arith.xori %lt3A_202, %lt3A_204 : i1
            %and3A_206 = arith.andi %ne3A_205, %ne3A_200 : i1
            %add3A_207 = arith.addi %rem3A_198, %select_n3A_197 : i32
            %select_n3A_208 = arith.select %and3A_206, %add3A_207, %rem3A_198 : i32
            %mul3A_209 = arith.constant 4104 : i32
            %mul3A_210 = arith.muli %select_n3A_208, %mul3A_209 : i32
            %multiple_of3A_211 = tpu.assume_multiple %mul3A_210, 8 : i32
            %mul3A_212 = arith.constant 4224 : i32
            %mul3A_213 = arith.muli %add3A_192, %mul3A_212 : i32
            %multiple_of3A_214 = tpu.assume_multiple %mul3A_213, 8 : i32
            %jit3A_215 = arith.constant 8 : i32
            %eq3A_216 = arith.constant 0 : i32
            %eq3A_217 = arith.cmpi eq, %jit3A_215, %eq3A_216 : i32
            %jit3A_218 = arith.constant 1 : i32
            %select_n3A_219 = arith.select %eq3A_217, %jit3A_218, %jit3A_215 : i32
            %rem3A_220 = arith.remsi %sub3A_179, %select_n3A_219 : i32
            %ne3A_221 = arith.constant 0 : i32
            %ne3A_222 = arith.cmpi ne, %rem3A_220, %ne3A_221 : i32
            %lt3A_223 = arith.constant 0 : i32
            %lt3A_224 = arith.cmpi slt, %rem3A_220, %lt3A_223 : i32
            %lt3A_225 = arith.constant 0 : i32
            %lt3A_226 = arith.cmpi slt, %select_n3A_219, %lt3A_225 : i32
            %ne3A_227 = arith.xori %lt3A_224, %lt3A_226 : i1
            %and3A_228 = arith.andi %ne3A_227, %ne3A_222 : i1
            %add3A_229 = arith.addi %rem3A_220, %select_n3A_219 : i32
            %select_n3A_230 = arith.select %and3A_228, %add3A_229, %rem3A_220 : i32
            %dma_wait3A_231 = tpu.memref_slice %arg4[%multiple_of3A_211] : memref<32832xf32, #tpu.memory_space<vmem>> -> memref<4104xf32, #tpu.memory_space<vmem>>
            %dma_wait3A_232 = tpu.memref_slice %arg3[%multiple_of3A_214] : memref<17301504xf32, #tpu.memory_space<hbm>> -> memref<4104xf32, #tpu.memory_space<hbm>>
            %dma_wait3A_233 = tpu.memref_slice %arg6[%select_n3A_230] : memref<8x!tpu.dma_semaphore, #tpu.memory_space<semaphore_mem>> -> memref<1x!tpu.dma_semaphore, #tpu.memory_space<semaphore_mem>>
            %dma_wait3A_234 = tpu.memref_squeeze %dma_wait3A_233 : memref<1x!tpu.dma_semaphore, #tpu.memory_space<semaphore_mem>> -> memref<!tpu.dma_semaphore, #tpu.memory_space<semaphore_mem>>
            %dma_wait3A_235 = tpu.memref_slice %arg3[%multiple_of3A_214] : memref<17301504xf32, #tpu.memory_space<hbm>> -> memref<4104xf32, #tpu.memory_space<hbm>>
            %dma_wait3A_236 = tpu.memref_slice %arg4[%multiple_of3A_211] : memref<32832xf32, #tpu.memory_space<vmem>> -> memref<4104xf32, #tpu.memory_space<vmem>>
            tpu.wait_dma2 semaphore(%dma_wait3A_234 : memref<!tpu.dma_semaphore, #tpu.memory_space<semaphore_mem>>) src(%dma_wait3A_236 : memref<4104xf32, #tpu.memory_space<vmem>>) dst(%dma_wait3A_235 : memref<4104xf32, #tpu.memory_space<hbm>>)
          } else {
          }
          %lt3A_185 = arith.constant 112 : i32
          %lt3A_186 = arith.cmpi slt, %sub3A_179, %lt3A_185 : i32
          %convert_element_type3A_187 = arith.extui %lt3A_186 : i1 to i32
          %cond3A_188 = arith.constant 0 : i32
          %cond3A_189 = arith.cmpi ne, %convert_element_type3A_187, %cond3A_188 : i32
          scf.if %cond3A_189 {
            %mul3A_190 = arith.constant 32 : i32
            %mul3A_191 = arith.muli %sub3A_179, %mul3A_190 : i32
            %add3A_192 = arith.addi %mul3A_191, %add3A : i32
            %jit3A_193 = arith.constant 8 : i32
            %eq3A_194 = arith.constant 0 : i32
            %eq3A_195 = arith.cmpi eq, %jit3A_193, %eq3A_194 : i32
            %jit3A_196 = arith.constant 1 : i32
            %select_n3A_197 = arith.select %eq3A_195, %jit3A_196, %jit3A_193 : i32
            %rem3A_198 = arith.remsi %sub3A_179, %select_n3A_197 : i32
            %ne3A_199 = arith.constant 0 : i32
            %ne3A_200 = arith.cmpi ne, %rem3A_198, %ne3A_199 : i32
            %lt3A_201 = arith.constant 0 : i32
            %lt3A_202 = arith.cmpi slt, %rem3A_198, %lt3A_201 : i32
            %lt3A_203 = arith.constant 0 : i32
            %lt3A_204 = arith.cmpi slt, %select_n3A_197, %lt3A_203 : i32
            %ne3A_205 = arith.xori %lt3A_202, %lt3A_204 : i1
            %and3A_206 = arith.andi %ne3A_205, %ne3A_200 : i1
            %add3A_207 = arith.addi %rem3A_198, %select_n3A_197 : i32
            %select_n3A_208 = arith.select %and3A_206, %add3A_207, %rem3A_198 : i32
            %mul3A_209 = arith.constant 4104 : i32
            %mul3A_210 = arith.muli %select_n3A_208, %mul3A_209 : i32
            %multiple_of3A_211 = tpu.assume_multiple %mul3A_210, 8 : i32
            %mul3A_212 = arith.constant 4224 : i32
            %mul3A_213 = arith.muli %add3A_192, %mul3A_212 : i32
            %multiple_of3A_214 = tpu.assume_multiple %mul3A_213, 8 : i32
            %jit3A_215 = arith.constant 8 : i32
            %eq3A_216 = arith.constant 0 : i32
            %eq3A_217 = arith.cmpi eq, %jit3A_215, %eq3A_216 : i32
            %jit3A_218 = arith.constant 1 : i32
            %select_n3A_219 = arith.select %eq3A_217, %jit3A_218, %jit3A_215 : i32
            %rem3A_220 = arith.remsi %sub3A_179, %select_n3A_219 : i32
            %ne3A_221 = arith.constant 0 : i32
            %ne3A_222 = arith.cmpi ne, %rem3A_220, %ne3A_221 : i32
            %lt3A_223 = arith.constant 0 : i32
            %lt3A_224 = arith.cmpi slt, %rem3A_220, %lt3A_223 : i32
            %lt3A_225 = arith.constant 0 : i32
            %lt3A_226 = arith.cmpi slt, %select_n3A_219, %lt3A_225 : i32
            %ne3A_227 = arith.xori %lt3A_224, %lt3A_226 : i1
            %and3A_228 = arith.andi %ne3A_227, %ne3A_222 : i1
            %add3A_229 = arith.addi %rem3A_220, %select_n3A_219 : i32
            %select_n3A_230 = arith.select %and3A_228, %add3A_229, %rem3A_220 : i32
            %dma_wait3A_231 = tpu.memref_slice %arg4[%multiple_of3A_211] : memref<32832xf32, #tpu.memory_space<vmem>> -> memref<3592xf32, #tpu.memory_space<vmem>>
            %dma_wait3A_232 = tpu.memref_slice %arg3[%multiple_of3A_214] : memref<17301504xf32, #tpu.memory_space<hbm>> -> memref<3592xf32, #tpu.memory_space<hbm>>
            %dma_wait3A_233 = tpu.memref_slice %arg6[%select_n3A_230] : memref<8x!tpu.dma_semaphore, #tpu.memory_space<semaphore_mem>> -> memref<1x!tpu.dma_semaphore, #tpu.memory_space<semaphore_mem>>
            %dma_wait3A_234 = tpu.memref_squeeze %dma_wait3A_233 : memref<1x!tpu.dma_semaphore, #tpu.memory_space<semaphore_mem>> -> memref<!tpu.dma_semaphore, #tpu.memory_space<semaphore_mem>>
            %dma_wait3A_235 = tpu.memref_slice %arg3[%multiple_of3A_214] : memref<17301504xf32, #tpu.memory_space<hbm>> -> memref<3592xf32, #tpu.memory_space<hbm>>
            %dma_wait3A_236 = tpu.memref_slice %arg4[%multiple_of3A_211] : memref<32832xf32, #tpu.memory_space<vmem>> -> memref<3592xf32, #tpu.memory_space<vmem>>
            tpu.wait_dma2 semaphore(%dma_wait3A_234 : memref<!tpu.dma_semaphore, #tpu.memory_space<semaphore_mem>>) src(%dma_wait3A_236 : memref<3592xf32, #tpu.memory_space<vmem>>) dst(%dma_wait3A_235 : memref<3592xf32, #tpu.memory_space<hbm>>)
          } else {
          }
        } else {
        }
        %lt3A_173 = arith.constant 128 : i32
        %lt3A_174 = arith.cmpi slt, %add3A_56, %lt3A_173 : i32
        %convert_element_type3A_175 = arith.extui %lt3A_174 : i1 to i32
        %cond3A_176 = arith.constant 0 : i32
        %cond3A_177 = arith.cmpi ne, %convert_element_type3A_175, %cond3A_176 : i32
        scf.if %cond3A_177 {
          %mul3A_178 = arith.constant 32 : i32
          %mul3A_179 = arith.muli %add3A_56, %mul3A_178 : i32
          %add3A_180 = arith.addi %mul3A_179, %add3A : i32
          %add3A_181 = arith.constant 1 : i32
          %add3A_182 = arith.addi %add3A_180, %add3A_181 : i32
          %mul3A_183 = arith.muli %add3A_180, %add3A_182 : i32
          %jit3A_184 = arith.constant 2 : i32
          %div3A_185 = arith.divsi %mul3A_183, %jit3A_184 : i32
          %sign3A_186 = arith.constant 0 : i32
          %sign3A_187 = arith.cmpi sgt, %mul3A_183, %sign3A_186 : i32
          %sign3A_188 = arith.extui %sign3A_187 : i1 to i32
          %sign3A_189 = arith.constant 0 : i32
          %sign3A_190 = arith.cmpi slt, %mul3A_183, %sign3A_189 : i32
          %sign3A_191 = arith.extui %sign3A_190 : i1 to i32
          %sign3A_192 = arith.subi %sign3A_188, %sign3A_191 : i32
          %sign3A_193 = arith.constant 0 : i32
          %sign3A_194 = arith.cmpi sgt, %jit3A_184, %sign3A_193 : i32
          %sign3A_195 = arith.extui %sign3A_194 : i1 to i32
          %sign3A_196 = arith.constant 0 : i32
          %sign3A_197 = arith.cmpi slt, %jit3A_184, %sign3A_196 : i32
          %sign3A_198 = arith.extui %sign3A_197 : i1 to i32
          %sign3A_199 = arith.subi %sign3A_195, %sign3A_198 : i32
          %ne3A_200 = arith.cmpi ne, %sign3A_192, %sign3A_199 : i32
          %rem3A_201 = arith.remsi %mul3A_183, %jit3A_184 : i32
          %ne3A_202 = arith.constant 0 : i32
          %ne3A_203 = arith.cmpi ne, %rem3A_201, %ne3A_202 : i32
          %and3A_204 = arith.andi %ne3A_200, %ne3A_203 : i1
          %sub3A_205 = arith.constant 1 : i32
          %sub3A_206 = arith.subi %div3A_185, %sub3A_205 : i32
          %select_n3A_207 = arith.select %and3A_204, %sub3A_206, %div3A_185 : i32
          %and3A_208 = arith.constant -8 : i32
          %and3A_209 = arith.andi %select_n3A_207, %and3A_208 : i32
          %min3A_210 = arith.constant 8386552 : i32
          %min3A_211 = arith.minsi %and3A_209, %min3A_210 : i32
          %multiple_of3A_212 = tpu.assume_multiple %min3A_211, 8 : i32
          %jit3A_213 = arith.constant 8 : i32
          %eq3A_214 = arith.constant 0 : i32
          %eq3A_215 = arith.cmpi eq, %jit3A_213, %eq3A_214 : i32
          %jit3A_216 = arith.constant 1 : i32
          %select_n3A_217 = arith.select %eq3A_215, %jit3A_216, %jit3A_213 : i32
          %rem3A_218 = arith.remsi %add3A_56, %select_n3A_217 : i32
          %ne3A_219 = arith.constant 0 : i32
          %ne3A_220 = arith.cmpi ne, %rem3A_218, %ne3A_219 : i32
          %lt3A_221 = arith.constant 0 : i32
          %lt3A_222 = arith.cmpi slt, %rem3A_218, %lt3A_221 : i32
          %lt3A_223 = arith.constant 0 : i32
          %lt3A_224 = arith.cmpi slt, %select_n3A_217, %lt3A_223 : i32
          %ne3A_225 = arith.xori %lt3A_222, %lt3A_224 : i1
          %and3A_226 = arith.andi %ne3A_225, %ne3A_220 : i1
          %add3A_227 = arith.addi %rem3A_218, %select_n3A_217 : i32
          %select_n3A_228 = arith.select %and3A_226, %add3A_227, %rem3A_218 : i32
          %mul3A_229 = arith.constant 4104 : i32
          %mul3A_230 = arith.muli %select_n3A_228, %mul3A_229 : i32
          %multiple_of3A_231 = tpu.assume_multiple %mul3A_230, 8 : i32
          %jit3A_232 = arith.constant 8 : i32
          %eq3A_233 = arith.constant 0 : i32
          %eq3A_234 = arith.cmpi eq, %jit3A_232, %eq3A_233 : i32
          %jit3A_235 = arith.constant 1 : i32
          %select_n3A_236 = arith.select %eq3A_234, %jit3A_235, %jit3A_232 : i32
          %rem3A_237 = arith.remsi %add3A_56, %select_n3A_236 : i32
          %ne3A_238 = arith.constant 0 : i32
          %ne3A_239 = arith.cmpi ne, %rem3A_237, %ne3A_238 : i32
          %lt3A_240 = arith.constant 0 : i32
          %lt3A_241 = arith.cmpi slt, %rem3A_237, %lt3A_240 : i32
          %lt3A_242 = arith.constant 0 : i32
          %lt3A_243 = arith.cmpi slt, %select_n3A_236, %lt3A_242 : i32
          %ne3A_244 = arith.xori %lt3A_241, %lt3A_243 : i1
          %and3A_245 = arith.andi %ne3A_244, %ne3A_239 : i1
          %add3A_246 = arith.addi %rem3A_237, %select_n3A_236 : i32
          %select_n3A_247 = arith.select %and3A_245, %add3A_246, %rem3A_237 : i32
          %dma_start3A_248 = tpu.memref_slice %arg4[%multiple_of3A_231] : memref<32832xf32, #tpu.memory_space<vmem>> -> memref<4104xf32, #tpu.memory_space<vmem>>
          %dma_start3A_249 = tpu.memref_slice %arg2[%multiple_of3A_212] : memref<8390656xf32, #tpu.memory_space<hbm>> -> memref<4104xf32, #tpu.memory_space<hbm>>
          %dma_start3A_250 = tpu.memref_slice %arg5[%select_n3A_247] : memref<8x!tpu.dma_semaphore, #tpu.memory_space<semaphore_mem>> -> memref<1x!tpu.dma_semaphore, #tpu.memory_space<semaphore_mem>>
          %dma_start3A_251 = tpu.memref_squeeze %dma_start3A_250 : memref<1x!tpu.dma_semaphore, #tpu.memory_space<semaphore_mem>> -> memref<!tpu.dma_semaphore, #tpu.memory_space<semaphore_mem>>
          %dma_start3A_252 = tpu.memref_slice %arg4[%multiple_of3A_231] : memref<32832xf32, #tpu.memory_space<vmem>> -> memref<4104xf32, #tpu.memory_space<vmem>>
          %dma_start3A_253 = tpu.memref_slice %arg2[%multiple_of3A_212] : memref<8390656xf32, #tpu.memory_space<hbm>> -> memref<4104xf32, #tpu.memory_space<hbm>>
          tpu.enqueue_dma source(%dma_start3A_253 : memref<4104xf32, #tpu.memory_space<hbm>>) target(%dma_start3A_252 : memref<4104xf32, #tpu.memory_space<vmem>>) target_semaphore(%dma_start3A_251 : memref<!tpu.dma_semaphore, #tpu.memory_space<semaphore_mem>>)
        } else {
        }
      } else {
      }
      %mul3A_59 = arith.constant 32 : i32
      %mul3A_60 = arith.muli %add3A_54, %mul3A_59 : i32
      %add3A_61 = arith.addi %mul3A_60, %add3A : i32
      %add3A_62 = arith.constant 1 : i32
      %add3A_63 = arith.addi %add3A_61, %add3A_62 : i32
      %mul3A_64 = arith.muli %add3A_61, %add3A_63 : i32
      %jit3A = arith.constant 2 : i32
      %div3A = arith.divsi %mul3A_64, %jit3A : i32
      %sign3A = arith.constant 0 : i32
      %sign3A_65 = arith.cmpi sgt, %mul3A_64, %sign3A : i32
      %sign3A_66 = arith.extui %sign3A_65 : i1 to i32
      %sign3A_67 = arith.constant 0 : i32
      %sign3A_68 = arith.cmpi slt, %mul3A_64, %sign3A_67 : i32
      %sign3A_69 = arith.extui %sign3A_68 : i1 to i32
      %sign3A_70 = arith.subi %sign3A_66, %sign3A_69 : i32
      %sign3A_71 = arith.constant 0 : i32
      %sign3A_72 = arith.cmpi sgt, %jit3A, %sign3A_71 : i32
      %sign3A_73 = arith.extui %sign3A_72 : i1 to i32
      %sign3A_74 = arith.constant 0 : i32
      %sign3A_75 = arith.cmpi slt, %jit3A, %sign3A_74 : i32
      %sign3A_76 = arith.extui %sign3A_75 : i1 to i32
      %sign3A_77 = arith.subi %sign3A_73, %sign3A_76 : i32
      %ne3A = arith.cmpi ne, %sign3A_70, %sign3A_77 : i32
      %rem3A = arith.remsi %mul3A_64, %jit3A : i32
      %ne3A_78 = arith.constant 0 : i32
      %ne3A_79 = arith.cmpi ne, %rem3A, %ne3A_78 : i32
      %and3A = arith.andi %ne3A, %ne3A_79 : i1
      %sub3A = arith.constant 1 : i32
      %sub3A_80 = arith.subi %div3A, %sub3A : i32
      %select_n3A = arith.select %and3A, %sub3A_80, %div3A : i32
      %and3A_81 = arith.constant -8 : i32
      %and3A_82 = arith.andi %select_n3A, %and3A_81 : i32
      %min3A = arith.constant 8386552 : i32
      %min3A_83 = arith.minsi %and3A_82, %min3A : i32
      %multiple_of3A = tpu.assume_multiple %min3A_83, 8 : i32
      %jit3A_84 = arith.constant 8 : i32
      %eq3A = arith.constant 0 : i32
      %eq3A_85 = arith.cmpi eq, %jit3A_84, %eq3A : i32
      %jit3A_86 = arith.constant 1 : i32
      %select_n3A_87 = arith.select %eq3A_85, %jit3A_86, %jit3A_84 : i32
      %rem3A_88 = arith.remsi %add3A_54, %select_n3A_87 : i32
      %ne3A_89 = arith.constant 0 : i32
      %ne3A_90 = arith.cmpi ne, %rem3A_88, %ne3A_89 : i32
      %lt3A_91 = arith.constant 0 : i32
      %lt3A_92 = arith.cmpi slt, %rem3A_88, %lt3A_91 : i32
      %lt3A_93 = arith.constant 0 : i32
      %lt3A_94 = arith.cmpi slt, %select_n3A_87, %lt3A_93 : i32
      %ne3A_95 = arith.xori %lt3A_92, %lt3A_94 : i1
      %and3A_96 = arith.andi %ne3A_95, %ne3A_90 : i1
      %add3A_97 = arith.addi %rem3A_88, %select_n3A_87 : i32
      %select_n3A_98 = arith.select %and3A_96, %add3A_97, %rem3A_88 : i32
      %mul3A_99 = arith.constant 4104 : i32
      %mul3A_100 = arith.muli %select_n3A_98, %mul3A_99 : i32
      %multiple_of3A_101 = tpu.assume_multiple %mul3A_100, 8 : i32
      %jit3A_102 = arith.constant 8 : i32
      %eq3A_103 = arith.constant 0 : i32
      %eq3A_104 = arith.cmpi eq, %jit3A_102, %eq3A_103 : i32
      %jit3A_105 = arith.constant 1 : i32
      %select_n3A_106 = arith.select %eq3A_104, %jit3A_105, %jit3A_102 : i32
      %rem3A_107 = arith.remsi %add3A_54, %select_n3A_106 : i32
      %ne3A_108 = arith.constant 0 : i32
      %ne3A_109 = arith.cmpi ne, %rem3A_107, %ne3A_108 : i32
      %lt3A_110 = arith.constant 0 : i32
      %lt3A_111 = arith.cmpi slt, %rem3A_107, %lt3A_110 : i32
      %lt3A_112 = arith.constant 0 : i32
      %lt3A_113 = arith.cmpi slt, %select_n3A_106, %lt3A_112 : i32
      %ne3A_114 = arith.xori %lt3A_111, %lt3A_113 : i1
      %and3A_115 = arith.andi %ne3A_114, %ne3A_109 : i1
      %add3A_116 = arith.addi %rem3A_107, %select_n3A_106 : i32
      %select_n3A_117 = arith.select %and3A_115, %add3A_116, %rem3A_107 : i32
      %dma_wait3A = tpu.memref_slice %arg4[%multiple_of3A_101] : memref<32832xf32, #tpu.memory_space<vmem>> -> memref<4104xf32, #tpu.memory_space<vmem>>
      %dma_wait3A_118 = tpu.memref_slice %arg2[%multiple_of3A] : memref<8390656xf32, #tpu.memory_space<hbm>> -> memref<4104xf32, #tpu.memory_space<hbm>>
      %dma_wait3A_119 = tpu.memref_slice %arg5[%select_n3A_117] : memref<8x!tpu.dma_semaphore, #tpu.memory_space<semaphore_mem>> -> memref<1x!tpu.dma_semaphore, #tpu.memory_space<semaphore_mem>>
      %dma_wait3A_120 = tpu.memref_squeeze %dma_wait3A_119 : memref<1x!tpu.dma_semaphore, #tpu.memory_space<semaphore_mem>> -> memref<!tpu.dma_semaphore, #tpu.memory_space<semaphore_mem>>
      %dma_wait3A_121 = tpu.memref_slice %arg4[%multiple_of3A_101] : memref<32832xf32, #tpu.memory_space<vmem>> -> memref<4104xf32, #tpu.memory_space<vmem>>
      %dma_wait3A_122 = tpu.memref_slice %arg2[%multiple_of3A] : memref<8390656xf32, #tpu.memory_space<hbm>> -> memref<4104xf32, #tpu.memory_space<hbm>>
      tpu.wait_dma2 semaphore(%dma_wait3A_120 : memref<!tpu.dma_semaphore, #tpu.memory_space<semaphore_mem>>) src(%dma_wait3A_122 : memref<4104xf32, #tpu.memory_space<hbm>>) dst(%dma_wait3A_121 : memref<4104xf32, #tpu.memory_space<vmem>>)
      %mul3A_123 = arith.constant 32 : i32
      %mul3A_124 = arith.muli %add3A_54, %mul3A_123 : i32
      %add3A_125 = arith.addi %mul3A_124, %add3A : i32
      %jit3A_126 = arith.constant 8 : i32
      %eq3A_127 = arith.constant 0 : i32
      %eq3A_128 = arith.cmpi eq, %jit3A_126, %eq3A_127 : i32
      %jit3A_129 = arith.constant 1 : i32
      %select_n3A_130 = arith.select %eq3A_128, %jit3A_129, %jit3A_126 : i32
      %rem3A_131 = arith.remsi %add3A_54, %select_n3A_130 : i32
      %ne3A_132 = arith.constant 0 : i32
      %ne3A_133 = arith.cmpi ne, %rem3A_131, %ne3A_132 : i32
      %lt3A_134 = arith.constant 0 : i32
      %lt3A_135 = arith.cmpi slt, %rem3A_131, %lt3A_134 : i32
      %lt3A_136 = arith.constant 0 : i32
      %lt3A_137 = arith.cmpi slt, %select_n3A_130, %lt3A_136 : i32
      %ne3A_138 = arith.xori %lt3A_135, %lt3A_137 : i1
      %and3A_139 = arith.andi %ne3A_138, %ne3A_133 : i1
      %add3A_140 = arith.addi %rem3A_131, %select_n3A_130 : i32
      %select_n3A_141 = arith.select %and3A_139, %add3A_140, %rem3A_131 : i32
      %mul3A_142 = arith.constant 4104 : i32
      %mul3A_143 = arith.muli %select_n3A_141, %mul3A_142 : i32
      %multiple_of3A_144 = tpu.assume_multiple %mul3A_143, 8 : i32
      %mul3A_145 = arith.constant 4224 : i32
      %mul3A_146 = arith.muli %add3A_125, %mul3A_145 : i32
      %multiple_of3A_147 = tpu.assume_multiple %mul3A_146, 8 : i32
      %jit3A_148 = arith.constant 8 : i32
      %eq3A_149 = arith.constant 0 : i32
      %eq3A_150 = arith.cmpi eq, %jit3A_148, %eq3A_149 : i32
      %jit3A_151 = arith.constant 1 : i32
      %select_n3A_152 = arith.select %eq3A_150, %jit3A_151, %jit3A_148 : i32
      %rem3A_153 = arith.remsi %add3A_54, %select_n3A_152 : i32
      %ne3A_154 = arith.constant 0 : i32
      %ne3A_155 = arith.cmpi ne, %rem3A_153, %ne3A_154 : i32
      %lt3A_156 = arith.constant 0 : i32
      %lt3A_157 = arith.cmpi slt, %rem3A_153, %lt3A_156 : i32
      %lt3A_158 = arith.constant 0 : i32
      %lt3A_159 = arith.cmpi slt, %select_n3A_152, %lt3A_158 : i32
      %ne3A_160 = arith.xori %lt3A_157, %lt3A_159 : i1
      %and3A_161 = arith.andi %ne3A_160, %ne3A_155 : i1
      %add3A_162 = arith.addi %rem3A_153, %select_n3A_152 : i32
      %select_n3A_163 = arith.select %and3A_161, %add3A_162, %rem3A_153 : i32
      %dma_start3A = tpu.memref_slice %arg4[%multiple_of3A_144] : memref<32832xf32, #tpu.memory_space<vmem>> -> memref<4104xf32, #tpu.memory_space<vmem>>
      %dma_start3A_164 = tpu.memref_slice %arg3[%multiple_of3A_147] : memref<17301504xf32, #tpu.memory_space<hbm>> -> memref<4104xf32, #tpu.memory_space<hbm>>
      %dma_start3A_165 = tpu.memref_slice %arg6[%select_n3A_163] : memref<8x!tpu.dma_semaphore, #tpu.memory_space<semaphore_mem>> -> memref<1x!tpu.dma_semaphore, #tpu.memory_space<semaphore_mem>>
      %dma_start3A_166 = tpu.memref_squeeze %dma_start3A_165 : memref<1x!tpu.dma_semaphore, #tpu.memory_space<semaphore_mem>> -> memref<!tpu.dma_semaphore, #tpu.memory_space<semaphore_mem>>
      %dma_start3A_167 = tpu.memref_slice %arg3[%multiple_of3A_147] : memref<17301504xf32, #tpu.memory_space<hbm>> -> memref<4104xf32, #tpu.memory_space<hbm>>
      %dma_start3A_168 = tpu.memref_slice %arg4[%multiple_of3A_144] : memref<32832xf32, #tpu.memory_space<vmem>> -> memref<4104xf32, #tpu.memory_space<vmem>>
      tpu.enqueue_dma source(%dma_start3A_168 : memref<4104xf32, #tpu.memory_space<vmem>>) target(%dma_start3A_167 : memref<4104xf32, #tpu.memory_space<hbm>>) target_semaphore(%dma_start3A_166 : memref<!tpu.dma_semaphore, #tpu.memory_space<semaphore_mem>>)
    }
    %scan3A_44 = arith.constant 16 : i32
    %scan3A_45 = arith.constant 0 : i32
    %scan3A_46 = arith.constant 8 : i32
    %scan3A_47 = arith.addi %scan3A_45, %scan3A_46 : i32
    %scan3A_48 = arith.constant 1 : i32
    scf.for %scan3A_50 = %scan3A_45 to %scan3A_47 step %scan3A_48  : i32 {
      %mul3A_51 = arith.constant 1 : i32
      %mul3A_52 = arith.muli %scan3A_50, %mul3A_51 : i32
      %add3A_53 = arith.constant 120 : i32
      %add3A_54 = arith.addi %add3A_53, %mul3A_52 : i32
      %mul3A_55 = arith.constant 32 : i32
      %mul3A_56 = arith.muli %add3A_54, %mul3A_55 : i32
      %add3A_57 = arith.addi %mul3A_56, %add3A : i32
      %jit3A = arith.constant 8 : i32
      %eq3A = arith.constant 0 : i32
      %eq3A_58 = arith.cmpi eq, %jit3A, %eq3A : i32
      %jit3A_59 = arith.constant 1 : i32
      %select_n3A = arith.select %eq3A_58, %jit3A_59, %jit3A : i32
      %rem3A = arith.remsi %add3A_54, %select_n3A : i32
      %ne3A = arith.constant 0 : i32
      %ne3A_60 = arith.cmpi ne, %rem3A, %ne3A : i32
      %lt3A = arith.constant 0 : i32
      %lt3A_61 = arith.cmpi slt, %rem3A, %lt3A : i32
      %lt3A_62 = arith.constant 0 : i32
      %lt3A_63 = arith.cmpi slt, %select_n3A, %lt3A_62 : i32
      %ne3A_64 = arith.xori %lt3A_61, %lt3A_63 : i1
      %and3A = arith.andi %ne3A_64, %ne3A_60 : i1
      %add3A_65 = arith.addi %rem3A, %select_n3A : i32
      %select_n3A_66 = arith.select %and3A, %add3A_65, %rem3A : i32
      %mul3A_67 = arith.constant 4104 : i32
      %mul3A_68 = arith.muli %select_n3A_66, %mul3A_67 : i32
      %multiple_of3A = tpu.assume_multiple %mul3A_68, 8 : i32
      %mul3A_69 = arith.constant 4224 : i32
      %mul3A_70 = arith.muli %add3A_57, %mul3A_69 : i32
      %multiple_of3A_71 = tpu.assume_multiple %mul3A_70, 8 : i32
      %jit3A_72 = arith.constant 8 : i32
      %eq3A_73 = arith.constant 0 : i32
      %eq3A_74 = arith.cmpi eq, %jit3A_72, %eq3A_73 : i32
      %jit3A_75 = arith.constant 1 : i32
      %select_n3A_76 = arith.select %eq3A_74, %jit3A_75, %jit3A_72 : i32
      %rem3A_77 = arith.remsi %add3A_54, %select_n3A_76 : i32
      %ne3A_78 = arith.constant 0 : i32
      %ne3A_79 = arith.cmpi ne, %rem3A_77, %ne3A_78 : i32
      %lt3A_80 = arith.constant 0 : i32
      %lt3A_81 = arith.cmpi slt, %rem3A_77, %lt3A_80 : i32
      %lt3A_82 = arith.constant 0 : i32
      %lt3A_83 = arith.cmpi slt, %select_n3A_76, %lt3A_82 : i32
      %ne3A_84 = arith.xori %lt3A_81, %lt3A_83 : i1
      %and3A_85 = arith.andi %ne3A_84, %ne3A_79 : i1
      %add3A_86 = arith.addi %rem3A_77, %select_n3A_76 : i32
      %select_n3A_87 = arith.select %and3A_85, %add3A_86, %rem3A_77 : i32
      %dma_wait3A = tpu.memref_slice %arg4[%multiple_of3A] : memref<32832xf32, #tpu.memory_space<vmem>> -> memref<4104xf32, #tpu.memory_space<vmem>>
      %dma_wait3A_88 = tpu.memref_slice %arg3[%multiple_of3A_71] : memref<17301504xf32, #tpu.memory_space<hbm>> -> memref<4104xf32, #tpu.memory_space<hbm>>
      %dma_wait3A_89 = tpu.memref_slice %arg6[%select_n3A_87] : memref<8x!tpu.dma_semaphore, #tpu.memory_space<semaphore_mem>> -> memref<1x!tpu.dma_semaphore, #tpu.memory_space<semaphore_mem>>
      %dma_wait3A_90 = tpu.memref_squeeze %dma_wait3A_89 : memref<1x!tpu.dma_semaphore, #tpu.memory_space<semaphore_mem>> -> memref<!tpu.dma_semaphore, #tpu.memory_space<semaphore_mem>>
      %dma_wait3A_91 = tpu.memref_slice %arg3[%multiple_of3A_71] : memref<17301504xf32, #tpu.memory_space<hbm>> -> memref<4104xf32, #tpu.memory_space<hbm>>
      %dma_wait3A_92 = tpu.memref_slice %arg4[%multiple_of3A] : memref<32832xf32, #tpu.memory_space<vmem>> -> memref<4104xf32, #tpu.memory_space<vmem>>
      tpu.wait_dma2 semaphore(%dma_wait3A_90 : memref<!tpu.dma_semaphore, #tpu.memory_space<semaphore_mem>>) src(%dma_wait3A_92 : memref<4104xf32, #tpu.memory_space<vmem>>) dst(%dma_wait3A_91 : memref<4104xf32, #tpu.memory_space<hbm>>)
    }
    %scan3A_49 = arith.constant 8 : i32
    return
  }
}

module attributes {stable_mosaic.version = 14 : i64} {
  func.func @_matmul_body(%arg0: i32, %arg1: memref<512x128xf32, #tpu.memory_space<vmem>>, %arg2: memref<128x128xf32, #tpu.memory_space<vmem>>, %arg3: memref<512x128xf32, #tpu.memory_space<vmem>>) attributes {dimension_semantics = [#tpu.dimension_semantics<arbitrary>], iteration_bounds = array<i64: 8>, scalar_prefetch = 0 : i64, scratch_operands = 0 : i64, tpu.core_type = #tpu.core_type<tc>, window_params = [{transform_indices = @transform_0, window_bounds = array<i64: 512, 128>}, {pipeline_mode = #tpu.pipeline_mode<synchronous>, transform_indices = @transform_1, window_bounds = array<i64: 128, 128>}, {transform_indices = @transform_2, window_bounds = array<i64: 512, 128>}]} {
    %get3A = arith.constant 0 : index
    %get3A_0 = arith.constant 0 : index
    %get3A_1 = vector.load %arg1[%get3A, %get3A_0] : memref<512x128xf32, #tpu.memory_space<vmem>>, vector<512x128xf32>
    %get3A_2 = arith.constant 0 : index
    %get3A_3 = arith.constant 0 : index
    %get3A_4 = vector.load %arg2[%get3A_2, %get3A_3] : memref<128x128xf32, #tpu.memory_space<vmem>>, vector<128x128xf32>
    %dot_general3A = arith.constant dense<0.000000e+00> : vector<512x128xf32>
    %dot_general3A_5 = tpu.matmul %get3A_1, %get3A_4, %dot_general3A {dimension_numbers = #tpu.dot_dimension_numbers<[1], [0], [0], [1], [0, 0, 1, 1], [], []>, precision = #tpu.contract_precision<fp32>, transpose_lhs_hint = false} : vector<512x128xf32>, vector<128x128xf32>, vector<512x128xf32> -> vector<512x128xf32>
    %swap3A = arith.constant 0 : index
    %swap3A_6 = arith.constant 0 : index
    %swap3A_7 = vector.load %arg3[%swap3A, %swap3A_6] : memref<512x128xf32, #tpu.memory_space<vmem>>, vector<512x128xf32>
    tpu.vector_store %arg3[%swap3A, %swap3A_6], %dot_general3A_5 {strides = array<i32>} : memref<512x128xf32, #tpu.memory_space<vmem>>, vector<512x128xf32>,
    return
  }
  func.func @transform_0(%arg0: i32) -> (i32, i32) {
    %c0_i32 = arith.constant 0 : i32
    %c0_i32_0 = arith.constant 0 : i32
    return %arg0, %c0_i32 : i32, i32
  }
  func.func @transform_1(%arg0: i32) -> (i32, i32) {
    %c0_i32 = arith.constant 0 : i32
    %c0_i32_0 = arith.constant 0 : i32
    %c0_i32_1 = arith.constant 0 : i32
    return %c0_i32, %c0_i32_0 : i32, i32
  }
  func.func @transform_2(%arg0: i32) -> (i32, i32) {
    %c0_i32 = arith.constant 0 : i32
    %c0_i32_0 = arith.constant 0 : i32
    return %arg0, %c0_i32 : i32, i32
  }
}

module attributes {stable_mosaic.version = 14 : i64} {
  func.func @_retile_body(%arg0: i32, %arg1: memref<8448x128xf32, #tpu.memory_space<vmem>>, %arg2: memref<256x4224xf32, #tpu.memory_space<vmem>>) attributes {dimension_semantics = [#tpu.dimension_semantics<arbitrary>], iteration_bounds = array<i64: 16>, scalar_prefetch = 0 : i64, scratch_operands = 0 : i64, tpu.core_type = #tpu.core_type<tc>, window_params = [{transform_indices = @transform_0, window_bounds = array<i64: 8448, 128>}, {transform_indices = @transform_1, window_bounds = array<i64: 256, 4224>}]} {
    %get3A = arith.constant 0 : index
    %get3A_0 = arith.constant 0 : index
    %get3A_1 = vector.load %arg1[%get3A, %get3A_0] : memref<8448x128xf32, #tpu.memory_space<vmem>>, vector<8448x128xf32>
    %reshape3A = vector.shape_cast %get3A_1 : vector<8448x128xf32> to vector<256x4224xf32>
    %swap3A = arith.constant 0 : index
    %swap3A_2 = arith.constant 0 : index
    %swap3A_3 = vector.load %arg2[%swap3A, %swap3A_2] : memref<256x4224xf32, #tpu.memory_space<vmem>>, vector<256x4224xf32>
    tpu.vector_store %arg2[%swap3A, %swap3A_2], %reshape3A {strides = array<i32>} : memref<256x4224xf32, #tpu.memory_space<vmem>>, vector<256x4224xf32>,
    return
  }
  func.func @transform_0(%arg0: i32) -> (i32, i32) {
    %c0_i32 = arith.constant 0 : i32
    %c0_i32_0 = arith.constant 0 : i32
    return %arg0, %c0_i32 : i32, i32
  }
  func.func @transform_1(%arg0: i32) -> (i32, i32) {
    %c0_i32 = arith.constant 0 : i32
    %c0_i32_0 = arith.constant 0 : i32
    return %arg0, %c0_i32 : i32, i32
  }
}

module attributes {stable_mosaic.version = 14 : i64} {
  func.func @body(%arg0: i32, %arg1: memref<512x4096xbf16, #tpu.memory_space<vmem>>, %arg2: memref<4096x128xf32, #tpu.memory_space<vmem>>, %arg3: memref<512x128xf32, #tpu.memory_space<vmem>>, %arg4: memref<4096x1xf32, #tpu.memory_space<vmem>>, %arg5: memref<512x1xf32, #tpu.memory_space<vmem>>, %arg6: memref<1x128xf32, #tpu.memory_space<vmem>>, %arg7: memref<128x40xf32, #tpu.memory_space<vmem>>, %arg8: memref<512x40xf32, #tpu.memory_space<vmem>>) attributes {dimension_semantics = [#tpu.dimension_semantics<arbitrary>], iteration_bounds = array<i64: 8>, scalar_prefetch = 0 : i64, scratch_operands = 0 : i64, tpu.core_type = #tpu.core_type<tc>, window_params = [{transform_indices = @transform_0, window_bounds = array<i64: 512, 4096>}, {pipeline_mode = #tpu.pipeline_mode<synchronous>, transform_indices = @transform_1, window_bounds = array<i64: 4096, 128>}, {transform_indices = @transform_2, window_bounds = array<i64: 512, 128>}, {pipeline_mode = #tpu.pipeline_mode<synchronous>, transform_indices = @transform_3, window_bounds = array<i64: 4096, 1>}, {transform_indices = @transform_4, window_bounds = array<i64: 512, 1>}, {pipeline_mode = #tpu.pipeline_mode<synchronous>, transform_indices = @transform_5, window_bounds = array<i64: 1, 128>}, {pipeline_mode = #tpu.pipeline_mode<synchronous>, transform_indices = @transform_6, window_bounds = array<i64: 128, 40>}, {transform_indices = @transform_7, window_bounds = array<i64: 512, 40>}]} {
    %get3A = arith.constant 0 : index
    %get3A_0 = arith.constant 0 : index
    %get3A_1 = vector.load %arg4[%get3A, %get3A_0] : memref<4096x1xf32, #tpu.memory_space<vmem>>, vector<4096x1xf32>
    %rsqrt3A = math.rsqrt %get3A_1 : vector<4096x1xf32>
    %get3A_2 = arith.constant 0 : index
    %get3A_3 = arith.constant 0 : index
    %get3A_4 = vector.load %arg2[%get3A_2, %get3A_3] : memref<4096x128xf32, #tpu.memory_space<vmem>>, vector<4096x128xf32>
    %mul3A = vector.broadcast %rsqrt3A : vector<4096x1xf32> to vector<4096x128xf32>
    %mul3A_5 = arith.mulf %mul3A, %get3A_4 : vector<4096x128xf32>
    %convert_element_type3A = arith.truncf %mul3A_5 : vector<4096x128xf32> to vector<4096x128xbf16>
    %get3A_6 = arith.constant 0 : index
    %get3A_7 = arith.constant 0 : index
    %get3A_8 = vector.load %arg1[%get3A_6, %get3A_7] : memref<512x4096xbf16, #tpu.memory_space<vmem>>, vector<512x4096xbf16>
    %dot_general3A = arith.constant dense<0.000000e+00> : vector<512x128xf32>
    %dot_general3A_9 = tpu.matmul %get3A_8, %convert_element_type3A, %dot_general3A {dimension_numbers = #tpu.dot_dimension_numbers<[1], [0], [0], [1], [0, 0, 1, 1], [], []>, transpose_lhs_hint = false} : vector<512x4096xbf16>, vector<4096x128xbf16>, vector<512x128xf32> -> vector<512x128xf32>
    %get3A_10 = arith.constant 0 : index
    %get3A_11 = arith.constant 0 : index
    %get3A_12 = vector.load %arg5[%get3A_10, %get3A_11] : memref<512x1xf32, #tpu.memory_space<vmem>>, vector<512x1xf32>
    %rsqrt3A_13 = math.rsqrt %get3A_12 : vector<512x1xf32>
    %get3A_14 = arith.constant 0 : index
    %get3A_15 = arith.constant 0 : index
    %get3A_16 = vector.load %arg3[%get3A_14, %get3A_15] : memref<512x128xf32, #tpu.memory_space<vmem>>, vector<512x128xf32>
    %mul3A_17 = vector.broadcast %rsqrt3A_13 : vector<512x1xf32> to vector<512x128xf32>
    %mul3A_18 = arith.mulf %mul3A_17, %get3A_16 : vector<512x128xf32>
    %add3A = arith.addf %dot_general3A_9, %mul3A_18 : vector<512x128xf32>
    %mul3A_19 = vector.broadcast %rsqrt3A_13 : vector<512x1xf32> to vector<512x128xf32>
    %mul3A_20 = arith.mulf %mul3A_19, %add3A : vector<512x128xf32>
    %get3A_21 = arith.constant 0 : index
    %get3A_22 = arith.constant 0 : index
    %get3A_23 = vector.load %arg6[%get3A_21, %get3A_22] : memref<1x128xf32, #tpu.memory_space<vmem>>, vector<1x128xf32>
    %add3A_24 = vector.broadcast %get3A_23 : vector<1x128xf32> to vector<512x128xf32>
    %add3A_25 = arith.addf %mul3A_20, %add3A_24 : vector<512x128xf32>
    %max3A = arith.constant 0.000000e+00 : f32
    %max3A_26 = vector.broadcast %max3A : f32 to vector<512x128xf32>
    %max3A_27 = arith.maximumf %add3A_25, %max3A_26 : vector<512x128xf32>
    %get3A_28 = arith.constant 0 : index
    %get3A_29 = arith.constant 0 : index
    %get3A_30 = vector.load %arg7[%get3A_28, %get3A_29] : memref<128x40xf32, #tpu.memory_space<vmem>>, vector<128x40xf32>
    %dot_general3A_31 = arith.constant dense<0.000000e+00> : vector<512x40xf32>
    %dot_general3A_32 = tpu.matmul %max3A_27, %get3A_30, %dot_general3A_31 {dimension_numbers = #tpu.dot_dimension_numbers<[1], [0], [0], [1], [0, 0, 1, 1], [], []>, precision = #tpu.contract_precision<fp32>, transpose_lhs_hint = false} : vector<512x128xf32>, vector<128x40xf32>, vector<512x40xf32> -> vector<512x40xf32>
    %swap3A = arith.constant 0 : index
    %swap3A_33 = arith.constant 0 : index
    %swap3A_34 = vector.load %arg8[%swap3A, %swap3A_33] : memref<512x40xf32, #tpu.memory_space<vmem>>, vector<512x40xf32>
    tpu.vector_store %arg8[%swap3A, %swap3A_33], %dot_general3A_32 {strides = array<i32>} : memref<512x40xf32, #tpu.memory_space<vmem>>, vector<512x40xf32>,
    return
  }
  func.func @transform_0(%arg0: i32) -> (i32, i32) {
    %c0_i32 = arith.constant 0 : i32
    %c0_i32_0 = arith.constant 0 : i32
    return %arg0, %c0_i32 : i32, i32
  }
  func.func @transform_1(%arg0: i32) -> (i32, i32) {
    %c0_i32 = arith.constant 0 : i32
    %c0_i32_0 = arith.constant 0 : i32
    %c0_i32_1 = arith.constant 0 : i32
    return %c0_i32, %c0_i32_0 : i32, i32
  }
  func.func @transform_2(%arg0: i32) -> (i32, i32) {
    %c0_i32 = arith.constant 0 : i32
    %c0_i32_0 = arith.constant 0 : i32
    return %arg0, %c0_i32 : i32, i32
  }
  func.func @transform_3(%arg0: i32) -> (i32, i32) {
    %c0_i32 = arith.constant 0 : i32
    %c0_i32_0 = arith.constant 0 : i32
    %c0_i32_1 = arith.constant 0 : i32
    return %c0_i32, %c0_i32_0 : i32, i32
  }
  func.func @transform_4(%arg0: i32) -> (i32, i32) {
    %c0_i32 = arith.constant 0 : i32
    %c0_i32_0 = arith.constant 0 : i32
    return %arg0, %c0_i32 : i32, i32
  }
  func.func @transform_5(%arg0: i32) -> (i32, i32) {
    %c0_i32 = arith.constant 0 : i32
    %c0_i32_0 = arith.constant 0 : i32
    %c0_i32_1 = arith.constant 0 : i32
    return %c0_i32, %c0_i32_0 : i32, i32
  }
  func.func @transform_6(%arg0: i32) -> (i32, i32) {
    %c0_i32 = arith.constant 0 : i32
    %c0_i32_0 = arith.constant 0 : i32
    %c0_i32_1 = arith.constant 0 : i32
    return %c0_i32, %c0_i32_0 : i32, i32
  }
  func.func @transform_7(%arg0: i32) -> (i32, i32) {
    %c0_i32 = arith.constant 0 : i32
    %c0_i32_0 = arith.constant 0 : i32
    return %arg0, %c0_i32 : i32, i32
  }
}

module attributes {stable_mosaic.version = 14 : i64} {
  func.func @_symm_body(%arg0: i32, %arg1: memref<2x36xi32, #tpu.memory_space<smem>>, %arg2: memref<512x128xf32, #tpu.memory_space<vmem>>, %arg3: memref<512x128xf32, #tpu.memory_space<vmem>>, %arg4: memref<512x128xf32, #tpu.memory_space<vmem>>, %arg5: memref<512x128xf32, #tpu.memory_space<vmem>>, %arg6: memref<512x128xf32, #tpu.memory_space<vmem>>, %arg7: memref<512x512xf32, #tpu.memory_space<vmem>>, %arg8: memref<4096x4096xf32, #tpu.memory_space<hbm>>, %arg9: memref<4096x4096xbf16, #tpu.memory_space<hbm>>, %arg10: memref<4096x1xf32, #tpu.memory_space<vmem>>, %arg11: memref<2x512x512xf32, #tpu.memory_space<vmem>>, %arg12: memref<2x512x512xf32, #tpu.memory_space<vmem>>, %arg13: memref<2x512x512xbf16, #tpu.memory_space<vmem>>, %arg14: memref<2x512x512xbf16, #tpu.memory_space<vmem>>, %arg15: memref<8x512x1xf32, #tpu.memory_space<vmem>>, %arg16: memref<2x!tpu.dma_semaphore, #tpu.memory_space<semaphore_mem>>) attributes {dimension_semantics = [#tpu.dimension_semantics<arbitrary>], iteration_bounds = array<i64: 36>, scalar_prefetch = 1 : i64, scratch_operands = 6 : i64, tpu.core_type = #tpu.core_type<tc>, window_params = [{transform_indices = @transform_0, window_bounds = array<i64: 512, 128>}, {transform_indices = @transform_1, window_bounds = array<i64: 512, 128>}, {transform_indices = @transform_2, window_bounds = array<i64: 512, 128>}, {transform_indices = @transform_3, window_bounds = array<i64: 512, 128>}, {transform_indices = @transform_4, window_bounds = array<i64: 512, 128>}, {transform_indices = @transform_5, window_bounds = array<i64: 512, 512>}, {}, {}, {pipeline_mode = #tpu.pipeline_mode<synchronous>, transform_indices = @transform_8, window_bounds = array<i64: 4096, 1>}]} {
    %get3A = arith.constant 0 : index
    %get3A_0 = arith.index_cast %arg0 : i32 to index
    %get3A_1 = memref.load %arg1[%get3A, %get3A_0] : memref<2x36xi32, #tpu.memory_space<smem>>
    %get3A_2 = arith.constant 1 : index
    %get3A_3 = arith.index_cast %arg0 : i32 to index
    %get3A_4 = memref.load %arg1[%get3A_2, %get3A_3] : memref<2x36xi32, #tpu.memory_space<smem>>
    %jit3A = arith.constant 2 : i32
    %eq3A = arith.constant 0 : i32
    %eq3A_5 = arith.cmpi eq, %jit3A, %eq3A : i32
    %jit3A_6 = arith.constant 1 : i32
    %select_n3A = arith.select %eq3A_5, %jit3A_6, %jit3A : i32
    %rem3A = arith.remsi %arg0, %select_n3A : i32
    %ne3A = arith.constant 0 : i32
    %ne3A_7 = arith.cmpi ne, %rem3A, %ne3A : i32
    %lt3A = arith.constant 0 : i32
    %lt3A_8 = arith.cmpi slt, %rem3A, %lt3A : i32
    %lt3A_9 = arith.constant 0 : i32
    %lt3A_10 = arith.cmpi slt, %select_n3A, %lt3A_9 : i32
    %ne3A_11 = arith.xori %lt3A_8, %lt3A_10 : i1
    %and3A = arith.andi %ne3A_11, %ne3A_7 : i1
    %add3A = arith.addi %rem3A, %select_n3A : i32
    %select_n3A_12 = arith.select %and3A, %add3A, %rem3A : i32
    %eq3A_13 = arith.constant 0 : i32
    %eq3A_14 = arith.cmpi eq, %select_n3A_12, %eq3A_13 : i32
    %convert_element_type3A = arith.extui %eq3A_14 : i1 to i32
    %cond3A = arith.constant 0 : i32
    %cond3A_15 = arith.cmpi ne, %convert_element_type3A, %cond3A : i32
    scf.if %cond3A_15 {
      %ge3A = arith.constant 2 : i32
      %ge3A_37 = arith.cmpi sge, %arg0, %ge3A : i32
      %convert_element_type3A_38 = arith.extui %ge3A_37 : i1 to i32
      %cond3A_39 = arith.constant 0 : i32
      %cond3A_40 = arith.cmpi ne, %convert_element_type3A_38, %cond3A_39 : i32
      scf.if %cond3A_40 {
        %sub3A_193 = arith.constant 2 : i32
        %sub3A_194 = arith.subi %arg0, %sub3A_193 : i32
        %get3A_195 = arith.constant 0 : index
        %get3A_196 = arith.index_cast %sub3A_194 : i32 to index
        %get3A_197 = memref.load %arg1[%get3A_195, %get3A_196] : memref<2x36xi32, #tpu.memory_space<smem>>
        %get3A_198 = arith.constant 1 : index
        %get3A_199 = arith.index_cast %sub3A_194 : i32 to index
        %get3A_200 = memref.load %arg1[%get3A_198, %get3A_199] : memref<2x36xi32, #tpu.memory_space<smem>>
        %mul3A_201 = arith.constant 512 : i32
        %mul3A_202 = arith.muli %get3A_197, %mul3A_201 : i32
        %multiple_of3A_203 = tpu.assume_multiple %mul3A_202, 512 : i32
        %mul3A_204 = arith.constant 512 : i32
        %mul3A_205 = arith.muli %get3A_200, %mul3A_204 : i32
        %multiple_of3A_206 = tpu.assume_multiple %mul3A_205, 512 : i32
        %mul3A_207 = arith.constant 512 : i32
        %mul3A_208 = arith.muli %get3A_200, %mul3A_207 : i32
        %multiple_of3A_209 = tpu.assume_multiple %mul3A_208, 512 : i32
        %mul3A_210 = arith.constant 512 : i32
        %mul3A_211 = arith.muli %get3A_197, %mul3A_210 : i32
        %multiple_of3A_212 = tpu.assume_multiple %mul3A_211, 512 : i32
        %dma_wait3A = arith.constant 0 : i32
        %dma_wait3A_213 = arith.constant 0 : i32
        %dma_wait3A_214 = tpu.memref_slice %arg16[%dma_wait3A_213] : memref<2x!tpu.dma_semaphore, #tpu.memory_space<semaphore_mem>> -> memref<1x!tpu.dma_semaphore, #tpu.memory_space<semaphore_mem>>
        %dma_wait3A_215 = tpu.memref_squeeze %dma_wait3A_214 : memref<1x!tpu.dma_semaphore, #tpu.memory_space<semaphore_mem>> -> memref<!tpu.dma_semaphore, #tpu.memory_space<semaphore_mem>>
        %dma_wait3A_216 = tpu.memref_slice %arg8[%multiple_of3A_203, %multiple_of3A_206] : memref<4096x4096xf32, #tpu.memory_space<hbm>> -> memref<512x512xf32, #tpu.memory_space<hbm>>
        %dma_wait3A_217 = arith.constant 0 : i32
        %dma_wait3A_218 = arith.constant 0 : i32
        %dma_wait3A_219 = tpu.memref_slice %arg11[%dma_wait3A, %dma_wait3A_217, %dma_wait3A_218] : memref<2x512x512xf32, #tpu.memory_space<vmem>> -> memref<1x512x512xf32, #tpu.memory_space<vmem>>
        %dma_wait3A_220 = tpu.memref_squeeze %dma_wait3A_219 : memref<1x512x512xf32, #tpu.memory_space<vmem>> -> memref<512x512xf32, #tpu.memory_space<vmem>>
        tpu.wait_dma2 semaphore(%dma_wait3A_215 : memref<!tpu.dma_semaphore, #tpu.memory_space<semaphore_mem>>) src(%dma_wait3A_220 : memref<512x512xf32, #tpu.memory_space<vmem>>) dst(%dma_wait3A_216 : memref<512x512xf32, #tpu.memory_space<hbm>>)
        %dma_wait3A_221 = arith.constant 0 : i32
        %dma_wait3A_222 = arith.constant 0 : i32
        %dma_wait3A_223 = tpu.memref_slice %arg16[%dma_wait3A_222] : memref<2x!tpu.dma_semaphore, #tpu.memory_space<semaphore_mem>> -> memref<1x!tpu.dma_semaphore, #tpu.memory_space<semaphore_mem>>
        %dma_wait3A_224 = tpu.memref_squeeze %dma_wait3A_223 : memref<1x!tpu.dma_semaphore, #tpu.memory_space<semaphore_mem>> -> memref<!tpu.dma_semaphore, #tpu.memory_space<semaphore_mem>>
        %dma_wait3A_225 = tpu.memref_slice %arg9[%multiple_of3A_203, %multiple_of3A_206] : memref<4096x4096xbf16, #tpu.memory_space<hbm>> -> memref<512x512xbf16, #tpu.memory_space<hbm>>
        %dma_wait3A_226 = arith.constant 0 : i32
        %dma_wait3A_227 = arith.constant 0 : i32
        %dma_wait3A_228 = tpu.memref_slice %arg13[%dma_wait3A_221, %dma_wait3A_226, %dma_wait3A_227] : memref<2x512x512xbf16, #tpu.memory_space<vmem>> -> memref<1x512x512xbf16, #tpu.memory_space<vmem>>
        %dma_wait3A_229 = tpu.memref_squeeze %dma_wait3A_228 : memref<1x512x512xbf16, #tpu.memory_space<vmem>> -> memref<512x512xbf16, #tpu.memory_space<vmem>>
        tpu.wait_dma2 semaphore(%dma_wait3A_224 : memref<!tpu.dma_semaphore, #tpu.memory_space<semaphore_mem>>) src(%dma_wait3A_229 : memref<512x512xbf16, #tpu.memory_space<vmem>>) dst(%dma_wait3A_225 : memref<512x512xbf16, #tpu.memory_space<hbm>>)
        %get3A_230 = arith.constant 0 : index
        %get3A_231 = arith.index_cast %sub3A_194 : i32 to index
        %get3A_232 = memref.load %arg1[%get3A_230, %get3A_231] : memref<2x36xi32, #tpu.memory_space<smem>>
        %get3A_233 = arith.constant 1 : index
        %get3A_234 = arith.index_cast %sub3A_194 : i32 to index
        %get3A_235 = memref.load %arg1[%get3A_233, %get3A_234] : memref<2x36xi32, #tpu.memory_space<smem>>
        %gt3A_236 = arith.cmpi sgt, %get3A_232, %get3A_235 : i32
        %convert_element_type3A_237 = arith.extui %gt3A_236 : i1 to i32
        %cond3A_238 = arith.constant 0 : i32
        %cond3A_239 = arith.constant 0 : i32
        %cond3A_240 = arith.constant 0 : i32
        %cond3A_241 = arith.constant 0 : i32
        %cond3A_242 = arith.constant 0 : i32
        %cond3A_243 = arith.cmpi ne, %convert_element_type3A_237, %cond3A_242 : i32
        scf.if %cond3A_243 {
          %dma_wait3A_244 = tpu.memref_slice %arg16[%cond3A_239] : memref<2x!tpu.dma_semaphore, #tpu.memory_space<semaphore_mem>> -> memref<1x!tpu.dma_semaphore, #tpu.memory_space<semaphore_mem>>
          %dma_wait3A_245 = tpu.memref_squeeze %dma_wait3A_244 : memref<1x!tpu.dma_semaphore, #tpu.memory_space<semaphore_mem>> -> memref<!tpu.dma_semaphore, #tpu.memory_space<semaphore_mem>>
          %dma_wait3A_246 = tpu.memref_slice %arg8[%multiple_of3A_209, %multiple_of3A_212] : memref<4096x4096xf32, #tpu.memory_space<hbm>> -> memref<512x512xf32, #tpu.memory_space<hbm>>
          %dma_wait3A_247 = arith.constant 0 : i32
          %dma_wait3A_248 = arith.constant 0 : i32
          %dma_wait3A_249 = tpu.memref_slice %arg12[%cond3A_238, %dma_wait3A_247, %dma_wait3A_248] : memref<2x512x512xf32, #tpu.memory_space<vmem>> -> memref<1x512x512xf32, #tpu.memory_space<vmem>>
          %dma_wait3A_250 = tpu.memref_squeeze %dma_wait3A_249 : memref<1x512x512xf32, #tpu.memory_space<vmem>> -> memref<512x512xf32, #tpu.memory_space<vmem>>
          tpu.wait_dma2 semaphore(%dma_wait3A_245 : memref<!tpu.dma_semaphore, #tpu.memory_space<semaphore_mem>>) src(%dma_wait3A_250 : memref<512x512xf32, #tpu.memory_space<vmem>>) dst(%dma_wait3A_246 : memref<512x512xf32, #tpu.memory_space<hbm>>)
          %dma_wait3A_251 = tpu.memref_slice %arg16[%cond3A_241] : memref<2x!tpu.dma_semaphore, #tpu.memory_space<semaphore_mem>> -> memref<1x!tpu.dma_semaphore, #tpu.memory_space<semaphore_mem>>
          %dma_wait3A_252 = tpu.memref_squeeze %dma_wait3A_251 : memref<1x!tpu.dma_semaphore, #tpu.memory_space<semaphore_mem>> -> memref<!tpu.dma_semaphore, #tpu.memory_space<semaphore_mem>>
          %dma_wait3A_253 = tpu.memref_slice %arg9[%multiple_of3A_209, %multiple_of3A_212] : memref<4096x4096xbf16, #tpu.memory_space<hbm>> -> memref<512x512xbf16, #tpu.memory_space<hbm>>
          %dma_wait3A_254 = arith.constant 0 : i32
          %dma_wait3A_255 = arith.constant 0 : i32
          %dma_wait3A_256 = tpu.memref_slice %arg14[%cond3A_240, %dma_wait3A_254, %dma_wait3A_255] : memref<2x512x512xbf16, #tpu.memory_space<vmem>> -> memref<1x512x512xbf16, #tpu.memory_space<vmem>>
          %dma_wait3A_257 = tpu.memref_squeeze %dma_wait3A_256 : memref<1x512x512xbf16, #tpu.memory_space<vmem>> -> memref<512x512xbf16, #tpu.memory_space<vmem>>
          tpu.wait_dma2 semaphore(%dma_wait3A_252 : memref<!tpu.dma_semaphore, #tpu.memory_space<semaphore_mem>>) src(%dma_wait3A_257 : memref<512x512xbf16, #tpu.memory_space<vmem>>) dst(%dma_wait3A_253 : memref<512x512xbf16, #tpu.memory_space<hbm>>)
        } else {
        }
      } else {
      }
      %eq3A_41 = arith.constant 0 : i32
      %eq3A_42 = arith.cmpi eq, %arg0, %eq3A_41 : i32
      %convert_element_type3A_43 = arith.extui %eq3A_42 : i1 to i32
      %cond3A_44 = arith.constant 0 : i32
      %cond3A_45 = arith.cmpi ne, %convert_element_type3A_43, %cond3A_44 : i32
      scf.if %cond3A_45 {
        %broadcast_in_dim3A_193 = arith.constant 0.000000e+00 : f32
        %broadcast_in_dim3A_194 = vector.broadcast %broadcast_in_dim3A_193 : f32 to vector<8x512x1xf32>
        %swap3A = arith.constant 0 : index
        %swap3A_195 = arith.constant 0 : index
        %swap3A_196 = arith.constant 0 : index
        %swap3A_197 = vector.load %arg15[%swap3A, %swap3A_195, %swap3A_196] : memref<8x512x1xf32, #tpu.memory_space<vmem>>, vector<8x512x1xf32>
        tpu.vector_store %arg15[%swap3A, %swap3A_195, %swap3A_196], %broadcast_in_dim3A_194 {strides = array<i32>} : memref<8x512x1xf32, #tpu.memory_space<vmem>>, vector<8x512x1xf32>,
      } else {
      }
      %mul3A = arith.constant 512 : i32
      %mul3A_46 = arith.muli %get3A_1, %mul3A : i32
      %iota3A = tpu.iota {dimensions = array<i32: 0>} : vector<512x1xi32>
      %add3A_47 = vector.broadcast %mul3A_46 : i32 to vector<512x1xi32>
      %add3A_48 = arith.addi %add3A_47, %iota3A : vector<512x1xi32>
      %add3A_49 = arith.constant 1 : i32
      %add3A_50 = vector.broadcast %add3A_49 : i32 to vector<512x1xi32>
      %add3A_51 = arith.addi %add3A_48, %add3A_50 : vector<512x1xi32>
      %mul3A_52 = arith.muli %add3A_48, %add3A_51 : vector<512x1xi32>
      %jit3A_53 = arith.constant 2 : i32
      %div3A = vector.broadcast %jit3A_53 : i32 to vector<512x1xi32>
      %div3A_54 = arith.divsi %mul3A_52, %div3A : vector<512x1xi32>
      %sign3A = arith.constant 0 : i32
      %sign3A_55 = vector.broadcast %sign3A : i32 to vector<512x1xi32>
      %sign3A_56 = arith.cmpi sgt, %mul3A_52, %sign3A_55 : vector<512x1xi32>
      %sign3A_57 = arith.extui %sign3A_56 : vector<512x1xi1> to vector<512x1xi32>
      %sign3A_58 = arith.constant 0 : i32
      %sign3A_59 = vector.broadcast %sign3A_58 : i32 to vector<512x1xi32>
      %sign3A_60 = arith.cmpi slt, %mul3A_52, %sign3A_59 : vector<512x1xi32>
      %sign3A_61 = arith.extui %sign3A_60 : vector<512x1xi1> to vector<512x1xi32>
      %sign3A_62 = arith.subi %sign3A_57, %sign3A_61 : vector<512x1xi32>
      %sign3A_63 = arith.constant 0 : i32
      %sign3A_64 = arith.cmpi sgt, %jit3A_53, %sign3A_63 : i32
      %sign3A_65 = arith.extui %sign3A_64 : i1 to i32
      %sign3A_66 = arith.constant 0 : i32
      %sign3A_67 = arith.cmpi slt, %jit3A_53, %sign3A_66 : i32
      %sign3A_68 = arith.extui %sign3A_67 : i1 to i32
      %sign3A_69 = arith.subi %sign3A_65, %sign3A_68 : i32
      %ne3A_70 = vector.broadcast %sign3A_69 : i32 to vector<512x1xi32>
      %ne3A_71 = arith.cmpi ne, %sign3A_62, %ne3A_70 : vector<512x1xi32>
      %rem3A_72 = vector.broadcast %jit3A_53 : i32 to vector<512x1xi32>
      %rem3A_73 = arith.remsi %mul3A_52, %rem3A_72 : vector<512x1xi32>
      %ne3A_74 = arith.constant 0 : i32
      %ne3A_75 = vector.broadcast %ne3A_74 : i32 to vector<512x1xi32>
      %ne3A_76 = arith.cmpi ne, %rem3A_73, %ne3A_75 : vector<512x1xi32>
      %and3A_77 = arith.andi %ne3A_71, %ne3A_76 : vector<512x1xi1>
      %sub3A = arith.constant 1 : i32
      %sub3A_78 = vector.broadcast %sub3A : i32 to vector<512x1xi32>
      %sub3A_79 = arith.subi %div3A_54, %sub3A_78 : vector<512x1xi32>
      %select_n3A_80 = arith.select %and3A_77, %sub3A_79, %div3A_54 : vector<512x1xi1>, vector<512x1xi32>
      %and3A_81 = arith.constant 7 : i32
      %and3A_82 = vector.broadcast %and3A_81 : i32 to vector<512x1xi32>
      %and3A_83 = arith.andi %select_n3A_80, %and3A_82 : vector<512x1xi32>
      %eq3A_84 = arith.constant 4095 : i32
      %eq3A_85 = vector.broadcast %eq3A_84 : i32 to vector<512x1xi32>
      %eq3A_86 = arith.cmpi eq, %add3A_48, %eq3A_85 : vector<512x1xi32>
      %jit3A_87 = arith.constant 8 : i32
      %broadcast_in_dim3A = vector.broadcast %jit3A_87 : i32 to vector<512x1xi32>
      %select_n3A_88 = arith.select %eq3A_86, %broadcast_in_dim3A, %and3A_83 : vector<512x1xi1>, vector<512x1xi32>
      %get3A_89 = arith.constant 0 : index
      %get3A_90 = arith.constant 0 : index
      %get3A_91 = vector.load %arg2[%get3A_89, %get3A_90] : memref<512x128xf32, #tpu.memory_space<vmem>>, vector<512x128xf32>
      %get3A_92 = arith.constant 0 : index
      %get3A_93 = arith.constant 0 : index
      %get3A_94 = vector.load %arg3[%get3A_92, %get3A_93] : memref<512x128xf32, #tpu.memory_space<vmem>>, vector<512x128xf32>
      %get3A_95 = arith.constant 0 : index
      %get3A_96 = arith.constant 0 : index
      %get3A_97 = vector.load %arg4[%get3A_95, %get3A_96] : memref<512x128xf32, #tpu.memory_space<vmem>>, vector<512x128xf32>
      %get3A_98 = arith.constant 0 : index
      %get3A_99 = arith.constant 0 : index
      %get3A_100 = vector.load %arg5[%get3A_98, %get3A_99] : memref<512x128xf32, #tpu.memory_space<vmem>>, vector<512x128xf32>
      %get3A_101 = arith.constant 0 : index
      %get3A_102 = arith.constant 0 : index
      %get3A_103 = vector.load %arg6[%get3A_101, %get3A_102] : memref<512x128xf32, #tpu.memory_space<vmem>>, vector<512x128xf32>
      %concatenate3A = tpu.concatenate %get3A_91, %get3A_94, %get3A_97, %get3A_100, %get3A_103 in 1 : vector<512x128xf32>, vector<512x128xf32>, vector<512x128xf32>, vector<512x128xf32>, vector<512x128xf32> -> vector<512x640xf32>
      %and3A_104 = arith.constant 8 : i32
      %and3A_105 = vector.broadcast %and3A_104 : i32 to vector<512x1xi32>
      %and3A_106 = arith.andi %select_n3A_88, %and3A_105 : vector<512x1xi32>
      %ne3A_107 = arith.constant 0 : i32
      %ne3A_108 = vector.broadcast %ne3A_107 : i32 to vector<512x1xi32>
      %ne3A_109 = arith.cmpi ne, %and3A_106, %ne3A_108 : vector<512x1xi32>
      %slice3A = vector.extract_strided_slice %concatenate3A {offsets = [0, 8], sizes = [512, 632], strides = [1, 1]} : vector<512x640xf32> to vector<512x632xf32>
      %slice3A_110 = vector.extract_strided_slice %concatenate3A {offsets = [0, 0], sizes = [512, 8], strides = [1, 1]} : vector<512x640xf32> to vector<512x8xf32>
      %concatenate3A_111 = tpu.concatenate %slice3A, %slice3A_110 in 1 : vector<512x632xf32>, vector<512x8xf32> -> vector<512x640xf32>
      %broadcast_in_dim3A_112 = vector.shape_cast %ne3A_109 : vector<512x1xi1> to vector<512x1xi1>
      %broadcast_in_dim3A_113 = vector.broadcast %broadcast_in_dim3A_112 : vector<512x1xi1> to vector<512x640xi1>
      %select_n3A_114 = arith.select %broadcast_in_dim3A_113, %concatenate3A_111, %concatenate3A : vector<512x640xi1>, vector<512x640xf32>
      %and3A_115 = arith.constant 4 : i32
      %and3A_116 = vector.broadcast %and3A_115 : i32 to vector<512x1xi32>
      %and3A_117 = arith.andi %select_n3A_88, %and3A_116 : vector<512x1xi32>
      %ne3A_118 = arith.constant 0 : i32
      %ne3A_119 = vector.broadcast %ne3A_118 : i32 to vector<512x1xi32>
      %ne3A_120 = arith.cmpi ne, %and3A_117, %ne3A_119 : vector<512x1xi32>
      %slice3A_121 = vector.extract_strided_slice %select_n3A_114 {offsets = [0, 4], sizes = [512, 636], strides = [1, 1]} : vector<512x640xf32> to vector<512x636xf32>
      %slice3A_122 = vector.extract_strided_slice %select_n3A_114 {offsets = [0, 0], sizes = [512, 4], strides = [1, 1]} : vector<512x640xf32> to vector<512x4xf32>
      %concatenate3A_123 = tpu.concatenate %slice3A_121, %slice3A_122 in 1 : vector<512x636xf32>, vector<512x4xf32> -> vector<512x640xf32>
      %broadcast_in_dim3A_124 = vector.shape_cast %ne3A_120 : vector<512x1xi1> to vector<512x1xi1>
      %broadcast_in_dim3A_125 = vector.broadcast %broadcast_in_dim3A_124 : vector<512x1xi1> to vector<512x640xi1>
      %select_n3A_126 = arith.select %broadcast_in_dim3A_125, %concatenate3A_123, %select_n3A_114 : vector<512x640xi1>, vector<512x640xf32>
      %and3A_127 = arith.constant 2 : i32
      %and3A_128 = vector.broadcast %and3A_127 : i32 to vector<512x1xi32>
      %and3A_129 = arith.andi %select_n3A_88, %and3A_128 : vector<512x1xi32>
      %ne3A_130 = arith.constant 0 : i32
      %ne3A_131 = vector.broadcast %ne3A_130 : i32 to vector<512x1xi32>
      %ne3A_132 = arith.cmpi ne, %and3A_129, %ne3A_131 : vector<512x1xi32>
      %slice3A_133 = vector.extract_strided_slice %select_n3A_126 {offsets = [0, 2], sizes = [512, 638], strides = [1, 1]} : vector<512x640xf32> to vector<512x638xf32>
      %slice3A_134 = vector.extract_strided_slice %select_n3A_126 {offsets = [0, 0], sizes = [512, 2], strides = [1, 1]} : vector<512x640xf32> to vector<512x2xf32>
      %concatenate3A_135 = tpu.concatenate %slice3A_133, %slice3A_134 in 1 : vector<512x638xf32>, vector<512x2xf32> -> vector<512x640xf32>
      %broadcast_in_dim3A_136 = vector.shape_cast %ne3A_132 : vector<512x1xi1> to vector<512x1xi1>
      %broadcast_in_dim3A_137 = vector.broadcast %broadcast_in_dim3A_136 : vector<512x1xi1> to vector<512x640xi1>
      %select_n3A_138 = arith.select %broadcast_in_dim3A_137, %concatenate3A_135, %select_n3A_126 : vector<512x640xi1>, vector<512x640xf32>
      %and3A_139 = arith.constant 1 : i32
      %and3A_140 = vector.broadcast %and3A_139 : i32 to vector<512x1xi32>
      %and3A_141 = arith.andi %select_n3A_88, %and3A_140 : vector<512x1xi32>
      %ne3A_142 = arith.constant 0 : i32
      %ne3A_143 = vector.broadcast %ne3A_142 : i32 to vector<512x1xi32>
      %ne3A_144 = arith.cmpi ne, %and3A_141, %ne3A_143 : vector<512x1xi32>
      %slice3A_145 = vector.extract_strided_slice %select_n3A_138 {offsets = [0, 1], sizes = [512, 639], strides = [1, 1]} : vector<512x640xf32> to vector<512x639xf32>
      %slice3A_146 = vector.extract_strided_slice %select_n3A_138 {offsets = [0, 0], sizes = [512, 1], strides = [1, 1]} : vector<512x640xf32> to vector<512x1xf32>
      %concatenate3A_147 = tpu.concatenate %slice3A_145, %slice3A_146 in 1 : vector<512x639xf32>, vector<512x1xf32> -> vector<512x640xf32>
      %broadcast_in_dim3A_148 = vector.shape_cast %ne3A_144 : vector<512x1xi1> to vector<512x1xi1>
      %broadcast_in_dim3A_149 = vector.broadcast %broadcast_in_dim3A_148 : vector<512x1xi1> to vector<512x640xi1>
      %select_n3A_150 = arith.select %broadcast_in_dim3A_149, %concatenate3A_147, %select_n3A_138 : vector<512x640xi1>, vector<512x640xf32>
      %slice3A_151 = vector.extract_strided_slice %select_n3A_150 {offsets = [0, 0], sizes = [512, 512], strides = [1, 1]} : vector<512x640xf32> to vector<512x512xf32>
      %get3A_152 = arith.constant 0 : index
      %get3A_153 = arith.index_cast %arg0 : i32 to index
      %get3A_154 = memref.load %arg1[%get3A_152, %get3A_153] : memref<2x36xi32, #tpu.memory_space<smem>>
      %get3A_155 = arith.constant 1 : index
      %get3A_156 = arith.index_cast %arg0 : i32 to index
      %get3A_157 = memref.load %arg1[%get3A_155, %get3A_156] : memref<2x36xi32, #tpu.memory_space<smem>>
      %mul3A_158 = arith.constant 512 : i32
      %mul3A_159 = arith.muli %get3A_154, %mul3A_158 : i32
      %multiple_of3A = tpu.assume_multiple %mul3A_159, 512 : i32
      %mul3A_160 = arith.constant 512 : i32
      %mul3A_161 = arith.muli %get3A_157, %mul3A_160 : i32
      %multiple_of3A_162 = tpu.assume_multiple %mul3A_161, 512 : i32
      %mul3A_163 = arith.constant 512 : i32
      %mul3A_164 = arith.muli %get3A_157, %mul3A_163 : i32
      %multiple_of3A_165 = tpu.assume_multiple %mul3A_164, 512 : i32
      %mul3A_166 = arith.constant 512 : i32
      %mul3A_167 = arith.muli %get3A_154, %mul3A_166 : i32
      %multiple_of3A_168 = tpu.assume_multiple %mul3A_167, 512 : i32
      %gt3A = arith.cmpi sgt, %get3A_1, %get3A_4 : i32
      %convert_element_type3A_169 = arith.extui %gt3A : i1 to i32
      %cond3A_170 = arith.constant 0 : i32
      %cond3A_171 = arith.constant 0 : i32
      %cond3A_172 = arith.constant 0 : i32
      %cond3A_173 = arith.constant 0 : i32
      %cond3A_174 = arith.constant 0 : i32
      %cond3A_175 = arith.constant 0 : i32
      %cond3A_176 = arith.constant 0 : i32
      %cond3A_177 = arith.constant 0 : i32
      %cond3A_178 = arith.constant 0 : i32
      %cond3A_179 = arith.cmpi ne, %convert_element_type3A_169, %cond3A_178 : i32
      scf.if %cond3A_179 {
        %mul3A_193 = arith.constant 5.000000e-01 : f32
        %mul3A_194 = vector.broadcast %mul3A_193 : f32 to vector<512x512xf32>
        %mul3A_195 = arith.mulf %mul3A_194, %slice3A_151 : vector<512x512xf32>
        %tanh3A = math.tanh %mul3A_195 : vector<512x512xf32>
        %mul3A_196 = arith.constant 5.000000e-01 : f32
        %mul3A_197 = vector.broadcast %mul3A_196 : f32 to vector<512x512xf32>
        %mul3A_198 = arith.mulf %mul3A_197, %tanh3A : vector<512x512xf32>
        %add3A_199 = arith.constant 5.000000e-01 : f32
        %add3A_200 = vector.broadcast %add3A_199 : f32 to vector<512x512xf32>
        %add3A_201 = arith.addf %mul3A_198, %add3A_200 : vector<512x512xf32>
        %get3A_202 = arith.constant 0 : index
        %get3A_203 = arith.constant 0 : index
        %get3A_204 = vector.load %arg7[%get3A_202, %get3A_203] : memref<512x512xf32, #tpu.memory_space<vmem>>, vector<512x512xf32>
        %mul3A_205 = arith.mulf %add3A_201, %get3A_204 : vector<512x512xf32>
        %transpose3A = tpu.transpose %mul3A_205, [1, 0] : vector<512x512xf32> -> vector<512x512xf32>
        %swap3A = arith.constant 0 : index
        %swap3A_206 = arith.constant 0 : index
        %swap3A_207 = arith.constant 0 : index
        %swap3A_208 = vector.load %arg11[%swap3A, %swap3A_206, %swap3A_207] : memref<2x512x512xf32, #tpu.memory_space<vmem>>, vector<1x512x512xf32>
        %swap3A_209 = vector.shape_cast %swap3A_208 : vector<1x512x512xf32> to vector<512x512xf32>
        %swap3A_210 = vector.shape_cast %add3A_201 : vector<512x512xf32> to vector<1x512x512xf32>
        tpu.vector_store %arg11[%swap3A, %swap3A_206, %swap3A_207], %swap3A_210 {strides = array<i32>} : memref<2x512x512xf32, #tpu.memory_space<vmem>>, vector<1x512x512xf32>,
        %transpose3A_211 = tpu.transpose %add3A_201, [1, 0] : vector<512x512xf32> -> vector<512x512xf32>
        %swap3A_212 = arith.constant 0 : index
        %swap3A_213 = arith.constant 0 : index
        %swap3A_214 = arith.constant 0 : index
        %swap3A_215 = vector.load %arg12[%swap3A_212, %swap3A_213, %swap3A_214] : memref<2x512x512xf32, #tpu.memory_space<vmem>>, vector<1x512x512xf32>
        %swap3A_216 = vector.shape_cast %swap3A_215 : vector<1x512x512xf32> to vector<512x512xf32>
        %swap3A_217 = vector.shape_cast %transpose3A_211 : vector<512x512xf32> to vector<1x512x512xf32>
        tpu.vector_store %arg12[%swap3A_212, %swap3A_213, %swap3A_214], %swap3A_217 {strides = array<i32>} : memref<2x512x512xf32, #tpu.memory_space<vmem>>, vector<1x512x512xf32>,
        %convert_element_type3A_218 = arith.truncf %mul3A_205 : vector<512x512xf32> to vector<512x512xbf16>
        %swap3A_219 = arith.constant 0 : index
        %swap3A_220 = arith.constant 0 : index
        %swap3A_221 = arith.constant 0 : index
        %swap3A_222 = vector.load %arg13[%swap3A_219, %swap3A_220, %swap3A_221] : memref<2x512x512xbf16, #tpu.memory_space<vmem>>, vector<1x512x512xbf16>
        %swap3A_223 = vector.shape_cast %swap3A_222 : vector<1x512x512xbf16> to vector<512x512xbf16>
        %swap3A_224 = vector.shape_cast %convert_element_type3A_218 : vector<512x512xbf16> to vector<1x512x512xbf16>
        tpu.vector_store %arg13[%swap3A_219, %swap3A_220, %swap3A_221], %swap3A_224 {strides = array<i32>} : memref<2x512x512xbf16, #tpu.memory_space<vmem>>, vector<1x512x512xbf16>,
        %convert_element_type3A_225 = arith.truncf %transpose3A : vector<512x512xf32> to vector<512x512xbf16>
        %swap3A_226 = arith.constant 0 : index
        %swap3A_227 = arith.constant 0 : index
        %swap3A_228 = arith.constant 0 : index
        %swap3A_229 = vector.load %arg14[%swap3A_226, %swap3A_227, %swap3A_228] : memref<2x512x512xbf16, #tpu.memory_space<vmem>>, vector<1x512x512xbf16>
        %swap3A_230 = vector.shape_cast %swap3A_229 : vector<1x512x512xbf16> to vector<512x512xbf16>
        %swap3A_231 = vector.shape_cast %convert_element_type3A_225 : vector<512x512xbf16> to vector<1x512x512xbf16>
        tpu.vector_store %arg14[%swap3A_226, %swap3A_227, %swap3A_228], %swap3A_231 {strides = array<i32>} : memref<2x512x512xbf16, #tpu.memory_space<vmem>>, vector<1x512x512xbf16>,
        %get3A_232 = arith.index_cast %get3A_1 : i32 to index
        %get3A_233 = arith.constant 0 : index
        %get3A_234 = arith.constant 0 : index
        %get3A_235 = vector.load %arg15[%get3A_232, %get3A_233, %get3A_234] : memref<8x512x1xf32, #tpu.memory_space<vmem>>, vector<1x512x1xf32>
        %get3A_236 = vector.shape_cast %get3A_235 : vector<1x512x1xf32> to vector<512x1xf32>
        %reduce_sum3A = arith.constant dense<0.000000e+00> : vector<512xf32>
        %reduce_sum3A_237 = vector.multi_reduction <add>, %mul3A_205, %reduce_sum3A [1] : vector<512x512xf32> to vector<512xf32>
        %broadcast_in_dim3A_238 = vector.shape_cast %reduce_sum3A_237 : vector<512xf32> to vector<512x1xf32>
        %add3A_239 = arith.addf %get3A_236, %broadcast_in_dim3A_238 : vector<512x1xf32>
        %swap3A_240 = arith.index_cast %get3A_1 : i32 to index
        %swap3A_241 = arith.constant 0 : index
        %swap3A_242 = arith.constant 0 : index
        %swap3A_243 = vector.load %arg15[%swap3A_240, %swap3A_241, %swap3A_242] : memref<8x512x1xf32, #tpu.memory_space<vmem>>, vector<1x512x1xf32>
        %swap3A_244 = vector.shape_cast %swap3A_243 : vector<1x512x1xf32> to vector<512x1xf32>
        %swap3A_245 = vector.shape_cast %add3A_239 : vector<512x1xf32> to vector<1x512x1xf32>
        tpu.vector_store %arg15[%swap3A_240, %swap3A_241, %swap3A_242], %swap3A_245 {strides = array<i32>} : memref<8x512x1xf32, #tpu.memory_space<vmem>>, vector<1x512x1xf32>,
        %get3A_246 = arith.index_cast %get3A_4 : i32 to index
        %get3A_247 = arith.constant 0 : index
        %get3A_248 = arith.constant 0 : index
        %get3A_249 = vector.load %arg15[%get3A_246, %get3A_247, %get3A_248] : memref<8x512x1xf32, #tpu.memory_space<vmem>>, vector<1x512x1xf32>
        %get3A_250 = vector.shape_cast %get3A_249 : vector<1x512x1xf32> to vector<512x1xf32>
        %reduce_sum3A_251 = arith.constant dense<0.000000e+00> : vector<512xf32>
        %reduce_sum3A_252 = vector.multi_reduction <add>, %transpose3A, %reduce_sum3A_251 [1] : vector<512x512xf32> to vector<512xf32>
        %broadcast_in_dim3A_253 = vector.shape_cast %reduce_sum3A_252 : vector<512xf32> to vector<512x1xf32>
        %add3A_254 = arith.addf %get3A_250, %broadcast_in_dim3A_253 : vector<512x1xf32>
        %swap3A_255 = arith.index_cast %get3A_4 : i32 to index
        %swap3A_256 = arith.constant 0 : index
        %swap3A_257 = arith.constant 0 : index
        %swap3A_258 = vector.load %arg15[%swap3A_255, %swap3A_256, %swap3A_257] : memref<8x512x1xf32, #tpu.memory_space<vmem>>, vector<1x512x1xf32>
        %swap3A_259 = vector.shape_cast %swap3A_258 : vector<1x512x1xf32> to vector<512x1xf32>
        %swap3A_260 = vector.shape_cast %add3A_254 : vector<512x1xf32> to vector<1x512x1xf32>
        tpu.vector_store %arg15[%swap3A_255, %swap3A_256, %swap3A_257], %swap3A_260 {strides = array<i32>} : memref<8x512x1xf32, #tpu.memory_space<vmem>>, vector<1x512x1xf32>,
        %dma_start3A = tpu.memref_slice %arg16[%cond3A_171] : memref<2x!tpu.dma_semaphore, #tpu.memory_space<semaphore_mem>> -> memref<1x!tpu.dma_semaphore, #tpu.memory_space<semaphore_mem>>
        %dma_start3A_261 = tpu.memref_squeeze %dma_start3A : memref<1x!tpu.dma_semaphore, #tpu.memory_space<semaphore_mem>> -> memref<!tpu.dma_semaphore, #tpu.memory_space<semaphore_mem>>
        %dma_start3A_262 = tpu.memref_slice %arg8[%multiple_of3A, %multiple_of3A_162] : memref<4096x4096xf32, #tpu.memory_space<hbm>> -> memref<512x512xf32, #tpu.memory_space<hbm>>
        %dma_start3A_263 = arith.constant 0 : i32
        %dma_start3A_264 = arith.constant 0 : i32
        %dma_start3A_265 = tpu.memref_slice %arg11[%cond3A_170, %dma_start3A_263, %dma_start3A_264] : memref<2x512x512xf32, #tpu.memory_space<vmem>> -> memref<1x512x512xf32, #tpu.memory_space<vmem>>
        %dma_start3A_266 = tpu.memref_squeeze %dma_start3A_265 : memref<1x512x512xf32, #tpu.memory_space<vmem>> -> memref<512x512xf32, #tpu.memory_space<vmem>>
        tpu.enqueue_dma source(%dma_start3A_266 : memref<512x512xf32, #tpu.memory_space<vmem>>) target(%dma_start3A_262 : memref<512x512xf32, #tpu.memory_space<hbm>>) target_semaphore(%dma_start3A_261 : memref<!tpu.dma_semaphore, #tpu.memory_space<semaphore_mem>>)
        %dma_start3A_267 = tpu.memref_slice %arg16[%cond3A_173] : memref<2x!tpu.dma_semaphore, #tpu.memory_space<semaphore_mem>> -> memref<1x!tpu.dma_semaphore, #tpu.memory_space<semaphore_mem>>
        %dma_start3A_268 = tpu.memref_squeeze %dma_start3A_267 : memref<1x!tpu.dma_semaphore, #tpu.memory_space<semaphore_mem>> -> memref<!tpu.dma_semaphore, #tpu.memory_space<semaphore_mem>>
        %dma_start3A_269 = tpu.memref_slice %arg9[%multiple_of3A, %multiple_of3A_162] : memref<4096x4096xbf16, #tpu.memory_space<hbm>> -> memref<512x512xbf16, #tpu.memory_space<hbm>>
        %dma_start3A_270 = arith.constant 0 : i32
        %dma_start3A_271 = arith.constant 0 : i32
        %dma_start3A_272 = tpu.memref_slice %arg13[%cond3A_172, %dma_start3A_270, %dma_start3A_271] : memref<2x512x512xbf16, #tpu.memory_space<vmem>> -> memref<1x512x512xbf16, #tpu.memory_space<vmem>>
        %dma_start3A_273 = tpu.memref_squeeze %dma_start3A_272 : memref<1x512x512xbf16, #tpu.memory_space<vmem>> -> memref<512x512xbf16, #tpu.memory_space<vmem>>
        tpu.enqueue_dma source(%dma_start3A_273 : memref<512x512xbf16, #tpu.memory_space<vmem>>) target(%dma_start3A_269 : memref<512x512xbf16, #tpu.memory_space<hbm>>) target_semaphore(%dma_start3A_268 : memref<!tpu.dma_semaphore, #tpu.memory_space<semaphore_mem>>)
        %dma_start3A_274 = tpu.memref_slice %arg16[%cond3A_175] : memref<2x!tpu.dma_semaphore, #tpu.memory_space<semaphore_mem>> -> memref<1x!tpu.dma_semaphore, #tpu.memory_space<semaphore_mem>>
        %dma_start3A_275 = tpu.memref_squeeze %dma_start3A_274 : memref<1x!tpu.dma_semaphore, #tpu.memory_space<semaphore_mem>> -> memref<!tpu.dma_semaphore, #tpu.memory_space<semaphore_mem>>
        %dma_start3A_276 = tpu.memref_slice %arg8[%multiple_of3A_165, %multiple_of3A_168] : memref<4096x4096xf32, #tpu.memory_space<hbm>> -> memref<512x512xf32, #tpu.memory_space<hbm>>
        %dma_start3A_277 = arith.constant 0 : i32
        %dma_start3A_278 = arith.constant 0 : i32
        %dma_start3A_279 = tpu.memref_slice %arg12[%cond3A_174, %dma_start3A_277, %dma_start3A_278] : memref<2x512x512xf32, #tpu.memory_space<vmem>> -> memref<1x512x512xf32, #tpu.memory_space<vmem>>
        %dma_start3A_280 = tpu.memref_squeeze %dma_start3A_279 : memref<1x512x512xf32, #tpu.memory_space<vmem>> -> memref<512x512xf32, #tpu.memory_space<vmem>>
        tpu.enqueue_dma source(%dma_start3A_280 : memref<512x512xf32, #tpu.memory_space<vmem>>) target(%dma_start3A_276 : memref<512x512xf32, #tpu.memory_space<hbm>>) target_semaphore(%dma_start3A_275 : memref<!tpu.dma_semaphore, #tpu.memory_space<semaphore_mem>>)
        %dma_start3A_281 = tpu.memref_slice %arg16[%cond3A_177] : memref<2x!tpu.dma_semaphore, #tpu.memory_space<semaphore_mem>> -> memref<1x!tpu.dma_semaphore, #tpu.memory_space<semaphore_mem>>
        %dma_start3A_282 = tpu.memref_squeeze %dma_start3A_281 : memref<1x!tpu.dma_semaphore, #tpu.memory_space<semaphore_mem>> -> memref<!tpu.dma_semaphore, #tpu.memory_space<semaphore_mem>>
        %dma_start3A_283 = tpu.memref_slice %arg9[%multiple_of3A_165, %multiple_of3A_168] : memref<4096x4096xbf16, #tpu.memory_space<hbm>> -> memref<512x512xbf16, #tpu.memory_space<hbm>>
        %dma_start3A_284 = arith.constant 0 : i32
        %dma_start3A_285 = arith.constant 0 : i32
        %dma_start3A_286 = tpu.memref_slice %arg14[%cond3A_176, %dma_start3A_284, %dma_start3A_285] : memref<2x512x512xbf16, #tpu.memory_space<vmem>> -> memref<1x512x512xbf16, #tpu.memory_space<vmem>>
        %dma_start3A_287 = tpu.memref_squeeze %dma_start3A_286 : memref<1x512x512xbf16, #tpu.memory_space<vmem>> -> memref<512x512xbf16, #tpu.memory_space<vmem>>
        tpu.enqueue_dma source(%dma_start3A_287 : memref<512x512xbf16, #tpu.memory_space<vmem>>) target(%dma_start3A_283 : memref<512x512xbf16, #tpu.memory_space<hbm>>) target_semaphore(%dma_start3A_282 : memref<!tpu.dma_semaphore, #tpu.memory_space<semaphore_mem>>)
      } else {
      }
      %eq3A_180 = arith.cmpi eq, %get3A_1, %get3A_4 : i32
      %convert_element_type3A_181 = arith.extui %eq3A_180 : i1 to i32
      %cond3A_182 = arith.constant 0 : i32
      %cond3A_183 = arith.constant 0 : i32
      %cond3A_184 = arith.constant 0 : i32
      %cond3A_185 = arith.constant 0 : i32
      %cond3A_186 = arith.constant 0 : i32
      %cond3A_187 = arith.cmpi ne, %convert_element_type3A_181, %cond3A_186 : i32
      scf.if %cond3A_187 {
        %iota3A_193 = tpu.iota {dimensions = array<i32: 0>} : vector<512x512xi32>
        %iota3A_194 = tpu.iota {dimensions = array<i32: 1>} : vector<512x512xi32>
        %ge3A_195 = arith.cmpi sge, %iota3A_193, %iota3A_194 : vector<512x512xi32>
        %transpose3A = tpu.transpose %slice3A_151, [1, 0] : vector<512x512xf32> -> vector<512x512xf32>
        %select_n3A_196 = arith.select %ge3A_195, %slice3A_151, %transpose3A : vector<512x512xi1>, vector<512x512xf32>
        %mul3A_197 = arith.constant 5.000000e-01 : f32
        %mul3A_198 = vector.broadcast %mul3A_197 : f32 to vector<512x512xf32>
        %mul3A_199 = arith.mulf %mul3A_198, %select_n3A_196 : vector<512x512xf32>
        %tanh3A = math.tanh %mul3A_199 : vector<512x512xf32>
        %mul3A_200 = arith.constant 5.000000e-01 : f32
        %mul3A_201 = vector.broadcast %mul3A_200 : f32 to vector<512x512xf32>
        %mul3A_202 = arith.mulf %mul3A_201, %tanh3A : vector<512x512xf32>
        %add3A_203 = arith.constant 5.000000e-01 : f32
        %add3A_204 = vector.broadcast %add3A_203 : f32 to vector<512x512xf32>
        %add3A_205 = arith.addf %mul3A_202, %add3A_204 : vector<512x512xf32>
        %get3A_206 = arith.constant 0 : index
        %get3A_207 = arith.constant 0 : index
        %get3A_208 = vector.load %arg7[%get3A_206, %get3A_207] : memref<512x512xf32, #tpu.memory_space<vmem>>, vector<512x512xf32>
        %mul3A_209 = arith.mulf %add3A_205, %get3A_208 : vector<512x512xf32>
        %swap3A = arith.constant 0 : index
        %swap3A_210 = arith.constant 0 : index
        %swap3A_211 = arith.constant 0 : index
        %swap3A_212 = vector.load %arg11[%swap3A, %swap3A_210, %swap3A_211] : memref<2x512x512xf32, #tpu.memory_space<vmem>>, vector<1x512x512xf32>
        %swap3A_213 = vector.shape_cast %swap3A_212 : vector<1x512x512xf32> to vector<512x512xf32>
        %swap3A_214 = vector.shape_cast %add3A_205 : vector<512x512xf32> to vector<1x512x512xf32>
        tpu.vector_store %arg11[%swap3A, %swap3A_210, %swap3A_211], %swap3A_214 {strides = array<i32>} : memref<2x512x512xf32, #tpu.memory_space<vmem>>, vector<1x512x512xf32>,
        %convert_element_type3A_215 = arith.truncf %mul3A_209 : vector<512x512xf32> to vector<512x512xbf16>
        %swap3A_216 = arith.constant 0 : index
        %swap3A_217 = arith.constant 0 : index
        %swap3A_218 = arith.constant 0 : index
        %swap3A_219 = vector.load %arg13[%swap3A_216, %swap3A_217, %swap3A_218] : memref<2x512x512xbf16, #tpu.memory_space<vmem>>, vector<1x512x512xbf16>
        %swap3A_220 = vector.shape_cast %swap3A_219 : vector<1x512x512xbf16> to vector<512x512xbf16>
        %swap3A_221 = vector.shape_cast %convert_element_type3A_215 : vector<512x512xbf16> to vector<1x512x512xbf16>
        tpu.vector_store %arg13[%swap3A_216, %swap3A_217, %swap3A_218], %swap3A_221 {strides = array<i32>} : memref<2x512x512xbf16, #tpu.memory_space<vmem>>, vector<1x512x512xbf16>,
        %get3A_222 = arith.index_cast %get3A_1 : i32 to index
        %get3A_223 = arith.constant 0 : index
        %get3A_224 = arith.constant 0 : index
        %get3A_225 = vector.load %arg15[%get3A_222, %get3A_223, %get3A_224] : memref<8x512x1xf32, #tpu.memory_space<vmem>>, vector<1x512x1xf32>
        %get3A_226 = vector.shape_cast %get3A_225 : vector<1x512x1xf32> to vector<512x1xf32>
        %reduce_sum3A = arith.constant dense<0.000000e+00> : vector<512xf32>
        %reduce_sum3A_227 = vector.multi_reduction <add>, %mul3A_209, %reduce_sum3A [1] : vector<512x512xf32> to vector<512xf32>
        %broadcast_in_dim3A_228 = vector.shape_cast %reduce_sum3A_227 : vector<512xf32> to vector<512x1xf32>
        %add3A_229 = arith.addf %get3A_226, %broadcast_in_dim3A_228 : vector<512x1xf32>
        %swap3A_230 = arith.index_cast %get3A_1 : i32 to index
        %swap3A_231 = arith.constant 0 : index
        %swap3A_232 = arith.constant 0 : index
        %swap3A_233 = vector.load %arg15[%swap3A_230, %swap3A_231, %swap3A_232] : memref<8x512x1xf32, #tpu.memory_space<vmem>>, vector<1x512x1xf32>
        %swap3A_234 = vector.shape_cast %swap3A_233 : vector<1x512x1xf32> to vector<512x1xf32>
        %swap3A_235 = vector.shape_cast %add3A_229 : vector<512x1xf32> to vector<1x512x1xf32>
        tpu.vector_store %arg15[%swap3A_230, %swap3A_231, %swap3A_232], %swap3A_235 {strides = array<i32>} : memref<8x512x1xf32, #tpu.memory_space<vmem>>, vector<1x512x1xf32>,
        %dma_start3A = tpu.memref_slice %arg16[%cond3A_183] : memref<2x!tpu.dma_semaphore, #tpu.memory_space<semaphore_mem>> -> memref<1x!tpu.dma_semaphore, #tpu.memory_space<semaphore_mem>>
        %dma_start3A_236 = tpu.memref_squeeze %dma_start3A : memref<1x!tpu.dma_semaphore, #tpu.memory_space<semaphore_mem>> -> memref<!tpu.dma_semaphore, #tpu.memory_space<semaphore_mem>>
        %dma_start3A_237 = tpu.memref_slice %arg8[%multiple_of3A, %multiple_of3A_162] : memref<4096x4096xf32, #tpu.memory_space<hbm>> -> memref<512x512xf32, #tpu.memory_space<hbm>>
        %dma_start3A_238 = arith.constant 0 : i32
        %dma_start3A_239 = arith.constant 0 : i32
        %dma_start3A_240 = tpu.memref_slice %arg11[%cond3A_182, %dma_start3A_238, %dma_start3A_239] : memref<2x512x512xf32, #tpu.memory_space<vmem>> -> memref<1x512x512xf32, #tpu.memory_space<vmem>>
        %dma_start3A_241 = tpu.memref_squeeze %dma_start3A_240 : memref<1x512x512xf32, #tpu.memory_space<vmem>> -> memref<512x512xf32, #tpu.memory_space<vmem>>
        tpu.enqueue_dma source(%dma_start3A_241 : memref<512x512xf32, #tpu.memory_space<vmem>>) target(%dma_start3A_237 : memref<512x512xf32, #tpu.memory_space<hbm>>) target_semaphore(%dma_start3A_236 : memref<!tpu.dma_semaphore, #tpu.memory_space<semaphore_mem>>)
        %dma_start3A_242 = tpu.memref_slice %arg16[%cond3A_185] : memref<2x!tpu.dma_semaphore, #tpu.memory_space<semaphore_mem>> -> memref<1x!tpu.dma_semaphore, #tpu.memory_space<semaphore_mem>>
        %dma_start3A_243 = tpu.memref_squeeze %dma_start3A_242 : memref<1x!tpu.dma_semaphore, #tpu.memory_space<semaphore_mem>> -> memref<!tpu.dma_semaphore, #tpu.memory_space<semaphore_mem>>
        %dma_start3A_244 = tpu.memref_slice %arg9[%multiple_of3A, %multiple_of3A_162] : memref<4096x4096xbf16, #tpu.memory_space<hbm>> -> memref<512x512xbf16, #tpu.memory_space<hbm>>
        %dma_start3A_245 = arith.constant 0 : i32
        %dma_start3A_246 = arith.constant 0 : i32
        %dma_start3A_247 = tpu.memref_slice %arg13[%cond3A_184, %dma_start3A_245, %dma_start3A_246] : memref<2x512x512xbf16, #tpu.memory_space<vmem>> -> memref<1x512x512xbf16, #tpu.memory_space<vmem>>
        %dma_start3A_248 = tpu.memref_squeeze %dma_start3A_247 : memref<1x512x512xbf16, #tpu.memory_space<vmem>> -> memref<512x512xbf16, #tpu.memory_space<vmem>>
        tpu.enqueue_dma source(%dma_start3A_248 : memref<512x512xbf16, #tpu.memory_space<vmem>>) target(%dma_start3A_244 : memref<512x512xbf16, #tpu.memory_space<hbm>>) target_semaphore(%dma_start3A_243 : memref<!tpu.dma_semaphore, #tpu.memory_space<semaphore_mem>>)
      } else {
      }
      %eq3A_188 = arith.constant 35 : i32
      %eq3A_189 = arith.cmpi eq, %arg0, %eq3A_188 : i32
      %convert_element_type3A_190 = arith.extui %eq3A_189 : i1 to i32
      %cond3A_191 = arith.constant 0 : i32
      %cond3A_192 = arith.cmpi ne, %convert_element_type3A_190, %cond3A_191 : i32
      scf.if %cond3A_192 {
        %get3A_193 = arith.constant 0 : index
        %get3A_194 = arith.constant 0 : index
        %get3A_195 = arith.constant 0 : index
        %get3A_196 = vector.load %arg15[%get3A_193, %get3A_194, %get3A_195] : memref<8x512x1xf32, #tpu.memory_space<vmem>>, vector<1x512x1xf32>
        %get3A_197 = vector.shape_cast %get3A_196 : vector<1x512x1xf32> to vector<512x1xf32>
        %add3A_198 = arith.constant 1.000000e+00 : f32
        %add3A_199 = vector.broadcast %add3A_198 : f32 to vector<512x1xf32>
        %add3A_200 = arith.addf %get3A_197, %add3A_199 : vector<512x1xf32>
        %swap3A = arith.constant 0 : index
        %swap3A_201 = arith.constant 0 : index
        %swap3A_202 = vector.load %arg10[%swap3A, %swap3A_201] : memref<4096x1xf32, #tpu.memory_space<vmem>>, vector<512x1xf32>
        tpu.vector_store %arg10[%swap3A, %swap3A_201], %add3A_200 {strides = array<i32>} : memref<4096x1xf32, #tpu.memory_space<vmem>>, vector<512x1xf32>,
        %get3A_203 = arith.constant 1 : index
        %get3A_204 = arith.constant 0 : index
        %get3A_205 = arith.constant 0 : index
        %get3A_206 = vector.load %arg15[%get3A_203, %get3A_204, %get3A_205] : memref<8x512x1xf32, #tpu.memory_space<vmem>>, vector<1x512x1xf32>
        %get3A_207 = vector.shape_cast %get3A_206 : vector<1x512x1xf32> to vector<512x1xf32>
        %add3A_208 = arith.constant 1.000000e+00 : f32
        %add3A_209 = vector.broadcast %add3A_208 : f32 to vector<512x1xf32>
        %add3A_210 = arith.addf %get3A_207, %add3A_209 : vector<512x1xf32>
        %swap3A_211 = arith.constant 512 : index
        %swap3A_212 = arith.constant 0 : index
        %swap3A_213 = vector.load %arg10[%swap3A_211, %swap3A_212] : memref<4096x1xf32, #tpu.memory_space<vmem>>, vector<512x1xf32>
        tpu.vector_store %arg10[%swap3A_211, %swap3A_212], %add3A_210 {strides = array<i32>} : memref<4096x1xf32, #tpu.memory_space<vmem>>, vector<512x1xf32>,
        %get3A_214 = arith.constant 2 : index
        %get3A_215 = arith.constant 0 : index
        %get3A_216 = arith.constant 0 : index
        %get3A_217 = vector.load %arg15[%get3A_214, %get3A_215, %get3A_216] : memref<8x512x1xf32, #tpu.memory_space<vmem>>, vector<1x512x1xf32>
        %get3A_218 = vector.shape_cast %get3A_217 : vector<1x512x1xf32> to vector<512x1xf32>
        %add3A_219 = arith.constant 1.000000e+00 : f32
        %add3A_220 = vector.broadcast %add3A_219 : f32 to vector<512x1xf32>
        %add3A_221 = arith.addf %get3A_218, %add3A_220 : vector<512x1xf32>
        %swap3A_222 = arith.constant 1024 : index
        %swap3A_223 = arith.constant 0 : index
        %swap3A_224 = vector.load %arg10[%swap3A_222, %swap3A_223] : memref<4096x1xf32, #tpu.memory_space<vmem>>, vector<512x1xf32>
        tpu.vector_store %arg10[%swap3A_222, %swap3A_223], %add3A_221 {strides = array<i32>} : memref<4096x1xf32, #tpu.memory_space<vmem>>, vector<512x1xf32>,
        %get3A_225 = arith.constant 3 : index
        %get3A_226 = arith.constant 0 : index
        %get3A_227 = arith.constant 0 : index
        %get3A_228 = vector.load %arg15[%get3A_225, %get3A_226, %get3A_227] : memref<8x512x1xf32, #tpu.memory_space<vmem>>, vector<1x512x1xf32>
        %get3A_229 = vector.shape_cast %get3A_228 : vector<1x512x1xf32> to vector<512x1xf32>
        %add3A_230 = arith.constant 1.000000e+00 : f32
        %add3A_231 = vector.broadcast %add3A_230 : f32 to vector<512x1xf32>
        %add3A_232 = arith.addf %get3A_229, %add3A_231 : vector<512x1xf32>
        %swap3A_233 = arith.constant 1536 : index
        %swap3A_234 = arith.constant 0 : index
        %swap3A_235 = vector.load %arg10[%swap3A_233, %swap3A_234] : memref<4096x1xf32, #tpu.memory_space<vmem>>, vector<512x1xf32>
        tpu.vector_store %arg10[%swap3A_233, %swap3A_234], %add3A_232 {strides = array<i32>} : memref<4096x1xf32, #tpu.memory_space<vmem>>, vector<512x1xf32>,
        %get3A_236 = arith.constant 4 : index
        %get3A_237 = arith.constant 0 : index
        %get3A_238 = arith.constant 0 : index
        %get3A_239 = vector.load %arg15[%get3A_236, %get3A_237, %get3A_238] : memref<8x512x1xf32, #tpu.memory_space<vmem>>, vector<1x512x1xf32>
        %get3A_240 = vector.shape_cast %get3A_239 : vector<1x512x1xf32> to vector<512x1xf32>
        %add3A_241 = arith.constant 1.000000e+00 : f32
        %add3A_242 = vector.broadcast %add3A_241 : f32 to vector<512x1xf32>
        %add3A_243 = arith.addf %get3A_240, %add3A_242 : vector<512x1xf32>
        %swap3A_244 = arith.constant 2048 : index
        %swap3A_245 = arith.constant 0 : index
        %swap3A_246 = vector.load %arg10[%swap3A_244, %swap3A_245] : memref<4096x1xf32, #tpu.memory_space<vmem>>, vector<512x1xf32>
        tpu.vector_store %arg10[%swap3A_244, %swap3A_245], %add3A_243 {strides = array<i32>} : memref<4096x1xf32, #tpu.memory_space<vmem>>, vector<512x1xf32>,
        %get3A_247 = arith.constant 5 : index
        %get3A_248 = arith.constant 0 : index
        %get3A_249 = arith.constant 0 : index
        %get3A_250 = vector.load %arg15[%get3A_247, %get3A_248, %get3A_249] : memref<8x512x1xf32, #tpu.memory_space<vmem>>, vector<1x512x1xf32>
        %get3A_251 = vector.shape_cast %get3A_250 : vector<1x512x1xf32> to vector<512x1xf32>
        %add3A_252 = arith.constant 1.000000e+00 : f32
        %add3A_253 = vector.broadcast %add3A_252 : f32 to vector<512x1xf32>
        %add3A_254 = arith.addf %get3A_251, %add3A_253 : vector<512x1xf32>
        %swap3A_255 = arith.constant 2560 : index
        %swap3A_256 = arith.constant 0 : index
        %swap3A_257 = vector.load %arg10[%swap3A_255, %swap3A_256] : memref<4096x1xf32, #tpu.memory_space<vmem>>, vector<512x1xf32>
        tpu.vector_store %arg10[%swap3A_255, %swap3A_256], %add3A_254 {strides = array<i32>} : memref<4096x1xf32, #tpu.memory_space<vmem>>, vector<512x1xf32>,
        %get3A_258 = arith.constant 6 : index
        %get3A_259 = arith.constant 0 : index
        %get3A_260 = arith.constant 0 : index
        %get3A_261 = vector.load %arg15[%get3A_258, %get3A_259, %get3A_260] : memref<8x512x1xf32, #tpu.memory_space<vmem>>, vector<1x512x1xf32>
        %get3A_262 = vector.shape_cast %get3A_261 : vector<1x512x1xf32> to vector<512x1xf32>
        %add3A_263 = arith.constant 1.000000e+00 : f32
        %add3A_264 = vector.broadcast %add3A_263 : f32 to vector<512x1xf32>
        %add3A_265 = arith.addf %get3A_262, %add3A_264 : vector<512x1xf32>
        %swap3A_266 = arith.constant 3072 : index
        %swap3A_267 = arith.constant 0 : index
        %swap3A_268 = vector.load %arg10[%swap3A_266, %swap3A_267] : memref<4096x1xf32, #tpu.memory_space<vmem>>, vector<512x1xf32>
        tpu.vector_store %arg10[%swap3A_266, %swap3A_267], %add3A_265 {strides = array<i32>} : memref<4096x1xf32, #tpu.memory_space<vmem>>, vector<512x1xf32>,
        %get3A_269 = arith.constant 7 : index
        %get3A_270 = arith.constant 0 : index
        %get3A_271 = arith.constant 0 : index
        %get3A_272 = vector.load %arg15[%get3A_269, %get3A_270, %get3A_271] : memref<8x512x1xf32, #tpu.memory_space<vmem>>, vector<1x512x1xf32>
        %get3A_273 = vector.shape_cast %get3A_272 : vector<1x512x1xf32> to vector<512x1xf32>
        %add3A_274 = arith.constant 1.000000e+00 : f32
        %add3A_275 = vector.broadcast %add3A_274 : f32 to vector<512x1xf32>
        %add3A_276 = arith.addf %get3A_273, %add3A_275 : vector<512x1xf32>
        %swap3A_277 = arith.constant 3584 : index
        %swap3A_278 = arith.constant 0 : index
        %swap3A_279 = vector.load %arg10[%swap3A_277, %swap3A_278] : memref<4096x1xf32, #tpu.memory_space<vmem>>, vector<512x1xf32>
        tpu.vector_store %arg10[%swap3A_277, %swap3A_278], %add3A_276 {strides = array<i32>} : memref<4096x1xf32, #tpu.memory_space<vmem>>, vector<512x1xf32>,
        %sub3A_280 = arith.constant 1 : i32
        %sub3A_281 = arith.subi %arg0, %sub3A_280 : i32
        %get3A_282 = arith.constant 0 : index
        %get3A_283 = arith.index_cast %sub3A_281 : i32 to index
        %get3A_284 = memref.load %arg1[%get3A_282, %get3A_283] : memref<2x36xi32, #tpu.memory_space<smem>>
        %get3A_285 = arith.constant 1 : index
        %get3A_286 = arith.index_cast %sub3A_281 : i32 to index
        %get3A_287 = memref.load %arg1[%get3A_285, %get3A_286] : memref<2x36xi32, #tpu.memory_space<smem>>
        %mul3A_288 = arith.constant 512 : i32
        %mul3A_289 = arith.muli %get3A_284, %mul3A_288 : i32
        %multiple_of3A_290 = tpu.assume_multiple %mul3A_289, 512 : i32
        %mul3A_291 = arith.constant 512 : i32
        %mul3A_292 = arith.muli %get3A_287, %mul3A_291 : i32
        %multiple_of3A_293 = tpu.assume_multiple %mul3A_292, 512 : i32
        %mul3A_294 = arith.constant 512 : i32
        %mul3A_295 = arith.muli %get3A_287, %mul3A_294 : i32
        %multiple_of3A_296 = tpu.assume_multiple %mul3A_295, 512 : i32
        %mul3A_297 = arith.constant 512 : i32
        %mul3A_298 = arith.muli %get3A_284, %mul3A_297 : i32
        %multiple_of3A_299 = tpu.assume_multiple %mul3A_298, 512 : i32
        %dma_wait3A = arith.constant 1 : i32
        %dma_wait3A_300 = arith.constant 1 : i32
        %dma_wait3A_301 = tpu.memref_slice %arg16[%dma_wait3A_300] : memref<2x!tpu.dma_semaphore, #tpu.memory_space<semaphore_mem>> -> memref<1x!tpu.dma_semaphore, #tpu.memory_space<semaphore_mem>>
        %dma_wait3A_302 = tpu.memref_squeeze %dma_wait3A_301 : memref<1x!tpu.dma_semaphore, #tpu.memory_space<semaphore_mem>> -> memref<!tpu.dma_semaphore, #tpu.memory_space<semaphore_mem>>
        %dma_wait3A_303 = tpu.memref_slice %arg8[%multiple_of3A_290, %multiple_of3A_293] : memref<4096x4096xf32, #tpu.memory_space<hbm>> -> memref<512x512xf32, #tpu.memory_space<hbm>>
        %dma_wait3A_304 = arith.constant 0 : i32
        %dma_wait3A_305 = arith.constant 0 : i32
        %dma_wait3A_306 = tpu.memref_slice %arg11[%dma_wait3A, %dma_wait3A_304, %dma_wait3A_305] : memref<2x512x512xf32, #tpu.memory_space<vmem>> -> memref<1x512x512xf32, #tpu.memory_space<vmem>>
        %dma_wait3A_307 = tpu.memref_squeeze %dma_wait3A_306 : memref<1x512x512xf32, #tpu.memory_space<vmem>> -> memref<512x512xf32, #tpu.memory_space<vmem>>
        tpu.wait_dma2 semaphore(%dma_wait3A_302 : memref<!tpu.dma_semaphore, #tpu.memory_space<semaphore_mem>>) src(%dma_wait3A_307 : memref<512x512xf32, #tpu.memory_space<vmem>>) dst(%dma_wait3A_303 : memref<512x512xf32, #tpu.memory_space<hbm>>)
        %dma_wait3A_308 = arith.constant 1 : i32
        %dma_wait3A_309 = arith.constant 1 : i32
        %dma_wait3A_310 = tpu.memref_slice %arg16[%dma_wait3A_309] : memref<2x!tpu.dma_semaphore, #tpu.memory_space<semaphore_mem>> -> memref<1x!tpu.dma_semaphore, #tpu.memory_space<semaphore_mem>>
        %dma_wait3A_311 = tpu.memref_squeeze %dma_wait3A_310 : memref<1x!tpu.dma_semaphore, #tpu.memory_space<semaphore_mem>> -> memref<!tpu.dma_semaphore, #tpu.memory_space<semaphore_mem>>
        %dma_wait3A_312 = tpu.memref_slice %arg9[%multiple_of3A_290, %multiple_of3A_293] : memref<4096x4096xbf16, #tpu.memory_space<hbm>> -> memref<512x512xbf16, #tpu.memory_space<hbm>>
        %dma_wait3A_313 = arith.constant 0 : i32
        %dma_wait3A_314 = arith.constant 0 : i32
        %dma_wait3A_315 = tpu.memref_slice %arg13[%dma_wait3A_308, %dma_wait3A_313, %dma_wait3A_314] : memref<2x512x512xbf16, #tpu.memory_space<vmem>> -> memref<1x512x512xbf16, #tpu.memory_space<vmem>>
        %dma_wait3A_316 = tpu.memref_squeeze %dma_wait3A_315 : memref<1x512x512xbf16, #tpu.memory_space<vmem>> -> memref<512x512xbf16, #tpu.memory_space<vmem>>
        tpu.wait_dma2 semaphore(%dma_wait3A_311 : memref<!tpu.dma_semaphore, #tpu.memory_space<semaphore_mem>>) src(%dma_wait3A_316 : memref<512x512xbf16, #tpu.memory_space<vmem>>) dst(%dma_wait3A_312 : memref<512x512xbf16, #tpu.memory_space<hbm>>)
        %get3A_317 = arith.constant 0 : index
        %get3A_318 = arith.index_cast %sub3A_281 : i32 to index
        %get3A_319 = memref.load %arg1[%get3A_317, %get3A_318] : memref<2x36xi32, #tpu.memory_space<smem>>
        %get3A_320 = arith.constant 1 : index
        %get3A_321 = arith.index_cast %sub3A_281 : i32 to index
        %get3A_322 = memref.load %arg1[%get3A_320, %get3A_321] : memref<2x36xi32, #tpu.memory_space<smem>>
        %gt3A_323 = arith.cmpi sgt, %get3A_319, %get3A_322 : i32
        %convert_element_type3A_324 = arith.extui %gt3A_323 : i1 to i32
        %cond3A_325 = arith.constant 1 : i32
        %cond3A_326 = arith.constant 1 : i32
        %cond3A_327 = arith.constant 1 : i32
        %cond3A_328 = arith.constant 1 : i32
        %cond3A_329 = arith.constant 0 : i32
        %cond3A_330 = arith.cmpi ne, %convert_element_type3A_324, %cond3A_329 : i32
        scf.if %cond3A_330 {
          %dma_wait3A_381 = tpu.memref_slice %arg16[%cond3A_326] : memref<2x!tpu.dma_semaphore, #tpu.memory_space<semaphore_mem>> -> memref<1x!tpu.dma_semaphore, #tpu.memory_space<semaphore_mem>>
          %dma_wait3A_382 = tpu.memref_squeeze %dma_wait3A_381 : memref<1x!tpu.dma_semaphore, #tpu.memory_space<semaphore_mem>> -> memref<!tpu.dma_semaphore, #tpu.memory_space<semaphore_mem>>
          %dma_wait3A_383 = tpu.memref_slice %arg8[%multiple_of3A_296, %multiple_of3A_299] : memref<4096x4096xf32, #tpu.memory_space<hbm>> -> memref<512x512xf32, #tpu.memory_space<hbm>>
          %dma_wait3A_384 = arith.constant 0 : i32
          %dma_wait3A_385 = arith.constant 0 : i32
          %dma_wait3A_386 = tpu.memref_slice %arg12[%cond3A_325, %dma_wait3A_384, %dma_wait3A_385] : memref<2x512x512xf32, #tpu.memory_space<vmem>> -> memref<1x512x512xf32, #tpu.memory_space<vmem>>
          %dma_wait3A_387 = tpu.memref_squeeze %dma_wait3A_386 : memref<1x512x512xf32, #tpu.memory_space<vmem>> -> memref<512x512xf32, #tpu.memory_space<vmem>>
          tpu.wait_dma2 semaphore(%dma_wait3A_382 : memref<!tpu.dma_semaphore, #tpu.memory_space<semaphore_mem>>) src(%dma_wait3A_387 : memref<512x512xf32, #tpu.memory_space<vmem>>) dst(%dma_wait3A_383 : memref<512x512xf32, #tpu.memory_space<hbm>>)
          %dma_wait3A_388 = tpu.memref_slice %arg16[%cond3A_328] : memref<2x!tpu.dma_semaphore, #tpu.memory_space<semaphore_mem>> -> memref<1x!tpu.dma_semaphore, #tpu.memory_space<semaphore_mem>>
          %dma_wait3A_389 = tpu.memref_squeeze %dma_wait3A_388 : memref<1x!tpu.dma_semaphore, #tpu.memory_space<semaphore_mem>> -> memref<!tpu.dma_semaphore, #tpu.memory_space<semaphore_mem>>
          %dma_wait3A_390 = tpu.memref_slice %arg9[%multiple_of3A_296, %multiple_of3A_299] : memref<4096x4096xbf16, #tpu.memory_space<hbm>> -> memref<512x512xbf16, #tpu.memory_space<hbm>>
          %dma_wait3A_391 = arith.constant 0 : i32
          %dma_wait3A_392 = arith.constant 0 : i32
          %dma_wait3A_393 = tpu.memref_slice %arg14[%cond3A_327, %dma_wait3A_391, %dma_wait3A_392] : memref<2x512x512xbf16, #tpu.memory_space<vmem>> -> memref<1x512x512xbf16, #tpu.memory_space<vmem>>
          %dma_wait3A_394 = tpu.memref_squeeze %dma_wait3A_393 : memref<1x512x512xbf16, #tpu.memory_space<vmem>> -> memref<512x512xbf16, #tpu.memory_space<vmem>>
          tpu.wait_dma2 semaphore(%dma_wait3A_389 : memref<!tpu.dma_semaphore, #tpu.memory_space<semaphore_mem>>) src(%dma_wait3A_394 : memref<512x512xbf16, #tpu.memory_space<vmem>>) dst(%dma_wait3A_390 : memref<512x512xbf16, #tpu.memory_space<hbm>>)
        } else {
        }
        %get3A_331 = arith.constant 0 : index
        %get3A_332 = arith.index_cast %arg0 : i32 to index
        %get3A_333 = memref.load %arg1[%get3A_331, %get3A_332] : memref<2x36xi32, #tpu.memory_space<smem>>
        %get3A_334 = arith.constant 1 : index
        %get3A_335 = arith.index_cast %arg0 : i32 to index
        %get3A_336 = memref.load %arg1[%get3A_334, %get3A_335] : memref<2x36xi32, #tpu.memory_space<smem>>
        %mul3A_337 = arith.constant 512 : i32
        %mul3A_338 = arith.muli %get3A_333, %mul3A_337 : i32
        %multiple_of3A_339 = tpu.assume_multiple %mul3A_338, 512 : i32
        %mul3A_340 = arith.constant 512 : i32
        %mul3A_341 = arith.muli %get3A_336, %mul3A_340 : i32
        %multiple_of3A_342 = tpu.assume_multiple %mul3A_341, 512 : i32
        %mul3A_343 = arith.constant 512 : i32
        %mul3A_344 = arith.muli %get3A_336, %mul3A_343 : i32
        %multiple_of3A_345 = tpu.assume_multiple %mul3A_344, 512 : i32
        %mul3A_346 = arith.constant 512 : i32
        %mul3A_347 = arith.muli %get3A_333, %mul3A_346 : i32
        %multiple_of3A_348 = tpu.assume_multiple %mul3A_347, 512 : i32
        %dma_wait3A_349 = arith.constant 0 : i32
        %dma_wait3A_350 = arith.constant 0 : i32
        %dma_wait3A_351 = tpu.memref_slice %arg16[%dma_wait3A_350] : memref<2x!tpu.dma_semaphore, #tpu.memory_space<semaphore_mem>> -> memref<1x!tpu.dma_semaphore, #tpu.memory_space<semaphore_mem>>
        %dma_wait3A_352 = tpu.memref_squeeze %dma_wait3A_351 : memref<1x!tpu.dma_semaphore, #tpu.memory_space<semaphore_mem>> -> memref<!tpu.dma_semaphore, #tpu.memory_space<semaphore_mem>>
        %dma_wait3A_353 = tpu.memref_slice %arg8[%multiple_of3A_339, %multiple_of3A_342] : memref<4096x4096xf32, #tpu.memory_space<hbm>> -> memref<512x512xf32, #tpu.memory_space<hbm>>
        %dma_wait3A_354 = arith.constant 0 : i32
        %dma_wait3A_355 = arith.constant 0 : i32
        %dma_wait3A_356 = tpu.memref_slice %arg11[%dma_wait3A_349, %dma_wait3A_354, %dma_wait3A_355] : memref<2x512x512xf32, #tpu.memory_space<vmem>> -> memref<1x512x512xf32, #tpu.memory_space<vmem>>
        %dma_wait3A_357 = tpu.memref_squeeze %dma_wait3A_356 : memref<1x512x512xf32, #tpu.memory_space<vmem>> -> memref<512x512xf32, #tpu.memory_space<vmem>>
        tpu.wait_dma2 semaphore(%dma_wait3A_352 : memref<!tpu.dma_semaphore, #tpu.memory_space<semaphore_mem>>) src(%dma_wait3A_357 : memref<512x512xf32, #tpu.memory_space<vmem>>) dst(%dma_wait3A_353 : memref<512x512xf32, #tpu.memory_space<hbm>>)
        %dma_wait3A_358 = arith.constant 0 : i32
        %dma_wait3A_359 = arith.constant 0 : i32
        %dma_wait3A_360 = tpu.memref_slice %arg16[%dma_wait3A_359] : memref<2x!tpu.dma_semaphore, #tpu.memory_space<semaphore_mem>> -> memref<1x!tpu.dma_semaphore, #tpu.memory_space<semaphore_mem>>
        %dma_wait3A_361 = tpu.memref_squeeze %dma_wait3A_360 : memref<1x!tpu.dma_semaphore, #tpu.memory_space<semaphore_mem>> -> memref<!tpu.dma_semaphore, #tpu.memory_space<semaphore_mem>>
        %dma_wait3A_362 = tpu.memref_slice %arg9[%multiple_of3A_339, %multiple_of3A_342] : memref<4096x4096xbf16, #tpu.memory_space<hbm>> -> memref<512x512xbf16, #tpu.memory_space<hbm>>
        %dma_wait3A_363 = arith.constant 0 : i32
        %dma_wait3A_364 = arith.constant 0 : i32
        %dma_wait3A_365 = tpu.memref_slice %arg13[%dma_wait3A_358, %dma_wait3A_363, %dma_wait3A_364] : memref<2x512x512xbf16, #tpu.memory_space<vmem>> -> memref<1x512x512xbf16, #tpu.memory_space<vmem>>
        %dma_wait3A_366 = tpu.memref_squeeze %dma_wait3A_365 : memref<1x512x512xbf16, #tpu.memory_space<vmem>> -> memref<512x512xbf16, #tpu.memory_space<vmem>>
        tpu.wait_dma2 semaphore(%dma_wait3A_361 : memref<!tpu.dma_semaphore, #tpu.memory_space<semaphore_mem>>) src(%dma_wait3A_366 : memref<512x512xbf16, #tpu.memory_space<vmem>>) dst(%dma_wait3A_362 : memref<512x512xbf16, #tpu.memory_space<hbm>>)
        %get3A_367 = arith.constant 0 : index
        %get3A_368 = arith.index_cast %arg0 : i32 to index
        %get3A_369 = memref.load %arg1[%get3A_367, %get3A_368] : memref<2x36xi32, #tpu.memory_space<smem>>
        %get3A_370 = arith.constant 1 : index
        %get3A_371 = arith.index_cast %arg0 : i32 to index
        %get3A_372 = memref.load %arg1[%get3A_370, %get3A_371] : memref<2x36xi32, #tpu.memory_space<smem>>
        %gt3A_373 = arith.cmpi sgt, %get3A_369, %get3A_372 : i32
        %convert_element_type3A_374 = arith.extui %gt3A_373 : i1 to i32
        %cond3A_375 = arith.constant 0 : i32
        %cond3A_376 = arith.constant 0 : i32
        %cond3A_377 = arith.constant 0 : i32
        %cond3A_378 = arith.constant 0 : i32
        %cond3A_379 = arith.constant 0 : i32
        %cond3A_380 = arith.cmpi ne, %convert_element_type3A_374, %cond3A_379 : i32
        scf.if %cond3A_380 {
          %dma_wait3A_381 = tpu.memref_slice %arg16[%cond3A_376] : memref<2x!tpu.dma_semaphore, #tpu.memory_space<semaphore_mem>> -> memref<1x!tpu.dma_semaphore, #tpu.memory_space<semaphore_mem>>
          %dma_wait3A_382 = tpu.memref_squeeze %dma_wait3A_381 : memref<1x!tpu.dma_semaphore, #tpu.memory_space<semaphore_mem>> -> memref<!tpu.dma_semaphore, #tpu.memory_space<semaphore_mem>>
          %dma_wait3A_383 = tpu.memref_slice %arg8[%multiple_of3A_345, %multiple_of3A_348] : memref<4096x4096xf32, #tpu.memory_space<hbm>> -> memref<512x512xf32, #tpu.memory_space<hbm>>
          %dma_wait3A_384 = arith.constant 0 : i32
          %dma_wait3A_385 = arith.constant 0 : i32
          %dma_wait3A_386 = tpu.memref_slice %arg12[%cond3A_375, %dma_wait3A_384, %dma_wait3A_385] : memref<2x512x512xf32, #tpu.memory_space<vmem>> -> memref<1x512x512xf32, #tpu.memory_space<vmem>>
          %dma_wait3A_387 = tpu.memref_squeeze %dma_wait3A_386 : memref<1x512x512xf32, #tpu.memory_space<vmem>> -> memref<512x512xf32, #tpu.memory_space<vmem>>
          tpu.wait_dma2 semaphore(%dma_wait3A_382 : memref<!tpu.dma_semaphore, #tpu.memory_space<semaphore_mem>>) src(%dma_wait3A_387 : memref<512x512xf32, #tpu.memory_space<vmem>>) dst(%dma_wait3A_383 : memref<512x512xf32, #tpu.memory_space<hbm>>)
          %dma_wait3A_388 = tpu.memref_slice %arg16[%cond3A_378] : memref<2x!tpu.dma_semaphore, #tpu.memory_space<semaphore_mem>> -> memref<1x!tpu.dma_semaphore, #tpu.memory_space<semaphore_mem>>
          %dma_wait3A_389 = tpu.memref_squeeze %dma_wait3A_388 : memref<1x!tpu.dma_semaphore, #tpu.memory_space<semaphore_mem>> -> memref<!tpu.dma_semaphore, #tpu.memory_space<semaphore_mem>>
          %dma_wait3A_390 = tpu.memref_slice %arg9[%multiple_of3A_345, %multiple_of3A_348] : memref<4096x4096xbf16, #tpu.memory_space<hbm>> -> memref<512x512xbf16, #tpu.memory_space<hbm>>
          %dma_wait3A_391 = arith.constant 0 : i32
          %dma_wait3A_392 = arith.constant 0 : i32
          %dma_wait3A_393 = tpu.memref_slice %arg14[%cond3A_377, %dma_wait3A_391, %dma_wait3A_392] : memref<2x512x512xbf16, #tpu.memory_space<vmem>> -> memref<1x512x512xbf16, #tpu.memory_space<vmem>>
          %dma_wait3A_394 = tpu.memref_squeeze %dma_wait3A_393 : memref<1x512x512xbf16, #tpu.memory_space<vmem>> -> memref<512x512xbf16, #tpu.memory_space<vmem>>
          tpu.wait_dma2 semaphore(%dma_wait3A_389 : memref<!tpu.dma_semaphore, #tpu.memory_space<semaphore_mem>>) src(%dma_wait3A_394 : memref<512x512xbf16, #tpu.memory_space<vmem>>) dst(%dma_wait3A_390 : memref<512x512xbf16, #tpu.memory_space<hbm>>)
        } else {
        }
      } else {
      }
    } else {
    }
    %jit3A_16 = arith.constant 2 : i32
    %eq3A_17 = arith.constant 0 : i32
    %eq3A_18 = arith.cmpi eq, %jit3A_16, %eq3A_17 : i32
    %jit3A_19 = arith.constant 1 : i32
    %select_n3A_20 = arith.select %eq3A_18, %jit3A_19, %jit3A_16 : i32
    %rem3A_21 = arith.remsi %arg0, %select_n3A_20 : i32
    %ne3A_22 = arith.constant 0 : i32
    %ne3A_23 = arith.cmpi ne, %rem3A_21, %ne3A_22 : i32
    %lt3A_24 = arith.constant 0 : i32
    %lt3A_25 = arith.cmpi slt, %rem3A_21, %lt3A_24 : i32
    %lt3A_26 = arith.constant 0 : i32
    %lt3A_27 = arith.cmpi slt, %select_n3A_20, %lt3A_26 : i32
    %ne3A_28 = arith.xori %lt3A_25, %lt3A_27 : i1
    %and3A_29 = arith.andi %ne3A_28, %ne3A_23 : i1
    %add3A_30 = arith.addi %rem3A_21, %select_n3A_20 : i32
    %select_n3A_31 = arith.select %and3A_29, %add3A_30, %rem3A_21 : i32
    %eq3A_32 = arith.constant 1 : i32
    %eq3A_33 = arith.cmpi eq, %select_n3A_31, %eq3A_32 : i32
    %convert_element_type3A_34 = arith.extui %eq3A_33 : i1 to i32
    %cond3A_35 = arith.constant 0 : i32
    %cond3A_36 = arith.cmpi ne, %convert_element_type3A_34, %cond3A_35 : i32
    scf.if %cond3A_36 {
      %ge3A = arith.constant 2 : i32
      %ge3A_37 = arith.cmpi sge, %arg0, %ge3A : i32
      %convert_element_type3A_38 = arith.extui %ge3A_37 : i1 to i32
      %cond3A_39 = arith.constant 0 : i32
      %cond3A_40 = arith.cmpi ne, %convert_element_type3A_38, %cond3A_39 : i32
      scf.if %cond3A_40 {
        %sub3A_193 = arith.constant 2 : i32
        %sub3A_194 = arith.subi %arg0, %sub3A_193 : i32
        %get3A_195 = arith.constant 0 : index
        %get3A_196 = arith.index_cast %sub3A_194 : i32 to index
        %get3A_197 = memref.load %arg1[%get3A_195, %get3A_196] : memref<2x36xi32, #tpu.memory_space<smem>>
        %get3A_198 = arith.constant 1 : index
        %get3A_199 = arith.index_cast %sub3A_194 : i32 to index
        %get3A_200 = memref.load %arg1[%get3A_198, %get3A_199] : memref<2x36xi32, #tpu.memory_space<smem>>
        %mul3A_201 = arith.constant 512 : i32
        %mul3A_202 = arith.muli %get3A_197, %mul3A_201 : i32
        %multiple_of3A_203 = tpu.assume_multiple %mul3A_202, 512 : i32
        %mul3A_204 = arith.constant 512 : i32
        %mul3A_205 = arith.muli %get3A_200, %mul3A_204 : i32
        %multiple_of3A_206 = tpu.assume_multiple %mul3A_205, 512 : i32
        %mul3A_207 = arith.constant 512 : i32
        %mul3A_208 = arith.muli %get3A_200, %mul3A_207 : i32
        %multiple_of3A_209 = tpu.assume_multiple %mul3A_208, 512 : i32
        %mul3A_210 = arith.constant 512 : i32
        %mul3A_211 = arith.muli %get3A_197, %mul3A_210 : i32
        %multiple_of3A_212 = tpu.assume_multiple %mul3A_211, 512 : i32
        %dma_wait3A = arith.constant 1 : i32
        %dma_wait3A_213 = arith.constant 1 : i32
        %dma_wait3A_214 = tpu.memref_slice %arg16[%dma_wait3A_213] : memref<2x!tpu.dma_semaphore, #tpu.memory_space<semaphore_mem>> -> memref<1x!tpu.dma_semaphore, #tpu.memory_space<semaphore_mem>>
        %dma_wait3A_215 = tpu.memref_squeeze %dma_wait3A_214 : memref<1x!tpu.dma_semaphore, #tpu.memory_space<semaphore_mem>> -> memref<!tpu.dma_semaphore, #tpu.memory_space<semaphore_mem>>
        %dma_wait3A_216 = tpu.memref_slice %arg8[%multiple_of3A_203, %multiple_of3A_206] : memref<4096x4096xf32, #tpu.memory_space<hbm>> -> memref<512x512xf32, #tpu.memory_space<hbm>>
        %dma_wait3A_217 = arith.constant 0 : i32
        %dma_wait3A_218 = arith.constant 0 : i32
        %dma_wait3A_219 = tpu.memref_slice %arg11[%dma_wait3A, %dma_wait3A_217, %dma_wait3A_218] : memref<2x512x512xf32, #tpu.memory_space<vmem>> -> memref<1x512x512xf32, #tpu.memory_space<vmem>>
        %dma_wait3A_220 = tpu.memref_squeeze %dma_wait3A_219 : memref<1x512x512xf32, #tpu.memory_space<vmem>> -> memref<512x512xf32, #tpu.memory_space<vmem>>
        tpu.wait_dma2 semaphore(%dma_wait3A_215 : memref<!tpu.dma_semaphore, #tpu.memory_space<semaphore_mem>>) src(%dma_wait3A_220 : memref<512x512xf32, #tpu.memory_space<vmem>>) dst(%dma_wait3A_216 : memref<512x512xf32, #tpu.memory_space<hbm>>)
        %dma_wait3A_221 = arith.constant 1 : i32
        %dma_wait3A_222 = arith.constant 1 : i32
        %dma_wait3A_223 = tpu.memref_slice %arg16[%dma_wait3A_222] : memref<2x!tpu.dma_semaphore, #tpu.memory_space<semaphore_mem>> -> memref<1x!tpu.dma_semaphore, #tpu.memory_space<semaphore_mem>>
        %dma_wait3A_224 = tpu.memref_squeeze %dma_wait3A_223 : memref<1x!tpu.dma_semaphore, #tpu.memory_space<semaphore_mem>> -> memref<!tpu.dma_semaphore, #tpu.memory_space<semaphore_mem>>
        %dma_wait3A_225 = tpu.memref_slice %arg9[%multiple_of3A_203, %multiple_of3A_206] : memref<4096x4096xbf16, #tpu.memory_space<hbm>> -> memref<512x512xbf16, #tpu.memory_space<hbm>>
        %dma_wait3A_226 = arith.constant 0 : i32
        %dma_wait3A_227 = arith.constant 0 : i32
        %dma_wait3A_228 = tpu.memref_slice %arg13[%dma_wait3A_221, %dma_wait3A_226, %dma_wait3A_227] : memref<2x512x512xbf16, #tpu.memory_space<vmem>> -> memref<1x512x512xbf16, #tpu.memory_space<vmem>>
        %dma_wait3A_229 = tpu.memref_squeeze %dma_wait3A_228 : memref<1x512x512xbf16, #tpu.memory_space<vmem>> -> memref<512x512xbf16, #tpu.memory_space<vmem>>
        tpu.wait_dma2 semaphore(%dma_wait3A_224 : memref<!tpu.dma_semaphore, #tpu.memory_space<semaphore_mem>>) src(%dma_wait3A_229 : memref<512x512xbf16, #tpu.memory_space<vmem>>) dst(%dma_wait3A_225 : memref<512x512xbf16, #tpu.memory_space<hbm>>)
        %get3A_230 = arith.constant 0 : index
        %get3A_231 = arith.index_cast %sub3A_194 : i32 to index
        %get3A_232 = memref.load %arg1[%get3A_230, %get3A_231] : memref<2x36xi32, #tpu.memory_space<smem>>
        %get3A_233 = arith.constant 1 : index
        %get3A_234 = arith.index_cast %sub3A_194 : i32 to index
        %get3A_235 = memref.load %arg1[%get3A_233, %get3A_234] : memref<2x36xi32, #tpu.memory_space<smem>>
        %gt3A_236 = arith.cmpi sgt, %get3A_232, %get3A_235 : i32
        %convert_element_type3A_237 = arith.extui %gt3A_236 : i1 to i32
        %cond3A_238 = arith.constant 1 : i32
        %cond3A_239 = arith.constant 1 : i32
        %cond3A_240 = arith.constant 1 : i32
        %cond3A_241 = arith.constant 1 : i32
        %cond3A_242 = arith.constant 0 : i32
        %cond3A_243 = arith.cmpi ne, %convert_element_type3A_237, %cond3A_242 : i32
        scf.if %cond3A_243 {
          %dma_wait3A_244 = tpu.memref_slice %arg16[%cond3A_239] : memref<2x!tpu.dma_semaphore, #tpu.memory_space<semaphore_mem>> -> memref<1x!tpu.dma_semaphore, #tpu.memory_space<semaphore_mem>>
          %dma_wait3A_245 = tpu.memref_squeeze %dma_wait3A_244 : memref<1x!tpu.dma_semaphore, #tpu.memory_space<semaphore_mem>> -> memref<!tpu.dma_semaphore, #tpu.memory_space<semaphore_mem>>
          %dma_wait3A_246 = tpu.memref_slice %arg8[%multiple_of3A_209, %multiple_of3A_212] : memref<4096x4096xf32, #tpu.memory_space<hbm>> -> memref<512x512xf32, #tpu.memory_space<hbm>>
          %dma_wait3A_247 = arith.constant 0 : i32
          %dma_wait3A_248 = arith.constant 0 : i32
          %dma_wait3A_249 = tpu.memref_slice %arg12[%cond3A_238, %dma_wait3A_247, %dma_wait3A_248] : memref<2x512x512xf32, #tpu.memory_space<vmem>> -> memref<1x512x512xf32, #tpu.memory_space<vmem>>
          %dma_wait3A_250 = tpu.memref_squeeze %dma_wait3A_249 : memref<1x512x512xf32, #tpu.memory_space<vmem>> -> memref<512x512xf32, #tpu.memory_space<vmem>>
          tpu.wait_dma2 semaphore(%dma_wait3A_245 : memref<!tpu.dma_semaphore, #tpu.memory_space<semaphore_mem>>) src(%dma_wait3A_250 : memref<512x512xf32, #tpu.memory_space<vmem>>) dst(%dma_wait3A_246 : memref<512x512xf32, #tpu.memory_space<hbm>>)
          %dma_wait3A_251 = tpu.memref_slice %arg16[%cond3A_241] : memref<2x!tpu.dma_semaphore, #tpu.memory_space<semaphore_mem>> -> memref<1x!tpu.dma_semaphore, #tpu.memory_space<semaphore_mem>>
          %dma_wait3A_252 = tpu.memref_squeeze %dma_wait3A_251 : memref<1x!tpu.dma_semaphore, #tpu.memory_space<semaphore_mem>> -> memref<!tpu.dma_semaphore, #tpu.memory_space<semaphore_mem>>
          %dma_wait3A_253 = tpu.memref_slice %arg9[%multiple_of3A_209, %multiple_of3A_212] : memref<4096x4096xbf16, #tpu.memory_space<hbm>> -> memref<512x512xbf16, #tpu.memory_space<hbm>>
          %dma_wait3A_254 = arith.constant 0 : i32
          %dma_wait3A_255 = arith.constant 0 : i32
          %dma_wait3A_256 = tpu.memref_slice %arg14[%cond3A_240, %dma_wait3A_254, %dma_wait3A_255] : memref<2x512x512xbf16, #tpu.memory_space<vmem>> -> memref<1x512x512xbf16, #tpu.memory_space<vmem>>
          %dma_wait3A_257 = tpu.memref_squeeze %dma_wait3A_256 : memref<1x512x512xbf16, #tpu.memory_space<vmem>> -> memref<512x512xbf16, #tpu.memory_space<vmem>>
          tpu.wait_dma2 semaphore(%dma_wait3A_252 : memref<!tpu.dma_semaphore, #tpu.memory_space<semaphore_mem>>) src(%dma_wait3A_257 : memref<512x512xbf16, #tpu.memory_space<vmem>>) dst(%dma_wait3A_253 : memref<512x512xbf16, #tpu.memory_space<hbm>>)
        } else {
        }
      } else {
      }
      %eq3A_41 = arith.constant 0 : i32
      %eq3A_42 = arith.cmpi eq, %arg0, %eq3A_41 : i32
      %convert_element_type3A_43 = arith.extui %eq3A_42 : i1 to i32
      %cond3A_44 = arith.constant 0 : i32
      %cond3A_45 = arith.cmpi ne, %convert_element_type3A_43, %cond3A_44 : i32
      scf.if %cond3A_45 {
        %broadcast_in_dim3A_193 = arith.constant 0.000000e+00 : f32
        %broadcast_in_dim3A_194 = vector.broadcast %broadcast_in_dim3A_193 : f32 to vector<8x512x1xf32>
        %swap3A = arith.constant 0 : index
        %swap3A_195 = arith.constant 0 : index
        %swap3A_196 = arith.constant 0 : index
        %swap3A_197 = vector.load %arg15[%swap3A, %swap3A_195, %swap3A_196] : memref<8x512x1xf32, #tpu.memory_space<vmem>>, vector<8x512x1xf32>
        tpu.vector_store %arg15[%swap3A, %swap3A_195, %swap3A_196], %broadcast_in_dim3A_194 {strides = array<i32>} : memref<8x512x1xf32, #tpu.memory_space<vmem>>, vector<8x512x1xf32>,
      } else {
      }
      %mul3A = arith.constant 512 : i32
      %mul3A_46 = arith.muli %get3A_1, %mul3A : i32
      %iota3A = tpu.iota {dimensions = array<i32: 0>} : vector<512x1xi32>
      %add3A_47 = vector.broadcast %mul3A_46 : i32 to vector<512x1xi32>
      %add3A_48 = arith.addi %add3A_47, %iota3A : vector<512x1xi32>
      %add3A_49 = arith.constant 1 : i32
      %add3A_50 = vector.broadcast %add3A_49 : i32 to vector<512x1xi32>
      %add3A_51 = arith.addi %add3A_48, %add3A_50 : vector<512x1xi32>
      %mul3A_52 = arith.muli %add3A_48, %add3A_51 : vector<512x1xi32>
      %jit3A_53 = arith.constant 2 : i32
      %div3A = vector.broadcast %jit3A_53 : i32 to vector<512x1xi32>
      %div3A_54 = arith.divsi %mul3A_52, %div3A : vector<512x1xi32>
      %sign3A = arith.constant 0 : i32
      %sign3A_55 = vector.broadcast %sign3A : i32 to vector<512x1xi32>
      %sign3A_56 = arith.cmpi sgt, %mul3A_52, %sign3A_55 : vector<512x1xi32>
      %sign3A_57 = arith.extui %sign3A_56 : vector<512x1xi1> to vector<512x1xi32>
      %sign3A_58 = arith.constant 0 : i32
      %sign3A_59 = vector.broadcast %sign3A_58 : i32 to vector<512x1xi32>
      %sign3A_60 = arith.cmpi slt, %mul3A_52, %sign3A_59 : vector<512x1xi32>
      %sign3A_61 = arith.extui %sign3A_60 : vector<512x1xi1> to vector<512x1xi32>
      %sign3A_62 = arith.subi %sign3A_57, %sign3A_61 : vector<512x1xi32>
      %sign3A_63 = arith.constant 0 : i32
      %sign3A_64 = arith.cmpi sgt, %jit3A_53, %sign3A_63 : i32
      %sign3A_65 = arith.extui %sign3A_64 : i1 to i32
      %sign3A_66 = arith.constant 0 : i32
      %sign3A_67 = arith.cmpi slt, %jit3A_53, %sign3A_66 : i32
      %sign3A_68 = arith.extui %sign3A_67 : i1 to i32
      %sign3A_69 = arith.subi %sign3A_65, %sign3A_68 : i32
      %ne3A_70 = vector.broadcast %sign3A_69 : i32 to vector<512x1xi32>
      %ne3A_71 = arith.cmpi ne, %sign3A_62, %ne3A_70 : vector<512x1xi32>
      %rem3A_72 = vector.broadcast %jit3A_53 : i32 to vector<512x1xi32>
      %rem3A_73 = arith.remsi %mul3A_52, %rem3A_72 : vector<512x1xi32>
      %ne3A_74 = arith.constant 0 : i32
      %ne3A_75 = vector.broadcast %ne3A_74 : i32 to vector<512x1xi32>
      %ne3A_76 = arith.cmpi ne, %rem3A_73, %ne3A_75 : vector<512x1xi32>
      %and3A_77 = arith.andi %ne3A_71, %ne3A_76 : vector<512x1xi1>
      %sub3A = arith.constant 1 : i32
      %sub3A_78 = vector.broadcast %sub3A : i32 to vector<512x1xi32>
      %sub3A_79 = arith.subi %div3A_54, %sub3A_78 : vector<512x1xi32>
      %select_n3A_80 = arith.select %and3A_77, %sub3A_79, %div3A_54 : vector<512x1xi1>, vector<512x1xi32>
      %and3A_81 = arith.constant 7 : i32
      %and3A_82 = vector.broadcast %and3A_81 : i32 to vector<512x1xi32>
      %and3A_83 = arith.andi %select_n3A_80, %and3A_82 : vector<512x1xi32>
      %eq3A_84 = arith.constant 4095 : i32
      %eq3A_85 = vector.broadcast %eq3A_84 : i32 to vector<512x1xi32>
      %eq3A_86 = arith.cmpi eq, %add3A_48, %eq3A_85 : vector<512x1xi32>
      %jit3A_87 = arith.constant 8 : i32
      %broadcast_in_dim3A = vector.broadcast %jit3A_87 : i32 to vector<512x1xi32>
      %select_n3A_88 = arith.select %eq3A_86, %broadcast_in_dim3A, %and3A_83 : vector<512x1xi1>, vector<512x1xi32>
      %get3A_89 = arith.constant 0 : index
      %get3A_90 = arith.constant 0 : index
      %get3A_91 = vector.load %arg2[%get3A_89, %get3A_90] : memref<512x128xf32, #tpu.memory_space<vmem>>, vector<512x128xf32>
      %get3A_92 = arith.constant 0 : index
      %get3A_93 = arith.constant 0 : index
      %get3A_94 = vector.load %arg3[%get3A_92, %get3A_93] : memref<512x128xf32, #tpu.memory_space<vmem>>, vector<512x128xf32>
      %get3A_95 = arith.constant 0 : index
      %get3A_96 = arith.constant 0 : index
      %get3A_97 = vector.load %arg4[%get3A_95, %get3A_96] : memref<512x128xf32, #tpu.memory_space<vmem>>, vector<512x128xf32>
      %get3A_98 = arith.constant 0 : index
      %get3A_99 = arith.constant 0 : index
      %get3A_100 = vector.load %arg5[%get3A_98, %get3A_99] : memref<512x128xf32, #tpu.memory_space<vmem>>, vector<512x128xf32>
      %get3A_101 = arith.constant 0 : index
      %get3A_102 = arith.constant 0 : index
      %get3A_103 = vector.load %arg6[%get3A_101, %get3A_102] : memref<512x128xf32, #tpu.memory_space<vmem>>, vector<512x128xf32>
      %concatenate3A = tpu.concatenate %get3A_91, %get3A_94, %get3A_97, %get3A_100, %get3A_103 in 1 : vector<512x128xf32>, vector<512x128xf32>, vector<512x128xf32>, vector<512x128xf32>, vector<512x128xf32> -> vector<512x640xf32>
      %and3A_104 = arith.constant 8 : i32
      %and3A_105 = vector.broadcast %and3A_104 : i32 to vector<512x1xi32>
      %and3A_106 = arith.andi %select_n3A_88, %and3A_105 : vector<512x1xi32>
      %ne3A_107 = arith.constant 0 : i32
      %ne3A_108 = vector.broadcast %ne3A_107 : i32 to vector<512x1xi32>
      %ne3A_109 = arith.cmpi ne, %and3A_106, %ne3A_108 : vector<512x1xi32>
      %slice3A = vector.extract_strided_slice %concatenate3A {offsets = [0, 8], sizes = [512, 632], strides = [1, 1]} : vector<512x640xf32> to vector<512x632xf32>
      %slice3A_110 = vector.extract_strided_slice %concatenate3A {offsets = [0, 0], sizes = [512, 8], strides = [1, 1]} : vector<512x640xf32> to vector<512x8xf32>
      %concatenate3A_111 = tpu.concatenate %slice3A, %slice3A_110 in 1 : vector<512x632xf32>, vector<512x8xf32> -> vector<512x640xf32>
      %broadcast_in_dim3A_112 = vector.shape_cast %ne3A_109 : vector<512x1xi1> to vector<512x1xi1>
      %broadcast_in_dim3A_113 = vector.broadcast %broadcast_in_dim3A_112 : vector<512x1xi1> to vector<512x640xi1>
      %select_n3A_114 = arith.select %broadcast_in_dim3A_113, %concatenate3A_111, %concatenate3A : vector<512x640xi1>, vector<512x640xf32>
      %and3A_115 = arith.constant 4 : i32
      %and3A_116 = vector.broadcast %and3A_115 : i32 to vector<512x1xi32>
      %and3A_117 = arith.andi %select_n3A_88, %and3A_116 : vector<512x1xi32>
      %ne3A_118 = arith.constant 0 : i32
      %ne3A_119 = vector.broadcast %ne3A_118 : i32 to vector<512x1xi32>
      %ne3A_120 = arith.cmpi ne, %and3A_117, %ne3A_119 : vector<512x1xi32>
      %slice3A_121 = vector.extract_strided_slice %select_n3A_114 {offsets = [0, 4], sizes = [512, 636], strides = [1, 1]} : vector<512x640xf32> to vector<512x636xf32>
      %slice3A_122 = vector.extract_strided_slice %select_n3A_114 {offsets = [0, 0], sizes = [512, 4], strides = [1, 1]} : vector<512x640xf32> to vector<512x4xf32>
      %concatenate3A_123 = tpu.concatenate %slice3A_121, %slice3A_122 in 1 : vector<512x636xf32>, vector<512x4xf32> -> vector<512x640xf32>
      %broadcast_in_dim3A_124 = vector.shape_cast %ne3A_120 : vector<512x1xi1> to vector<512x1xi1>
      %broadcast_in_dim3A_125 = vector.broadcast %broadcast_in_dim3A_124 : vector<512x1xi1> to vector<512x640xi1>
      %select_n3A_126 = arith.select %broadcast_in_dim3A_125, %concatenate3A_123, %select_n3A_114 : vector<512x640xi1>, vector<512x640xf32>
      %and3A_127 = arith.constant 2 : i32
      %and3A_128 = vector.broadcast %and3A_127 : i32 to vector<512x1xi32>
      %and3A_129 = arith.andi %select_n3A_88, %and3A_128 : vector<512x1xi32>
      %ne3A_130 = arith.constant 0 : i32
      %ne3A_131 = vector.broadcast %ne3A_130 : i32 to vector<512x1xi32>
      %ne3A_132 = arith.cmpi ne, %and3A_129, %ne3A_131 : vector<512x1xi32>
      %slice3A_133 = vector.extract_strided_slice %select_n3A_126 {offsets = [0, 2], sizes = [512, 638], strides = [1, 1]} : vector<512x640xf32> to vector<512x638xf32>
      %slice3A_134 = vector.extract_strided_slice %select_n3A_126 {offsets = [0, 0], sizes = [512, 2], strides = [1, 1]} : vector<512x640xf32> to vector<512x2xf32>
      %concatenate3A_135 = tpu.concatenate %slice3A_133, %slice3A_134 in 1 : vector<512x638xf32>, vector<512x2xf32> -> vector<512x640xf32>
      %broadcast_in_dim3A_136 = vector.shape_cast %ne3A_132 : vector<512x1xi1> to vector<512x1xi1>
      %broadcast_in_dim3A_137 = vector.broadcast %broadcast_in_dim3A_136 : vector<512x1xi1> to vector<512x640xi1>
      %select_n3A_138 = arith.select %broadcast_in_dim3A_137, %concatenate3A_135, %select_n3A_126 : vector<512x640xi1>, vector<512x640xf32>
      %and3A_139 = arith.constant 1 : i32
      %and3A_140 = vector.broadcast %and3A_139 : i32 to vector<512x1xi32>
      %and3A_141 = arith.andi %select_n3A_88, %and3A_140 : vector<512x1xi32>
      %ne3A_142 = arith.constant 0 : i32
      %ne3A_143 = vector.broadcast %ne3A_142 : i32 to vector<512x1xi32>
      %ne3A_144 = arith.cmpi ne, %and3A_141, %ne3A_143 : vector<512x1xi32>
      %slice3A_145 = vector.extract_strided_slice %select_n3A_138 {offsets = [0, 1], sizes = [512, 639], strides = [1, 1]} : vector<512x640xf32> to vector<512x639xf32>
      %slice3A_146 = vector.extract_strided_slice %select_n3A_138 {offsets = [0, 0], sizes = [512, 1], strides = [1, 1]} : vector<512x640xf32> to vector<512x1xf32>
      %concatenate3A_147 = tpu.concatenate %slice3A_145, %slice3A_146 in 1 : vector<512x639xf32>, vector<512x1xf32> -> vector<512x640xf32>
      %broadcast_in_dim3A_148 = vector.shape_cast %ne3A_144 : vector<512x1xi1> to vector<512x1xi1>
      %broadcast_in_dim3A_149 = vector.broadcast %broadcast_in_dim3A_148 : vector<512x1xi1> to vector<512x640xi1>
      %select_n3A_150 = arith.select %broadcast_in_dim3A_149, %concatenate3A_147, %select_n3A_138 : vector<512x640xi1>, vector<512x640xf32>
      %slice3A_151 = vector.extract_strided_slice %select_n3A_150 {offsets = [0, 0], sizes = [512, 512], strides = [1, 1]} : vector<512x640xf32> to vector<512x512xf32>
      %get3A_152 = arith.constant 0 : index
      %get3A_153 = arith.index_cast %arg0 : i32 to index
      %get3A_154 = memref.load %arg1[%get3A_152, %get3A_153] : memref<2x36xi32, #tpu.memory_space<smem>>
      %get3A_155 = arith.constant 1 : index
      %get3A_156 = arith.index_cast %arg0 : i32 to index
      %get3A_157 = memref.load %arg1[%get3A_155, %get3A_156] : memref<2x36xi32, #tpu.memory_space<smem>>
      %mul3A_158 = arith.constant 512 : i32
      %mul3A_159 = arith.muli %get3A_154, %mul3A_158 : i32
      %multiple_of3A = tpu.assume_multiple %mul3A_159, 512 : i32
      %mul3A_160 = arith.constant 512 : i32
      %mul3A_161 = arith.muli %get3A_157, %mul3A_160 : i32
      %multiple_of3A_162 = tpu.assume_multiple %mul3A_161, 512 : i32
      %mul3A_163 = arith.constant 512 : i32
      %mul3A_164 = arith.muli %get3A_157, %mul3A_163 : i32
      %multiple_of3A_165 = tpu.assume_multiple %mul3A_164, 512 : i32
      %mul3A_166 = arith.constant 512 : i32
      %mul3A_167 = arith.muli %get3A_154, %mul3A_166 : i32
      %multiple_of3A_168 = tpu.assume_multiple %mul3A_167, 512 : i32
      %gt3A = arith.cmpi sgt, %get3A_1, %get3A_4 : i32
      %convert_element_type3A_169 = arith.extui %gt3A : i1 to i32
      %cond3A_170 = arith.constant 1 : i32
      %cond3A_171 = arith.constant 1 : i32
      %cond3A_172 = arith.constant 1 : i32
      %cond3A_173 = arith.constant 1 : i32
      %cond3A_174 = arith.constant 1 : i32
      %cond3A_175 = arith.constant 1 : i32
      %cond3A_176 = arith.constant 1 : i32
      %cond3A_177 = arith.constant 1 : i32
      %cond3A_178 = arith.constant 0 : i32
      %cond3A_179 = arith.cmpi ne, %convert_element_type3A_169, %cond3A_178 : i32
      scf.if %cond3A_179 {
        %mul3A_193 = arith.constant 5.000000e-01 : f32
        %mul3A_194 = vector.broadcast %mul3A_193 : f32 to vector<512x512xf32>
        %mul3A_195 = arith.mulf %mul3A_194, %slice3A_151 : vector<512x512xf32>
        %tanh3A = math.tanh %mul3A_195 : vector<512x512xf32>
        %mul3A_196 = arith.constant 5.000000e-01 : f32
        %mul3A_197 = vector.broadcast %mul3A_196 : f32 to vector<512x512xf32>
        %mul3A_198 = arith.mulf %mul3A_197, %tanh3A : vector<512x512xf32>
        %add3A_199 = arith.constant 5.000000e-01 : f32
        %add3A_200 = vector.broadcast %add3A_199 : f32 to vector<512x512xf32>
        %add3A_201 = arith.addf %mul3A_198, %add3A_200 : vector<512x512xf32>
        %get3A_202 = arith.constant 0 : index
        %get3A_203 = arith.constant 0 : index
        %get3A_204 = vector.load %arg7[%get3A_202, %get3A_203] : memref<512x512xf32, #tpu.memory_space<vmem>>, vector<512x512xf32>
        %mul3A_205 = arith.mulf %add3A_201, %get3A_204 : vector<512x512xf32>
        %transpose3A = tpu.transpose %mul3A_205, [1, 0] : vector<512x512xf32> -> vector<512x512xf32>
        %swap3A = arith.constant 1 : index
        %swap3A_206 = arith.constant 0 : index
        %swap3A_207 = arith.constant 0 : index
        %swap3A_208 = vector.load %arg11[%swap3A, %swap3A_206, %swap3A_207] : memref<2x512x512xf32, #tpu.memory_space<vmem>>, vector<1x512x512xf32>
        %swap3A_209 = vector.shape_cast %swap3A_208 : vector<1x512x512xf32> to vector<512x512xf32>
        %swap3A_210 = vector.shape_cast %add3A_201 : vector<512x512xf32> to vector<1x512x512xf32>
        tpu.vector_store %arg11[%swap3A, %swap3A_206, %swap3A_207], %swap3A_210 {strides = array<i32>} : memref<2x512x512xf32, #tpu.memory_space<vmem>>, vector<1x512x512xf32>,
        %transpose3A_211 = tpu.transpose %add3A_201, [1, 0] : vector<512x512xf32> -> vector<512x512xf32>
        %swap3A_212 = arith.constant 1 : index
        %swap3A_213 = arith.constant 0 : index
        %swap3A_214 = arith.constant 0 : index
        %swap3A_215 = vector.load %arg12[%swap3A_212, %swap3A_213, %swap3A_214] : memref<2x512x512xf32, #tpu.memory_space<vmem>>, vector<1x512x512xf32>
        %swap3A_216 = vector.shape_cast %swap3A_215 : vector<1x512x512xf32> to vector<512x512xf32>
        %swap3A_217 = vector.shape_cast %transpose3A_211 : vector<512x512xf32> to vector<1x512x512xf32>
        tpu.vector_store %arg12[%swap3A_212, %swap3A_213, %swap3A_214], %swap3A_217 {strides = array<i32>} : memref<2x512x512xf32, #tpu.memory_space<vmem>>, vector<1x512x512xf32>,
        %convert_element_type3A_218 = arith.truncf %mul3A_205 : vector<512x512xf32> to vector<512x512xbf16>
        %swap3A_219 = arith.constant 1 : index
        %swap3A_220 = arith.constant 0 : index
        %swap3A_221 = arith.constant 0 : index
        %swap3A_222 = vector.load %arg13[%swap3A_219, %swap3A_220, %swap3A_221] : memref<2x512x512xbf16, #tpu.memory_space<vmem>>, vector<1x512x512xbf16>
        %swap3A_223 = vector.shape_cast %swap3A_222 : vector<1x512x512xbf16> to vector<512x512xbf16>
        %swap3A_224 = vector.shape_cast %convert_element_type3A_218 : vector<512x512xbf16> to vector<1x512x512xbf16>
        tpu.vector_store %arg13[%swap3A_219, %swap3A_220, %swap3A_221], %swap3A_224 {strides = array<i32>} : memref<2x512x512xbf16, #tpu.memory_space<vmem>>, vector<1x512x512xbf16>,
        %convert_element_type3A_225 = arith.truncf %transpose3A : vector<512x512xf32> to vector<512x512xbf16>
        %swap3A_226 = arith.constant 1 : index
        %swap3A_227 = arith.constant 0 : index
        %swap3A_228 = arith.constant 0 : index
        %swap3A_229 = vector.load %arg14[%swap3A_226, %swap3A_227, %swap3A_228] : memref<2x512x512xbf16, #tpu.memory_space<vmem>>, vector<1x512x512xbf16>
        %swap3A_230 = vector.shape_cast %swap3A_229 : vector<1x512x512xbf16> to vector<512x512xbf16>
        %swap3A_231 = vector.shape_cast %convert_element_type3A_225 : vector<512x512xbf16> to vector<1x512x512xbf16>
        tpu.vector_store %arg14[%swap3A_226, %swap3A_227, %swap3A_228], %swap3A_231 {strides = array<i32>} : memref<2x512x512xbf16, #tpu.memory_space<vmem>>, vector<1x512x512xbf16>,
        %get3A_232 = arith.index_cast %get3A_1 : i32 to index
        %get3A_233 = arith.constant 0 : index
        %get3A_234 = arith.constant 0 : index
        %get3A_235 = vector.load %arg15[%get3A_232, %get3A_233, %get3A_234] : memref<8x512x1xf32, #tpu.memory_space<vmem>>, vector<1x512x1xf32>
        %get3A_236 = vector.shape_cast %get3A_235 : vector<1x512x1xf32> to vector<512x1xf32>
        %reduce_sum3A = arith.constant dense<0.000000e+00> : vector<512xf32>
        %reduce_sum3A_237 = vector.multi_reduction <add>, %mul3A_205, %reduce_sum3A [1] : vector<512x512xf32> to vector<512xf32>
        %broadcast_in_dim3A_238 = vector.shape_cast %reduce_sum3A_237 : vector<512xf32> to vector<512x1xf32>
        %add3A_239 = arith.addf %get3A_236, %broadcast_in_dim3A_238 : vector<512x1xf32>
        %swap3A_240 = arith.index_cast %get3A_1 : i32 to index
        %swap3A_241 = arith.constant 0 : index
        %swap3A_242 = arith.constant 0 : index
        %swap3A_243 = vector.load %arg15[%swap3A_240, %swap3A_241, %swap3A_242] : memref<8x512x1xf32, #tpu.memory_space<vmem>>, vector<1x512x1xf32>
        %swap3A_244 = vector.shape_cast %swap3A_243 : vector<1x512x1xf32> to vector<512x1xf32>
        %swap3A_245 = vector.shape_cast %add3A_239 : vector<512x1xf32> to vector<1x512x1xf32>
        tpu.vector_store %arg15[%swap3A_240, %swap3A_241, %swap3A_242], %swap3A_245 {strides = array<i32>} : memref<8x512x1xf32, #tpu.memory_space<vmem>>, vector<1x512x1xf32>,
        %get3A_246 = arith.index_cast %get3A_4 : i32 to index
        %get3A_247 = arith.constant 0 : index
        %get3A_248 = arith.constant 0 : index
        %get3A_249 = vector.load %arg15[%get3A_246, %get3A_247, %get3A_248] : memref<8x512x1xf32, #tpu.memory_space<vmem>>, vector<1x512x1xf32>
        %get3A_250 = vector.shape_cast %get3A_249 : vector<1x512x1xf32> to vector<512x1xf32>
        %reduce_sum3A_251 = arith.constant dense<0.000000e+00> : vector<512xf32>
        %reduce_sum3A_252 = vector.multi_reduction <add>, %transpose3A, %reduce_sum3A_251 [1] : vector<512x512xf32> to vector<512xf32>
        %broadcast_in_dim3A_253 = vector.shape_cast %reduce_sum3A_252 : vector<512xf32> to vector<512x1xf32>
        %add3A_254 = arith.addf %get3A_250, %broadcast_in_dim3A_253 : vector<512x1xf32>
        %swap3A_255 = arith.index_cast %get3A_4 : i32 to index
        %swap3A_256 = arith.constant 0 : index
        %swap3A_257 = arith.constant 0 : index
        %swap3A_258 = vector.load %arg15[%swap3A_255, %swap3A_256, %swap3A_257] : memref<8x512x1xf32, #tpu.memory_space<vmem>>, vector<1x512x1xf32>
        %swap3A_259 = vector.shape_cast %swap3A_258 : vector<1x512x1xf32> to vector<512x1xf32>
        %swap3A_260 = vector.shape_cast %add3A_254 : vector<512x1xf32> to vector<1x512x1xf32>
        tpu.vector_store %arg15[%swap3A_255, %swap3A_256, %swap3A_257], %swap3A_260 {strides = array<i32>} : memref<8x512x1xf32, #tpu.memory_space<vmem>>, vector<1x512x1xf32>,
        %dma_start3A = tpu.memref_slice %arg16[%cond3A_171] : memref<2x!tpu.dma_semaphore, #tpu.memory_space<semaphore_mem>> -> memref<1x!tpu.dma_semaphore, #tpu.memory_space<semaphore_mem>>
        %dma_start3A_261 = tpu.memref_squeeze %dma_start3A : memref<1x!tpu.dma_semaphore, #tpu.memory_space<semaphore_mem>> -> memref<!tpu.dma_semaphore, #tpu.memory_space<semaphore_mem>>
        %dma_start3A_262 = tpu.memref_slice %arg8[%multiple_of3A, %multiple_of3A_162] : memref<4096x4096xf32, #tpu.memory_space<hbm>> -> memref<512x512xf32, #tpu.memory_space<hbm>>
        %dma_start3A_263 = arith.constant 0 : i32
        %dma_start3A_264 = arith.constant 0 : i32
        %dma_start3A_265 = tpu.memref_slice %arg11[%cond3A_170, %dma_start3A_263, %dma_start3A_264] : memref<2x512x512xf32, #tpu.memory_space<vmem>> -> memref<1x512x512xf32, #tpu.memory_space<vmem>>
        %dma_start3A_266 = tpu.memref_squeeze %dma_start3A_265 : memref<1x512x512xf32, #tpu.memory_space<vmem>> -> memref<512x512xf32, #tpu.memory_space<vmem>>
        tpu.enqueue_dma source(%dma_start3A_266 : memref<512x512xf32, #tpu.memory_space<vmem>>) target(%dma_start3A_262 : memref<512x512xf32, #tpu.memory_space<hbm>>) target_semaphore(%dma_start3A_261 : memref<!tpu.dma_semaphore, #tpu.memory_space<semaphore_mem>>)
        %dma_start3A_267 = tpu.memref_slice %arg16[%cond3A_173] : memref<2x!tpu.dma_semaphore, #tpu.memory_space<semaphore_mem>> -> memref<1x!tpu.dma_semaphore, #tpu.memory_space<semaphore_mem>>
        %dma_start3A_268 = tpu.memref_squeeze %dma_start3A_267 : memref<1x!tpu.dma_semaphore, #tpu.memory_space<semaphore_mem>> -> memref<!tpu.dma_semaphore, #tpu.memory_space<semaphore_mem>>
        %dma_start3A_269 = tpu.memref_slice %arg9[%multiple_of3A, %multiple_of3A_162] : memref<4096x4096xbf16, #tpu.memory_space<hbm>> -> memref<512x512xbf16, #tpu.memory_space<hbm>>
        %dma_start3A_270 = arith.constant 0 : i32
        %dma_start3A_271 = arith.constant 0 : i32
        %dma_start3A_272 = tpu.memref_slice %arg13[%cond3A_172, %dma_start3A_270, %dma_start3A_271] : memref<2x512x512xbf16, #tpu.memory_space<vmem>> -> memref<1x512x512xbf16, #tpu.memory_space<vmem>>
        %dma_start3A_273 = tpu.memref_squeeze %dma_start3A_272 : memref<1x512x512xbf16, #tpu.memory_space<vmem>> -> memref<512x512xbf16, #tpu.memory_space<vmem>>
        tpu.enqueue_dma source(%dma_start3A_273 : memref<512x512xbf16, #tpu.memory_space<vmem>>) target(%dma_start3A_269 : memref<512x512xbf16, #tpu.memory_space<hbm>>) target_semaphore(%dma_start3A_268 : memref<!tpu.dma_semaphore, #tpu.memory_space<semaphore_mem>>)
        %dma_start3A_274 = tpu.memref_slice %arg16[%cond3A_175] : memref<2x!tpu.dma_semaphore, #tpu.memory_space<semaphore_mem>> -> memref<1x!tpu.dma_semaphore, #tpu.memory_space<semaphore_mem>>
        %dma_start3A_275 = tpu.memref_squeeze %dma_start3A_274 : memref<1x!tpu.dma_semaphore, #tpu.memory_space<semaphore_mem>> -> memref<!tpu.dma_semaphore, #tpu.memory_space<semaphore_mem>>
        %dma_start3A_276 = tpu.memref_slice %arg8[%multiple_of3A_165, %multiple_of3A_168] : memref<4096x4096xf32, #tpu.memory_space<hbm>> -> memref<512x512xf32, #tpu.memory_space<hbm>>
        %dma_start3A_277 = arith.constant 0 : i32
        %dma_start3A_278 = arith.constant 0 : i32
        %dma_start3A_279 = tpu.memref_slice %arg12[%cond3A_174, %dma_start3A_277, %dma_start3A_278] : memref<2x512x512xf32, #tpu.memory_space<vmem>> -> memref<1x512x512xf32, #tpu.memory_space<vmem>>
        %dma_start3A_280 = tpu.memref_squeeze %dma_start3A_279 : memref<1x512x512xf32, #tpu.memory_space<vmem>> -> memref<512x512xf32, #tpu.memory_space<vmem>>
        tpu.enqueue_dma source(%dma_start3A_280 : memref<512x512xf32, #tpu.memory_space<vmem>>) target(%dma_start3A_276 : memref<512x512xf32, #tpu.memory_space<hbm>>) target_semaphore(%dma_start3A_275 : memref<!tpu.dma_semaphore, #tpu.memory_space<semaphore_mem>>)
        %dma_start3A_281 = tpu.memref_slice %arg16[%cond3A_177] : memref<2x!tpu.dma_semaphore, #tpu.memory_space<semaphore_mem>> -> memref<1x!tpu.dma_semaphore, #tpu.memory_space<semaphore_mem>>
        %dma_start3A_282 = tpu.memref_squeeze %dma_start3A_281 : memref<1x!tpu.dma_semaphore, #tpu.memory_space<semaphore_mem>> -> memref<!tpu.dma_semaphore, #tpu.memory_space<semaphore_mem>>
        %dma_start3A_283 = tpu.memref_slice %arg9[%multiple_of3A_165, %multiple_of3A_168] : memref<4096x4096xbf16, #tpu.memory_space<hbm>> -> memref<512x512xbf16, #tpu.memory_space<hbm>>
        %dma_start3A_284 = arith.constant 0 : i32
        %dma_start3A_285 = arith.constant 0 : i32
        %dma_start3A_286 = tpu.memref_slice %arg14[%cond3A_176, %dma_start3A_284, %dma_start3A_285] : memref<2x512x512xbf16, #tpu.memory_space<vmem>> -> memref<1x512x512xbf16, #tpu.memory_space<vmem>>
        %dma_start3A_287 = tpu.memref_squeeze %dma_start3A_286 : memref<1x512x512xbf16, #tpu.memory_space<vmem>> -> memref<512x512xbf16, #tpu.memory_space<vmem>>
        tpu.enqueue_dma source(%dma_start3A_287 : memref<512x512xbf16, #tpu.memory_space<vmem>>) target(%dma_start3A_283 : memref<512x512xbf16, #tpu.memory_space<hbm>>) target_semaphore(%dma_start3A_282 : memref<!tpu.dma_semaphore, #tpu.memory_space<semaphore_mem>>)
      } else {
      }
      %eq3A_180 = arith.cmpi eq, %get3A_1, %get3A_4 : i32
      %convert_element_type3A_181 = arith.extui %eq3A_180 : i1 to i32
      %cond3A_182 = arith.constant 1 : i32
      %cond3A_183 = arith.constant 1 : i32
      %cond3A_184 = arith.constant 1 : i32
      %cond3A_185 = arith.constant 1 : i32
      %cond3A_186 = arith.constant 0 : i32
      %cond3A_187 = arith.cmpi ne, %convert_element_type3A_181, %cond3A_186 : i32
      scf.if %cond3A_187 {
        %iota3A_193 = tpu.iota {dimensions = array<i32: 0>} : vector<512x512xi32>
        %iota3A_194 = tpu.iota {dimensions = array<i32: 1>} : vector<512x512xi32>
        %ge3A_195 = arith.cmpi sge, %iota3A_193, %iota3A_194 : vector<512x512xi32>
        %transpose3A = tpu.transpose %slice3A_151, [1, 0] : vector<512x512xf32> -> vector<512x512xf32>
        %select_n3A_196 = arith.select %ge3A_195, %slice3A_151, %transpose3A : vector<512x512xi1>, vector<512x512xf32>
        %mul3A_197 = arith.constant 5.000000e-01 : f32
        %mul3A_198 = vector.broadcast %mul3A_197 : f32 to vector<512x512xf32>
        %mul3A_199 = arith.mulf %mul3A_198, %select_n3A_196 : vector<512x512xf32>
        %tanh3A = math.tanh %mul3A_199 : vector<512x512xf32>
        %mul3A_200 = arith.constant 5.000000e-01 : f32
        %mul3A_201 = vector.broadcast %mul3A_200 : f32 to vector<512x512xf32>
        %mul3A_202 = arith.mulf %mul3A_201, %tanh3A : vector<512x512xf32>
        %add3A_203 = arith.constant 5.000000e-01 : f32
        %add3A_204 = vector.broadcast %add3A_203 : f32 to vector<512x512xf32>
        %add3A_205 = arith.addf %mul3A_202, %add3A_204 : vector<512x512xf32>
        %get3A_206 = arith.constant 0 : index
        %get3A_207 = arith.constant 0 : index
        %get3A_208 = vector.load %arg7[%get3A_206, %get3A_207] : memref<512x512xf32, #tpu.memory_space<vmem>>, vector<512x512xf32>
        %mul3A_209 = arith.mulf %add3A_205, %get3A_208 : vector<512x512xf32>
        %swap3A = arith.constant 1 : index
        %swap3A_210 = arith.constant 0 : index
        %swap3A_211 = arith.constant 0 : index
        %swap3A_212 = vector.load %arg11[%swap3A, %swap3A_210, %swap3A_211] : memref<2x512x512xf32, #tpu.memory_space<vmem>>, vector<1x512x512xf32>
        %swap3A_213 = vector.shape_cast %swap3A_212 : vector<1x512x512xf32> to vector<512x512xf32>
        %swap3A_214 = vector.shape_cast %add3A_205 : vector<512x512xf32> to vector<1x512x512xf32>
        tpu.vector_store %arg11[%swap3A, %swap3A_210, %swap3A_211], %swap3A_214 {strides = array<i32>} : memref<2x512x512xf32, #tpu.memory_space<vmem>>, vector<1x512x512xf32>,
        %convert_element_type3A_215 = arith.truncf %mul3A_209 : vector<512x512xf32> to vector<512x512xbf16>
        %swap3A_216 = arith.constant 1 : index
        %swap3A_217 = arith.constant 0 : index
        %swap3A_218 = arith.constant 0 : index
        %swap3A_219 = vector.load %arg13[%swap3A_216, %swap3A_217, %swap3A_218] : memref<2x512x512xbf16, #tpu.memory_space<vmem>>, vector<1x512x512xbf16>
        %swap3A_220 = vector.shape_cast %swap3A_219 : vector<1x512x512xbf16> to vector<512x512xbf16>
        %swap3A_221 = vector.shape_cast %convert_element_type3A_215 : vector<512x512xbf16> to vector<1x512x512xbf16>
        tpu.vector_store %arg13[%swap3A_216, %swap3A_217, %swap3A_218], %swap3A_221 {strides = array<i32>} : memref<2x512x512xbf16, #tpu.memory_space<vmem>>, vector<1x512x512xbf16>,
        %get3A_222 = arith.index_cast %get3A_1 : i32 to index
        %get3A_223 = arith.constant 0 : index
        %get3A_224 = arith.constant 0 : index
        %get3A_225 = vector.load %arg15[%get3A_222, %get3A_223, %get3A_224] : memref<8x512x1xf32, #tpu.memory_space<vmem>>, vector<1x512x1xf32>
        %get3A_226 = vector.shape_cast %get3A_225 : vector<1x512x1xf32> to vector<512x1xf32>
        %reduce_sum3A = arith.constant dense<0.000000e+00> : vector<512xf32>
        %reduce_sum3A_227 = vector.multi_reduction <add>, %mul3A_209, %reduce_sum3A [1] : vector<512x512xf32> to vector<512xf32>
        %broadcast_in_dim3A_228 = vector.shape_cast %reduce_sum3A_227 : vector<512xf32> to vector<512x1xf32>
        %add3A_229 = arith.addf %get3A_226, %broadcast_in_dim3A_228 : vector<512x1xf32>
        %swap3A_230 = arith.index_cast %get3A_1 : i32 to index
        %swap3A_231 = arith.constant 0 : index
        %swap3A_232 = arith.constant 0 : index
        %swap3A_233 = vector.load %arg15[%swap3A_230, %swap3A_231, %swap3A_232] : memref<8x512x1xf32, #tpu.memory_space<vmem>>, vector<1x512x1xf32>
        %swap3A_234 = vector.shape_cast %swap3A_233 : vector<1x512x1xf32> to vector<512x1xf32>
        %swap3A_235 = vector.shape_cast %add3A_229 : vector<512x1xf32> to vector<1x512x1xf32>
        tpu.vector_store %arg15[%swap3A_230, %swap3A_231, %swap3A_232], %swap3A_235 {strides = array<i32>} : memref<8x512x1xf32, #tpu.memory_space<vmem>>, vector<1x512x1xf32>,
        %dma_start3A = tpu.memref_slice %arg16[%cond3A_183] : memref<2x!tpu.dma_semaphore, #tpu.memory_space<semaphore_mem>> -> memref<1x!tpu.dma_semaphore, #tpu.memory_space<semaphore_mem>>
        %dma_start3A_236 = tpu.memref_squeeze %dma_start3A : memref<1x!tpu.dma_semaphore, #tpu.memory_space<semaphore_mem>> -> memref<!tpu.dma_semaphore, #tpu.memory_space<semaphore_mem>>
        %dma_start3A_237 = tpu.memref_slice %arg8[%multiple_of3A, %multiple_of3A_162] : memref<4096x4096xf32, #tpu.memory_space<hbm>> -> memref<512x512xf32, #tpu.memory_space<hbm>>
        %dma_start3A_238 = arith.constant 0 : i32
        %dma_start3A_239 = arith.constant 0 : i32
        %dma_start3A_240 = tpu.memref_slice %arg11[%cond3A_182, %dma_start3A_238, %dma_start3A_239] : memref<2x512x512xf32, #tpu.memory_space<vmem>> -> memref<1x512x512xf32, #tpu.memory_space<vmem>>
        %dma_start3A_241 = tpu.memref_squeeze %dma_start3A_240 : memref<1x512x512xf32, #tpu.memory_space<vmem>> -> memref<512x512xf32, #tpu.memory_space<vmem>>
        tpu.enqueue_dma source(%dma_start3A_241 : memref<512x512xf32, #tpu.memory_space<vmem>>) target(%dma_start3A_237 : memref<512x512xf32, #tpu.memory_space<hbm>>) target_semaphore(%dma_start3A_236 : memref<!tpu.dma_semaphore, #tpu.memory_space<semaphore_mem>>)
        %dma_start3A_242 = tpu.memref_slice %arg16[%cond3A_185] : memref<2x!tpu.dma_semaphore, #tpu.memory_space<semaphore_mem>> -> memref<1x!tpu.dma_semaphore, #tpu.memory_space<semaphore_mem>>
        %dma_start3A_243 = tpu.memref_squeeze %dma_start3A_242 : memref<1x!tpu.dma_semaphore, #tpu.memory_space<semaphore_mem>> -> memref<!tpu.dma_semaphore, #tpu.memory_space<semaphore_mem>>
        %dma_start3A_244 = tpu.memref_slice %arg9[%multiple_of3A, %multiple_of3A_162] : memref<4096x4096xbf16, #tpu.memory_space<hbm>> -> memref<512x512xbf16, #tpu.memory_space<hbm>>
        %dma_start3A_245 = arith.constant 0 : i32
        %dma_start3A_246 = arith.constant 0 : i32
        %dma_start3A_247 = tpu.memref_slice %arg13[%cond3A_184, %dma_start3A_245, %dma_start3A_246] : memref<2x512x512xbf16, #tpu.memory_space<vmem>> -> memref<1x512x512xbf16, #tpu.memory_space<vmem>>
        %dma_start3A_248 = tpu.memref_squeeze %dma_start3A_247 : memref<1x512x512xbf16, #tpu.memory_space<vmem>> -> memref<512x512xbf16, #tpu.memory_space<vmem>>
        tpu.enqueue_dma source(%dma_start3A_248 : memref<512x512xbf16, #tpu.memory_space<vmem>>) target(%dma_start3A_244 : memref<512x512xbf16, #tpu.memory_space<hbm>>) target_semaphore(%dma_start3A_243 : memref<!tpu.dma_semaphore, #tpu.memory_space<semaphore_mem>>)
      } else {
      }
      %eq3A_188 = arith.constant 35 : i32
      %eq3A_189 = arith.cmpi eq, %arg0, %eq3A_188 : i32
      %convert_element_type3A_190 = arith.extui %eq3A_189 : i1 to i32
      %cond3A_191 = arith.constant 0 : i32
      %cond3A_192 = arith.cmpi ne, %convert_element_type3A_190, %cond3A_191 : i32
      scf.if %cond3A_192 {
        %get3A_193 = arith.constant 0 : index
        %get3A_194 = arith.constant 0 : index
        %get3A_195 = arith.constant 0 : index
        %get3A_196 = vector.load %arg15[%get3A_193, %get3A_194, %get3A_195] : memref<8x512x1xf32, #tpu.memory_space<vmem>>, vector<1x512x1xf32>
        %get3A_197 = vector.shape_cast %get3A_196 : vector<1x512x1xf32> to vector<512x1xf32>
        %add3A_198 = arith.constant 1.000000e+00 : f32
        %add3A_199 = vector.broadcast %add3A_198 : f32 to vector<512x1xf32>
        %add3A_200 = arith.addf %get3A_197, %add3A_199 : vector<512x1xf32>
        %swap3A = arith.constant 0 : index
        %swap3A_201 = arith.constant 0 : index
        %swap3A_202 = vector.load %arg10[%swap3A, %swap3A_201] : memref<4096x1xf32, #tpu.memory_space<vmem>>, vector<512x1xf32>
        tpu.vector_store %arg10[%swap3A, %swap3A_201], %add3A_200 {strides = array<i32>} : memref<4096x1xf32, #tpu.memory_space<vmem>>, vector<512x1xf32>,
        %get3A_203 = arith.constant 1 : index
        %get3A_204 = arith.constant 0 : index
        %get3A_205 = arith.constant 0 : index
        %get3A_206 = vector.load %arg15[%get3A_203, %get3A_204, %get3A_205] : memref<8x512x1xf32, #tpu.memory_space<vmem>>, vector<1x512x1xf32>
        %get3A_207 = vector.shape_cast %get3A_206 : vector<1x512x1xf32> to vector<512x1xf32>
        %add3A_208 = arith.constant 1.000000e+00 : f32
        %add3A_209 = vector.broadcast %add3A_208 : f32 to vector<512x1xf32>
        %add3A_210 = arith.addf %get3A_207, %add3A_209 : vector<512x1xf32>
        %swap3A_211 = arith.constant 512 : index
        %swap3A_212 = arith.constant 0 : index
        %swap3A_213 = vector.load %arg10[%swap3A_211, %swap3A_212] : memref<4096x1xf32, #tpu.memory_space<vmem>>, vector<512x1xf32>
        tpu.vector_store %arg10[%swap3A_211, %swap3A_212], %add3A_210 {strides = array<i32>} : memref<4096x1xf32, #tpu.memory_space<vmem>>, vector<512x1xf32>,
        %get3A_214 = arith.constant 2 : index
        %get3A_215 = arith.constant 0 : index
        %get3A_216 = arith.constant 0 : index
        %get3A_217 = vector.load %arg15[%get3A_214, %get3A_215, %get3A_216] : memref<8x512x1xf32, #tpu.memory_space<vmem>>, vector<1x512x1xf32>
        %get3A_218 = vector.shape_cast %get3A_217 : vector<1x512x1xf32> to vector<512x1xf32>
        %add3A_219 = arith.constant 1.000000e+00 : f32
        %add3A_220 = vector.broadcast %add3A_219 : f32 to vector<512x1xf32>
        %add3A_221 = arith.addf %get3A_218, %add3A_220 : vector<512x1xf32>
        %swap3A_222 = arith.constant 1024 : index
        %swap3A_223 = arith.constant 0 : index
        %swap3A_224 = vector.load %arg10[%swap3A_222, %swap3A_223] : memref<4096x1xf32, #tpu.memory_space<vmem>>, vector<512x1xf32>
        tpu.vector_store %arg10[%swap3A_222, %swap3A_223], %add3A_221 {strides = array<i32>} : memref<4096x1xf32, #tpu.memory_space<vmem>>, vector<512x1xf32>,
        %get3A_225 = arith.constant 3 : index
        %get3A_226 = arith.constant 0 : index
        %get3A_227 = arith.constant 0 : index
        %get3A_228 = vector.load %arg15[%get3A_225, %get3A_226, %get3A_227] : memref<8x512x1xf32, #tpu.memory_space<vmem>>, vector<1x512x1xf32>
        %get3A_229 = vector.shape_cast %get3A_228 : vector<1x512x1xf32> to vector<512x1xf32>
        %add3A_230 = arith.constant 1.000000e+00 : f32
        %add3A_231 = vector.broadcast %add3A_230 : f32 to vector<512x1xf32>
        %add3A_232 = arith.addf %get3A_229, %add3A_231 : vector<512x1xf32>
        %swap3A_233 = arith.constant 1536 : index
        %swap3A_234 = arith.constant 0 : index
        %swap3A_235 = vector.load %arg10[%swap3A_233, %swap3A_234] : memref<4096x1xf32, #tpu.memory_space<vmem>>, vector<512x1xf32>
        tpu.vector_store %arg10[%swap3A_233, %swap3A_234], %add3A_232 {strides = array<i32>} : memref<4096x1xf32, #tpu.memory_space<vmem>>, vector<512x1xf32>,
        %get3A_236 = arith.constant 4 : index
        %get3A_237 = arith.constant 0 : index
        %get3A_238 = arith.constant 0 : index
        %get3A_239 = vector.load %arg15[%get3A_236, %get3A_237, %get3A_238] : memref<8x512x1xf32, #tpu.memory_space<vmem>>, vector<1x512x1xf32>
        %get3A_240 = vector.shape_cast %get3A_239 : vector<1x512x1xf32> to vector<512x1xf32>
        %add3A_241 = arith.constant 1.000000e+00 : f32
        %add3A_242 = vector.broadcast %add3A_241 : f32 to vector<512x1xf32>
        %add3A_243 = arith.addf %get3A_240, %add3A_242 : vector<512x1xf32>
        %swap3A_244 = arith.constant 2048 : index
        %swap3A_245 = arith.constant 0 : index
        %swap3A_246 = vector.load %arg10[%swap3A_244, %swap3A_245] : memref<4096x1xf32, #tpu.memory_space<vmem>>, vector<512x1xf32>
        tpu.vector_store %arg10[%swap3A_244, %swap3A_245], %add3A_243 {strides = array<i32>} : memref<4096x1xf32, #tpu.memory_space<vmem>>, vector<512x1xf32>,
        %get3A_247 = arith.constant 5 : index
        %get3A_248 = arith.constant 0 : index
        %get3A_249 = arith.constant 0 : index
        %get3A_250 = vector.load %arg15[%get3A_247, %get3A_248, %get3A_249] : memref<8x512x1xf32, #tpu.memory_space<vmem>>, vector<1x512x1xf32>
        %get3A_251 = vector.shape_cast %get3A_250 : vector<1x512x1xf32> to vector<512x1xf32>
        %add3A_252 = arith.constant 1.000000e+00 : f32
        %add3A_253 = vector.broadcast %add3A_252 : f32 to vector<512x1xf32>
        %add3A_254 = arith.addf %get3A_251, %add3A_253 : vector<512x1xf32>
        %swap3A_255 = arith.constant 2560 : index
        %swap3A_256 = arith.constant 0 : index
        %swap3A_257 = vector.load %arg10[%swap3A_255, %swap3A_256] : memref<4096x1xf32, #tpu.memory_space<vmem>>, vector<512x1xf32>
        tpu.vector_store %arg10[%swap3A_255, %swap3A_256], %add3A_254 {strides = array<i32>} : memref<4096x1xf32, #tpu.memory_space<vmem>>, vector<512x1xf32>,
        %get3A_258 = arith.constant 6 : index
        %get3A_259 = arith.constant 0 : index
        %get3A_260 = arith.constant 0 : index
        %get3A_261 = vector.load %arg15[%get3A_258, %get3A_259, %get3A_260] : memref<8x512x1xf32, #tpu.memory_space<vmem>>, vector<1x512x1xf32>
        %get3A_262 = vector.shape_cast %get3A_261 : vector<1x512x1xf32> to vector<512x1xf32>
        %add3A_263 = arith.constant 1.000000e+00 : f32
        %add3A_264 = vector.broadcast %add3A_263 : f32 to vector<512x1xf32>
        %add3A_265 = arith.addf %get3A_262, %add3A_264 : vector<512x1xf32>
        %swap3A_266 = arith.constant 3072 : index
        %swap3A_267 = arith.constant 0 : index
        %swap3A_268 = vector.load %arg10[%swap3A_266, %swap3A_267] : memref<4096x1xf32, #tpu.memory_space<vmem>>, vector<512x1xf32>
        tpu.vector_store %arg10[%swap3A_266, %swap3A_267], %add3A_265 {strides = array<i32>} : memref<4096x1xf32, #tpu.memory_space<vmem>>, vector<512x1xf32>,
        %get3A_269 = arith.constant 7 : index
        %get3A_270 = arith.constant 0 : index
        %get3A_271 = arith.constant 0 : index
        %get3A_272 = vector.load %arg15[%get3A_269, %get3A_270, %get3A_271] : memref<8x512x1xf32, #tpu.memory_space<vmem>>, vector<1x512x1xf32>
        %get3A_273 = vector.shape_cast %get3A_272 : vector<1x512x1xf32> to vector<512x1xf32>
        %add3A_274 = arith.constant 1.000000e+00 : f32
        %add3A_275 = vector.broadcast %add3A_274 : f32 to vector<512x1xf32>
        %add3A_276 = arith.addf %get3A_273, %add3A_275 : vector<512x1xf32>
        %swap3A_277 = arith.constant 3584 : index
        %swap3A_278 = arith.constant 0 : index
        %swap3A_279 = vector.load %arg10[%swap3A_277, %swap3A_278] : memref<4096x1xf32, #tpu.memory_space<vmem>>, vector<512x1xf32>
        tpu.vector_store %arg10[%swap3A_277, %swap3A_278], %add3A_276 {strides = array<i32>} : memref<4096x1xf32, #tpu.memory_space<vmem>>, vector<512x1xf32>,
        %sub3A_280 = arith.constant 1 : i32
        %sub3A_281 = arith.subi %arg0, %sub3A_280 : i32
        %get3A_282 = arith.constant 0 : index
        %get3A_283 = arith.index_cast %sub3A_281 : i32 to index
        %get3A_284 = memref.load %arg1[%get3A_282, %get3A_283] : memref<2x36xi32, #tpu.memory_space<smem>>
        %get3A_285 = arith.constant 1 : index
        %get3A_286 = arith.index_cast %sub3A_281 : i32 to index
        %get3A_287 = memref.load %arg1[%get3A_285, %get3A_286] : memref<2x36xi32, #tpu.memory_space<smem>>
        %mul3A_288 = arith.constant 512 : i32
        %mul3A_289 = arith.muli %get3A_284, %mul3A_288 : i32
        %multiple_of3A_290 = tpu.assume_multiple %mul3A_289, 512 : i32
        %mul3A_291 = arith.constant 512 : i32
        %mul3A_292 = arith.muli %get3A_287, %mul3A_291 : i32
        %multiple_of3A_293 = tpu.assume_multiple %mul3A_292, 512 : i32
        %mul3A_294 = arith.constant 512 : i32
        %mul3A_295 = arith.muli %get3A_287, %mul3A_294 : i32
        %multiple_of3A_296 = tpu.assume_multiple %mul3A_295, 512 : i32
        %mul3A_297 = arith.constant 512 : i32
        %mul3A_298 = arith.muli %get3A_284, %mul3A_297 : i32
        %multiple_of3A_299 = tpu.assume_multiple %mul3A_298, 512 : i32
        %dma_wait3A = arith.constant 0 : i32
        %dma_wait3A_300 = arith.constant 0 : i32
        %dma_wait3A_301 = tpu.memref_slice %arg16[%dma_wait3A_300] : memref<2x!tpu.dma_semaphore, #tpu.memory_space<semaphore_mem>> -> memref<1x!tpu.dma_semaphore, #tpu.memory_space<semaphore_mem>>
        %dma_wait3A_302 = tpu.memref_squeeze %dma_wait3A_301 : memref<1x!tpu.dma_semaphore, #tpu.memory_space<semaphore_mem>> -> memref<!tpu.dma_semaphore, #tpu.memory_space<semaphore_mem>>
        %dma_wait3A_303 = tpu.memref_slice %arg8[%multiple_of3A_290, %multiple_of3A_293] : memref<4096x4096xf32, #tpu.memory_space<hbm>> -> memref<512x512xf32, #tpu.memory_space<hbm>>
        %dma_wait3A_304 = arith.constant 0 : i32
        %dma_wait3A_305 = arith.constant 0 : i32
        %dma_wait3A_306 = tpu.memref_slice %arg11[%dma_wait3A, %dma_wait3A_304, %dma_wait3A_305] : memref<2x512x512xf32, #tpu.memory_space<vmem>> -> memref<1x512x512xf32, #tpu.memory_space<vmem>>
        %dma_wait3A_307 = tpu.memref_squeeze %dma_wait3A_306 : memref<1x512x512xf32, #tpu.memory_space<vmem>> -> memref<512x512xf32, #tpu.memory_space<vmem>>
        tpu.wait_dma2 semaphore(%dma_wait3A_302 : memref<!tpu.dma_semaphore, #tpu.memory_space<semaphore_mem>>) src(%dma_wait3A_307 : memref<512x512xf32, #tpu.memory_space<vmem>>) dst(%dma_wait3A_303 : memref<512x512xf32, #tpu.memory_space<hbm>>)
        %dma_wait3A_308 = arith.constant 0 : i32
        %dma_wait3A_309 = arith.constant 0 : i32
        %dma_wait3A_310 = tpu.memref_slice %arg16[%dma_wait3A_309] : memref<2x!tpu.dma_semaphore, #tpu.memory_space<semaphore_mem>> -> memref<1x!tpu.dma_semaphore, #tpu.memory_space<semaphore_mem>>
        %dma_wait3A_311 = tpu.memref_squeeze %dma_wait3A_310 : memref<1x!tpu.dma_semaphore, #tpu.memory_space<semaphore_mem>> -> memref<!tpu.dma_semaphore, #tpu.memory_space<semaphore_mem>>
        %dma_wait3A_312 = tpu.memref_slice %arg9[%multiple_of3A_290, %multiple_of3A_293] : memref<4096x4096xbf16, #tpu.memory_space<hbm>> -> memref<512x512xbf16, #tpu.memory_space<hbm>>
        %dma_wait3A_313 = arith.constant 0 : i32
        %dma_wait3A_314 = arith.constant 0 : i32
        %dma_wait3A_315 = tpu.memref_slice %arg13[%dma_wait3A_308, %dma_wait3A_313, %dma_wait3A_314] : memref<2x512x512xbf16, #tpu.memory_space<vmem>> -> memref<1x512x512xbf16, #tpu.memory_space<vmem>>
        %dma_wait3A_316 = tpu.memref_squeeze %dma_wait3A_315 : memref<1x512x512xbf16, #tpu.memory_space<vmem>> -> memref<512x512xbf16, #tpu.memory_space<vmem>>
        tpu.wait_dma2 semaphore(%dma_wait3A_311 : memref<!tpu.dma_semaphore, #tpu.memory_space<semaphore_mem>>) src(%dma_wait3A_316 : memref<512x512xbf16, #tpu.memory_space<vmem>>) dst(%dma_wait3A_312 : memref<512x512xbf16, #tpu.memory_space<hbm>>)
        %get3A_317 = arith.constant 0 : index
        %get3A_318 = arith.index_cast %sub3A_281 : i32 to index
        %get3A_319 = memref.load %arg1[%get3A_317, %get3A_318] : memref<2x36xi32, #tpu.memory_space<smem>>
        %get3A_320 = arith.constant 1 : index
        %get3A_321 = arith.index_cast %sub3A_281 : i32 to index
        %get3A_322 = memref.load %arg1[%get3A_320, %get3A_321] : memref<2x36xi32, #tpu.memory_space<smem>>
        %gt3A_323 = arith.cmpi sgt, %get3A_319, %get3A_322 : i32
        %convert_element_type3A_324 = arith.extui %gt3A_323 : i1 to i32
        %cond3A_325 = arith.constant 0 : i32
        %cond3A_326 = arith.constant 0 : i32
        %cond3A_327 = arith.constant 0 : i32
        %cond3A_328 = arith.constant 0 : i32
        %cond3A_329 = arith.constant 0 : i32
        %cond3A_330 = arith.cmpi ne, %convert_element_type3A_324, %cond3A_329 : i32
        scf.if %cond3A_330 {
          %dma_wait3A_381 = tpu.memref_slice %arg16[%cond3A_326] : memref<2x!tpu.dma_semaphore, #tpu.memory_space<semaphore_mem>> -> memref<1x!tpu.dma_semaphore, #tpu.memory_space<semaphore_mem>>
          %dma_wait3A_382 = tpu.memref_squeeze %dma_wait3A_381 : memref<1x!tpu.dma_semaphore, #tpu.memory_space<semaphore_mem>> -> memref<!tpu.dma_semaphore, #tpu.memory_space<semaphore_mem>>
          %dma_wait3A_383 = tpu.memref_slice %arg8[%multiple_of3A_296, %multiple_of3A_299] : memref<4096x4096xf32, #tpu.memory_space<hbm>> -> memref<512x512xf32, #tpu.memory_space<hbm>>
          %dma_wait3A_384 = arith.constant 0 : i32
          %dma_wait3A_385 = arith.constant 0 : i32
          %dma_wait3A_386 = tpu.memref_slice %arg12[%cond3A_325, %dma_wait3A_384, %dma_wait3A_385] : memref<2x512x512xf32, #tpu.memory_space<vmem>> -> memref<1x512x512xf32, #tpu.memory_space<vmem>>
          %dma_wait3A_387 = tpu.memref_squeeze %dma_wait3A_386 : memref<1x512x512xf32, #tpu.memory_space<vmem>> -> memref<512x512xf32, #tpu.memory_space<vmem>>
          tpu.wait_dma2 semaphore(%dma_wait3A_382 : memref<!tpu.dma_semaphore, #tpu.memory_space<semaphore_mem>>) src(%dma_wait3A_387 : memref<512x512xf32, #tpu.memory_space<vmem>>) dst(%dma_wait3A_383 : memref<512x512xf32, #tpu.memory_space<hbm>>)
          %dma_wait3A_388 = tpu.memref_slice %arg16[%cond3A_328] : memref<2x!tpu.dma_semaphore, #tpu.memory_space<semaphore_mem>> -> memref<1x!tpu.dma_semaphore, #tpu.memory_space<semaphore_mem>>
          %dma_wait3A_389 = tpu.memref_squeeze %dma_wait3A_388 : memref<1x!tpu.dma_semaphore, #tpu.memory_space<semaphore_mem>> -> memref<!tpu.dma_semaphore, #tpu.memory_space<semaphore_mem>>
          %dma_wait3A_390 = tpu.memref_slice %arg9[%multiple_of3A_296, %multiple_of3A_299] : memref<4096x4096xbf16, #tpu.memory_space<hbm>> -> memref<512x512xbf16, #tpu.memory_space<hbm>>
          %dma_wait3A_391 = arith.constant 0 : i32
          %dma_wait3A_392 = arith.constant 0 : i32
          %dma_wait3A_393 = tpu.memref_slice %arg14[%cond3A_327, %dma_wait3A_391, %dma_wait3A_392] : memref<2x512x512xbf16, #tpu.memory_space<vmem>> -> memref<1x512x512xbf16, #tpu.memory_space<vmem>>
          %dma_wait3A_394 = tpu.memref_squeeze %dma_wait3A_393 : memref<1x512x512xbf16, #tpu.memory_space<vmem>> -> memref<512x512xbf16, #tpu.memory_space<vmem>>
          tpu.wait_dma2 semaphore(%dma_wait3A_389 : memref<!tpu.dma_semaphore, #tpu.memory_space<semaphore_mem>>) src(%dma_wait3A_394 : memref<512x512xbf16, #tpu.memory_space<vmem>>) dst(%dma_wait3A_390 : memref<512x512xbf16, #tpu.memory_space<hbm>>)
        } else {
        }
        %get3A_331 = arith.constant 0 : index
        %get3A_332 = arith.index_cast %arg0 : i32 to index
        %get3A_333 = memref.load %arg1[%get3A_331, %get3A_332] : memref<2x36xi32, #tpu.memory_space<smem>>
        %get3A_334 = arith.constant 1 : index
        %get3A_335 = arith.index_cast %arg0 : i32 to index
        %get3A_336 = memref.load %arg1[%get3A_334, %get3A_335] : memref<2x36xi32, #tpu.memory_space<smem>>
        %mul3A_337 = arith.constant 512 : i32
        %mul3A_338 = arith.muli %get3A_333, %mul3A_337 : i32
        %multiple_of3A_339 = tpu.assume_multiple %mul3A_338, 512 : i32
        %mul3A_340 = arith.constant 512 : i32
        %mul3A_341 = arith.muli %get3A_336, %mul3A_340 : i32
        %multiple_of3A_342 = tpu.assume_multiple %mul3A_341, 512 : i32
        %mul3A_343 = arith.constant 512 : i32
        %mul3A_344 = arith.muli %get3A_336, %mul3A_343 : i32
        %multiple_of3A_345 = tpu.assume_multiple %mul3A_344, 512 : i32
        %mul3A_346 = arith.constant 512 : i32
        %mul3A_347 = arith.muli %get3A_333, %mul3A_346 : i32
        %multiple_of3A_348 = tpu.assume_multiple %mul3A_347, 512 : i32
        %dma_wait3A_349 = arith.constant 1 : i32
        %dma_wait3A_350 = arith.constant 1 : i32
        %dma_wait3A_351 = tpu.memref_slice %arg16[%dma_wait3A_350] : memref<2x!tpu.dma_semaphore, #tpu.memory_space<semaphore_mem>> -> memref<1x!tpu.dma_semaphore, #tpu.memory_space<semaphore_mem>>
        %dma_wait3A_352 = tpu.memref_squeeze %dma_wait3A_351 : memref<1x!tpu.dma_semaphore, #tpu.memory_space<semaphore_mem>> -> memref<!tpu.dma_semaphore, #tpu.memory_space<semaphore_mem>>
        %dma_wait3A_353 = tpu.memref_slice %arg8[%multiple_of3A_339, %multiple_of3A_342] : memref<4096x4096xf32, #tpu.memory_space<hbm>> -> memref<512x512xf32, #tpu.memory_space<hbm>>
        %dma_wait3A_354 = arith.constant 0 : i32
        %dma_wait3A_355 = arith.constant 0 : i32
        %dma_wait3A_356 = tpu.memref_slice %arg11[%dma_wait3A_349, %dma_wait3A_354, %dma_wait3A_355] : memref<2x512x512xf32, #tpu.memory_space<vmem>> -> memref<1x512x512xf32, #tpu.memory_space<vmem>>
        %dma_wait3A_357 = tpu.memref_squeeze %dma_wait3A_356 : memref<1x512x512xf32, #tpu.memory_space<vmem>> -> memref<512x512xf32, #tpu.memory_space<vmem>>
        tpu.wait_dma2 semaphore(%dma_wait3A_352 : memref<!tpu.dma_semaphore, #tpu.memory_space<semaphore_mem>>) src(%dma_wait3A_357 : memref<512x512xf32, #tpu.memory_space<vmem>>) dst(%dma_wait3A_353 : memref<512x512xf32, #tpu.memory_space<hbm>>)
        %dma_wait3A_358 = arith.constant 1 : i32
        %dma_wait3A_359 = arith.constant 1 : i32
        %dma_wait3A_360 = tpu.memref_slice %arg16[%dma_wait3A_359] : memref<2x!tpu.dma_semaphore, #tpu.memory_space<semaphore_mem>> -> memref<1x!tpu.dma_semaphore, #tpu.memory_space<semaphore_mem>>
        %dma_wait3A_361 = tpu.memref_squeeze %dma_wait3A_360 : memref<1x!tpu.dma_semaphore, #tpu.memory_space<semaphore_mem>> -> memref<!tpu.dma_semaphore, #tpu.memory_space<semaphore_mem>>
        %dma_wait3A_362 = tpu.memref_slice %arg9[%multiple_of3A_339, %multiple_of3A_342] : memref<4096x4096xbf16, #tpu.memory_space<hbm>> -> memref<512x512xbf16, #tpu.memory_space<hbm>>
        %dma_wait3A_363 = arith.constant 0 : i32
        %dma_wait3A_364 = arith.constant 0 : i32
        %dma_wait3A_365 = tpu.memref_slice %arg13[%dma_wait3A_358, %dma_wait3A_363, %dma_wait3A_364] : memref<2x512x512xbf16, #tpu.memory_space<vmem>> -> memref<1x512x512xbf16, #tpu.memory_space<vmem>>
        %dma_wait3A_366 = tpu.memref_squeeze %dma_wait3A_365 : memref<1x512x512xbf16, #tpu.memory_space<vmem>> -> memref<512x512xbf16, #tpu.memory_space<vmem>>
        tpu.wait_dma2 semaphore(%dma_wait3A_361 : memref<!tpu.dma_semaphore, #tpu.memory_space<semaphore_mem>>) src(%dma_wait3A_366 : memref<512x512xbf16, #tpu.memory_space<vmem>>) dst(%dma_wait3A_362 : memref<512x512xbf16, #tpu.memory_space<hbm>>)
        %get3A_367 = arith.constant 0 : index
        %get3A_368 = arith.index_cast %arg0 : i32 to index
        %get3A_369 = memref.load %arg1[%get3A_367, %get3A_368] : memref<2x36xi32, #tpu.memory_space<smem>>
        %get3A_370 = arith.constant 1 : index
        %get3A_371 = arith.index_cast %arg0 : i32 to index
        %get3A_372 = memref.load %arg1[%get3A_370, %get3A_371] : memref<2x36xi32, #tpu.memory_space<smem>>
        %gt3A_373 = arith.cmpi sgt, %get3A_369, %get3A_372 : i32
        %convert_element_type3A_374 = arith.extui %gt3A_373 : i1 to i32
        %cond3A_375 = arith.constant 1 : i32
        %cond3A_376 = arith.constant 1 : i32
        %cond3A_377 = arith.constant 1 : i32
        %cond3A_378 = arith.constant 1 : i32
        %cond3A_379 = arith.constant 0 : i32
        %cond3A_380 = arith.cmpi ne, %convert_element_type3A_374, %cond3A_379 : i32
        scf.if %cond3A_380 {
          %dma_wait3A_381 = tpu.memref_slice %arg16[%cond3A_376] : memref<2x!tpu.dma_semaphore, #tpu.memory_space<semaphore_mem>> -> memref<1x!tpu.dma_semaphore, #tpu.memory_space<semaphore_mem>>
          %dma_wait3A_382 = tpu.memref_squeeze %dma_wait3A_381 : memref<1x!tpu.dma_semaphore, #tpu.memory_space<semaphore_mem>> -> memref<!tpu.dma_semaphore, #tpu.memory_space<semaphore_mem>>
          %dma_wait3A_383 = tpu.memref_slice %arg8[%multiple_of3A_345, %multiple_of3A_348] : memref<4096x4096xf32, #tpu.memory_space<hbm>> -> memref<512x512xf32, #tpu.memory_space<hbm>>
          %dma_wait3A_384 = arith.constant 0 : i32
          %dma_wait3A_385 = arith.constant 0 : i32
          %dma_wait3A_386 = tpu.memref_slice %arg12[%cond3A_375, %dma_wait3A_384, %dma_wait3A_385] : memref<2x512x512xf32, #tpu.memory_space<vmem>> -> memref<1x512x512xf32, #tpu.memory_space<vmem>>
          %dma_wait3A_387 = tpu.memref_squeeze %dma_wait3A_386 : memref<1x512x512xf32, #tpu.memory_space<vmem>> -> memref<512x512xf32, #tpu.memory_space<vmem>>
          tpu.wait_dma2 semaphore(%dma_wait3A_382 : memref<!tpu.dma_semaphore, #tpu.memory_space<semaphore_mem>>) src(%dma_wait3A_387 : memref<512x512xf32, #tpu.memory_space<vmem>>) dst(%dma_wait3A_383 : memref<512x512xf32, #tpu.memory_space<hbm>>)
          %dma_wait3A_388 = tpu.memref_slice %arg16[%cond3A_378] : memref<2x!tpu.dma_semaphore, #tpu.memory_space<semaphore_mem>> -> memref<1x!tpu.dma_semaphore, #tpu.memory_space<semaphore_mem>>
          %dma_wait3A_389 = tpu.memref_squeeze %dma_wait3A_388 : memref<1x!tpu.dma_semaphore, #tpu.memory_space<semaphore_mem>> -> memref<!tpu.dma_semaphore, #tpu.memory_space<semaphore_mem>>
          %dma_wait3A_390 = tpu.memref_slice %arg9[%multiple_of3A_345, %multiple_of3A_348] : memref<4096x4096xbf16, #tpu.memory_space<hbm>> -> memref<512x512xbf16, #tpu.memory_space<hbm>>
          %dma_wait3A_391 = arith.constant 0 : i32
          %dma_wait3A_392 = arith.constant 0 : i32
          %dma_wait3A_393 = tpu.memref_slice %arg14[%cond3A_377, %dma_wait3A_391, %dma_wait3A_392] : memref<2x512x512xbf16, #tpu.memory_space<vmem>> -> memref<1x512x512xbf16, #tpu.memory_space<vmem>>
          %dma_wait3A_394 = tpu.memref_squeeze %dma_wait3A_393 : memref<1x512x512xbf16, #tpu.memory_space<vmem>> -> memref<512x512xbf16, #tpu.memory_space<vmem>>
          tpu.wait_dma2 semaphore(%dma_wait3A_389 : memref<!tpu.dma_semaphore, #tpu.memory_space<semaphore_mem>>) src(%dma_wait3A_394 : memref<512x512xbf16, #tpu.memory_space<vmem>>) dst(%dma_wait3A_390 : memref<512x512xbf16, #tpu.memory_space<hbm>>)
        } else {
        }
      } else {
      }
    } else {
    }
    return
  }
  func.func @transform_0(%arg0: i32, %arg1: memref<2x36xi32, #tpu.memory_space<smem>>) -> (i32, i32) {
    %get3A = arith.constant 0 : index
    %get3A_0 = arith.index_cast %arg0 : i32 to index
    %get3A_1 = memref.load %arg1[%get3A, %get3A_0] : memref<2x36xi32, #tpu.memory_space<smem>>
    %get3A_2 = arith.constant 1 : index
    %get3A_3 = arith.index_cast %arg0 : i32 to index
    %get3A_4 = memref.load %arg1[%get3A_2, %get3A_3] : memref<2x36xi32, #tpu.memory_space<smem>>
    %mul3A = arith.constant 4 : i32
    %mul3A_5 = arith.muli %mul3A, %get3A_4 : i32
    %c0_i32 = arith.constant 0 : i32
    return %get3A_1, %mul3A_5 : i32, i32
  }
  func.func @transform_1(%arg0: i32, %arg1: memref<2x36xi32, #tpu.memory_space<smem>>) -> (i32, i32) {
    %get3A = arith.constant 0 : index
    %get3A_0 = arith.index_cast %arg0 : i32 to index
    %get3A_1 = memref.load %arg1[%get3A, %get3A_0] : memref<2x36xi32, #tpu.memory_space<smem>>
    %get3A_2 = arith.constant 1 : index
    %get3A_3 = arith.index_cast %arg0 : i32 to index
    %get3A_4 = memref.load %arg1[%get3A_2, %get3A_3] : memref<2x36xi32, #tpu.memory_space<smem>>
    %mul3A = arith.constant 4 : i32
    %mul3A_5 = arith.muli %mul3A, %get3A_4 : i32
    %add3A = arith.constant 1 : i32
    %add3A_6 = arith.addi %mul3A_5, %add3A : i32
    %c0_i32 = arith.constant 0 : i32
    return %get3A_1, %add3A_6 : i32, i32
  }
  func.func @transform_2(%arg0: i32, %arg1: memref<2x36xi32, #tpu.memory_space<smem>>) -> (i32, i32) {
    %get3A = arith.constant 0 : index
    %get3A_0 = arith.index_cast %arg0 : i32 to index
    %get3A_1 = memref.load %arg1[%get3A, %get3A_0] : memref<2x36xi32, #tpu.memory_space<smem>>
    %get3A_2 = arith.constant 1 : index
    %get3A_3 = arith.index_cast %arg0 : i32 to index
    %get3A_4 = memref.load %arg1[%get3A_2, %get3A_3] : memref<2x36xi32, #tpu.memory_space<smem>>
    %mul3A = arith.constant 4 : i32
    %mul3A_5 = arith.muli %mul3A, %get3A_4 : i32
    %add3A = arith.constant 2 : i32
    %add3A_6 = arith.addi %mul3A_5, %add3A : i32
    %c0_i32 = arith.constant 0 : i32
    return %get3A_1, %add3A_6 : i32, i32
  }
  func.func @transform_3(%arg0: i32, %arg1: memref<2x36xi32, #tpu.memory_space<smem>>) -> (i32, i32) {
    %get3A = arith.constant 0 : index
    %get3A_0 = arith.index_cast %arg0 : i32 to index
    %get3A_1 = memref.load %arg1[%get3A, %get3A_0] : memref<2x36xi32, #tpu.memory_space<smem>>
    %get3A_2 = arith.constant 1 : index
    %get3A_3 = arith.index_cast %arg0 : i32 to index
    %get3A_4 = memref.load %arg1[%get3A_2, %get3A_3] : memref<2x36xi32, #tpu.memory_space<smem>>
    %mul3A = arith.constant 4 : i32
    %mul3A_5 = arith.muli %mul3A, %get3A_4 : i32
    %add3A = arith.constant 3 : i32
    %add3A_6 = arith.addi %mul3A_5, %add3A : i32
    %c0_i32 = arith.constant 0 : i32
    return %get3A_1, %add3A_6 : i32, i32
  }
  func.func @transform_4(%arg0: i32, %arg1: memref<2x36xi32, #tpu.memory_space<smem>>) -> (i32, i32) {
    %get3A = arith.constant 0 : index
    %get3A_0 = arith.index_cast %arg0 : i32 to index
    %get3A_1 = memref.load %arg1[%get3A, %get3A_0] : memref<2x36xi32, #tpu.memory_space<smem>>
    %get3A_2 = arith.constant 1 : index
    %get3A_3 = arith.index_cast %arg0 : i32 to index
    %get3A_4 = memref.load %arg1[%get3A_2, %get3A_3] : memref<2x36xi32, #tpu.memory_space<smem>>
    %mul3A = arith.constant 4 : i32
    %mul3A_5 = arith.muli %mul3A, %get3A_4 : i32
    %add3A = arith.constant 4 : i32
    %add3A_6 = arith.addi %mul3A_5, %add3A : i32
    %c0_i32 = arith.constant 0 : i32
    return %get3A_1, %add3A_6 : i32, i32
  }
  func.func @transform_5(%arg0: i32, %arg1: memref<2x36xi32, #tpu.memory_space<smem>>) -> (i32, i32) {
    %get3A = arith.constant 0 : index
    %get3A_0 = arith.index_cast %arg0 : i32 to index
    %get3A_1 = memref.load %arg1[%get3A, %get3A_0] : memref<2x36xi32, #tpu.memory_space<smem>>
    %get3A_2 = arith.constant 1 : index
    %get3A_3 = arith.index_cast %arg0 : i32 to index
    %get3A_4 = memref.load %arg1[%get3A_2, %get3A_3] : memref<2x36xi32, #tpu.memory_space<smem>>
    %c0_i32 = arith.constant 0 : i32
    return %get3A_1, %get3A_4 : i32, i32
  }
  func.func @transform_8(%arg0: i32, %arg1: memref<2x36xi32, #tpu.memory_space<smem>>) -> (i32, i32) {
    %c0_i32 = arith.constant 0 : i32
    %c0_i32_0 = arith.constant 0 : i32
    %c0_i32_1 = arith.constant 0 : i32
    return %c0_i32, %c0_i32_0 : i32, i32
  }
}

module attributes {stable_mosaic.version = 14 : i64} {
  func.func @body(%arg0: i32, %arg1: memref<512x4096xbf16, #tpu.memory_space<vmem>>, %arg2: memref<4096x40xf32, #tpu.memory_space<vmem>>, %arg3: memref<512x40xf32, #tpu.memory_space<vmem>>, %arg4: memref<4096x1xf32, #tpu.memory_space<vmem>>, %arg5: memref<512x1xf32, #tpu.memory_space<vmem>>, %arg6: memref<1x40xf32, #tpu.memory_space<vmem>>, %arg7: memref<512x40xf32, #tpu.memory_space<vmem>>) attributes {dimension_semantics = [#tpu.dimension_semantics<arbitrary>], iteration_bounds = array<i64: 8>, scalar_prefetch = 0 : i64, scratch_operands = 0 : i64, tpu.core_type = #tpu.core_type<tc>, window_params = [{transform_indices = @transform_0, window_bounds = array<i64: 512, 4096>}, {pipeline_mode = #tpu.pipeline_mode<synchronous>, transform_indices = @transform_1, window_bounds = array<i64: 4096, 40>}, {transform_indices = @transform_2, window_bounds = array<i64: 512, 40>}, {pipeline_mode = #tpu.pipeline_mode<synchronous>, transform_indices = @transform_3, window_bounds = array<i64: 4096, 1>}, {transform_indices = @transform_4, window_bounds = array<i64: 512, 1>}, {pipeline_mode = #tpu.pipeline_mode<synchronous>, transform_indices = @transform_5, window_bounds = array<i64: 1, 40>}, {transform_indices = @transform_6, window_bounds = array<i64: 512, 40>}]} {
    %get3A = arith.constant 0 : index
    %get3A_0 = arith.constant 0 : index
    %get3A_1 = vector.load %arg4[%get3A, %get3A_0] : memref<4096x1xf32, #tpu.memory_space<vmem>>, vector<4096x1xf32>
    %rsqrt3A = math.rsqrt %get3A_1 : vector<4096x1xf32>
    %get3A_2 = arith.constant 0 : index
    %get3A_3 = arith.constant 0 : index
    %get3A_4 = vector.load %arg2[%get3A_2, %get3A_3] : memref<4096x40xf32, #tpu.memory_space<vmem>>, vector<4096x40xf32>
    %mul3A = vector.broadcast %rsqrt3A : vector<4096x1xf32> to vector<4096x40xf32>
    %mul3A_5 = arith.mulf %mul3A, %get3A_4 : vector<4096x40xf32>
    %convert_element_type3A = arith.truncf %mul3A_5 : vector<4096x40xf32> to vector<4096x40xbf16>
    %get3A_6 = arith.constant 0 : index
    %get3A_7 = arith.constant 0 : index
    %get3A_8 = vector.load %arg1[%get3A_6, %get3A_7] : memref<512x4096xbf16, #tpu.memory_space<vmem>>, vector<512x4096xbf16>
    %dot_general3A = arith.constant dense<0.000000e+00> : vector<512x40xf32>
    %dot_general3A_9 = tpu.matmul %get3A_8, %convert_element_type3A, %dot_general3A {dimension_numbers = #tpu.dot_dimension_numbers<[1], [0], [0], [1], [0, 0, 1, 1], [], []>, transpose_lhs_hint = false} : vector<512x4096xbf16>, vector<4096x40xbf16>, vector<512x40xf32> -> vector<512x40xf32>
    %get3A_10 = arith.constant 0 : index
    %get3A_11 = arith.constant 0 : index
    %get3A_12 = vector.load %arg5[%get3A_10, %get3A_11] : memref<512x1xf32, #tpu.memory_space<vmem>>, vector<512x1xf32>
    %rsqrt3A_13 = math.rsqrt %get3A_12 : vector<512x1xf32>
    %get3A_14 = arith.constant 0 : index
    %get3A_15 = arith.constant 0 : index
    %get3A_16 = vector.load %arg3[%get3A_14, %get3A_15] : memref<512x40xf32, #tpu.memory_space<vmem>>, vector<512x40xf32>
    %mul3A_17 = vector.broadcast %rsqrt3A_13 : vector<512x1xf32> to vector<512x40xf32>
    %mul3A_18 = arith.mulf %mul3A_17, %get3A_16 : vector<512x40xf32>
    %add3A = arith.addf %dot_general3A_9, %mul3A_18 : vector<512x40xf32>
    %mul3A_19 = vector.broadcast %rsqrt3A_13 : vector<512x1xf32> to vector<512x40xf32>
    %mul3A_20 = arith.mulf %mul3A_19, %add3A : vector<512x40xf32>
    %get3A_21 = arith.constant 0 : index
    %get3A_22 = arith.constant 0 : index
    %get3A_23 = vector.load %arg6[%get3A_21, %get3A_22] : memref<1x40xf32, #tpu.memory_space<vmem>>, vector<1x40xf32>
    %add3A_24 = vector.broadcast %get3A_23 : vector<1x40xf32> to vector<512x40xf32>
    %add3A_25 = arith.addf %mul3A_20, %add3A_24 : vector<512x40xf32>
    %swap3A = arith.constant 0 : index
    %swap3A_26 = arith.constant 0 : index
    %swap3A_27 = vector.load %arg7[%swap3A, %swap3A_26] : memref<512x40xf32, #tpu.memory_space<vmem>>, vector<512x40xf32>
    tpu.vector_store %arg7[%swap3A, %swap3A_26], %add3A_25 {strides = array<i32>} : memref<512x40xf32, #tpu.memory_space<vmem>>, vector<512x40xf32>,
    return
  }
  func.func @transform_0(%arg0: i32) -> (i32, i32) {
    %c0_i32 = arith.constant 0 : i32
    %c0_i32_0 = arith.constant 0 : i32
    return %arg0, %c0_i32 : i32, i32
  }
  func.func @transform_1(%arg0: i32) -> (i32, i32) {
    %c0_i32 = arith.constant 0 : i32
    %c0_i32_0 = arith.constant 0 : i32
    %c0_i32_1 = arith.constant 0 : i32
    return %c0_i32, %c0_i32_0 : i32, i32
  }
  func.func @transform_2(%arg0: i32) -> (i32, i32) {
    %c0_i32 = arith.constant 0 : i32
    %c0_i32_0 = arith.constant 0 : i32
    return %arg0, %c0_i32 : i32, i32
  }
  func.func @transform_3(%arg0: i32) -> (i32, i32) {
    %c0_i32 = arith.constant 0 : i32
    %c0_i32_0 = arith.constant 0 : i32
    %c0_i32_1 = arith.constant 0 : i32
    return %c0_i32, %c0_i32_0 : i32, i32
  }
  func.func @transform_4(%arg0: i32) -> (i32, i32) {
    %c0_i32 = arith.constant 0 : i32
    %c0_i32_0 = arith.constant 0 : i32
    return %arg0, %c0_i32 : i32, i32
  }
  func.func @transform_5(%arg0: i32) -> (i32, i32) {
    %c0_i32 = arith.constant 0 : i32
    %c0_i32_0 = arith.constant 0 : i32
    %c0_i32_1 = arith.constant 0 : i32
    return %c0_i32, %c0_i32_0 : i32, i32
  }
  func.func @transform_6(%arg0: i32) -> (i32, i32) {
    %c0_i32 = arith.constant 0 : i32
    %c0_i32_0 = arith.constant 0 : i32
    return %arg0, %c0_i32 : i32, i32
  }
}

</mosaic_0001>

<sc_bundles>
// kernel: kernel.8.cloned.1.call-start
scs
__scs_entry_jumppad:
0x0: {  	(pc) =	sbr.rel $0x88, $3  }
0x1: {  	(tag) =	ssettag $0x0;
	lr =	simm.s32 $0x1  }
0x2: {  	[smem:$0x3F9A] =	sst lr;
	_ =	strace $0xD0000000  }
0x3: {  	_ = 	snop  }
0x4: {  	_ = 	snop  }
0x5: {  	_ = 	snop  }
0x6: {  	_ = 	snop  }
0x7: {  	_ = 	snop  }
__scs_overlays_trampoline_lowered:
0x8: {  	[smem:$0x3FA9] =	sst s0  }
0x9: {  	[smem:$0x3FAA] =	sst s1  }
0xa: {  	[smem:$0x3FAB] =	sst s2  }
0xb: {  	[smem:$0x3FAC] =	sst s3  }
0xc: {  	[smem:$0x3FAD] =	sst s4  }
0xd: {  	[smem:$0x3FAE] =	sst s5  }
0xe: {  	[smem:$0x3FAF] =	sst s6  }
0xf: {  	[smem:$0x3FB0] =	sst s7  }
0x10: {  	[smem:$0x3FB1] =	sst s8  }
0x11: {  	[smem:$0x3FB2] =	sst s9;
	s0 =	simm.s32 @!p0 $0x0  }
0x12: {  	s1 =	sld [smem:$0x3F98];
	s0 =	simm.s32 @p0 $0x1  }
0x13: {  	[smem:$0x3FB3] =	sst s0;
	s0 =	simm.s32 @!p1 $0x0  }
0x14: {  	s2 =	sld [smem:$0x3F97];
	s0 =	simm.s32 @p1 $0x1  }
0x15: {  	[smem:$0x3FB4] =	sst s0;
	s0 =	simm.s32 @!p2 $0x0  }
0x16: {  	s3 =	sld [smem:$0x3FDB];
	s0 =	simm.s32 @p2 $0x1  }
0x17: {  	s4 =	simm.s32 $0x1BF5;
	[smem:$0x3FB6] =	sst s0  }
0x18: {  	s0 =	sld [smem:$0x3F99];
	_ =	swait.ge [sflag:s4], $0x0  }
0x19: {  	s7 =	sld [smem:$0x3F9A]  }
0x1a: {  	s8 =	sadd.s32 $0xFFFFE003, lr  }
0x1b: {  	s9 =	sadd.s32 $0xFFFFFEF7, lr;
	s5 =	simm.s32 $0xFFFFFFFF;
	p2 =	slt.u32 s8, $0xFFFFF086  }
0x1c: {  	p1 =	slt.u32 s9, $0xF7A;
	s5 =	simm.s32 @!p2 $0x0  }
0x1d: {  	s5 =	simm.s32 @p1 $0x1;
	p0 =	seq.s32 s7, s2  }
0x1e: {  	s7 =	smul.u32 @!p0 $0xF7A, s2;
	p2 =	seq.s32 @!p0 s5, $0x0  }
0x1f: {  	s9 =	smul.u32 $0xF7A, s1;
	s8 =	simm.s32 @!p0 $0x1BF5;
	p2 =	por !p2, p0  }
0x20: {  	[sflag:s8] =	ssyncset.s32 @!p0 $0xFFFFF086;
	s6 =	sadd.s32 @!p0 s3, s7;
	s7 =	simm.s32 @!p0 $0x108  }
0x21: {  	s3 =	sadd.s32 s3, s9;
	s6 =	sadd.s32 @!p0 $0x88, s6;
	s7 =	simm.s32 @p2 $0x1082  }
0x22: {  	[simem:s7], [sflag:s8] =	dma.local @!p0 [hbm:s6], $0xF7A  }
0x23: {  	s9 =	sor.u32 $0xD0000000, s2;
	s6 =	simm.s32 $0x108;
	_ =	swait.ge @!p0 [sflag:s8], $0x0  }
0x24: {  	s3 =	sadd.s32 $0x88, s3;
	s6 =	simm.s32 @!p1 $0x1082;
	[sflag:s4] =	ssyncset.s32 $0xFFFFF086  }
0x25: {  	[simem:s6], [sflag:s4] =	dma.local [hbm:s3], $0xF7A  }
0x26: {  	[smem:$0x3F9A] =	sst s1;
	(tag) =	ssettag s2;
	_ =	strace s9  }
0x27: {  	s1 =	sld [smem:$0x3FAA]  }
0x28: {  	s2 =	sld [smem:$0x3FAB]  }
0x29: {  	s4 =	sld [smem:$0x3FAD]  }
0x2a: {  	p0 =	seq.s32 s5, $0x0;
	s5 =	sld [smem:$0x3FAE]  }
0x2b: {  	s6 =	sld [smem:$0x3FAF]  }
0x2c: {  	s7 =	sld [smem:$0x3FB0]  }
0x2d: {  	s3 =	simm.s32 $0x108;
	s8 =	sld [smem:$0x3FB1]  }
0x2e: {  	s3 =	simm.s32 @!p0 $0x1082;
	s9 =	sld [smem:$0x3FB2]  }
0x2f: {  	lr =	sadd.s32 s0, s3;
	s0 =	sld [smem:$0x3FA9]  }
0x30: {  	s3 =	sld [smem:$0x3FAC]  }
0x31: {  	[smem:$0x3FB5] =	sst s10  }
0x32: {  	s10 =	sld [smem:$0x3FB3];
	_ =	sdelay $0x3  }
0x33: {  	p0 =	seq.s32 s10, $0x1;
	s10 =	sld [smem:$0x3FB5];
	_ =	sdelay $0x3  }
0x34: {  	[smem:$0x3FB5] =	sst s10  }
0x35: {  	s10 =	sld [smem:$0x3FB4];
	_ =	sdelay $0x3  }
0x36: {  	p1 =	seq.s32 s10, $0x1;
	s10 =	sld [smem:$0x3FB5];
	_ =	sdelay $0x3  }
0x37: {  	[smem:$0x3FB5] =	sst s10  }
0x38: {  	s10 =	sld [smem:$0x3FB6]  }
0x39: {  	_ = 	snop;
	(pc) =	sbr.ind lr, $3  }
0x3a: {  	_ = 	snop  }
0x3b: {  	_ = 	snop  }
0x3c: {  	p2 =	seq.s32 s10, $0x1;
	s10 =	sld [smem:$0x3FB5]  }
0x3d: {  	_ =	shalt  }
0x3e: {  	_ =	shalt  }
0x3f: {  	_ =	shalt  }
0x40: {  	_ =	shalt  }
0x41: {  	_ =	shalt  }
0x42: {  	_ =	shalt  }
0x43: {  	_ =	shalt  }
0x44: {  	_ =	shalt  }
0x45: {  	_ =	shalt  }
0x46: {  	_ =	shalt  }
0x47: {  	_ =	shalt  }
0x48: {  	_ =	shalt  }
0x49: {  	_ =	shalt  }
0x4a: {  	_ =	shalt  }
0x4b: {  	_ =	shalt  }
0x4c: {  	_ =	shalt  }
0x4d: {  	_ =	shalt  }
0x4e: {  	_ =	shalt  }
0x4f: {  	_ =	shalt  }
0x50: {  	_ =	shalt  }
0x51: {  	_ =	shalt  }
0x52: {  	_ =	shalt  }
0x53: {  	_ =	shalt  }
0x54: {  	_ =	shalt  }
0x55: {  	_ =	shalt  }
0x56: {  	_ =	shalt  }
0x57: {  	_ =	shalt  }
0x58: {  	_ =	shalt  }
0x59: {  	_ =	shalt  }
0x5a: {  	_ =	shalt  }
0x5b: {  	_ =	shalt  }
0x5c: {  	_ =	shalt  }
0x5d: {  	_ =	shalt  }
0x5e: {  	_ =	shalt  }
0x5f: {  	_ =	shalt  }
0x60: {  	_ =	shalt  }
0x61: {  	_ =	shalt  }
0x62: {  	_ =	shalt  }
0x63: {  	_ =	shalt  }
0x64: {  	_ =	shalt  }
0x65: {  	_ =	shalt  }
0x66: {  	_ =	shalt  }
0x67: {  	_ =	shalt  }
0x68: {  	_ =	shalt  }
0x69: {  	_ =	shalt  }
0x6a: {  	_ =	shalt  }
0x6b: {  	_ =	shalt  }
0x6c: {  	_ =	shalt  }
0x6d: {  	_ =	shalt  }
0x6e: {  	_ =	shalt  }
0x6f: {  	_ =	shalt  }
0x70: {  	_ =	shalt  }
0x71: {  	_ =	shalt  }
0x72: {  	_ =	shalt  }
0x73: {  	_ =	shalt  }
0x74: {  	_ =	shalt  }
0x75: {  	_ =	shalt  }
0x76: {  	_ =	shalt  }
0x77: {  	_ =	shalt  }
0x78: {  	_ =	shalt  }
0x79: {  	_ =	shalt  }
0x7a: {  	_ =	shalt  }
0x7b: {  	_ =	shalt  }
0x7c: {  	_ =	shalt  }
0x7d: {  	_ =	shalt  }
0x7e: {  	_ =	shalt  }
0x7f: {  	_ =	shalt  }
0x80: {  	_ =	shalt  }
0x81: {  	_ =	shalt  }
0x82: {  	_ =	shalt  }
0x83: {  	_ =	shalt  }
0x84: {  	_ =	shalt  }
0x85: {  	_ =	shalt  }
0x86: {  	_ =	shalt  }
0x87: {  	_ =	shalt  }
.Lfunc_end0:
.L_simem_size_0:
called_computation_lowered:
.L_overlay_start_0:
0x88: {  	s2 =	sld [smem:$0x3FD9]  }
0x89: {  	s3 =	sld [smem:$0x3FFE];
	_ =	sdelay $0x1  }
0x8a: {  	s1 =	srdreg.scid  }
0x8b: {  	s0 =	sand.u32 $0x1, s1  }
0x8c: {  	s17 =	sshll.u32 s0, $0xA;
	s2 =	sadd.s32 s3, s2  }
0x8d: {  	s2 =	sadd.s32 s2, s17  }
0x8e: {  	[smem:$0x3FC1] =	sst s2  }
0x8f: {  	_ = 	snop  }
0x90: {  	s2 =	sld [smem:$0x3FC8];
	(tm) =	ssettm $0x1  }
0x91: {  	s18 =	sld [smem:$0x3FFB];
	_ =	sdelay $0x3  }
0x92: {  	_ =	strace s18  }
0x93: {  	s3 =	sld [smem:$0x3FFC];
	_ =	sdelay $0x3  }
0x94: {  	_ =	strace s3  }
0x95: {  	s3 =	sld [smem:$0x3FFD];
	_ =	sdelay $0x3  }
0x96: {  	_ =	strace s3  }
0x97: {  	_ =	strace $0x8FFFFFFF  }
0x98: {  	s19 =	sld [smem:$0x3FDB];
	_ =	sdelay $0x1  }
0x99: {  	s4 =	simm.s32 $_scs_section_size  }
0x9a: {  	s5 =	simm.s32 $_size__tile_overlayer_lowered;
	s6 =	simm.s32 $_tile_overlayer_lowered  }
0x9b: {  	s22 =	simm.s32 $0x1BFF;
	s21 =	sshll.u32 s6, $0x1;
	s3 =	sadd.s32 s4, s19  }
0x9c: {  	s7 =	simm.s32 $0x0;
	s20 =	sshll.u32 s5, $0x1;
	s5 =	sadd.s32 s21, s3  }
0x9d: {  	[timem:s7], [sflag:s22] =	dma.local [hbm:s5], s20  }
0x9e: {  	_ =	swait.ge [sflag:s22], s20  }
0x9f: {  	s4 =	ssub.s32 $0x0, s20;
	[sflag:s22] =	ssyncset.done $0x0  }
0xa0: {  	[sflag:s22] =	ssyncadd.s32 s4;
	_ =	sdelay $0x1  }
0xa1: {  	s23 =	simm.s32 $0x1B8B  }
0xa2: {  	_ =	swait.ge [sflag:s23], $0x1  }
0xa3: {  	[sflag:s23] =	ssyncset.done $0x0  }
0xa4: {  	s25 =	simm.s32 $0x1B8E;
	s24 =	sld [smem:$0x3FFE];
	[sflag:s23] =	ssyncadd.s32 $0xFFFFFFFF  }
0xa5: {  	s26 =	simm.s32 $execute0_lowered;
	[smem:$0x3FD2] =	sst s25  }
0xa6: {  	s5 =	sshll.u32 s26, $0x1;
	_ =	strace $0x80000046;
	[dreg:$0x1] =	wrdreg $0xFFFFFFFF  }
0xa7: {  	s28 =	simm.s32 $_size_execute0_lowered;
	s3 =	sadd.s32 s3, s5;
	[dreg:$0x0] =	wrdreg $0x0  }
0xa8: {  	s5 =	sshll.u32 s28, $0x1;
	[dreg:$0x2] =	wrdreg s3  }
0xa9: {  	[dreg:$0x3] =	wrdreg s5  }
0xaa: {  	[dreg:$0x4] =	wrdreg $0xC0  }
0xab: {  	_ =	task [dreg:s7], $0x5FFFF  }
0xac: {  	[dreg:$0x1] =	wrdreg $0xFFFFFFFF  }
0xad: {  	[dreg:$0x0] =	wrdreg $0x60  }
0xae: {  	[dreg:$0x2] =	wrdreg s2  }
0xaf: {  	[dreg:$0x3] =	wrdreg s24  }
0xb0: {  	[dreg:$0x4] =	wrdreg $0x9  }
0xb1: {  	_ =	task.clear_ibuf [dreg:s7], $0x5FFFF;
	_ =	strace $0x90000046  }
0xb2: {  	s29 =	simm.s32 $0x9;
	_ =	strace $0x80000048  }
0xb3: {  	_ =	swait.ge [sflag:s29], $0x1  }
0xb4: {  	[sflag:s29] =	ssyncadd.s32 $0xFFFFFFFF  }
0xb5: {  	_ =	strace $0x90000048  }
0xb6: {  	_ =	sfence  }
0xb7: {  	s30 =	sld [smem:$0x0];
	_ =	sdelay $0x2  }
0xb8: {  	s31 =	sshll.u32 s1, $0xD;
	s1 =	sshrl.u32 s1, $0x2  }
0xb9: {  	s3 =	sand.u32 $0x4000, s31;
	s1 =	sadd.s32 s1, s30  }
0xba: {  	s0 =	sor.u32 s3, s0;
	s1 =	sshll.u32 s1, $0x11  }
0xbb: {  	s0 =	sor.u32 s1, s0  }
0xbc: {  	s0 =	sadd.s32 $0x8F2B, s0  }
0xbd: {  	[sflag:s0] =	ssyncadd.remote.s32 $0x1  }
0xbe: {  	_ =	sfence.sel $0xFFFF  }
0xbf: {  	[dreg:$0x0] =	wrdreg $0xFFFFFFFF;
	(pc) =	sbr.abs _section_cstart, $3  }
0xc0: {  	[dreg:$0x1] =	wrdreg $0xFFFFFFFF  }
0xc1: {  	_ =	task.clear_ibuf [dreg:s7], $0x2FFFF;
	_ =	strace $0x9FFFFFFF  }
0xc2: {  	(tm) =	ssettm $0x7FFFFFFF  }
0xc3: {  	_ =	shalt  }
tec
execute0_lowered:
.L_overlay_start_1:
0x0: {  	(tag) =	ssettag $0x1  }
0x1: {  	s1 =	rddreg [dreg:$0x0]  }
0x2: {  	s0 =	rddreg [dreg:$0x1];
	s2 =	srdreg.scid  }
0x3: {  	s3 =	simm.s32 $0x0;
	s12 =	stileid.u32;
	s29 =	simm.s32 $0x9  }
0x4: {  	s30 =	simm.s32 $0xA;
	s31 =	simm.s32 $0xB;
	s28 =	simm.s32 $0x10  }
0x5: {  	s2 =	sand.u32 $0x1, s2;
	[smem:$0x7FF] =	sst s3;
	s0 =	sadd.s32 $0x1800, s0  }
0x6: {  	s4 =	sshll.u32 s2, $0x4;
	s5 =	ssub.s32 $0x2, s2;
	s26 =	smul.u32 $0x10800, s2  }
0x7: {  	_ =	strace $0x80000047;
	s2 =	smul.u32 $0x2100, s2;
	s4 =	sor.u32 s12, s4  }
0x8: {  	s6 =	sshrl.u32 s5, $0x1;
	s7 =	sadd.s32 $0x1, s4;
	s8 =	sor.u32 $0x20, s4  }
0x9: {  	s9 =	sadd.s32 $0x21, s4;
	s22 =	sor.u32 $0x40, s4;
	s10 =	sadd.s32 $0x41, s4  }
0xa: {  	s23 =	sor.u32 $0x60, s4;
	s11 =	sadd.s32 $0x61, s4;
	s7 =	smul.u32 s4, s7  }
0xb: {  	s5 =	ssub.s32 s5, s6;
	s2 =	sadd.s32 s2, s0;
	s8 =	smul.u32 s8, s9  }
0xc: {  	s14 =	sadd.s32 $0x81, s4;
	s16 =	sadd.s32 $0x281, s4;
	s9 =	smul.u32 s22, s10  }
0xd: {  	s20 =	sadd.s32 $0x481, s4;
	s24 =	smul.u32 s23, s11;
	[dreg:$0x9] =	wrdreg s14  }
0xe: {  	s5 =	smax.u32 s5, $0x1;
	s10 =	smul.u32 $0x1080, s12;
	[dreg:$0xb] =	wrdreg s16  }
0xf: {  	s12 =	smul.u32 $0x210, s12;
	[dreg:$0xd] =	wrdreg s20;
	s16 =	sadd.s32 $0x681, s4  }
0x10: {  	s20 =	sadd.s32 $0xA81, s4;
	[dreg:$0x3] =	wrdreg s5;
	s25 =	sshrl.u32 s7, $0x4  }
0x11: {  	s8 =	sshrl.u32 s8, $0x4;
	s11 =	sshrl.u32 s9, $0x4;
	s7 =	sadd.s32 s10, s26  }
0x12: {  	s6 =	sshrl.u32 s24, $0x4;
	s2 =	sadd.s32 s12, s2;
	s5 =	sadd.s32 s1, s25  }
0x13: {  	s6 =	sadd.s32 s1, s6;
	[dreg:$0x8] =	wrdreg s2;
	s15 =	sadd.s32 $0x420000, s7  }
0x14: {  	s17 =	sadd.s32 $0x630000, s7;
	s19 =	sor.u32 $0x840000, s7;
	s22 =	sadd.s32 $0xA50000, s7  }
0x15: {  	s23 =	sadd.s32 $0xC60000, s7;
	s25 =	sadd.s32 $0xE70000, s7;
	[dreg:$0x4] =	wrdreg s5  }
0x16: {  	s5 =	sadd.s32 s1, s8;
	s8 =	sadd.s32 $0x210000, s7;
	[dreg:$0x7] =	wrdreg s6  }
0x17: {  	s18 =	sshrl.u32 s17, $0x3;
	s21 =	sshrl.u32 s19, $0x3;
	s24 =	sshrl.u32 s23, $0x3  }
0x18: {  	s26 =	sshrl.u32 s25, $0x3;
	s25 =	simm.s32 $0xE;
	[dreg:$0x5] =	wrdreg s5  }
0x19: {  	s5 =	sadd.s32 s1, s11;
	s13 =	sshrl.u32 s8, $0x3;
	s17 =	sadd.s32 s21, s0  }
0x1a: {  	s21 =	sadd.s32 s24, s0;
	s23 =	sadd.s32 s26, s0;
	s2 =	sadd.s32 s13, s0  }
0x1b: {  	s24 =	sadd.s32 $0xE81, s4;
	[dreg:$0xa] =	wrdreg s2;
	s2 =	sshrl.u32 s15, $0x3  }
0x1c: {  	s26 =	simm.s32 $0xF;
	[dreg:$0x6] =	wrdreg s5;
	s2 =	sadd.s32 s2, s0  }
0x1d: {  	s15 =	sadd.s32 s18, s0;
	s18 =	sadd.s32 $0x881, s4;
	[dreg:$0xc] =	wrdreg s2  }
0x1e: {  	s2 =	sshrl.u32 s22, $0x3;
	s22 =	sadd.s32 $0xC81, s4;
	s4 =	simm.s32 $0x0  }
0x1f: {  	s19 =	sadd.s32 s2, s0;
	s0 =	simm.s32 $0xC;
	s2 =	simm.s32 $0xD  }
.LBB2_1:
0x20: {  	s5 =	rddreg [dreg:$0x4]  }
0x21: {  	s10 =	rddreg [dreg:$0x5]  }
0x22: {  	[tilespmem:s3], [sflag:$0x1] =	stream.linear.gather [hbm4b:s5+s3], $0x208, $0x38;
	[tilespmem:$0x8080] =	vst v63  }
0x23: {  	s6 =	simm.s32 $0x1008;
	s11 =	rddreg [dreg:$0x6]  }
0x24: {  	[tilespmem:s6], [sflag:$0x2] =	stream.linear.gather [hbm4b:s10+s3], $0x208, $0x38;
	[tilespmem:$0x8080] =	vst v63  }
.Ltmp0:
0x25: {  	s13 =	rddreg [dreg:$0x7];
	(pc) =	sbr.rel .LBB2_2-.Ltmp0, $4  }
0x26: {  	s12 =	simm.s32 $0x2010;
	s7 =	rddreg [dreg:$0x8]  }
0x27: {  	[tilespmem:s12], [sflag:$0x3] =	stream.linear.gather [hbm4b:s11+s3], $0x208, $0x38;
	[tilespmem:$0x8080] =	vst v63  }
0x28: {  	s14 =	simm.s32 $0x3018;
	s6 =	rddreg [dreg:$0x9];
	s11 =	simm.s32 $0x0  }
0x29: {  	[tilespmem:s14], [sflag:$0x4] =	stream.linear.gather [hbm4b:s13+s3], $0x208, $0x38;
	[tilespmem:$0x8080] =	vst v63  }
.LBB2_4:
0x2a: {  	s8 =	smin.u32 s8, $0x8003F8  }
0x2b: {  	s8 =	sshrl.u32 s8, $0x3  }
0x2c: {  	s10 =	sshrl.u32 s10, $0x2;
	s8 =	sadd.s32 s1, s8  }
0x2d: {  	[tilespmem:s10], [sflag:s9] =	stream.linear.gather [hbm4b:s8+s3], $0x408, $0x38;
	[tilespmem:$0x8080] =	vst v63  }
.LBB2_5:
0x2e: {  	s11 =	sadd.s32 $0x1, s11  }
0x2f: {  	s8 =	sadd.s32 $0x1, s5;
	s9 =	smul.u32 $0x4020, s5;
	p0 =	sne.s32 s11, $0x10  }
.Ltmp1:
0x30: {  	_ =	swait.ge [sflag:s8], $0x208;
	(pc) =	sbr.rel @!p0 .LBB2_6-.Ltmp1, $4  }
0x31: {  	s14 =	sadd.s32 $0x9, s5;
	[sflag:s8] =	ssyncset.done $0x0  }
0x32: {  	s5 =	simm.s32 $0x0;
	s9 =	sshra.s32 s9, $0x2;
	[sflag:s8] =	ssyncadd.s32 $0xFFFFFDF8  }
0x33: {  	[hbm4b:s7+s5] =	stream.linear.scatter [tilespmem:s9], [sflag:s14], $0x208, $0x38;
	[tilespmem:$0x8080] =	vst v63  }
0x34: {  	s6 =	sadd.s32 $0x20, s6;
	s7 =	sadd.s32 $0x4200, s7  }
.LBB2_2:
0x35: {  	p0 =	slt.u32 s11, $0x4  }
0x36: {  	s5 =	sand.u32 @!p0 $0x7, s11  }
0x37: {  	s8 =	sxor.u32 @!p0 $0x4, s5  }
0x38: {  	p1 =	sgt.u32 @!p0 s11, $0xB;
	s8 =	sadd.s32 @!p0 $0x9, s8  }
0x39: {  	p1 =	por p0, !p1;
	_ =	swait.ge @!p0 [sflag:s8], $0x208  }
.Ltmp2:
0x3a: {  	s14 =	sadd.s32 $0xFFFFFFFF, s6;
	[sflag:s8] =	ssyncset.done @!p0 $0x0;
	(pc) =	sbr.rel @!p1 .LBB2_4-.Ltmp2, $4  }
0x3b: {  	[sflag:s8] =	ssyncadd.s32 @!p0 $0xFFFFFDF8;
	s8 =	smul.u32 s14, s6  }
0x3c: {  	s9 =	sadd.s32 $0x4, s11  }
0x3d: {  	s9 =	sand.u32 $0x7, s9;
	s8 =	sshrl.u32 s8, $0x1  }
0x3e: {  	s10 =	smul.u32 $0x4020, s9;
	s9 =	sadd.s32 $0x1, s9;
	s8 =	sand.u32 $0x7FFFFFF8, s8  }
.Ltmp3:
0x3f: {  	(pc) =	sbr.rel .LBB2_5-.Ltmp3, $4  }
0x40: {  	s8 =	smin.u32 s8, $0x8005F8  }
0x41: {  	s8 =	sshrl.u32 s8, $0x3  }
0x42: {  	s5 =	smov.u32 @p0 s11;
	s10 =	sshrl.u32 s10, $0x2;
	s8 =	sadd.s32 s1, s8  }
0x43: {  	[tilespmem:s10], [sflag:s9] =	stream.linear.gather [hbm4b:s8+s3], $0x208, $0x38;
	[tilespmem:$0x8080] =	vst v63  }
.LBB2_6:
.Ltmp4:
0x44: {  	(pc) =	sbr.rel .LBB2_7-.Ltmp4, $3  }
0x45: {  	_ =	sdelay $0x1  }
0x46: {  	s7 =	rddreg [dreg:$0xb]  }
0x47: {  	s11 =	rddreg [dreg:$0xa]  }
.LBB2_11:
0x48: {  	s8 =	sadd.s32 $0xFFFFFFFF, s7  }
0x49: {  	s8 =	smul.u32 s8, s7;
	_ =	sdelay $0x1  }
0x4a: {  	s8 =	sshrl.u32 s8, $0x1  }
0x4b: {  	s9 =	sand.u32 $0x7, s9;
	s8 =	sand.u32 $0x7FFFFFF8, s8  }
0x4c: {  	s10 =	smul.u32 $0x4020, s9;
	s8 =	smin.u32 s8, $0x8001F8  }
0x4d: {  	s8 =	sshrl.u32 s8, $0x3  }
0x4e: {  	s9 =	sadd.s32 $0x1, s9;
	s10 =	sshrl.u32 s10, $0x2;
	s8 =	sadd.s32 s1, s8  }
0x4f: {  	[tilespmem:s10], [sflag:s9] =	stream.linear.gather [hbm4b:s8+s3], $0x608, $0x38;
	[tilespmem:$0x8080] =	vst v63  }
.LBB2_12:
0x50: {  	s5 =	sadd.s32 $0x1, s5  }
0x51: {  	s8 =	sadd.s32 $0x1, s6;
	s9 =	smul.u32 $0x4020, s6;
	p0 =	sne.s32 s5, $0x10  }
.Ltmp5:
0x52: {  	_ =	swait.ge [sflag:s8], $0x408;
	(pc) =	sbr.rel @!p0 .LBB2_13-.Ltmp5, $4  }
0x53: {  	s14 =	sadd.s32 $0x9, s6;
	[sflag:s8] =	ssyncset.done $0x0  }
0x54: {  	s6 =	simm.s32 $0x0;
	s9 =	sshrl.u32 s9, $0x2;
	[sflag:s8] =	ssyncadd.s32 $0xFFFFFBF8  }
0x55: {  	[hbm4b:s11+s6] =	stream.linear.scatter [tilespmem:s9], [sflag:s14], $0x408, $0x38;
	[tilespmem:$0x8080] =	vst v63  }
0x56: {  	s7 =	sadd.s32 $0x20, s7;
	s11 =	sadd.s32 $0x4200, s11  }
.LBB2_7:
0x57: {  	p0 =	sgt.u32 s5, $0x3  }
.Ltmp6:
0x58: {  	_ = 	snop;
	(pc) =	sbr.rel @!p0 .LBB2_8-.Ltmp6, $4  }
0x59: {  	_ = 	snop  }
0x5a: {  	s6 =	sand.u32 $0x7, s5  }
0x5b: {  	s8 =	sxor.u32 $0x4, s6  }
0x5c: {  	s9 =	sadd.s32 $0x14, s5;
	s8 =	sadd.s32 $0x9, s8  }
0x5d: {  	p0 =	sgt.u32 s5, $0xB  }
.Ltmp7:
0x5e: {  	_ = 	snop;
	(pc) =	sbr.rel @p0 .LBB2_11-.Ltmp7, $4  }
.Ltmp8:
0x5f: {  	_ = 	snop;
	(pc) =	sbr.rel @!p0 .LBB2_10-.Ltmp8, $4  }
0x60: {  	_ =	swait.ge [sflag:s8], $0x408  }
0x61: {  	[sflag:s8] =	ssyncset.done $0x0  }
0x62: {  	[sflag:s8] =	ssyncadd.s32 $0xFFFFFBF8  }
0x63: {  	_ = 	snop  }
.LBB2_8:
0x64: {  	_ =	swait.ge [sflag:s8], $0x208  }
0x65: {  	[sflag:s8] =	ssyncset.done $0x0  }
0x66: {  	[sflag:s8] =	ssyncadd.s32 $0xFFFFFDF8  }
.LBB2_10:
0x67: {  	s8 =	sadd.s32 $0xFFFFFFFF, s7  }
0x68: {  	s8 =	smul.u32 s8, s7;
	_ =	sdelay $0x1  }
0x69: {  	s8 =	sshrl.u32 s8, $0x1  }
.Ltmp9:
0x6a: {  	s9 =	sand.u32 $0x7, s9;
	s8 =	sand.u32 $0x7FFFFFF8, s8;
	(pc) =	sbr.rel .LBB2_12-.Ltmp9, $4  }
0x6b: {  	s10 =	smul.u32 $0x4020, s9;
	s8 =	smin.u32 s8, $0x8003F8  }
0x6c: {  	s8 =	sshrl.u32 s8, $0x3  }
0x6d: {  	s9 =	sadd.s32 $0x1, s9;
	s10 =	sshrl.u32 s10, $0x2;
	s8 =	sadd.s32 s1, s8  }
0x6e: {  	[tilespmem:s10], [sflag:s9] =	stream.linear.gather [hbm4b:s8+s3], $0x408, $0x38;
	[tilespmem:$0x8080] =	vst v63  }
.LBB2_13:
.Ltmp10:
0x6f: {  	(pc) =	sbr.rel .LBB2_14-.Ltmp10, $3  }
0x70: {  	_ =	sdelay $0x1  }
0x71: {  	s7 =	rddreg [dreg:$0xd]  }
0x72: {  	s11 =	rddreg [dreg:$0xc]  }
.LBB2_18:
0x73: {  	s8 =	sadd.s32 $0xFFFFFFFF, s7  }
0x74: {  	s8 =	smul.u32 s8, s7;
	_ =	sdelay $0x1  }
0x75: {  	s8 =	sshrl.u32 s8, $0x1  }
0x76: {  	s9 =	sand.u32 $0x7, s9;
	s8 =	sand.u32 $0x7FFFFFF8, s8  }
0x77: {  	s10 =	smul.u32 $0x4020, s9;
	s8 =	smin.u32 s8, $0x7FFFF8  }
0x78: {  	s8 =	sshrl.u32 s8, $0x3  }
0x79: {  	s9 =	sadd.s32 $0x1, s9;
	s10 =	sshrl.u32 s10, $0x2;
	s8 =	sadd.s32 s1, s8  }
0x7a: {  	[tilespmem:s10], [sflag:s9] =	stream.linear.gather [hbm4b:s8+s3], $0x808, $0x38;
	[tilespmem:$0x8080] =	vst v63  }
.LBB2_19:
0x7b: {  	s6 =	sadd.s32 $0x1, s6  }
0x7c: {  	s8 =	sadd.s32 $0x1, s5;
	s9 =	smul.u32 $0x4020, s5;
	p0 =	sne.s32 s6, $0x10  }
.Ltmp11:
0x7d: {  	_ =	swait.ge [sflag:s8], $0x608;
	(pc) =	sbr.rel @!p0 .LBB2_20-.Ltmp11, $4  }
0x7e: {  	s14 =	sadd.s32 $0x9, s5;
	[sflag:s8] =	ssyncset.done $0x0  }
0x7f: {  	s5 =	simm.s32 $0x0;
	s9 =	sshrl.u32 s9, $0x2;
	[sflag:s8] =	ssyncadd.s32 $0xFFFFF9F8  }
0x80: {  	[hbm4b:s11+s5] =	stream.linear.scatter [tilespmem:s9], [sflag:s14], $0x608, $0x38;
	[tilespmem:$0x8080] =	vst v63  }
0x81: {  	s7 =	sadd.s32 $0x20, s7;
	s11 =	sadd.s32 $0x4200, s11  }
.LBB2_14:
0x82: {  	p0 =	sgt.u32 s6, $0x3  }
.Ltmp12:
0x83: {  	_ = 	snop;
	(pc) =	sbr.rel @!p0 .LBB2_15-.Ltmp12, $4  }
0x84: {  	_ = 	snop  }
0x85: {  	s5 =	sand.u32 $0x7, s6  }
0x86: {  	s8 =	sxor.u32 $0x4, s5  }
0x87: {  	s9 =	sadd.s32 $0x24, s6;
	s8 =	sadd.s32 $0x9, s8  }
0x88: {  	p0 =	sgt.u32 s6, $0xB  }
.Ltmp13:
0x89: {  	_ = 	snop;
	(pc) =	sbr.rel @p0 .LBB2_18-.Ltmp13, $4  }
.Ltmp14:
0x8a: {  	_ = 	snop;
	(pc) =	sbr.rel @!p0 .LBB2_17-.Ltmp14, $4  }
0x8b: {  	_ =	swait.ge [sflag:s8], $0x608  }
0x8c: {  	[sflag:s8] =	ssyncset.done $0x0  }
0x8d: {  	[sflag:s8] =	ssyncadd.s32 $0xFFFFF9F8  }
0x8e: {  	_ = 	snop  }
.LBB2_15:
0x8f: {  	_ =	swait.ge [sflag:s8], $0x408  }
0x90: {  	[sflag:s8] =	ssyncset.done $0x0  }
0x91: {  	[sflag:s8] =	ssyncadd.s32 $0xFFFFFBF8  }
.LBB2_17:
0x92: {  	s8 =	sadd.s32 $0xFFFFFFFF, s7  }
0x93: {  	s8 =	smul.u32 s8, s7;
	_ =	sdelay $0x1  }
0x94: {  	s8 =	sshrl.u32 s8, $0x1  }
.Ltmp15:
0x95: {  	s9 =	sand.u32 $0x7, s9;
	s8 =	sand.u32 $0x7FFFFFF8, s8;
	(pc) =	sbr.rel .LBB2_19-.Ltmp15, $4  }
0x96: {  	s10 =	smul.u32 $0x4020, s9;
	s8 =	smin.u32 s8, $0x8001F8  }
0x97: {  	s8 =	sshrl.u32 s8, $0x3  }
0x98: {  	s9 =	sadd.s32 $0x1, s9;
	s10 =	sshrl.u32 s10, $0x2;
	s8 =	sadd.s32 s1, s8  }
0x99: {  	[tilespmem:s10], [sflag:s9] =	stream.linear.gather [hbm4b:s8+s3], $0x608, $0x38;
	[tilespmem:$0x8080] =	vst v63  }
.LBB2_20:
.Ltmp16:
0x9a: {  	(pc) =	sbr.rel .LBB2_21-.Ltmp16, $2  }
0x9b: {  	_ =	sdelay $0x2  }
0x9c: {  	s7 =	smov.u32 s16;
	s11 =	smov.u32 s15  }
.LBB2_25:
0x9d: {  	s8 =	sadd.s32 $0xFFFFFFFF, s7  }
0x9e: {  	s8 =	smul.u32 s8, s7;
	_ =	sdelay $0x1  }
0x9f: {  	s8 =	sshrl.u32 s8, $0x1  }
0xa0: {  	s9 =	sand.u32 $0x7, s9;
	s8 =	sand.u32 $0x7FFFFFF8, s8  }
0xa1: {  	s10 =	smul.u32 $0x4020, s9;
	s8 =	smin.u32 s8, $0x7FFDF8  }
0xa2: {  	s8 =	sshrl.u32 s8, $0x3  }
0xa3: {  	s9 =	sadd.s32 $0x1, s9;
	s10 =	sshrl.u32 s10, $0x2;
	s8 =	sadd.s32 s1, s8  }
0xa4: {  	[tilespmem:s10], [sflag:s9] =	stream.linear.gather [hbm4b:s8+s3], $0xA08, $0x38;
	[tilespmem:$0x8080] =	vst v63  }
.LBB2_26:
0xa5: {  	s5 =	sadd.s32 $0x1, s5  }
0xa6: {  	s8 =	sadd.s32 $0x1, s6;
	s9 =	smul.u32 $0x4020, s6;
	p0 =	sne.s32 s5, $0x10  }
.Ltmp17:
0xa7: {  	_ =	swait.ge [sflag:s8], $0x808;
	(pc) =	sbr.rel @!p0 .LBB2_27-.Ltmp17, $4  }
0xa8: {  	s14 =	sadd.s32 $0x9, s6;
	[sflag:s8] =	ssyncset.done $0x0  }
0xa9: {  	s6 =	simm.s32 $0x0;
	s9 =	sshrl.u32 s9, $0x2;
	[sflag:s8] =	ssyncadd.s32 $0xFFFFF7F8  }
0xaa: {  	[hbm4b:s11+s6] =	stream.linear.scatter [tilespmem:s9], [sflag:s14], $0x808, $0x38;
	[tilespmem:$0x8080] =	vst v63  }
0xab: {  	s7 =	sadd.s32 $0x20, s7;
	s11 =	sadd.s32 $0x4200, s11  }
.LBB2_21:
0xac: {  	p0 =	sgt.u32 s5, $0x3  }
.Ltmp18:
0xad: {  	_ = 	snop;
	(pc) =	sbr.rel @!p0 .LBB2_22-.Ltmp18, $4  }
0xae: {  	_ = 	snop  }
0xaf: {  	s6 =	sand.u32 $0x7, s5  }
0xb0: {  	s8 =	sxor.u32 $0x4, s6  }
0xb1: {  	s9 =	sadd.s32 $0x34, s5;
	s8 =	sadd.s32 $0x9, s8  }
0xb2: {  	p0 =	sgt.u32 s5, $0xB  }
.Ltmp19:
0xb3: {  	_ = 	snop;
	(pc) =	sbr.rel @p0 .LBB2_25-.Ltmp19, $4  }
.Ltmp20:
0xb4: {  	_ = 	snop;
	(pc) =	sbr.rel @!p0 .LBB2_24-.Ltmp20, $4  }
0xb5: {  	_ =	swait.ge [sflag:s8], $0x808  }
0xb6: {  	[sflag:s8] =	ssyncset.done $0x0  }
0xb7: {  	[sflag:s8] =	ssyncadd.s32 $0xFFFFF7F8  }
0xb8: {  	_ = 	snop  }
.LBB2_22:
0xb9: {  	_ =	swait.ge [sflag:s8], $0x608  }
0xba: {  	[sflag:s8] =	ssyncset.done $0x0  }
0xbb: {  	[sflag:s8] =	ssyncadd.s32 $0xFFFFF9F8  }
.LBB2_24:
0xbc: {  	s8 =	sadd.s32 $0xFFFFFFFF, s7  }
0xbd: {  	s8 =	smul.u32 s8, s7;
	_ =	sdelay $0x1  }
0xbe: {  	s8 =	sshrl.u32 s8, $0x1  }
.Ltmp21:
0xbf: {  	s9 =	sand.u32 $0x7, s9;
	s8 =	sand.u32 $0x7FFFFFF8, s8;
	(pc) =	sbr.rel .LBB2_26-.Ltmp21, $4  }
0xc0: {  	s10 =	smul.u32 $0x4020, s9;
	s8 =	smin.u32 s8, $0x7FFFF8  }
0xc1: {  	s8 =	sshrl.u32 s8, $0x3  }
0xc2: {  	s9 =	sadd.s32 $0x1, s9;
	s10 =	sshrl.u32 s10, $0x2;
	s8 =	sadd.s32 s1, s8  }
0xc3: {  	[tilespmem:s10], [sflag:s9] =	stream.linear.gather [hbm4b:s8+s3], $0x808, $0x38;
	[tilespmem:$0x8080] =	vst v63  }
.LBB2_27:
.Ltmp22:
0xc4: {  	(pc) =	sbr.rel .LBB2_28-.Ltmp22, $2  }
0xc5: {  	_ =	sdelay $0x2  }
0xc6: {  	s5 =	smov.u32 s18;
	s11 =	smov.u32 s17  }
.LBB2_32:
0xc7: {  	s8 =	sadd.s32 $0xFFFFFFFF, s5  }
0xc8: {  	s8 =	smul.u32 s8, s5;
	_ =	sdelay $0x1  }
0xc9: {  	s8 =	sshrl.u32 s8, $0x1  }
0xca: {  	s9 =	sand.u32 $0x7, s9;
	s8 =	sand.u32 $0x7FFFFFF8, s8  }
0xcb: {  	s10 =	smul.u32 $0x4020, s9;
	s8 =	smin.u32 s8, $0x7FFBF8  }
0xcc: {  	s8 =	sshrl.u32 s8, $0x3  }
0xcd: {  	s9 =	sadd.s32 $0x1, s9;
	s10 =	sshrl.u32 s10, $0x2;
	s8 =	sadd.s32 s1, s8  }
0xce: {  	[tilespmem:s10], [sflag:s9] =	stream.linear.gather [hbm4b:s8+s3], $0xC08, $0x38;
	[tilespmem:$0x8080] =	vst v63  }
.LBB2_33:
0xcf: {  	s6 =	sadd.s32 $0x1, s6  }
0xd0: {  	s8 =	sadd.s32 $0x1, s7;
	s9 =	smul.u32 $0x4020, s7;
	p0 =	sne.s32 s6, $0x10  }
.Ltmp23:
0xd1: {  	_ =	swait.ge [sflag:s8], $0xA08;
	(pc) =	sbr.rel @!p0 .LBB2_34-.Ltmp23, $4  }
0xd2: {  	s14 =	sadd.s32 $0x9, s7;
	[sflag:s8] =	ssyncset.done $0x0  }
0xd3: {  	s7 =	simm.s32 $0x0;
	s9 =	sshrl.u32 s9, $0x2;
	[sflag:s8] =	ssyncadd.s32 $0xFFFFF5F8  }
0xd4: {  	[hbm4b:s11+s7] =	stream.linear.scatter [tilespmem:s9], [sflag:s14], $0xA08, $0x38;
	[tilespmem:$0x8080] =	vst v63  }
0xd5: {  	s5 =	sadd.s32 $0x20, s5;
	s11 =	sadd.s32 $0x4200, s11  }
.LBB2_28:
0xd6: {  	p0 =	sgt.u32 s6, $0x3  }
.Ltmp24:
0xd7: {  	_ = 	snop;
	(pc) =	sbr.rel @!p0 .LBB2_29-.Ltmp24, $4  }
0xd8: {  	_ = 	snop  }
0xd9: {  	s7 =	sand.u32 $0x7, s6  }
0xda: {  	s8 =	sxor.u32 $0x4, s7  }
0xdb: {  	s9 =	sadd.s32 $0x44, s6;
	s8 =	sadd.s32 $0x9, s8  }
0xdc: {  	p0 =	sgt.u32 s6, $0xB  }
.Ltmp25:
0xdd: {  	_ = 	snop;
	(pc) =	sbr.rel @p0 .LBB2_32-.Ltmp25, $4  }
.Ltmp26:
0xde: {  	_ = 	snop;
	(pc) =	sbr.rel @!p0 .LBB2_31-.Ltmp26, $4  }
0xdf: {  	_ =	swait.ge [sflag:s8], $0xA08  }
0xe0: {  	[sflag:s8] =	ssyncset.done $0x0  }
0xe1: {  	[sflag:s8] =	ssyncadd.s32 $0xFFFFF5F8  }
0xe2: {  	_ = 	snop  }
.LBB2_29:
0xe3: {  	_ =	swait.ge [sflag:s8], $0x808  }
0xe4: {  	[sflag:s8] =	ssyncset.done $0x0  }
0xe5: {  	[sflag:s8] =	ssyncadd.s32 $0xFFFFF7F8  }
.LBB2_31:
0xe6: {  	s8 =	sadd.s32 $0xFFFFFFFF, s5  }
0xe7: {  	s8 =	smul.u32 s8, s5;
	_ =	sdelay $0x1  }
0xe8: {  	s8 =	sshrl.u32 s8, $0x1  }
.Ltmp27:
0xe9: {  	s9 =	sand.u32 $0x7, s9;
	s8 =	sand.u32 $0x7FFFFFF8, s8;
	(pc) =	sbr.rel .LBB2_33-.Ltmp27, $4  }
0xea: {  	s10 =	smul.u32 $0x4020, s9;
	s8 =	smin.u32 s8, $0x7FFDF8  }
0xeb: {  	s8 =	sshrl.u32 s8, $0x3  }
0xec: {  	s9 =	sadd.s32 $0x1, s9;
	s10 =	sshrl.u32 s10, $0x2;
	s8 =	sadd.s32 s1, s8  }
0xed: {  	[tilespmem:s10], [sflag:s9] =	stream.linear.gather [hbm4b:s8+s3], $0xA08, $0x38;
	[tilespmem:$0x8080] =	vst v63  }
.LBB2_34:
.Ltmp28:
0xee: {  	(pc) =	sbr.rel .LBB2_35-.Ltmp28, $2  }
0xef: {  	_ =	sdelay $0x2  }
0xf0: {  	s6 =	smov.u32 s20;
	s11 =	smov.u32 s19  }
.LBB2_39:
0xf1: {  	s8 =	sadd.s32 $0xFFFFFFFF, s6  }
0xf2: {  	s8 =	smul.u32 s8, s6;
	_ =	sdelay $0x1  }
0xf3: {  	s8 =	sshrl.u32 s8, $0x1  }
0xf4: {  	s9 =	sand.u32 $0x7, s9;
	s8 =	sand.u32 $0x7FFFFFF8, s8  }
0xf5: {  	s10 =	smul.u32 $0x4020, s9;
	s8 =	smin.u32 s8, $0x7FF9F8  }
0xf6: {  	s8 =	sshrl.u32 s8, $0x3  }
0xf7: {  	s9 =	sadd.s32 $0x1, s9;
	s10 =	sshrl.u32 s10, $0x2;
	s8 =	sadd.s32 s1, s8  }
0xf8: {  	[tilespmem:s10], [sflag:s9] =	stream.linear.gather [hbm4b:s8+s3], $0xE08, $0x38;
	[tilespmem:$0x8080] =	vst v63  }
.LBB2_40:
0xf9: {  	s7 =	sadd.s32 $0x1, s7  }
0xfa: {  	s8 =	sadd.s32 $0x1, s5;
	s9 =	smul.u32 $0x4020, s5;
	p0 =	sne.s32 s7, $0x10  }
.Ltmp29:
0xfb: {  	_ =	swait.ge [sflag:s8], $0xC08;
	(pc) =	sbr.rel @!p0 .LBB2_41-.Ltmp29, $4  }
0xfc: {  	s14 =	sadd.s32 $0x9, s5;
	[sflag:s8] =	ssyncset.done $0x0  }
0xfd: {  	s5 =	simm.s32 $0x0;
	s9 =	sshrl.u32 s9, $0x2;
	[sflag:s8] =	ssyncadd.s32 $0xFFFFF3F8  }
0xfe: {  	[hbm4b:s11+s5] =	stream.linear.scatter [tilespmem:s9], [sflag:s14], $0xC08, $0x38;
	[tilespmem:$0x8080] =	vst v63  }
0xff: {  	s6 =	sadd.s32 $0x20, s6;
	s11 =	sadd.s32 $0x4200, s11  }
.LBB2_35:
0x100: {  	p0 =	sgt.u32 s7, $0x3  }
.Ltmp30:
0x101: {  	_ = 	snop;
	(pc) =	sbr.rel @!p0 .LBB2_36-.Ltmp30, $4  }
0x102: {  	_ = 	snop  }
0x103: {  	s5 =	sand.u32 $0x7, s7  }
0x104: {  	s8 =	sxor.u32 $0x4, s5  }
0x105: {  	s9 =	sadd.s32 $0x54, s7;
	s8 =	sadd.s32 $0x9, s8  }
0x106: {  	p0 =	sgt.u32 s7, $0xB  }
.Ltmp31:
0x107: {  	_ = 	snop;
	(pc) =	sbr.rel @p0 .LBB2_39-.Ltmp31, $4  }
.Ltmp32:
0x108: {  	_ = 	snop;
	(pc) =	sbr.rel @!p0 .LBB2_38-.Ltmp32, $4  }
0x109: {  	_ =	swait.ge [sflag:s8], $0xC08  }
0x10a: {  	[sflag:s8] =	ssyncset.done $0x0  }
0x10b: {  	[sflag:s8] =	ssyncadd.s32 $0xFFFFF3F8  }
0x10c: {  	_ = 	snop  }
.LBB2_36:
0x10d: {  	_ =	swait.ge [sflag:s8], $0xA08  }
0x10e: {  	[sflag:s8] =	ssyncset.done $0x0  }
0x10f: {  	[sflag:s8] =	ssyncadd.s32 $0xFFFFF5F8  }
.LBB2_38:
0x110: {  	s8 =	sadd.s32 $0xFFFFFFFF, s6  }
0x111: {  	s8 =	smul.u32 s8, s6;
	_ =	sdelay $0x1  }
0x112: {  	s8 =	sshrl.u32 s8, $0x1  }
.Ltmp33:
0x113: {  	s9 =	sand.u32 $0x7, s9;
	s8 =	sand.u32 $0x7FFFFFF8, s8;
	(pc) =	sbr.rel .LBB2_40-.Ltmp33, $4  }
0x114: {  	s10 =	smul.u32 $0x4020, s9;
	s8 =	smin.u32 s8, $0x7FFBF8  }
0x115: {  	s8 =	sshrl.u32 s8, $0x3  }
0x116: {  	s9 =	sadd.s32 $0x1, s9;
	s10 =	sshrl.u32 s10, $0x2;
	s8 =	sadd.s32 s1, s8  }
0x117: {  	[tilespmem:s10], [sflag:s9] =	stream.linear.gather [hbm4b:s8+s3], $0xC08, $0x38;
	[tilespmem:$0x8080] =	vst v63  }
.LBB2_41:
.Ltmp34:
0x118: {  	(pc) =	sbr.rel .LBB2_42-.Ltmp34, $2  }
0x119: {  	_ =	sdelay $0x2  }
0x11a: {  	s6 =	smov.u32 s22;
	s7 =	smov.u32 s21  }
.LBB2_46:
0x11b: {  	s8 =	sadd.s32 $0xFFFFFFFF, s6  }
0x11c: {  	s8 =	smul.u32 s8, s6;
	_ =	sdelay $0x1  }
0x11d: {  	s8 =	sshrl.u32 s8, $0x1  }
0x11e: {  	s9 =	sand.u32 $0x7, s9;
	s8 =	sand.u32 $0x7FFFFFF8, s8  }
0x11f: {  	s10 =	smul.u32 $0x4020, s9;
	s8 =	smin.u32 s8, $0x7FF7F8  }
0x120: {  	s8 =	sshrl.u32 s8, $0x3  }
0x121: {  	s9 =	sadd.s32 $0x1, s9;
	s10 =	sshrl.u32 s10, $0x2;
	s8 =	sadd.s32 s1, s8  }
0x122: {  	[tilespmem:s10], [sflag:s9] =	stream.linear.gather [hbm4b:s8+s3], $0x1008, $0x38;
	[tilespmem:$0x8080] =	vst v63  }
.LBB2_47:
0x123: {  	s5 =	sadd.s32 $0x1, s5  }
0x124: {  	s8 =	sadd.s32 $0x1, s11;
	s9 =	smul.u32 $0x4020, s11;
	p0 =	sne.s32 s5, $0x10  }
.Ltmp35:
0x125: {  	_ =	swait.ge [sflag:s8], $0xE08;
	(pc) =	sbr.rel @!p0 .LBB2_48-.Ltmp35, $4  }
0x126: {  	s14 =	sadd.s32 $0x9, s11;
	[sflag:s8] =	ssyncset.done $0x0  }
0x127: {  	s11 =	simm.s32 $0x0;
	s9 =	sshrl.u32 s9, $0x2;
	[sflag:s8] =	ssyncadd.s32 $0xFFFFF1F8  }
0x128: {  	[hbm4b:s7+s11] =	stream.linear.scatter [tilespmem:s9], [sflag:s14], $0xE08, $0x38;
	[tilespmem:$0x8080] =	vst v63  }
0x129: {  	s6 =	sadd.s32 $0x20, s6;
	s7 =	sadd.s32 $0x4200, s7  }
.LBB2_42:
0x12a: {  	p0 =	sgt.u32 s5, $0x3  }
.Ltmp36:
0x12b: {  	_ = 	snop;
	(pc) =	sbr.rel @!p0 .LBB2_43-.Ltmp36, $4  }
0x12c: {  	_ = 	snop  }
0x12d: {  	s11 =	sand.u32 $0x7, s5  }
0x12e: {  	s8 =	sxor.u32 $0x4, s11  }
0x12f: {  	s9 =	sadd.s32 $0x64, s5;
	s8 =	sadd.s32 $0x9, s8  }
0x130: {  	p0 =	sgt.u32 s5, $0xB  }
.Ltmp37:
0x131: {  	_ = 	snop;
	(pc) =	sbr.rel @p0 .LBB2_46-.Ltmp37, $4  }
.Ltmp38:
0x132: {  	_ = 	snop;
	(pc) =	sbr.rel @!p0 .LBB2_45-.Ltmp38, $4  }
0x133: {  	_ =	swait.ge [sflag:s8], $0xE08  }
0x134: {  	[sflag:s8] =	ssyncset.done $0x0  }
0x135: {  	[sflag:s8] =	ssyncadd.s32 $0xFFFFF1F8  }
0x136: {  	_ = 	snop  }
.LBB2_43:
0x137: {  	_ =	swait.ge [sflag:s8], $0xC08  }
0x138: {  	[sflag:s8] =	ssyncset.done $0x0  }
0x139: {  	[sflag:s8] =	ssyncadd.s32 $0xFFFFF3F8  }
.LBB2_45:
0x13a: {  	s8 =	sadd.s32 $0xFFFFFFFF, s6  }
0x13b: {  	s8 =	smul.u32 s8, s6;
	_ =	sdelay $0x1  }
0x13c: {  	s8 =	sshrl.u32 s8, $0x1  }
.Ltmp39:
0x13d: {  	s9 =	sand.u32 $0x7, s9;
	s8 =	sand.u32 $0x7FFFFFF8, s8;
	(pc) =	sbr.rel .LBB2_47-.Ltmp39, $4  }
0x13e: {  	s10 =	smul.u32 $0x4020, s9;
	s8 =	smin.u32 s8, $0x7FF9F8  }
0x13f: {  	s8 =	sshrl.u32 s8, $0x3  }
0x140: {  	s9 =	sadd.s32 $0x1, s9;
	s10 =	sshrl.u32 s10, $0x2;
	s8 =	sadd.s32 s1, s8  }
0x141: {  	[tilespmem:s10], [sflag:s9] =	stream.linear.gather [hbm4b:s8+s3], $0xE08, $0x38;
	[tilespmem:$0x8080] =	vst v63  }
.LBB2_48:
0x142: {  	p0 =	por $0x0, $0x0  }
0x143: {  	s7 =	simm.s32 $0x74;
	s10 =	sand.u32 $0x7, s11;
	s5 =	sand.u32 @!p0 $0x7, s11  }
0x144: {  	s6 =	sadd.s32 @!p0 $0xFFFFFFFF, s24;
	p1 =	por @!p0 $0x1, $0x1;
	s7 =	sand.u32 @!p0 $0x7, s7  }
0x145: {  	s9 =	sadd.s32 $0x1, s10;
	s14 =	smul.u32 $0x4020, s10;
	s5 =	sxor.u32 @!p0 $0x4, s5  }
0x146: {  	s6 =	smul.u32 @!p0 s6, s24;
	p2 =	por !p1, p0;
	s5 =	sadd.s32 @!p0 $0x9, s5  }
0x147: {  	s10 =	sadd.s32 $0x9, s10;
	s11 =	smov.u32 s23;
	_ =	swait.ge @!p2 [sflag:s5], $0xE08  }
0x148: {  	s8 =	smul.u32 @!p0 $0x4020, s7;
	s6 =	sshrl.u32 @!p0 s6, $0x1;
	[sflag:s5] =	ssyncset.done @!p2 $0x0  }
0x149: {  	p1 =	por p1, p0;
	s6 =	sand.u32 @!p0 $0x7FFFFFF8, s6;
	[sflag:s5] =	ssyncadd.s32 @!p2 $0xFFFFF1F8  }
0x14a: {  	s7 =	sadd.s32 @!p0 $0x1, s7;
	s6 =	smin.u32 @!p0 s6, $0x7FF7F8;
	_ =	swait.ge @!p1 [sflag:s5], $0x1008  }
0x14b: {  	s8 =	sshrl.u32 @!p0 s8, $0x2;
	s6 =	sshrl.u32 @!p0 s6, $0x3;
	[sflag:s5] =	ssyncset.done @!p1 $0x0  }
0x14c: {  	s6 =	sadd.s32 @!p0 s1, s6;
	[sflag:s5] =	ssyncadd.s32 @!p1 $0xFFFFEFF8;
	s5 =	simm.s32 @!p0 $0x0  }
0x14d: {  	[tilespmem:s8], [sflag:s7] =	stream.linear.gather @!p0 [hbm4b:s6+s5], $0x1008, $0x38;
	[tilespmem:$0x8080] =	vst v63  }
0x14e: {  	s5 =	simm.s32 $0x1;
	s6 =	sadd.s32 $0x20, s24;
	_ =	swait.ge [sflag:s9], $0x1008  }
0x14f: {  	s8 =	sshrl.u32 s14, $0x2;
	s7 =	smov.u32 s23;
	[sflag:s9] =	ssyncset.done $0x0  }
.LBB2_49:
0x150: {  	[sflag:s9] =	ssyncadd.s32 $0xFFFFEFF8  }
0x151: {  	s7 =	sadd.s32 $0x4200, s7;
	s9 =	smov.u32 s5;
	s5 =	sadd.s32 $0x1, s5  }
0x152: {  	[hbm4b:s11+s3] =	stream.linear.scatter [tilespmem:s8], [sflag:s10], $0x1008, $0x38;
	[tilespmem:$0x8080] =	vst v63  }
0x153: {  	s8 =	sadd.s32 $0x74, s9;
	p1 =	sgt.u32 s9, $0xB;
	p0 =	sne.s32 s5, $0x10  }
0x154: {  	p2 =	slt.u32 @!p1 s9, $0x4;
	s10 =	sand.u32 @!p1 $0x7, s9;
	s11 =	sadd.s32 @!p1 $0xFFFFFFFF, s6  }
0x155: {  	s10 =	sxor.u32 @!p1 $0x4, s10;
	p3 =	por !p2, p1;
	s12 =	smul.u32 @!p1 s11, s6  }
0x156: {  	s8 =	sand.u32 @!p1 $0x7, s8;
	s11 =	smov.u32 s7;
	s10 =	sadd.s32 @!p1 $0x9, s10  }
0x157: {  	s13 =	smul.u32 @!p1 $0x4020, s8;
	s12 =	sshrl.u32 @!p1 s12, $0x1;
	_ =	swait.ge @!p3 [sflag:s10], $0xE08  }
0x158: {  	s8 =	sadd.s32 @!p1 $0x1, s8;
	s12 =	sand.u32 @!p1 $0x7FFFFFF8, s12;
	[sflag:s10] =	ssyncset.done @!p3 $0x0  }
0x159: {  	p2 =	por p2, p1;
	s12 =	smin.u32 @!p1 s12, $0x7FF7F8;
	[sflag:s10] =	ssyncadd.s32 @!p3 $0xFFFFF1F8  }
0x15a: {  	s13 =	sshrl.u32 @!p1 s13, $0x2;
	s12 =	sshrl.u32 @!p1 s12, $0x3;
	_ =	swait.ge @!p2 [sflag:s10], $0x1008  }
0x15b: {  	s14 =	sand.u32 $0x7, s9;
	s12 =	sadd.s32 @!p1 s1, s12;
	[sflag:s10] =	ssyncset.done @!p2 $0x0  }
.Ltmp40:
0x15c: {  	[sflag:s10] =	ssyncadd.s32 @!p2 $0xFFFFEFF8;
	s10 =	simm.s32 @!p1 $0x0;
	(pc) =	sbr.rel @p0 .LBB2_49-.Ltmp40, $4  }
0x15d: {  	[tilespmem:s13], [sflag:s8] =	stream.linear.gather @!p1 [hbm4b:s12+s10], $0x1008, $0x38;
	[tilespmem:$0x8080] =	vst v63  }
0x15e: {  	s9 =	sadd.s32 $0x1, s14;
	s8 =	smul.u32 $0x4020, s14  }
0x15f: {  	s6 =	sadd.s32 $0x20, s6;
	_ =	swait.ge [sflag:s9], $0x1008  }
0x160: {  	s10 =	sadd.s32 $0x9, s14;
	s8 =	sshrl.u32 s8, $0x2;
	[sflag:s9] =	ssyncset.done $0x0  }
0x161: {  	[sflag:s9] =	ssyncadd.s32 $0xFFFFEFF8  }
0x162: {  	[hbm4b:s11+s3] =	stream.linear.scatter [tilespmem:s8], [sflag:s10], $0x1008, $0x38;
	[tilespmem:$0x8080] =	vst v63  }
0x163: {  	_ =	swait.ge [sflag:s29], $0x1008  }
0x164: {  	[sflag:s29] =	ssyncset.done $0x0  }
0x165: {  	[sflag:s29] =	ssyncadd.s32 $0xFFFFEFF8  }
0x166: {  	_ =	swait.ge [sflag:s30], $0x1008  }
0x167: {  	[sflag:s30] =	ssyncset.done $0x0  }
0x168: {  	[sflag:s30] =	ssyncadd.s32 $0xFFFFEFF8  }
0x169: {  	_ =	swait.ge [sflag:s31], $0x1008  }
0x16a: {  	[sflag:s31] =	ssyncset.done $0x0  }
0x16b: {  	[sflag:s31] =	ssyncadd.s32 $0xFFFFEFF8  }
0x16c: {  	_ =	swait.ge [sflag:s0], $0x1008  }
0x16d: {  	[sflag:s0] =	ssyncset.done $0x0  }
0x16e: {  	[sflag:s0] =	ssyncadd.s32 $0xFFFFEFF8  }
0x16f: {  	_ =	swait.ge [sflag:s2], $0x1008  }
0x170: {  	[sflag:s2] =	ssyncset.done $0x0  }
0x171: {  	[sflag:s2] =	ssyncadd.s32 $0xFFFFEFF8  }
0x172: {  	_ =	swait.ge [sflag:s25], $0x1008  }
0x173: {  	[sflag:s25] =	ssyncset.done $0x0  }
0x174: {  	[sflag:s25] =	ssyncadd.s32 $0xFFFFEFF8  }
0x175: {  	_ =	swait.ge [sflag:s26], $0x1008  }
0x176: {  	[sflag:s26] =	ssyncset.done $0x0  }
0x177: {  	[sflag:s26] =	ssyncadd.s32 $0xFFFFEFF8  }
0x178: {  	_ =	swait.ge [sflag:s28], $0x1008  }
0x179: {  	s4 =	sadd.s32 $0x1, s4;
	s5 =	rddreg [dreg:$0x3]  }
0x17a: {  	p0 =	sne.s32 s4, s5  }
.Ltmp41:
0x17b: {  	_ = 	snop;
	(pc) =	sbr.rel @p0 .LBB2_1-.Ltmp41, $3  }
0x17c: {  	_ =	sdelay $0x1  }
0x17d: {  	[sflag:s28] =	ssyncset.done $0x0  }
0x17e: {  	[sflag:s28] =	ssyncadd.s32 $0xFFFFEFF8  }
0x17f: {  	_ =	sfence.sel $0x180000  }
0x180: {  	[bflag:$0x0] =	sbarrier.arrive $0xFFFF  }
0x181: {  	_ =	strace $0x90000047  }
0x182: {  	s0 =	stileid.u32;
	[bflag:$0x2] =	sbarrier.arrive $0xFFFF  }
0x183: {  	p0 =	sne.s32 s0, $0x0;
	s0 =	rddreg [dreg:$0x2]  }
0x184: {  	s0 =	sadd.s32 @!p0 $0x100000, s0  }
0x185: {  	[sflag:s0] =	ssyncadd.tile.s32 @!p0 $0x1;
	_ =	shalt  }
.Lfunc_end2:
_tile_overlayer_lowered:
.L_overlay_start_2:
0x186: {  	(tag) =	ssettag $0x2  }
0x187: {  	s0 =	rddreg [dreg:$0x0];
	s2 =	stileid.u32  }
0x188: {  	s1 =	rddreg [dreg:$0x1];
	p0 =	sne.s32 s2, $0x0  }
0x189: {  	s3 =	rddreg [dreg:$0x2];
	[bflag:$0x3] =	sbarrier.arrive $0xFFFF;
	s2 =	simm.s32 @!p0 $0x1C11  }
0x18a: {  	[timem:s3], [sflag:s2] =	dma.local @!p0 [hbm:s0], s1  }
0x18b: {  	s0 =	simm.s32 @!p0 $0x11  }
0x18c: {  	_ =	swait.ge @!p0 [sflag:s0], s1  }
0x18d: {  	s1 =	ssub.s32 @!p0 $0x0, s1;
	[sflag:s0] =	ssyncset.done @!p0 $0x0  }
0x18e: {  	[sflag:s0] =	ssyncadd.s32 @!p0 s1  }
0x18f: {  	[bflag:$0x3] =	sbarrier.arrive $0xFFFF  }
0x190: {  	_ =	shalt  }

</sc_bundles>
